<compile_context>
chip_gen: v7x
topology: tpu7x:2x2x1
jax: 0.10.2.dev20260603
libtpu: 0.0.44.dev20260713+nightly
codegen_flags: <defaults>
</compile_context>

<pallas_src>
import functools

import jax
import jax.numpy as jnp
from jax import lax
from jax.experimental import pallas as pl
from jax.experimental.pallas import tpu as pltpu
from jax.experimental.pallas import tpu_sc as plsc

N = 10000
E = 640000
NG = 64
NPAD = 10240
NCORES = 2
NSUB = 16
TILES = NCORES * NSUB
CHUNK = 128
IDXBLK = 16
NBLK = 10
NCHUNK = IDXBLK * NBLK
EPAD = TILES * NCHUNK * CHUNK
RPT = NPAD // NSUB
RB = 1024
GRID = NPAD // RB


def _sc_mesh():
    return plsc.VectorSubcoreMesh(
        core_axis_name="c", subcore_axis_name="s",
        num_cores=NCORES, num_subcores=NSUB)


def _make_edge_pass(D, nbuf, stage_table=False):
    ngrp = IDXBLK // nbuf

    scratch = [
        pltpu.VMEM_SHARED((NPAD, D), jnp.float32),
        pltpu.VMEM((IDXBLK, CHUNK), jnp.int32),
        pltpu.VMEM((IDXBLK, CHUNK), jnp.int32),
    ] + [pltpu.VMEM((CHUNK, D), jnp.float32) for _ in range(nbuf)] \
      + [pltpu.SemaphoreType.DMA for _ in range(nbuf)]
    if stage_table:
        scratch.append(pltpu.VMEM_SHARED((NPAD, D), jnp.float32))

    @functools.partial(
        pl.kernel,
        out_type=jax.ShapeDtypeStruct((NCORES, NSUB, RPT, D), jnp.float32),
        mesh=_sc_mesh(),
        compiler_params=pltpu.CompilerParams(use_tc_tiling_on_sc=False),
        scratch_types=scratch,
    )
    def edge_pass(table_hbm, srcp, dstp, zeros, out,
                  accum, src_v, dst_v, *rest):
        bufs = rest[:nbuf]
        sems = rest[nbuf:nbuf + nbuf]
        c = lax.axis_index("c")
        s = lax.axis_index("s")
        wid = c * NSUB + s
        pltpu.sync_copy(zeros, accum.at[pl.ds(s * RPT, RPT)])
        if stage_table:
            table = rest[2 * nbuf]
            pltpu.sync_copy(table_hbm.at[pl.ds(s * RPT, RPT)],
                            table.at[pl.ds(s * RPT, RPT)])
        else:
            table = table_hbm
        plsc.subcore_barrier()

        def blk_body(blk, _):
            pltpu.sync_copy(srcp.at[wid, blk], src_v)
            pltpu.sync_copy(dstp.at[wid, blk], dst_v)
            for b in range(nbuf):
                pltpu.async_copy(table.at[src_v.at[b]], bufs[b], sems[b])

            def grp(g, _):
                for b in range(nbuf):
                    j = g * nbuf + b
                    pltpu.make_async_copy(
                        table.at[src_v.at[j]], bufs[b], sems[b]).wait()
                    pltpu.sync_copy(bufs[b], accum.at[dst_v.at[j]], add=True)
                    pltpu.async_copy(
                        table.at[src_v.at[j + nbuf]], bufs[b], sems[b])
                return 0

            lax.fori_loop(0, ngrp - 1, grp, 0)
            for b in range(nbuf):
                j = (ngrp - 1) * nbuf + b
                pltpu.make_async_copy(
                    table.at[src_v.at[j]], bufs[b], sems[b]).wait()
                pltpu.sync_copy(bufs[b], accum.at[dst_v.at[j]], add=True)
            return 0

        lax.fori_loop(0, NBLK, blk_body, 0)
        plsc.subcore_barrier()
        pltpu.sync_copy(accum.at[pl.ds(s * RPT, RPT)], out.at[c, s])

    return edge_pass


@functools.partial(
    pl.kernel,
    out_type=jax.ShapeDtypeStruct((NCORES, NSUB, RPT, 8), jnp.float32),
    mesh=_sc_mesh(),
    compiler_params=pltpu.CompilerParams(use_tc_tiling_on_sc=False),
    scratch_types=[
        pltpu.VMEM_SHARED((NPAD, 8), jnp.float32),
        pltpu.VMEM((NCHUNK, CHUNK), jnp.int32),
        pltpu.VMEM((CHUNK, 8), jnp.float32),
    ],
)
def _deg_pass(dstp, zeros, ones, out, accum, dst_v, ones_v):
    c = lax.axis_index("c")
    s = lax.axis_index("s")
    wid = c * NSUB + s
    pltpu.sync_copy(zeros, accum.at[pl.ds(s * RPT, RPT)])
    pltpu.sync_copy(dstp.at[wid], dst_v)
    pltpu.sync_copy(ones, ones_v)
    plsc.subcore_barrier()

    def body(j, _):
        pltpu.sync_copy(ones_v, accum.at[dst_v.at[j]], add=True)
        return 0

    lax.fori_loop(0, NCHUNK, body, 0)
    plsc.subcore_barrier()
    pltpu.sync_copy(accum.at[pl.ds(s * RPT, RPT)], out.at[c, s])




def _bdot(a, b):
    return jnp.dot(a.astype(jnp.bfloat16), b.astype(jnp.bfloat16),
                   preferred_element_type=jnp.float32)


def _tc_a_body(x_ref, w1_ref, degp_ref, b1_ref, u1_ref, dinv_ref, q_ref):
    deg = degp_ref[0] + degp_ref[1] + 1.0
    y = lax.rsqrt(deg)
    dinv = y * (1.5 - 0.5 * deg * y * y)
    dinv_ref[...] = dinv
    u1_ref[...] = _bdot(x_ref[...], w1_ref[...]) * dinv[:, :1]
    gids = lax.broadcasted_iota(jnp.int32, (1, NG), 1)
    onehot = (b1_ref[...] == gids).astype(jnp.float32)
    q_ref[...] = onehot * dinv[:, :1]


def _tc_b_body(sp_ref, u1_ref, dinv_ref, bc1_ref, w2_ref, u2_ref):
    dinv = dinv_ref[:, :1]
    t = dinv * (sp_ref[0] + sp_ref[1] + u1_ref[...]) + bc1_ref[...]
    h1 = jnp.maximum(t, 0.0)
    u2_ref[...] = dinv * _bdot(h1, w2_ref[...])


def _tc_c_body(sp_ref, u2_ref, dinv_ref, bc2_ref, w3_ref, v_ref):
    dinv = dinv_ref[:, :1]
    t = dinv * (sp_ref[0] + sp_ref[1] + u2_ref[...]) + bc2_ref[...]
    h2 = jnp.maximum(t, 0.0)
    v_ref[...] = dinv * _bdot(h2, w3_ref[...])


def _tc_d_body(cp_ref, q_ref, v_ref, b1_ref, bc3_ref,
               wlin_ref, blin_ref, out_ref, psum_acc, cnt_acc):
    i = pl.program_id(0)

    @pl.when(i == 0)
    def _():
        psum_acc[...] = jnp.zeros_like(psum_acc)
        cnt_acc[...] = jnp.zeros_like(cnt_acc)

    cq = cp_ref[0] + cp_ref[1] + q_ref[...]
    psum_acc[...] += lax.dot_general(
        cq, v_ref[...], (((0,), (0,)), ((), ())),
        preferred_element_type=jnp.float32, precision=lax.Precision.HIGHEST)
    gids = lax.broadcasted_iota(jnp.int32, (1, NG), 1)
    onehot = (b1_ref[...] == gids).astype(jnp.float32)
    cnt_acc[...] += lax.dot_general(
        onehot, jnp.ones((RB, 8), jnp.float32), (((0,), (0,)), ((), ())),
        preferred_element_type=jnp.float32, precision=lax.Precision.HIGHEST)

    @pl.when(i == GRID - 1)
    def _():
        cnt = cnt_acc[:, :1]
        pooled = (psum_acc[...] + cnt * bc3_ref[...]) / jnp.maximum(cnt, 1.0)
        out_ref[...] = _bdot(pooled, wlin_ref[...]) + blin_ref[...]


def _row_spec(d):
    return pl.BlockSpec((RB, d), lambda i: (i, 0))


def _full_spec(shape):
    nd = len(shape)
    return pl.BlockSpec(shape, lambda i, _nd=nd: (0,) * _nd)


def _partial_spec(d):
    return pl.BlockSpec((NCORES, RB, d), lambda i: (0, i, 0))


def kernel(x1, edge_index1, b1, status, W1, bc1, W2, bc2, W3, bc3, Wlin, blin):
    f32 = jnp.float32
    src = edge_index1[0]
    dst = edge_index1[1]
    npad_extra = NPAD - N
    pad_e = EPAD - E
    padidx = (N + jnp.arange(pad_e, dtype=jnp.int32) % npad_extra)
    srcp = jnp.concatenate([src, padidx]).reshape(TILES, NBLK, IDXBLK, CHUNK)
    dstp = jnp.concatenate([dst, padidx]).reshape(TILES, NBLK, IDXBLK, CHUNK)
    dstp_flat = dstp.reshape(TILES, NCHUNK, CHUNK)
    xpad = jnp.concatenate([x1, jnp.zeros((npad_extra, x1.shape[1]), f32)])
    b1p = jnp.concatenate([b1, jnp.full((npad_extra,), NG, jnp.int32)])
    b1p = b1p.reshape(NPAD, 1)
    zeros8 = jnp.zeros((RPT, 8), f32)
    zeros64 = jnp.zeros((RPT, 64), f32)
    zeros128 = jnp.zeros((RPT, 128), f32)
    ones8 = jnp.ones((CHUNK, 8), f32)

    degp = _deg_pass(dstp_flat, zeros8, ones8).reshape(NCORES, NPAD, 8)

    tc_a = pl.pallas_call(
        _tc_a_body,
        grid=(GRID,),
        in_specs=[_row_spec(128), _full_spec((128, 64)), _partial_spec(8),
                  pl.BlockSpec((RB, 1), lambda i: (i, 0))],
        out_specs=[_row_spec(64), _row_spec(8), _row_spec(NG)],
        out_shape=[jax.ShapeDtypeStruct((NPAD, 64), f32),
                   jax.ShapeDtypeStruct((NPAD, 8), f32),
                   jax.ShapeDtypeStruct((NPAD, NG), f32)],
    )
    U1, dinv8, Q = tc_a(xpad, W1, degp, b1p)

    edge64 = _make_edge_pass(64, 4)
    edge128 = _make_edge_pass(128, 2)

    S1 = edge64(U1, srcp, dstp, zeros64).reshape(NCORES, NPAD, 64)

    tc_b = pl.pallas_call(
        _tc_b_body,
        grid=(GRID,),
        in_specs=[_partial_spec(64), _row_spec(64), _row_spec(8),
                  _full_spec((1, 64)), _full_spec((64, 128))],
        out_specs=_row_spec(128),
        out_shape=jax.ShapeDtypeStruct((NPAD, 128), f32),
    )
    U2 = tc_b(S1, U1, dinv8, bc1.reshape(1, 64), W2)

    S2 = edge128(U2, srcp, dstp, zeros128).reshape(NCORES, NPAD, 128)

    Cp = edge64(Q, dstp, srcp, zeros64).reshape(NCORES, NPAD, NG)

    tc_c = pl.pallas_call(
        _tc_c_body,
        grid=(GRID,),
        in_specs=[_partial_spec(128), _row_spec(128), _row_spec(8),
                  _full_spec((1, 128)), _full_spec((128, 256))],
        out_specs=_row_spec(256),
        out_shape=jax.ShapeDtypeStruct((NPAD, 256), f32),
    )
    V = tc_c(S2, U2, dinv8, bc2.reshape(1, 128), W3)

    tc_d = pl.pallas_call(
        _tc_d_body,
        grid=(GRID,),
        in_specs=[_partial_spec(NG), _row_spec(NG), _row_spec(256),
                  pl.BlockSpec((RB, 1), lambda i: (i, 0)),
                  _full_spec((1, 256)),
                  _full_spec((256, 1)), _full_spec((1, 1))],
        out_specs=pl.BlockSpec((NG, 1), lambda i: (0, 0)),
        out_shape=jax.ShapeDtypeStruct((NG, 1), f32),
        scratch_shapes=[pltpu.VMEM((NG, 256), f32), pltpu.VMEM((NG, 8), f32)],
    )
    out1 = tc_d(Cp, Q, V, b1p, bc3.reshape(1, 256),
                Wlin, blin.reshape(1, 1))
    return out1

# --- scband reference (transcript-rebuilt; emitter-appended) ---
"""Pipeline reference for scband-gcn-39702677684583 (READ-ONLY COPY).

The authoritative reference and input builder live on the scoring server;
editing this copy changes nothing except your own understanding.
"""

import jax, jax.numpy as jnp
import numpy as np

N_NODES = 10000
N_EDGES = 640000
D_IN = 128
N_GRAPHS = 64


def setup_inputs(seed: int = 0) -> dict:
    key = jax.random.key(seed)
    ks = jax.random.split(key, 10)
    x1 = jax.random.normal(ks[0], (N_NODES, D_IN), dtype=jnp.float32)
    edge_index1 = jax.random.randint(ks[1], (2, N_EDGES), 0, N_NODES, dtype=jnp.int32)
    b1 = jnp.sort(jax.random.randint(ks[2], (N_NODES,), 0, N_GRAPHS, dtype=jnp.int32))
    # GCNConv weights, initialized N(0, 1/sqrt(in_channels)) as in the torch module
    W1 = jax.random.normal(ks[3], (D_IN, 64), dtype=jnp.float32) * (1.0 / np.sqrt(D_IN))
    bc1 = jnp.zeros((64,), dtype=jnp.float32)
    W2 = jax.random.normal(ks[4], (64, 128), dtype=jnp.float32) * (1.0 / np.sqrt(64))
    bc2 = jnp.zeros((128,), dtype=jnp.float32)
    W3 = jax.random.normal(ks[5], (128, 256), dtype=jnp.float32) * (1.0 / np.sqrt(128))
    bc3 = jnp.zeros((256,), dtype=jnp.float32)
    # final Linear(256, num_classes=1), weight filled with 0.01 as in the torch module
    Wlin = jnp.full((256, 1), 0.01, dtype=jnp.float32)
    blin = jnp.zeros((1,), dtype=jnp.float32)
    return {
        'x1': x1, 'edge_index1': edge_index1, 'b1': b1, 'status': 1,
        'W1': W1, 'bc1': bc1, 'W2': W2, 'bc2': bc2, 'W3': W3, 'bc3': bc3,
        'Wlin': Wlin, 'blin': blin,
    }


def gcn_conv(x, edge_index, W, b):
    # PyG GCNConv: h = D^{-1/2} (A + I) D^{-1/2} (x W) + b
    n = x.shape[0]
    xw = x @ W
    loop = jnp.arange(n, dtype=edge_index.dtype)
    src = jnp.concatenate([edge_index[0], loop])
    dst = jnp.concatenate([edge_index[1], loop])
    deg = jax.ops.segment_sum(jnp.ones_like(src, dtype=xw.dtype), dst, num_segments=n)
    dinv = jnp.where(deg > 0, jax.lax.rsqrt(jnp.maximum(deg, 1e-12)), 0.0)
    norm = dinv[src] * dinv[dst]
    msgs = jnp.take(xw, src, axis=0) * norm[:, None]
    out = jax.ops.segment_sum(msgs, dst, num_segments=n)
    return out + b[None, :]


def reference(x1, edge_index1, b1, status, W1, bc1, W2, bc2, W3, bc3, Wlin, blin):
    h = jax.nn.relu(gcn_conv(x1, edge_index1, W1, bc1))
    h = jax.nn.relu(gcn_conv(h, edge_index1, W2, bc2))
    h = gcn_conv(h, edge_index1, W3, bc3)
    # global_mean_pool over graph-id b1
    sums = jax.ops.segment_sum(h, b1, num_segments=N_GRAPHS)
    cnt = jax.ops.segment_sum(jnp.ones((h.shape[0],), h.dtype), b1, num_segments=N_GRAPHS)
    pooled = sums / jnp.maximum(cnt, 1.0)[:, None]
    out1 = pooled @ Wlin + blin[None, :]
    # status=1 -> the second branch (x2) is skipped and stays None; return the
    # first branch output (the only tensor produced).
    return out1

if __name__ == "__main__":
    import jax
    _d = setup_inputs()
    print(jax.jit(kernel)(*tuple(_d.values())))

</pallas_src>

<mosaic_0001>
#map = affine_map<(d0, d1) -> (0, 0)>
#map1 = affine_map<(d0, d1) -> (0, 0, 0, 0)>
module attributes {stable_mosaic.version = 14 : i64} {
  func.func @edge_pass(%arg0: i32, %arg1: i32, %arg2: memref<10240x128xf32, #tpu.memory_space<hbm>>, %arg3: memref<32x10x16x128xi32, #tpu.memory_space<hbm>>, %arg4: memref<32x10x16x128xi32, #tpu.memory_space<hbm>>, %arg5: memref<640x128xf32, #tpu.memory_space<hbm>>, %arg6: memref<2x16x640x128xf32, #tpu.memory_space<hbm>>, %arg7: memref<10240x128xf32, #tpu.memory_space<vmem_shared>>, %arg8: memref<16x128xi32, #tpu.memory_space<vmem>>, %arg9: memref<16x128xi32, #tpu.memory_space<vmem>>, %arg10: memref<128x128xf32, #tpu.memory_space<vmem>>, %arg11: memref<128x128xf32, #tpu.memory_space<vmem>>, %arg12: memref<!tpu.dma_semaphore, #tpu.memory_space<semaphore_mem>>, %arg13: memref<!tpu.dma_semaphore, #tpu.memory_space<semaphore_mem>>) attributes {dimension_semantics = [#tpu.dimension_semantics<core_parallel>, #tpu.dimension_semantics<subcore_parallel>], iteration_bounds = array<i64: 2, 16>, scalar_prefetch = 0 : i64, scratch_operands = 7 : i64, tpu.core_type = #tpu.core_type<sc_vector_subcore>, window_params = [{transform_indices = #map}, {transform_indices = #map1}, {transform_indices = #map1}, {transform_indices = #map}, {transform_indices = #map1}]} {
    %mul3A = arith.constant 16 : i32
    %mul3A_0 = arith.muli %arg0, %mul3A : i32
    %add3A = arith.addi %mul3A_0, %arg1 : i32
    %mul3A_1 = arith.constant 640 : i32
    %mul3A_2 = arith.muli %arg1, %mul3A_1 : i32
    "tpu.region"() ({
      %run_scoped3A = tpu.sem_alloc : memref<!tpu.dma_semaphore, #tpu.memory_space<semaphore_mem>>
      %dma_start3A = arith.constant 0 : i32
      %dma_start3A_12 = tpu.memref_slice %arg7[%mul3A_2, %dma_start3A] : memref<10240x128xf32, #tpu.memory_space<vmem_shared>> -> memref<640x128xf32, #tpu.memory_space<vmem_shared>>
      tpu.enqueue_dma source(%arg5 : memref<640x128xf32, #tpu.memory_space<hbm>>) target(%dma_start3A_12 : memref<640x128xf32, #tpu.memory_space<vmem_shared>>) target_semaphore(%run_scoped3A : memref<!tpu.dma_semaphore, #tpu.memory_space<semaphore_mem>>)
      %dma_wait3A = arith.constant 0 : i32
      %dma_wait3A_13 = tpu.memref_slice %arg7[%mul3A_2, %dma_wait3A] : memref<10240x128xf32, #tpu.memory_space<vmem_shared>> -> memref<640x128xf32, #tpu.memory_space<vmem_shared>>
      tpu.wait_dma2 semaphore(%run_scoped3A : memref<!tpu.dma_semaphore, #tpu.memory_space<semaphore_mem>>) src(%arg5 : memref<640x128xf32, #tpu.memory_space<hbm>>) dst(%dma_wait3A_13 : memref<640x128xf32, #tpu.memory_space<vmem_shared>>)
      tpu.yield
    }) : () -> ()
    %barrier3A = arith.constant 0 : index
    tpu.barrier barrier_id(%barrier3A)
    %scan3A = arith.constant 0 : i32
    %scan3A_3 = arith.constant 0 : i32
    %scan3A_4 = arith.constant 10 : i32
    %scan3A_5 = arith.addi %scan3A_3, %scan3A_4 : i32
    %scan3A_6 = arith.constant 1 : i32
    %scan3A_7 = scf.for %scan3A_12 = %scan3A_3 to %scan3A_5 step %scan3A_6 iter_args(%scan3A_13 = %scan3A) -> (i32)  : i32 {
      "tpu.region"() ({
        %run_scoped3A_49 = tpu.sem_alloc : memref<!tpu.dma_semaphore, #tpu.memory_space<semaphore_mem>>
        %dma_start3A_50 = arith.constant 0 : i32
        %dma_start3A_51 = arith.constant 0 : i32
        %dma_start3A_52 = tpu.memref_slice %arg3[%add3A, %scan3A_12, %dma_start3A_50, %dma_start3A_51] : memref<32x10x16x128xi32, #tpu.memory_space<hbm>> -> memref<1x1x16x128xi32, #tpu.memory_space<hbm>>
        %dma_start3A_53 = tpu.memref_squeeze %dma_start3A_52 : memref<1x1x16x128xi32, #tpu.memory_space<hbm>> -> memref<16x128xi32, #tpu.memory_space<hbm>>
        %dma_start3A_54 = arith.constant 0 : i32
        %dma_start3A_55 = arith.constant 0 : i32
        %dma_start3A_56 = tpu.memref_slice %arg3[%add3A, %scan3A_12, %dma_start3A_54, %dma_start3A_55] : memref<32x10x16x128xi32, #tpu.memory_space<hbm>> -> memref<1x1x16x128xi32, #tpu.memory_space<hbm>>
        %dma_start3A_57 = tpu.memref_squeeze %dma_start3A_56 : memref<1x1x16x128xi32, #tpu.memory_space<hbm>> -> memref<16x128xi32, #tpu.memory_space<hbm>>
        tpu.enqueue_dma source(%dma_start3A_57 : memref<16x128xi32, #tpu.memory_space<hbm>>) target(%arg8 : memref<16x128xi32, #tpu.memory_space<vmem>>) target_semaphore(%run_scoped3A_49 : memref<!tpu.dma_semaphore, #tpu.memory_space<semaphore_mem>>)
        %dma_wait3A_58 = arith.constant 0 : i32
        %dma_wait3A_59 = arith.constant 0 : i32
        %dma_wait3A_60 = tpu.memref_slice %arg3[%add3A, %scan3A_12, %dma_wait3A_58, %dma_wait3A_59] : memref<32x10x16x128xi32, #tpu.memory_space<hbm>> -> memref<1x1x16x128xi32, #tpu.memory_space<hbm>>
        %dma_wait3A_61 = tpu.memref_squeeze %dma_wait3A_60 : memref<1x1x16x128xi32, #tpu.memory_space<hbm>> -> memref<16x128xi32, #tpu.memory_space<hbm>>
        %dma_wait3A_62 = arith.constant 0 : i32
        %dma_wait3A_63 = arith.constant 0 : i32
        %dma_wait3A_64 = tpu.memref_slice %arg3[%add3A, %scan3A_12, %dma_wait3A_62, %dma_wait3A_63] : memref<32x10x16x128xi32, #tpu.memory_space<hbm>> -> memref<1x1x16x128xi32, #tpu.memory_space<hbm>>
        %dma_wait3A_65 = tpu.memref_squeeze %dma_wait3A_64 : memref<1x1x16x128xi32, #tpu.memory_space<hbm>> -> memref<16x128xi32, #tpu.memory_space<hbm>>
        tpu.wait_dma2 semaphore(%run_scoped3A_49 : memref<!tpu.dma_semaphore, #tpu.memory_space<semaphore_mem>>) src(%dma_wait3A_65 : memref<16x128xi32, #tpu.memory_space<hbm>>) dst(%arg8 : memref<16x128xi32, #tpu.memory_space<vmem>>)
        tpu.yield
      }) : () -> ()
      "tpu.region"() ({
        %run_scoped3A_49 = tpu.sem_alloc : memref<!tpu.dma_semaphore, #tpu.memory_space<semaphore_mem>>
        %dma_start3A_50 = arith.constant 0 : i32
        %dma_start3A_51 = arith.constant 0 : i32
        %dma_start3A_52 = tpu.memref_slice %arg4[%add3A, %scan3A_12, %dma_start3A_50, %dma_start3A_51] : memref<32x10x16x128xi32, #tpu.memory_space<hbm>> -> memref<1x1x16x128xi32, #tpu.memory_space<hbm>>
        %dma_start3A_53 = tpu.memref_squeeze %dma_start3A_52 : memref<1x1x16x128xi32, #tpu.memory_space<hbm>> -> memref<16x128xi32, #tpu.memory_space<hbm>>
        %dma_start3A_54 = arith.constant 0 : i32
        %dma_start3A_55 = arith.constant 0 : i32
        %dma_start3A_56 = tpu.memref_slice %arg4[%add3A, %scan3A_12, %dma_start3A_54, %dma_start3A_55] : memref<32x10x16x128xi32, #tpu.memory_space<hbm>> -> memref<1x1x16x128xi32, #tpu.memory_space<hbm>>
        %dma_start3A_57 = tpu.memref_squeeze %dma_start3A_56 : memref<1x1x16x128xi32, #tpu.memory_space<hbm>> -> memref<16x128xi32, #tpu.memory_space<hbm>>
        tpu.enqueue_dma source(%dma_start3A_57 : memref<16x128xi32, #tpu.memory_space<hbm>>) target(%arg9 : memref<16x128xi32, #tpu.memory_space<vmem>>) target_semaphore(%run_scoped3A_49 : memref<!tpu.dma_semaphore, #tpu.memory_space<semaphore_mem>>)
        %dma_wait3A_58 = arith.constant 0 : i32
        %dma_wait3A_59 = arith.constant 0 : i32
        %dma_wait3A_60 = tpu.memref_slice %arg4[%add3A, %scan3A_12, %dma_wait3A_58, %dma_wait3A_59] : memref<32x10x16x128xi32, #tpu.memory_space<hbm>> -> memref<1x1x16x128xi32, #tpu.memory_space<hbm>>
        %dma_wait3A_61 = tpu.memref_squeeze %dma_wait3A_60 : memref<1x1x16x128xi32, #tpu.memory_space<hbm>> -> memref<16x128xi32, #tpu.memory_space<hbm>>
        %dma_wait3A_62 = arith.constant 0 : i32
        %dma_wait3A_63 = arith.constant 0 : i32
        %dma_wait3A_64 = tpu.memref_slice %arg4[%add3A, %scan3A_12, %dma_wait3A_62, %dma_wait3A_63] : memref<32x10x16x128xi32, #tpu.memory_space<hbm>> -> memref<1x1x16x128xi32, #tpu.memory_space<hbm>>
        %dma_wait3A_65 = tpu.memref_squeeze %dma_wait3A_64 : memref<1x1x16x128xi32, #tpu.memory_space<hbm>> -> memref<16x128xi32, #tpu.memory_space<hbm>>
        tpu.wait_dma2 semaphore(%run_scoped3A_49 : memref<!tpu.dma_semaphore, #tpu.memory_space<semaphore_mem>>) src(%dma_wait3A_65 : memref<16x128xi32, #tpu.memory_space<hbm>>) dst(%arg9 : memref<16x128xi32, #tpu.memory_space<vmem>>)
        tpu.yield
      }) : () -> ()
      %dma_start3A = arith.constant 0 : i32
      %dma_start3A_14 = arith.constant 0 : i32
      %dma_start3A_15 = tpu.memref_slice %arg8[%dma_start3A, %dma_start3A_14] : memref<16x128xi32, #tpu.memory_space<vmem>> -> memref<1x128xi32, #tpu.memory_space<vmem>>
      %dma_start3A_16 = tpu.memref_squeeze %dma_start3A_15 : memref<1x128xi32, #tpu.memory_space<vmem>> -> memref<128xi32, #tpu.memory_space<vmem>>
      %dma_start3A_17 = arith.constant 0 : i32
      %dma_start3A_18 = arith.constant 0 : i32
      %dma_start3A_19 = tpu.memref_slice %arg2[%dma_start3A_17, %dma_start3A_18] : memref<10240x128xf32, #tpu.memory_space<hbm>> -> memref<10240x128xf32, #tpu.memory_space<hbm>>
      tpu.enqueue_indirect_dma source(%dma_start3A_19 : memref<10240x128xf32, #tpu.memory_space<hbm>>) target(%arg10 : memref<128x128xf32, #tpu.memory_space<vmem>>) offsets(%dma_start3A_16 : memref<128xi32, #tpu.memory_space<vmem>>) semaphore(%arg12 : memref<!tpu.dma_semaphore, #tpu.memory_space<semaphore_mem>>)
      %dma_start3A_20 = arith.constant 1 : i32
      %dma_start3A_21 = arith.constant 0 : i32
      %dma_start3A_22 = tpu.memref_slice %arg8[%dma_start3A_20, %dma_start3A_21] : memref<16x128xi32, #tpu.memory_space<vmem>> -> memref<1x128xi32, #tpu.memory_space<vmem>>
      %dma_start3A_23 = tpu.memref_squeeze %dma_start3A_22 : memref<1x128xi32, #tpu.memory_space<vmem>> -> memref<128xi32, #tpu.memory_space<vmem>>
      %dma_start3A_24 = arith.constant 0 : i32
      %dma_start3A_25 = arith.constant 0 : i32
      %dma_start3A_26 = tpu.memref_slice %arg2[%dma_start3A_24, %dma_start3A_25] : memref<10240x128xf32, #tpu.memory_space<hbm>> -> memref<10240x128xf32, #tpu.memory_space<hbm>>
      tpu.enqueue_indirect_dma source(%dma_start3A_26 : memref<10240x128xf32, #tpu.memory_space<hbm>>) target(%arg11 : memref<128x128xf32, #tpu.memory_space<vmem>>) offsets(%dma_start3A_23 : memref<128xi32, #tpu.memory_space<vmem>>) semaphore(%arg13 : memref<!tpu.dma_semaphore, #tpu.memory_space<semaphore_mem>>)
      %scan3A_27 = arith.constant 0 : i32
      %scan3A_28 = arith.constant 0 : i32
      %scan3A_29 = arith.constant 7 : i32
      %scan3A_30 = arith.addi %scan3A_28, %scan3A_29 : i32
      %scan3A_31 = arith.constant 1 : i32
      %scan3A_32 = scf.for %scan3A_49 = %scan3A_28 to %scan3A_30 step %scan3A_31 iter_args(%scan3A_50 = %scan3A_27) -> (i32)  : i32 {
        %mul3A_51 = arith.constant 2 : i32
        %mul3A_52 = arith.muli %scan3A_49, %mul3A_51 : i32
        %add3A_53 = arith.constant 0 : i32
        %add3A_54 = arith.addi %mul3A_52, %add3A_53 : i32
        %dma_wait3A_55 = arith.constant 0 : i32
        %dma_wait3A_56 = tpu.memref_slice %arg8[%add3A_54, %dma_wait3A_55] : memref<16x128xi32, #tpu.memory_space<vmem>> -> memref<1x128xi32, #tpu.memory_space<vmem>>
        %dma_wait3A_57 = tpu.memref_squeeze %dma_wait3A_56 : memref<1x128xi32, #tpu.memory_space<vmem>> -> memref<128xi32, #tpu.memory_space<vmem>>
        %dma_wait3A_58 = arith.constant 0 : i32
        %dma_wait3A_59 = arith.constant 0 : i32
        %dma_wait3A_60 = tpu.memref_slice %arg2[%dma_wait3A_58, %dma_wait3A_59] : memref<10240x128xf32, #tpu.memory_space<hbm>> -> memref<10240x128xf32, #tpu.memory_space<hbm>>
        tpu.wait_indirect_dma semaphore(%arg12 : memref<!tpu.dma_semaphore, #tpu.memory_space<semaphore_mem>>) src(%dma_wait3A_60 : memref<10240x128xf32, #tpu.memory_space<hbm>>) dst(%arg10 : memref<128x128xf32, #tpu.memory_space<vmem>>)
        "tpu.region"() ({
          %run_scoped3A_88 = tpu.sem_alloc : memref<!tpu.dma_semaphore, #tpu.memory_space<semaphore_mem>>
          %dma_start3A_89 = arith.constant 0 : i32
          %dma_start3A_90 = tpu.memref_slice %arg9[%add3A_54, %dma_start3A_89] : memref<16x128xi32, #tpu.memory_space<vmem>> -> memref<1x128xi32, #tpu.memory_space<vmem>>
          %dma_start3A_91 = tpu.memref_squeeze %dma_start3A_90 : memref<1x128xi32, #tpu.memory_space<vmem>> -> memref<128xi32, #tpu.memory_space<vmem>>
          %dma_start3A_92 = arith.constant 0 : i32
          %dma_start3A_93 = arith.constant 0 : i32
          %dma_start3A_94 = tpu.memref_slice %arg7[%dma_start3A_92, %dma_start3A_93] : memref<10240x128xf32, #tpu.memory_space<vmem_shared>> -> memref<10240x128xf32, #tpu.memory_space<vmem_shared>>
          tpu.enqueue_indirect_dma source(%arg10 : memref<128x128xf32, #tpu.memory_space<vmem>>) target(%dma_start3A_94 : memref<10240x128xf32, #tpu.memory_space<vmem_shared>>) offsets(%dma_start3A_91 : memref<128xi32, #tpu.memory_space<vmem>>) semaphore(%run_scoped3A_88 : memref<!tpu.dma_semaphore, #tpu.memory_space<semaphore_mem>>) {add = true}
          %dma_wait3A_95 = arith.constant 0 : i32
          %dma_wait3A_96 = tpu.memref_slice %arg9[%add3A_54, %dma_wait3A_95] : memref<16x128xi32, #tpu.memory_space<vmem>> -> memref<1x128xi32, #tpu.memory_space<vmem>>
          %dma_wait3A_97 = tpu.memref_squeeze %dma_wait3A_96 : memref<1x128xi32, #tpu.memory_space<vmem>> -> memref<128xi32, #tpu.memory_space<vmem>>
          %dma_wait3A_98 = arith.constant 0 : i32
          %dma_wait3A_99 = arith.constant 0 : i32
          %dma_wait3A_100 = tpu.memref_slice %arg7[%dma_wait3A_98, %dma_wait3A_99] : memref<10240x128xf32, #tpu.memory_space<vmem_shared>> -> memref<10240x128xf32, #tpu.memory_space<vmem_shared>>
          tpu.wait_indirect_dma semaphore(%run_scoped3A_88 : memref<!tpu.dma_semaphore, #tpu.memory_space<semaphore_mem>>) src(%arg10 : memref<128x128xf32, #tpu.memory_space<vmem>>) dst(%dma_wait3A_100 : memref<10240x128xf32, #tpu.memory_space<vmem_shared>>)
          tpu.yield
        }) : () -> ()
        %add3A_61 = arith.constant 2 : i32
        %add3A_62 = arith.addi %add3A_54, %add3A_61 : i32
        %dma_start3A_63 = arith.constant 0 : i32
        %dma_start3A_64 = tpu.memref_slice %arg8[%add3A_62, %dma_start3A_63] : memref<16x128xi32, #tpu.memory_space<vmem>> -> memref<1x128xi32, #tpu.memory_space<vmem>>
        %dma_start3A_65 = tpu.memref_squeeze %dma_start3A_64 : memref<1x128xi32, #tpu.memory_space<vmem>> -> memref<128xi32, #tpu.memory_space<vmem>>
        %dma_start3A_66 = arith.constant 0 : i32
        %dma_start3A_67 = arith.constant 0 : i32
        %dma_start3A_68 = tpu.memref_slice %arg2[%dma_start3A_66, %dma_start3A_67] : memref<10240x128xf32, #tpu.memory_space<hbm>> -> memref<10240x128xf32, #tpu.memory_space<hbm>>
        tpu.enqueue_indirect_dma source(%dma_start3A_68 : memref<10240x128xf32, #tpu.memory_space<hbm>>) target(%arg10 : memref<128x128xf32, #tpu.memory_space<vmem>>) offsets(%dma_start3A_65 : memref<128xi32, #tpu.memory_space<vmem>>) semaphore(%arg12 : memref<!tpu.dma_semaphore, #tpu.memory_space<semaphore_mem>>)
        %mul3A_69 = arith.constant 2 : i32
        %mul3A_70 = arith.muli %scan3A_49, %mul3A_69 : i32
        %add3A_71 = arith.constant 1 : i32
        %add3A_72 = arith.addi %mul3A_70, %add3A_71 : i32
        %dma_wait3A_73 = arith.constant 0 : i32
        %dma_wait3A_74 = tpu.memref_slice %arg8[%add3A_72, %dma_wait3A_73] : memref<16x128xi32, #tpu.memory_space<vmem>> -> memref<1x128xi32, #tpu.memory_space<vmem>>
        %dma_wait3A_75 = tpu.memref_squeeze %dma_wait3A_74 : memref<1x128xi32, #tpu.memory_space<vmem>> -> memref<128xi32, #tpu.memory_space<vmem>>
        %dma_wait3A_76 = arith.constant 0 : i32
        %dma_wait3A_77 = arith.constant 0 : i32
        %dma_wait3A_78 = tpu.memref_slice %arg2[%dma_wait3A_76, %dma_wait3A_77] : memref<10240x128xf32, #tpu.memory_space<hbm>> -> memref<10240x128xf32, #tpu.memory_space<hbm>>
        tpu.wait_indirect_dma semaphore(%arg13 : memref<!tpu.dma_semaphore, #tpu.memory_space<semaphore_mem>>) src(%dma_wait3A_78 : memref<10240x128xf32, #tpu.memory_space<hbm>>) dst(%arg11 : memref<128x128xf32, #tpu.memory_space<vmem>>)
        "tpu.region"() ({
          %run_scoped3A_88 = tpu.sem_alloc : memref<!tpu.dma_semaphore, #tpu.memory_space<semaphore_mem>>
          %dma_start3A_89 = arith.constant 0 : i32
          %dma_start3A_90 = tpu.memref_slice %arg9[%add3A_72, %dma_start3A_89] : memref<16x128xi32, #tpu.memory_space<vmem>> -> memref<1x128xi32, #tpu.memory_space<vmem>>
          %dma_start3A_91 = tpu.memref_squeeze %dma_start3A_90 : memref<1x128xi32, #tpu.memory_space<vmem>> -> memref<128xi32, #tpu.memory_space<vmem>>
          %dma_start3A_92 = arith.constant 0 : i32
          %dma_start3A_93 = arith.constant 0 : i32
          %dma_start3A_94 = tpu.memref_slice %arg7[%dma_start3A_92, %dma_start3A_93] : memref<10240x128xf32, #tpu.memory_space<vmem_shared>> -> memref<10240x128xf32, #tpu.memory_space<vmem_shared>>
          tpu.enqueue_indirect_dma source(%arg11 : memref<128x128xf32, #tpu.memory_space<vmem>>) target(%dma_start3A_94 : memref<10240x128xf32, #tpu.memory_space<vmem_shared>>) offsets(%dma_start3A_91 : memref<128xi32, #tpu.memory_space<vmem>>) semaphore(%run_scoped3A_88 : memref<!tpu.dma_semaphore, #tpu.memory_space<semaphore_mem>>) {add = true}
          %dma_wait3A_95 = arith.constant 0 : i32
          %dma_wait3A_96 = tpu.memref_slice %arg9[%add3A_72, %dma_wait3A_95] : memref<16x128xi32, #tpu.memory_space<vmem>> -> memref<1x128xi32, #tpu.memory_space<vmem>>
          %dma_wait3A_97 = tpu.memref_squeeze %dma_wait3A_96 : memref<1x128xi32, #tpu.memory_space<vmem>> -> memref<128xi32, #tpu.memory_space<vmem>>
          %dma_wait3A_98 = arith.constant 0 : i32
          %dma_wait3A_99 = arith.constant 0 : i32
          %dma_wait3A_100 = tpu.memref_slice %arg7[%dma_wait3A_98, %dma_wait3A_99] : memref<10240x128xf32, #tpu.memory_space<vmem_shared>> -> memref<10240x128xf32, #tpu.memory_space<vmem_shared>>
          tpu.wait_indirect_dma semaphore(%run_scoped3A_88 : memref<!tpu.dma_semaphore, #tpu.memory_space<semaphore_mem>>) src(%arg11 : memref<128x128xf32, #tpu.memory_space<vmem>>) dst(%dma_wait3A_100 : memref<10240x128xf32, #tpu.memory_space<vmem_shared>>)
          tpu.yield
        }) : () -> ()
        %add3A_79 = arith.constant 2 : i32
        %add3A_80 = arith.addi %add3A_72, %add3A_79 : i32
        %dma_start3A_81 = arith.constant 0 : i32
        %dma_start3A_82 = tpu.memref_slice %arg8[%add3A_80, %dma_start3A_81] : memref<16x128xi32, #tpu.memory_space<vmem>> -> memref<1x128xi32, #tpu.memory_space<vmem>>
        %dma_start3A_83 = tpu.memref_squeeze %dma_start3A_82 : memref<1x128xi32, #tpu.memory_space<vmem>> -> memref<128xi32, #tpu.memory_space<vmem>>
        %dma_start3A_84 = arith.constant 0 : i32
        %dma_start3A_85 = arith.constant 0 : i32
        %dma_start3A_86 = tpu.memref_slice %arg2[%dma_start3A_84, %dma_start3A_85] : memref<10240x128xf32, #tpu.memory_space<hbm>> -> memref<10240x128xf32, #tpu.memory_space<hbm>>
        tpu.enqueue_indirect_dma source(%dma_start3A_86 : memref<10240x128xf32, #tpu.memory_space<hbm>>) target(%arg11 : memref<128x128xf32, #tpu.memory_space<vmem>>) offsets(%dma_start3A_83 : memref<128xi32, #tpu.memory_space<vmem>>) semaphore(%arg13 : memref<!tpu.dma_semaphore, #tpu.memory_space<semaphore_mem>>)
        %scan3A_87 = arith.constant 0 : i32
        scf.yield %scan3A_87 : i32
      }
      %scan3A_33 = arith.constant 7 : i32
      %dma_wait3A = arith.constant 14 : i32
      %dma_wait3A_34 = arith.constant 0 : i32
      %dma_wait3A_35 = tpu.memref_slice %arg8[%dma_wait3A, %dma_wait3A_34] : memref<16x128xi32, #tpu.memory_space<vmem>> -> memref<1x128xi32, #tpu.memory_space<vmem>>
      %dma_wait3A_36 = tpu.memref_squeeze %dma_wait3A_35 : memref<1x128xi32, #tpu.memory_space<vmem>> -> memref<128xi32, #tpu.memory_space<vmem>>
      %dma_wait3A_37 = arith.constant 0 : i32
      %dma_wait3A_38 = arith.constant 0 : i32
      %dma_wait3A_39 = tpu.memref_slice %arg2[%dma_wait3A_37, %dma_wait3A_38] : memref<10240x128xf32, #tpu.memory_space<hbm>> -> memref<10240x128xf32, #tpu.memory_space<hbm>>
      tpu.wait_indirect_dma semaphore(%arg12 : memref<!tpu.dma_semaphore, #tpu.memory_space<semaphore_mem>>) src(%dma_wait3A_39 : memref<10240x128xf32, #tpu.memory_space<hbm>>) dst(%arg10 : memref<128x128xf32, #tpu.memory_space<vmem>>)
      %run_scoped3A = arith.constant 14 : i32
      "tpu.region"() ({
        %run_scoped3A_49 = tpu.sem_alloc : memref<!tpu.dma_semaphore, #tpu.memory_space<semaphore_mem>>
        %dma_start3A_50 = arith.constant 0 : i32
        %dma_start3A_51 = tpu.memref_slice %arg9[%run_scoped3A, %dma_start3A_50] : memref<16x128xi32, #tpu.memory_space<vmem>> -> memref<1x128xi32, #tpu.memory_space<vmem>>
        %dma_start3A_52 = tpu.memref_squeeze %dma_start3A_51 : memref<1x128xi32, #tpu.memory_space<vmem>> -> memref<128xi32, #tpu.memory_space<vmem>>
        %dma_start3A_53 = arith.constant 0 : i32
        %dma_start3A_54 = arith.constant 0 : i32
        %dma_start3A_55 = tpu.memref_slice %arg7[%dma_start3A_53, %dma_start3A_54] : memref<10240x128xf32, #tpu.memory_space<vmem_shared>> -> memref<10240x128xf32, #tpu.memory_space<vmem_shared>>
        tpu.enqueue_indirect_dma source(%arg10 : memref<128x128xf32, #tpu.memory_space<vmem>>) target(%dma_start3A_55 : memref<10240x128xf32, #tpu.memory_space<vmem_shared>>) offsets(%dma_start3A_52 : memref<128xi32, #tpu.memory_space<vmem>>) semaphore(%run_scoped3A_49 : memref<!tpu.dma_semaphore, #tpu.memory_space<semaphore_mem>>) {add = true}
        %dma_wait3A_56 = arith.constant 0 : i32
        %dma_wait3A_57 = tpu.memref_slice %arg9[%run_scoped3A, %dma_wait3A_56] : memref<16x128xi32, #tpu.memory_space<vmem>> -> memref<1x128xi32, #tpu.memory_space<vmem>>
        %dma_wait3A_58 = tpu.memref_squeeze %dma_wait3A_57 : memref<1x128xi32, #tpu.memory_space<vmem>> -> memref<128xi32, #tpu.memory_space<vmem>>
        %dma_wait3A_59 = arith.constant 0 : i32
        %dma_wait3A_60 = arith.constant 0 : i32
        %dma_wait3A_61 = tpu.memref_slice %arg7[%dma_wait3A_59, %dma_wait3A_60] : memref<10240x128xf32, #tpu.memory_space<vmem_shared>> -> memref<10240x128xf32, #tpu.memory_space<vmem_shared>>
        tpu.wait_indirect_dma semaphore(%run_scoped3A_49 : memref<!tpu.dma_semaphore, #tpu.memory_space<semaphore_mem>>) src(%arg10 : memref<128x128xf32, #tpu.memory_space<vmem>>) dst(%dma_wait3A_61 : memref<10240x128xf32, #tpu.memory_space<vmem_shared>>)
        tpu.yield
      }) : () -> ()
      %dma_wait3A_40 = arith.constant 15 : i32
      %dma_wait3A_41 = arith.constant 0 : i32
      %dma_wait3A_42 = tpu.memref_slice %arg8[%dma_wait3A_40, %dma_wait3A_41] : memref<16x128xi32, #tpu.memory_space<vmem>> -> memref<1x128xi32, #tpu.memory_space<vmem>>
      %dma_wait3A_43 = tpu.memref_squeeze %dma_wait3A_42 : memref<1x128xi32, #tpu.memory_space<vmem>> -> memref<128xi32, #tpu.memory_space<vmem>>
      %dma_wait3A_44 = arith.constant 0 : i32
      %dma_wait3A_45 = arith.constant 0 : i32
      %dma_wait3A_46 = tpu.memref_slice %arg2[%dma_wait3A_44, %dma_wait3A_45] : memref<10240x128xf32, #tpu.memory_space<hbm>> -> memref<10240x128xf32, #tpu.memory_space<hbm>>
      tpu.wait_indirect_dma semaphore(%arg13 : memref<!tpu.dma_semaphore, #tpu.memory_space<semaphore_mem>>) src(%dma_wait3A_46 : memref<10240x128xf32, #tpu.memory_space<hbm>>) dst(%arg11 : memref<128x128xf32, #tpu.memory_space<vmem>>)
      %run_scoped3A_47 = arith.constant 15 : i32
      "tpu.region"() ({
        %run_scoped3A_49 = tpu.sem_alloc : memref<!tpu.dma_semaphore, #tpu.memory_space<semaphore_mem>>
        %dma_start3A_50 = arith.constant 0 : i32
        %dma_start3A_51 = tpu.memref_slice %arg9[%run_scoped3A_47, %dma_start3A_50] : memref<16x128xi32, #tpu.memory_space<vmem>> -> memref<1x128xi32, #tpu.memory_space<vmem>>
        %dma_start3A_52 = tpu.memref_squeeze %dma_start3A_51 : memref<1x128xi32, #tpu.memory_space<vmem>> -> memref<128xi32, #tpu.memory_space<vmem>>
        %dma_start3A_53 = arith.constant 0 : i32
        %dma_start3A_54 = arith.constant 0 : i32
        %dma_start3A_55 = tpu.memref_slice %arg7[%dma_start3A_53, %dma_start3A_54] : memref<10240x128xf32, #tpu.memory_space<vmem_shared>> -> memref<10240x128xf32, #tpu.memory_space<vmem_shared>>
        tpu.enqueue_indirect_dma source(%arg11 : memref<128x128xf32, #tpu.memory_space<vmem>>) target(%dma_start3A_55 : memref<10240x128xf32, #tpu.memory_space<vmem_shared>>) offsets(%dma_start3A_52 : memref<128xi32, #tpu.memory_space<vmem>>) semaphore(%run_scoped3A_49 : memref<!tpu.dma_semaphore, #tpu.memory_space<semaphore_mem>>) {add = true}
        %dma_wait3A_56 = arith.constant 0 : i32
        %dma_wait3A_57 = tpu.memref_slice %arg9[%run_scoped3A_47, %dma_wait3A_56] : memref<16x128xi32, #tpu.memory_space<vmem>> -> memref<1x128xi32, #tpu.memory_space<vmem>>
        %dma_wait3A_58 = tpu.memref_squeeze %dma_wait3A_57 : memref<1x128xi32, #tpu.memory_space<vmem>> -> memref<128xi32, #tpu.memory_space<vmem>>
        %dma_wait3A_59 = arith.constant 0 : i32
        %dma_wait3A_60 = arith.constant 0 : i32
        %dma_wait3A_61 = tpu.memref_slice %arg7[%dma_wait3A_59, %dma_wait3A_60] : memref<10240x128xf32, #tpu.memory_space<vmem_shared>> -> memref<10240x128xf32, #tpu.memory_space<vmem_shared>>
        tpu.wait_indirect_dma semaphore(%run_scoped3A_49 : memref<!tpu.dma_semaphore, #tpu.memory_space<semaphore_mem>>) src(%arg11 : memref<128x128xf32, #tpu.memory_space<vmem>>) dst(%dma_wait3A_61 : memref<10240x128xf32, #tpu.memory_space<vmem_shared>>)
        tpu.yield
      }) : () -> ()
      %scan3A_48 = arith.constant 0 : i32
      scf.yield %scan3A_48 : i32
    }
    %scan3A_8 = arith.constant 10 : i32
    %barrier3A_9 = arith.constant 0 : index
    tpu.barrier barrier_id(%barrier3A_9)
    %mul3A_10 = arith.constant 640 : i32
    %mul3A_11 = arith.muli %arg1, %mul3A_10 : i32
    "tpu.region"() ({
      %run_scoped3A = tpu.sem_alloc : memref<!tpu.dma_semaphore, #tpu.memory_space<semaphore_mem>>
      %dma_start3A = arith.constant 0 : i32
      %dma_start3A_12 = arith.constant 0 : i32
      %dma_start3A_13 = tpu.memref_slice %arg6[%arg0, %arg1, %dma_start3A, %dma_start3A_12] : memref<2x16x640x128xf32, #tpu.memory_space<hbm>> -> memref<1x1x640x128xf32, #tpu.memory_space<hbm>>
      %dma_start3A_14 = tpu.memref_squeeze %dma_start3A_13 : memref<1x1x640x128xf32, #tpu.memory_space<hbm>> -> memref<640x128xf32, #tpu.memory_space<hbm>>
      %dma_start3A_15 = arith.constant 0 : i32
      %dma_start3A_16 = tpu.memref_slice %arg7[%mul3A_11, %dma_start3A_15] : memref<10240x128xf32, #tpu.memory_space<vmem_shared>> -> memref<640x128xf32, #tpu.memory_space<vmem_shared>>
      tpu.enqueue_dma source(%dma_start3A_16 : memref<640x128xf32, #tpu.memory_space<vmem_shared>>) target(%dma_start3A_14 : memref<640x128xf32, #tpu.memory_space<hbm>>) target_semaphore(%run_scoped3A : memref<!tpu.dma_semaphore, #tpu.memory_space<semaphore_mem>>)
      %dma_wait3A = arith.constant 0 : i32
      %dma_wait3A_17 = arith.constant 0 : i32
      %dma_wait3A_18 = tpu.memref_slice %arg6[%arg0, %arg1, %dma_wait3A, %dma_wait3A_17] : memref<2x16x640x128xf32, #tpu.memory_space<hbm>> -> memref<1x1x640x128xf32, #tpu.memory_space<hbm>>
      %dma_wait3A_19 = tpu.memref_squeeze %dma_wait3A_18 : memref<1x1x640x128xf32, #tpu.memory_space<hbm>> -> memref<640x128xf32, #tpu.memory_space<hbm>>
      %dma_wait3A_20 = arith.constant 0 : i32
      %dma_wait3A_21 = tpu.memref_slice %arg7[%mul3A_11, %dma_wait3A_20] : memref<10240x128xf32, #tpu.memory_space<vmem_shared>> -> memref<640x128xf32, #tpu.memory_space<vmem_shared>>
      tpu.wait_dma2 semaphore(%run_scoped3A : memref<!tpu.dma_semaphore, #tpu.memory_space<semaphore_mem>>) src(%dma_wait3A_21 : memref<640x128xf32, #tpu.memory_space<vmem_shared>>) dst(%dma_wait3A_19 : memref<640x128xf32, #tpu.memory_space<hbm>>)
      tpu.yield
    }) : () -> ()
    return
  }
}

#map = affine_map<(d0, d1) -> (0, 0)>
#map1 = affine_map<(d0, d1) -> (0, 0, 0, 0)>
module attributes {stable_mosaic.version = 14 : i64} {
  func.func @edge_pass(%arg0: i32, %arg1: i32, %arg2: memref<10240x64xf32, #tpu.memory_space<hbm>>, %arg3: memref<32x10x16x128xi32, #tpu.memory_space<hbm>>, %arg4: memref<32x10x16x128xi32, #tpu.memory_space<hbm>>, %arg5: memref<640x64xf32, #tpu.memory_space<hbm>>, %arg6: memref<2x16x640x64xf32, #tpu.memory_space<hbm>>, %arg7: memref<10240x64xf32, #tpu.memory_space<vmem_shared>>, %arg8: memref<16x128xi32, #tpu.memory_space<vmem>>, %arg9: memref<16x128xi32, #tpu.memory_space<vmem>>, %arg10: memref<128x64xf32, #tpu.memory_space<vmem>>, %arg11: memref<128x64xf32, #tpu.memory_space<vmem>>, %arg12: memref<128x64xf32, #tpu.memory_space<vmem>>, %arg13: memref<128x64xf32, #tpu.memory_space<vmem>>, %arg14: memref<!tpu.dma_semaphore, #tpu.memory_space<semaphore_mem>>, %arg15: memref<!tpu.dma_semaphore, #tpu.memory_space<semaphore_mem>>, %arg16: memref<!tpu.dma_semaphore, #tpu.memory_space<semaphore_mem>>, %arg17: memref<!tpu.dma_semaphore, #tpu.memory_space<semaphore_mem>>) attributes {dimension_semantics = [#tpu.dimension_semantics<core_parallel>, #tpu.dimension_semantics<subcore_parallel>], iteration_bounds = array<i64: 2, 16>, scalar_prefetch = 0 : i64, scratch_operands = 11 : i64, tpu.core_type = #tpu.core_type<sc_vector_subcore>, window_params = [{transform_indices = #map}, {transform_indices = #map1}, {transform_indices = #map1}, {transform_indices = #map}, {transform_indices = #map1}]} {
    %mul3A = arith.constant 16 : i32
    %mul3A_0 = arith.muli %arg0, %mul3A : i32
    %add3A = arith.addi %mul3A_0, %arg1 : i32
    %mul3A_1 = arith.constant 640 : i32
    %mul3A_2 = arith.muli %arg1, %mul3A_1 : i32
    "tpu.region"() ({
      %run_scoped3A = tpu.sem_alloc : memref<!tpu.dma_semaphore, #tpu.memory_space<semaphore_mem>>
      %dma_start3A = arith.constant 0 : i32
      %dma_start3A_12 = tpu.memref_slice %arg7[%mul3A_2, %dma_start3A] : memref<10240x64xf32, #tpu.memory_space<vmem_shared>> -> memref<640x64xf32, #tpu.memory_space<vmem_shared>>
      tpu.enqueue_dma source(%arg5 : memref<640x64xf32, #tpu.memory_space<hbm>>) target(%dma_start3A_12 : memref<640x64xf32, #tpu.memory_space<vmem_shared>>) target_semaphore(%run_scoped3A : memref<!tpu.dma_semaphore, #tpu.memory_space<semaphore_mem>>)
      %dma_wait3A = arith.constant 0 : i32
      %dma_wait3A_13 = tpu.memref_slice %arg7[%mul3A_2, %dma_wait3A] : memref<10240x64xf32, #tpu.memory_space<vmem_shared>> -> memref<640x64xf32, #tpu.memory_space<vmem_shared>>
      tpu.wait_dma2 semaphore(%run_scoped3A : memref<!tpu.dma_semaphore, #tpu.memory_space<semaphore_mem>>) src(%arg5 : memref<640x64xf32, #tpu.memory_space<hbm>>) dst(%dma_wait3A_13 : memref<640x64xf32, #tpu.memory_space<vmem_shared>>)
      tpu.yield
    }) : () -> ()
    %barrier3A = arith.constant 0 : index
    tpu.barrier barrier_id(%barrier3A)
    %scan3A = arith.constant 0 : i32
    %scan3A_3 = arith.constant 0 : i32
    %scan3A_4 = arith.constant 10 : i32
    %scan3A_5 = arith.addi %scan3A_3, %scan3A_4 : i32
    %scan3A_6 = arith.constant 1 : i32
    %scan3A_7 = scf.for %scan3A_12 = %scan3A_3 to %scan3A_5 step %scan3A_6 iter_args(%scan3A_13 = %scan3A) -> (i32)  : i32 {
      "tpu.region"() ({
        %run_scoped3A_79 = tpu.sem_alloc : memref<!tpu.dma_semaphore, #tpu.memory_space<semaphore_mem>>
        %dma_start3A_80 = arith.constant 0 : i32
        %dma_start3A_81 = arith.constant 0 : i32
        %dma_start3A_82 = tpu.memref_slice %arg3[%add3A, %scan3A_12, %dma_start3A_80, %dma_start3A_81] : memref<32x10x16x128xi32, #tpu.memory_space<hbm>> -> memref<1x1x16x128xi32, #tpu.memory_space<hbm>>
        %dma_start3A_83 = tpu.memref_squeeze %dma_start3A_82 : memref<1x1x16x128xi32, #tpu.memory_space<hbm>> -> memref<16x128xi32, #tpu.memory_space<hbm>>
        %dma_start3A_84 = arith.constant 0 : i32
        %dma_start3A_85 = arith.constant 0 : i32
        %dma_start3A_86 = tpu.memref_slice %arg3[%add3A, %scan3A_12, %dma_start3A_84, %dma_start3A_85] : memref<32x10x16x128xi32, #tpu.memory_space<hbm>> -> memref<1x1x16x128xi32, #tpu.memory_space<hbm>>
        %dma_start3A_87 = tpu.memref_squeeze %dma_start3A_86 : memref<1x1x16x128xi32, #tpu.memory_space<hbm>> -> memref<16x128xi32, #tpu.memory_space<hbm>>
        tpu.enqueue_dma source(%dma_start3A_87 : memref<16x128xi32, #tpu.memory_space<hbm>>) target(%arg8 : memref<16x128xi32, #tpu.memory_space<vmem>>) target_semaphore(%run_scoped3A_79 : memref<!tpu.dma_semaphore, #tpu.memory_space<semaphore_mem>>)
        %dma_wait3A_88 = arith.constant 0 : i32
        %dma_wait3A_89 = arith.constant 0 : i32
        %dma_wait3A_90 = tpu.memref_slice %arg3[%add3A, %scan3A_12, %dma_wait3A_88, %dma_wait3A_89] : memref<32x10x16x128xi32, #tpu.memory_space<hbm>> -> memref<1x1x16x128xi32, #tpu.memory_space<hbm>>
        %dma_wait3A_91 = tpu.memref_squeeze %dma_wait3A_90 : memref<1x1x16x128xi32, #tpu.memory_space<hbm>> -> memref<16x128xi32, #tpu.memory_space<hbm>>
        %dma_wait3A_92 = arith.constant 0 : i32
        %dma_wait3A_93 = arith.constant 0 : i32
        %dma_wait3A_94 = tpu.memref_slice %arg3[%add3A, %scan3A_12, %dma_wait3A_92, %dma_wait3A_93] : memref<32x10x16x128xi32, #tpu.memory_space<hbm>> -> memref<1x1x16x128xi32, #tpu.memory_space<hbm>>
        %dma_wait3A_95 = tpu.memref_squeeze %dma_wait3A_94 : memref<1x1x16x128xi32, #tpu.memory_space<hbm>> -> memref<16x128xi32, #tpu.memory_space<hbm>>
        tpu.wait_dma2 semaphore(%run_scoped3A_79 : memref<!tpu.dma_semaphore, #tpu.memory_space<semaphore_mem>>) src(%dma_wait3A_95 : memref<16x128xi32, #tpu.memory_space<hbm>>) dst(%arg8 : memref<16x128xi32, #tpu.memory_space<vmem>>)
        tpu.yield
      }) : () -> ()
      "tpu.region"() ({
        %run_scoped3A_79 = tpu.sem_alloc : memref<!tpu.dma_semaphore, #tpu.memory_space<semaphore_mem>>
        %dma_start3A_80 = arith.constant 0 : i32
        %dma_start3A_81 = arith.constant 0 : i32
        %dma_start3A_82 = tpu.memref_slice %arg4[%add3A, %scan3A_12, %dma_start3A_80, %dma_start3A_81] : memref<32x10x16x128xi32, #tpu.memory_space<hbm>> -> memref<1x1x16x128xi32, #tpu.memory_space<hbm>>
        %dma_start3A_83 = tpu.memref_squeeze %dma_start3A_82 : memref<1x1x16x128xi32, #tpu.memory_space<hbm>> -> memref<16x128xi32, #tpu.memory_space<hbm>>
        %dma_start3A_84 = arith.constant 0 : i32
        %dma_start3A_85 = arith.constant 0 : i32
        %dma_start3A_86 = tpu.memref_slice %arg4[%add3A, %scan3A_12, %dma_start3A_84, %dma_start3A_85] : memref<32x10x16x128xi32, #tpu.memory_space<hbm>> -> memref<1x1x16x128xi32, #tpu.memory_space<hbm>>
        %dma_start3A_87 = tpu.memref_squeeze %dma_start3A_86 : memref<1x1x16x128xi32, #tpu.memory_space<hbm>> -> memref<16x128xi32, #tpu.memory_space<hbm>>
        tpu.enqueue_dma source(%dma_start3A_87 : memref<16x128xi32, #tpu.memory_space<hbm>>) target(%arg9 : memref<16x128xi32, #tpu.memory_space<vmem>>) target_semaphore(%run_scoped3A_79 : memref<!tpu.dma_semaphore, #tpu.memory_space<semaphore_mem>>)
        %dma_wait3A_88 = arith.constant 0 : i32
        %dma_wait3A_89 = arith.constant 0 : i32
        %dma_wait3A_90 = tpu.memref_slice %arg4[%add3A, %scan3A_12, %dma_wait3A_88, %dma_wait3A_89] : memref<32x10x16x128xi32, #tpu.memory_space<hbm>> -> memref<1x1x16x128xi32, #tpu.memory_space<hbm>>
        %dma_wait3A_91 = tpu.memref_squeeze %dma_wait3A_90 : memref<1x1x16x128xi32, #tpu.memory_space<hbm>> -> memref<16x128xi32, #tpu.memory_space<hbm>>
        %dma_wait3A_92 = arith.constant 0 : i32
        %dma_wait3A_93 = arith.constant 0 : i32
        %dma_wait3A_94 = tpu.memref_slice %arg4[%add3A, %scan3A_12, %dma_wait3A_92, %dma_wait3A_93] : memref<32x10x16x128xi32, #tpu.memory_space<hbm>> -> memref<1x1x16x128xi32, #tpu.memory_space<hbm>>
        %dma_wait3A_95 = tpu.memref_squeeze %dma_wait3A_94 : memref<1x1x16x128xi32, #tpu.memory_space<hbm>> -> memref<16x128xi32, #tpu.memory_space<hbm>>
        tpu.wait_dma2 semaphore(%run_scoped3A_79 : memref<!tpu.dma_semaphore, #tpu.memory_space<semaphore_mem>>) src(%dma_wait3A_95 : memref<16x128xi32, #tpu.memory_space<hbm>>) dst(%arg9 : memref<16x128xi32, #tpu.memory_space<vmem>>)
        tpu.yield
      }) : () -> ()
      %dma_start3A = arith.constant 0 : i32
      %dma_start3A_14 = arith.constant 0 : i32
      %dma_start3A_15 = tpu.memref_slice %arg8[%dma_start3A, %dma_start3A_14] : memref<16x128xi32, #tpu.memory_space<vmem>> -> memref<1x128xi32, #tpu.memory_space<vmem>>
      %dma_start3A_16 = tpu.memref_squeeze %dma_start3A_15 : memref<1x128xi32, #tpu.memory_space<vmem>> -> memref<128xi32, #tpu.memory_space<vmem>>
      %dma_start3A_17 = arith.constant 0 : i32
      %dma_start3A_18 = arith.constant 0 : i32
      %dma_start3A_19 = tpu.memref_slice %arg2[%dma_start3A_17, %dma_start3A_18] : memref<10240x64xf32, #tpu.memory_space<hbm>> -> memref<10240x64xf32, #tpu.memory_space<hbm>>
      tpu.enqueue_indirect_dma source(%dma_start3A_19 : memref<10240x64xf32, #tpu.memory_space<hbm>>) target(%arg10 : memref<128x64xf32, #tpu.memory_space<vmem>>) offsets(%dma_start3A_16 : memref<128xi32, #tpu.memory_space<vmem>>) semaphore(%arg14 : memref<!tpu.dma_semaphore, #tpu.memory_space<semaphore_mem>>)
      %dma_start3A_20 = arith.constant 1 : i32
      %dma_start3A_21 = arith.constant 0 : i32
      %dma_start3A_22 = tpu.memref_slice %arg8[%dma_start3A_20, %dma_start3A_21] : memref<16x128xi32, #tpu.memory_space<vmem>> -> memref<1x128xi32, #tpu.memory_space<vmem>>
      %dma_start3A_23 = tpu.memref_squeeze %dma_start3A_22 : memref<1x128xi32, #tpu.memory_space<vmem>> -> memref<128xi32, #tpu.memory_space<vmem>>
      %dma_start3A_24 = arith.constant 0 : i32
      %dma_start3A_25 = arith.constant 0 : i32
      %dma_start3A_26 = tpu.memref_slice %arg2[%dma_start3A_24, %dma_start3A_25] : memref<10240x64xf32, #tpu.memory_space<hbm>> -> memref<10240x64xf32, #tpu.memory_space<hbm>>
      tpu.enqueue_indirect_dma source(%dma_start3A_26 : memref<10240x64xf32, #tpu.memory_space<hbm>>) target(%arg11 : memref<128x64xf32, #tpu.memory_space<vmem>>) offsets(%dma_start3A_23 : memref<128xi32, #tpu.memory_space<vmem>>) semaphore(%arg15 : memref<!tpu.dma_semaphore, #tpu.memory_space<semaphore_mem>>)
      %dma_start3A_27 = arith.constant 2 : i32
      %dma_start3A_28 = arith.constant 0 : i32
      %dma_start3A_29 = tpu.memref_slice %arg8[%dma_start3A_27, %dma_start3A_28] : memref<16x128xi32, #tpu.memory_space<vmem>> -> memref<1x128xi32, #tpu.memory_space<vmem>>
      %dma_start3A_30 = tpu.memref_squeeze %dma_start3A_29 : memref<1x128xi32, #tpu.memory_space<vmem>> -> memref<128xi32, #tpu.memory_space<vmem>>
      %dma_start3A_31 = arith.constant 0 : i32
      %dma_start3A_32 = arith.constant 0 : i32
      %dma_start3A_33 = tpu.memref_slice %arg2[%dma_start3A_31, %dma_start3A_32] : memref<10240x64xf32, #tpu.memory_space<hbm>> -> memref<10240x64xf32, #tpu.memory_space<hbm>>
      tpu.enqueue_indirect_dma source(%dma_start3A_33 : memref<10240x64xf32, #tpu.memory_space<hbm>>) target(%arg12 : memref<128x64xf32, #tpu.memory_space<vmem>>) offsets(%dma_start3A_30 : memref<128xi32, #tpu.memory_space<vmem>>) semaphore(%arg16 : memref<!tpu.dma_semaphore, #tpu.memory_space<semaphore_mem>>)
      %dma_start3A_34 = arith.constant 3 : i32
      %dma_start3A_35 = arith.constant 0 : i32
      %dma_start3A_36 = tpu.memref_slice %arg8[%dma_start3A_34, %dma_start3A_35] : memref<16x128xi32, #tpu.memory_space<vmem>> -> memref<1x128xi32, #tpu.memory_space<vmem>>
      %dma_start3A_37 = tpu.memref_squeeze %dma_start3A_36 : memref<1x128xi32, #tpu.memory_space<vmem>> -> memref<128xi32, #tpu.memory_space<vmem>>
      %dma_start3A_38 = arith.constant 0 : i32
      %dma_start3A_39 = arith.constant 0 : i32
      %dma_start3A_40 = tpu.memref_slice %arg2[%dma_start3A_38, %dma_start3A_39] : memref<10240x64xf32, #tpu.memory_space<hbm>> -> memref<10240x64xf32, #tpu.memory_space<hbm>>
      tpu.enqueue_indirect_dma source(%dma_start3A_40 : memref<10240x64xf32, #tpu.memory_space<hbm>>) target(%arg13 : memref<128x64xf32, #tpu.memory_space<vmem>>) offsets(%dma_start3A_37 : memref<128xi32, #tpu.memory_space<vmem>>) semaphore(%arg17 : memref<!tpu.dma_semaphore, #tpu.memory_space<semaphore_mem>>)
      %scan3A_41 = arith.constant 0 : i32
      %scan3A_42 = arith.constant 0 : i32
      %scan3A_43 = arith.constant 3 : i32
      %scan3A_44 = arith.addi %scan3A_42, %scan3A_43 : i32
      %scan3A_45 = arith.constant 1 : i32
      %scan3A_46 = scf.for %scan3A_79 = %scan3A_42 to %scan3A_44 step %scan3A_45 iter_args(%scan3A_80 = %scan3A_41) -> (i32)  : i32 {
        %mul3A_81 = arith.constant 4 : i32
        %mul3A_82 = arith.muli %scan3A_79, %mul3A_81 : i32
        %add3A_83 = arith.constant 0 : i32
        %add3A_84 = arith.addi %mul3A_82, %add3A_83 : i32
        %dma_wait3A_85 = arith.constant 0 : i32
        %dma_wait3A_86 = tpu.memref_slice %arg8[%add3A_84, %dma_wait3A_85] : memref<16x128xi32, #tpu.memory_space<vmem>> -> memref<1x128xi32, #tpu.memory_space<vmem>>
        %dma_wait3A_87 = tpu.memref_squeeze %dma_wait3A_86 : memref<1x128xi32, #tpu.memory_space<vmem>> -> memref<128xi32, #tpu.memory_space<vmem>>
        %dma_wait3A_88 = arith.constant 0 : i32
        %dma_wait3A_89 = arith.constant 0 : i32
        %dma_wait3A_90 = tpu.memref_slice %arg2[%dma_wait3A_88, %dma_wait3A_89] : memref<10240x64xf32, #tpu.memory_space<hbm>> -> memref<10240x64xf32, #tpu.memory_space<hbm>>
        tpu.wait_indirect_dma semaphore(%arg14 : memref<!tpu.dma_semaphore, #tpu.memory_space<semaphore_mem>>) src(%dma_wait3A_90 : memref<10240x64xf32, #tpu.memory_space<hbm>>) dst(%arg10 : memref<128x64xf32, #tpu.memory_space<vmem>>)
        "tpu.region"() ({
          %run_scoped3A_154 = tpu.sem_alloc : memref<!tpu.dma_semaphore, #tpu.memory_space<semaphore_mem>>
          %dma_start3A_155 = arith.constant 0 : i32
          %dma_start3A_156 = tpu.memref_slice %arg9[%add3A_84, %dma_start3A_155] : memref<16x128xi32, #tpu.memory_space<vmem>> -> memref<1x128xi32, #tpu.memory_space<vmem>>
          %dma_start3A_157 = tpu.memref_squeeze %dma_start3A_156 : memref<1x128xi32, #tpu.memory_space<vmem>> -> memref<128xi32, #tpu.memory_space<vmem>>
          %dma_start3A_158 = arith.constant 0 : i32
          %dma_start3A_159 = arith.constant 0 : i32
          %dma_start3A_160 = tpu.memref_slice %arg7[%dma_start3A_158, %dma_start3A_159] : memref<10240x64xf32, #tpu.memory_space<vmem_shared>> -> memref<10240x64xf32, #tpu.memory_space<vmem_shared>>
          tpu.enqueue_indirect_dma source(%arg10 : memref<128x64xf32, #tpu.memory_space<vmem>>) target(%dma_start3A_160 : memref<10240x64xf32, #tpu.memory_space<vmem_shared>>) offsets(%dma_start3A_157 : memref<128xi32, #tpu.memory_space<vmem>>) semaphore(%run_scoped3A_154 : memref<!tpu.dma_semaphore, #tpu.memory_space<semaphore_mem>>) {add = true}
          %dma_wait3A_161 = arith.constant 0 : i32
          %dma_wait3A_162 = tpu.memref_slice %arg9[%add3A_84, %dma_wait3A_161] : memref<16x128xi32, #tpu.memory_space<vmem>> -> memref<1x128xi32, #tpu.memory_space<vmem>>
          %dma_wait3A_163 = tpu.memref_squeeze %dma_wait3A_162 : memref<1x128xi32, #tpu.memory_space<vmem>> -> memref<128xi32, #tpu.memory_space<vmem>>
          %dma_wait3A_164 = arith.constant 0 : i32
          %dma_wait3A_165 = arith.constant 0 : i32
          %dma_wait3A_166 = tpu.memref_slice %arg7[%dma_wait3A_164, %dma_wait3A_165] : memref<10240x64xf32, #tpu.memory_space<vmem_shared>> -> memref<10240x64xf32, #tpu.memory_space<vmem_shared>>
          tpu.wait_indirect_dma semaphore(%run_scoped3A_154 : memref<!tpu.dma_semaphore, #tpu.memory_space<semaphore_mem>>) src(%arg10 : memref<128x64xf32, #tpu.memory_space<vmem>>) dst(%dma_wait3A_166 : memref<10240x64xf32, #tpu.memory_space<vmem_shared>>)
          tpu.yield
        }) : () -> ()
        %add3A_91 = arith.constant 4 : i32
        %add3A_92 = arith.addi %add3A_84, %add3A_91 : i32
        %dma_start3A_93 = arith.constant 0 : i32
        %dma_start3A_94 = tpu.memref_slice %arg8[%add3A_92, %dma_start3A_93] : memref<16x128xi32, #tpu.memory_space<vmem>> -> memref<1x128xi32, #tpu.memory_space<vmem>>
        %dma_start3A_95 = tpu.memref_squeeze %dma_start3A_94 : memref<1x128xi32, #tpu.memory_space<vmem>> -> memref<128xi32, #tpu.memory_space<vmem>>
        %dma_start3A_96 = arith.constant 0 : i32
        %dma_start3A_97 = arith.constant 0 : i32
        %dma_start3A_98 = tpu.memref_slice %arg2[%dma_start3A_96, %dma_start3A_97] : memref<10240x64xf32, #tpu.memory_space<hbm>> -> memref<10240x64xf32, #tpu.memory_space<hbm>>
        tpu.enqueue_indirect_dma source(%dma_start3A_98 : memref<10240x64xf32, #tpu.memory_space<hbm>>) target(%arg10 : memref<128x64xf32, #tpu.memory_space<vmem>>) offsets(%dma_start3A_95 : memref<128xi32, #tpu.memory_space<vmem>>) semaphore(%arg14 : memref<!tpu.dma_semaphore, #tpu.memory_space<semaphore_mem>>)
        %mul3A_99 = arith.constant 4 : i32
        %mul3A_100 = arith.muli %scan3A_79, %mul3A_99 : i32
        %add3A_101 = arith.constant 1 : i32
        %add3A_102 = arith.addi %mul3A_100, %add3A_101 : i32
        %dma_wait3A_103 = arith.constant 0 : i32
        %dma_wait3A_104 = tpu.memref_slice %arg8[%add3A_102, %dma_wait3A_103] : memref<16x128xi32, #tpu.memory_space<vmem>> -> memref<1x128xi32, #tpu.memory_space<vmem>>
        %dma_wait3A_105 = tpu.memref_squeeze %dma_wait3A_104 : memref<1x128xi32, #tpu.memory_space<vmem>> -> memref<128xi32, #tpu.memory_space<vmem>>
        %dma_wait3A_106 = arith.constant 0 : i32
        %dma_wait3A_107 = arith.constant 0 : i32
        %dma_wait3A_108 = tpu.memref_slice %arg2[%dma_wait3A_106, %dma_wait3A_107] : memref<10240x64xf32, #tpu.memory_space<hbm>> -> memref<10240x64xf32, #tpu.memory_space<hbm>>
        tpu.wait_indirect_dma semaphore(%arg15 : memref<!tpu.dma_semaphore, #tpu.memory_space<semaphore_mem>>) src(%dma_wait3A_108 : memref<10240x64xf32, #tpu.memory_space<hbm>>) dst(%arg11 : memref<128x64xf32, #tpu.memory_space<vmem>>)
        "tpu.region"() ({
          %run_scoped3A_154 = tpu.sem_alloc : memref<!tpu.dma_semaphore, #tpu.memory_space<semaphore_mem>>
          %dma_start3A_155 = arith.constant 0 : i32
          %dma_start3A_156 = tpu.memref_slice %arg9[%add3A_102, %dma_start3A_155] : memref<16x128xi32, #tpu.memory_space<vmem>> -> memref<1x128xi32, #tpu.memory_space<vmem>>
          %dma_start3A_157 = tpu.memref_squeeze %dma_start3A_156 : memref<1x128xi32, #tpu.memory_space<vmem>> -> memref<128xi32, #tpu.memory_space<vmem>>
          %dma_start3A_158 = arith.constant 0 : i32
          %dma_start3A_159 = arith.constant 0 : i32
          %dma_start3A_160 = tpu.memref_slice %arg7[%dma_start3A_158, %dma_start3A_159] : memref<10240x64xf32, #tpu.memory_space<vmem_shared>> -> memref<10240x64xf32, #tpu.memory_space<vmem_shared>>
          tpu.enqueue_indirect_dma source(%arg11 : memref<128x64xf32, #tpu.memory_space<vmem>>) target(%dma_start3A_160 : memref<10240x64xf32, #tpu.memory_space<vmem_shared>>) offsets(%dma_start3A_157 : memref<128xi32, #tpu.memory_space<vmem>>) semaphore(%run_scoped3A_154 : memref<!tpu.dma_semaphore, #tpu.memory_space<semaphore_mem>>) {add = true}
          %dma_wait3A_161 = arith.constant 0 : i32
          %dma_wait3A_162 = tpu.memref_slice %arg9[%add3A_102, %dma_wait3A_161] : memref<16x128xi32, #tpu.memory_space<vmem>> -> memref<1x128xi32, #tpu.memory_space<vmem>>
          %dma_wait3A_163 = tpu.memref_squeeze %dma_wait3A_162 : memref<1x128xi32, #tpu.memory_space<vmem>> -> memref<128xi32, #tpu.memory_space<vmem>>
          %dma_wait3A_164 = arith.constant 0 : i32
          %dma_wait3A_165 = arith.constant 0 : i32
          %dma_wait3A_166 = tpu.memref_slice %arg7[%dma_wait3A_164, %dma_wait3A_165] : memref<10240x64xf32, #tpu.memory_space<vmem_shared>> -> memref<10240x64xf32, #tpu.memory_space<vmem_shared>>
          tpu.wait_indirect_dma semaphore(%run_scoped3A_154 : memref<!tpu.dma_semaphore, #tpu.memory_space<semaphore_mem>>) src(%arg11 : memref<128x64xf32, #tpu.memory_space<vmem>>) dst(%dma_wait3A_166 : memref<10240x64xf32, #tpu.memory_space<vmem_shared>>)
          tpu.yield
        }) : () -> ()
        %add3A_109 = arith.constant 4 : i32
        %add3A_110 = arith.addi %add3A_102, %add3A_109 : i32
        %dma_start3A_111 = arith.constant 0 : i32
        %dma_start3A_112 = tpu.memref_slice %arg8[%add3A_110, %dma_start3A_111] : memref<16x128xi32, #tpu.memory_space<vmem>> -> memref<1x128xi32, #tpu.memory_space<vmem>>
        %dma_start3A_113 = tpu.memref_squeeze %dma_start3A_112 : memref<1x128xi32, #tpu.memory_space<vmem>> -> memref<128xi32, #tpu.memory_space<vmem>>
        %dma_start3A_114 = arith.constant 0 : i32
        %dma_start3A_115 = arith.constant 0 : i32
        %dma_start3A_116 = tpu.memref_slice %arg2[%dma_start3A_114, %dma_start3A_115] : memref<10240x64xf32, #tpu.memory_space<hbm>> -> memref<10240x64xf32, #tpu.memory_space<hbm>>
        tpu.enqueue_indirect_dma source(%dma_start3A_116 : memref<10240x64xf32, #tpu.memory_space<hbm>>) target(%arg11 : memref<128x64xf32, #tpu.memory_space<vmem>>) offsets(%dma_start3A_113 : memref<128xi32, #tpu.memory_space<vmem>>) semaphore(%arg15 : memref<!tpu.dma_semaphore, #tpu.memory_space<semaphore_mem>>)
        %mul3A_117 = arith.constant 4 : i32
        %mul3A_118 = arith.muli %scan3A_79, %mul3A_117 : i32
        %add3A_119 = arith.constant 2 : i32
        %add3A_120 = arith.addi %mul3A_118, %add3A_119 : i32
        %dma_wait3A_121 = arith.constant 0 : i32
        %dma_wait3A_122 = tpu.memref_slice %arg8[%add3A_120, %dma_wait3A_121] : memref<16x128xi32, #tpu.memory_space<vmem>> -> memref<1x128xi32, #tpu.memory_space<vmem>>
        %dma_wait3A_123 = tpu.memref_squeeze %dma_wait3A_122 : memref<1x128xi32, #tpu.memory_space<vmem>> -> memref<128xi32, #tpu.memory_space<vmem>>
        %dma_wait3A_124 = arith.constant 0 : i32
        %dma_wait3A_125 = arith.constant 0 : i32
        %dma_wait3A_126 = tpu.memref_slice %arg2[%dma_wait3A_124, %dma_wait3A_125] : memref<10240x64xf32, #tpu.memory_space<hbm>> -> memref<10240x64xf32, #tpu.memory_space<hbm>>
        tpu.wait_indirect_dma semaphore(%arg16 : memref<!tpu.dma_semaphore, #tpu.memory_space<semaphore_mem>>) src(%dma_wait3A_126 : memref<10240x64xf32, #tpu.memory_space<hbm>>) dst(%arg12 : memref<128x64xf32, #tpu.memory_space<vmem>>)
        "tpu.region"() ({
          %run_scoped3A_154 = tpu.sem_alloc : memref<!tpu.dma_semaphore, #tpu.memory_space<semaphore_mem>>
          %dma_start3A_155 = arith.constant 0 : i32
          %dma_start3A_156 = tpu.memref_slice %arg9[%add3A_120, %dma_start3A_155] : memref<16x128xi32, #tpu.memory_space<vmem>> -> memref<1x128xi32, #tpu.memory_space<vmem>>
          %dma_start3A_157 = tpu.memref_squeeze %dma_start3A_156 : memref<1x128xi32, #tpu.memory_space<vmem>> -> memref<128xi32, #tpu.memory_space<vmem>>
          %dma_start3A_158 = arith.constant 0 : i32
          %dma_start3A_159 = arith.constant 0 : i32
          %dma_start3A_160 = tpu.memref_slice %arg7[%dma_start3A_158, %dma_start3A_159] : memref<10240x64xf32, #tpu.memory_space<vmem_shared>> -> memref<10240x64xf32, #tpu.memory_space<vmem_shared>>
          tpu.enqueue_indirect_dma source(%arg12 : memref<128x64xf32, #tpu.memory_space<vmem>>) target(%dma_start3A_160 : memref<10240x64xf32, #tpu.memory_space<vmem_shared>>) offsets(%dma_start3A_157 : memref<128xi32, #tpu.memory_space<vmem>>) semaphore(%run_scoped3A_154 : memref<!tpu.dma_semaphore, #tpu.memory_space<semaphore_mem>>) {add = true}
          %dma_wait3A_161 = arith.constant 0 : i32
          %dma_wait3A_162 = tpu.memref_slice %arg9[%add3A_120, %dma_wait3A_161] : memref<16x128xi32, #tpu.memory_space<vmem>> -> memref<1x128xi32, #tpu.memory_space<vmem>>
          %dma_wait3A_163 = tpu.memref_squeeze %dma_wait3A_162 : memref<1x128xi32, #tpu.memory_space<vmem>> -> memref<128xi32, #tpu.memory_space<vmem>>
          %dma_wait3A_164 = arith.constant 0 : i32
          %dma_wait3A_165 = arith.constant 0 : i32
          %dma_wait3A_166 = tpu.memref_slice %arg7[%dma_wait3A_164, %dma_wait3A_165] : memref<10240x64xf32, #tpu.memory_space<vmem_shared>> -> memref<10240x64xf32, #tpu.memory_space<vmem_shared>>
          tpu.wait_indirect_dma semaphore(%run_scoped3A_154 : memref<!tpu.dma_semaphore, #tpu.memory_space<semaphore_mem>>) src(%arg12 : memref<128x64xf32, #tpu.memory_space<vmem>>) dst(%dma_wait3A_166 : memref<10240x64xf32, #tpu.memory_space<vmem_shared>>)
          tpu.yield
        }) : () -> ()
        %add3A_127 = arith.constant 4 : i32
        %add3A_128 = arith.addi %add3A_120, %add3A_127 : i32
        %dma_start3A_129 = arith.constant 0 : i32
        %dma_start3A_130 = tpu.memref_slice %arg8[%add3A_128, %dma_start3A_129] : memref<16x128xi32, #tpu.memory_space<vmem>> -> memref<1x128xi32, #tpu.memory_space<vmem>>
        %dma_start3A_131 = tpu.memref_squeeze %dma_start3A_130 : memref<1x128xi32, #tpu.memory_space<vmem>> -> memref<128xi32, #tpu.memory_space<vmem>>
        %dma_start3A_132 = arith.constant 0 : i32
        %dma_start3A_133 = arith.constant 0 : i32
        %dma_start3A_134 = tpu.memref_slice %arg2[%dma_start3A_132, %dma_start3A_133] : memref<10240x64xf32, #tpu.memory_space<hbm>> -> memref<10240x64xf32, #tpu.memory_space<hbm>>
        tpu.enqueue_indirect_dma source(%dma_start3A_134 : memref<10240x64xf32, #tpu.memory_space<hbm>>) target(%arg12 : memref<128x64xf32, #tpu.memory_space<vmem>>) offsets(%dma_start3A_131 : memref<128xi32, #tpu.memory_space<vmem>>) semaphore(%arg16 : memref<!tpu.dma_semaphore, #tpu.memory_space<semaphore_mem>>)
        %mul3A_135 = arith.constant 4 : i32
        %mul3A_136 = arith.muli %scan3A_79, %mul3A_135 : i32
        %add3A_137 = arith.constant 3 : i32
        %add3A_138 = arith.addi %mul3A_136, %add3A_137 : i32
        %dma_wait3A_139 = arith.constant 0 : i32
        %dma_wait3A_140 = tpu.memref_slice %arg8[%add3A_138, %dma_wait3A_139] : memref<16x128xi32, #tpu.memory_space<vmem>> -> memref<1x128xi32, #tpu.memory_space<vmem>>
        %dma_wait3A_141 = tpu.memref_squeeze %dma_wait3A_140 : memref<1x128xi32, #tpu.memory_space<vmem>> -> memref<128xi32, #tpu.memory_space<vmem>>
        %dma_wait3A_142 = arith.constant 0 : i32
        %dma_wait3A_143 = arith.constant 0 : i32
        %dma_wait3A_144 = tpu.memref_slice %arg2[%dma_wait3A_142, %dma_wait3A_143] : memref<10240x64xf32, #tpu.memory_space<hbm>> -> memref<10240x64xf32, #tpu.memory_space<hbm>>
        tpu.wait_indirect_dma semaphore(%arg17 : memref<!tpu.dma_semaphore, #tpu.memory_space<semaphore_mem>>) src(%dma_wait3A_144 : memref<10240x64xf32, #tpu.memory_space<hbm>>) dst(%arg13 : memref<128x64xf32, #tpu.memory_space<vmem>>)
        "tpu.region"() ({
          %run_scoped3A_154 = tpu.sem_alloc : memref<!tpu.dma_semaphore, #tpu.memory_space<semaphore_mem>>
          %dma_start3A_155 = arith.constant 0 : i32
          %dma_start3A_156 = tpu.memref_slice %arg9[%add3A_138, %dma_start3A_155] : memref<16x128xi32, #tpu.memory_space<vmem>> -> memref<1x128xi32, #tpu.memory_space<vmem>>
          %dma_start3A_157 = tpu.memref_squeeze %dma_start3A_156 : memref<1x128xi32, #tpu.memory_space<vmem>> -> memref<128xi32, #tpu.memory_space<vmem>>
          %dma_start3A_158 = arith.constant 0 : i32
          %dma_start3A_159 = arith.constant 0 : i32
          %dma_start3A_160 = tpu.memref_slice %arg7[%dma_start3A_158, %dma_start3A_159] : memref<10240x64xf32, #tpu.memory_space<vmem_shared>> -> memref<10240x64xf32, #tpu.memory_space<vmem_shared>>
          tpu.enqueue_indirect_dma source(%arg13 : memref<128x64xf32, #tpu.memory_space<vmem>>) target(%dma_start3A_160 : memref<10240x64xf32, #tpu.memory_space<vmem_shared>>) offsets(%dma_start3A_157 : memref<128xi32, #tpu.memory_space<vmem>>) semaphore(%run_scoped3A_154 : memref<!tpu.dma_semaphore, #tpu.memory_space<semaphore_mem>>) {add = true}
          %dma_wait3A_161 = arith.constant 0 : i32
          %dma_wait3A_162 = tpu.memref_slice %arg9[%add3A_138, %dma_wait3A_161] : memref<16x128xi32, #tpu.memory_space<vmem>> -> memref<1x128xi32, #tpu.memory_space<vmem>>
          %dma_wait3A_163 = tpu.memref_squeeze %dma_wait3A_162 : memref<1x128xi32, #tpu.memory_space<vmem>> -> memref<128xi32, #tpu.memory_space<vmem>>
          %dma_wait3A_164 = arith.constant 0 : i32
          %dma_wait3A_165 = arith.constant 0 : i32
          %dma_wait3A_166 = tpu.memref_slice %arg7[%dma_wait3A_164, %dma_wait3A_165] : memref<10240x64xf32, #tpu.memory_space<vmem_shared>> -> memref<10240x64xf32, #tpu.memory_space<vmem_shared>>
          tpu.wait_indirect_dma semaphore(%run_scoped3A_154 : memref<!tpu.dma_semaphore, #tpu.memory_space<semaphore_mem>>) src(%arg13 : memref<128x64xf32, #tpu.memory_space<vmem>>) dst(%dma_wait3A_166 : memref<10240x64xf32, #tpu.memory_space<vmem_shared>>)
          tpu.yield
        }) : () -> ()
        %add3A_145 = arith.constant 4 : i32
        %add3A_146 = arith.addi %add3A_138, %add3A_145 : i32
        %dma_start3A_147 = arith.constant 0 : i32
        %dma_start3A_148 = tpu.memref_slice %arg8[%add3A_146, %dma_start3A_147] : memref<16x128xi32, #tpu.memory_space<vmem>> -> memref<1x128xi32, #tpu.memory_space<vmem>>
        %dma_start3A_149 = tpu.memref_squeeze %dma_start3A_148 : memref<1x128xi32, #tpu.memory_space<vmem>> -> memref<128xi32, #tpu.memory_space<vmem>>
        %dma_start3A_150 = arith.constant 0 : i32
        %dma_start3A_151 = arith.constant 0 : i32
        %dma_start3A_152 = tpu.memref_slice %arg2[%dma_start3A_150, %dma_start3A_151] : memref<10240x64xf32, #tpu.memory_space<hbm>> -> memref<10240x64xf32, #tpu.memory_space<hbm>>
        tpu.enqueue_indirect_dma source(%dma_start3A_152 : memref<10240x64xf32, #tpu.memory_space<hbm>>) target(%arg13 : memref<128x64xf32, #tpu.memory_space<vmem>>) offsets(%dma_start3A_149 : memref<128xi32, #tpu.memory_space<vmem>>) semaphore(%arg17 : memref<!tpu.dma_semaphore, #tpu.memory_space<semaphore_mem>>)
        %scan3A_153 = arith.constant 0 : i32
        scf.yield %scan3A_153 : i32
      }
      %scan3A_47 = arith.constant 3 : i32
      %dma_wait3A = arith.constant 12 : i32
      %dma_wait3A_48 = arith.constant 0 : i32
      %dma_wait3A_49 = tpu.memref_slice %arg8[%dma_wait3A, %dma_wait3A_48] : memref<16x128xi32, #tpu.memory_space<vmem>> -> memref<1x128xi32, #tpu.memory_space<vmem>>
      %dma_wait3A_50 = tpu.memref_squeeze %dma_wait3A_49 : memref<1x128xi32, #tpu.memory_space<vmem>> -> memref<128xi32, #tpu.memory_space<vmem>>
      %dma_wait3A_51 = arith.constant 0 : i32
      %dma_wait3A_52 = arith.constant 0 : i32
      %dma_wait3A_53 = tpu.memref_slice %arg2[%dma_wait3A_51, %dma_wait3A_52] : memref<10240x64xf32, #tpu.memory_space<hbm>> -> memref<10240x64xf32, #tpu.memory_space<hbm>>
      tpu.wait_indirect_dma semaphore(%arg14 : memref<!tpu.dma_semaphore, #tpu.memory_space<semaphore_mem>>) src(%dma_wait3A_53 : memref<10240x64xf32, #tpu.memory_space<hbm>>) dst(%arg10 : memref<128x64xf32, #tpu.memory_space<vmem>>)
      %run_scoped3A = arith.constant 12 : i32
      "tpu.region"() ({
        %run_scoped3A_79 = tpu.sem_alloc : memref<!tpu.dma_semaphore, #tpu.memory_space<semaphore_mem>>
        %dma_start3A_80 = arith.constant 0 : i32
        %dma_start3A_81 = tpu.memref_slice %arg9[%run_scoped3A, %dma_start3A_80] : memref<16x128xi32, #tpu.memory_space<vmem>> -> memref<1x128xi32, #tpu.memory_space<vmem>>
        %dma_start3A_82 = tpu.memref_squeeze %dma_start3A_81 : memref<1x128xi32, #tpu.memory_space<vmem>> -> memref<128xi32, #tpu.memory_space<vmem>>
        %dma_start3A_83 = arith.constant 0 : i32
        %dma_start3A_84 = arith.constant 0 : i32
        %dma_start3A_85 = tpu.memref_slice %arg7[%dma_start3A_83, %dma_start3A_84] : memref<10240x64xf32, #tpu.memory_space<vmem_shared>> -> memref<10240x64xf32, #tpu.memory_space<vmem_shared>>
        tpu.enqueue_indirect_dma source(%arg10 : memref<128x64xf32, #tpu.memory_space<vmem>>) target(%dma_start3A_85 : memref<10240x64xf32, #tpu.memory_space<vmem_shared>>) offsets(%dma_start3A_82 : memref<128xi32, #tpu.memory_space<vmem>>) semaphore(%run_scoped3A_79 : memref<!tpu.dma_semaphore, #tpu.memory_space<semaphore_mem>>) {add = true}
        %dma_wait3A_86 = arith.constant 0 : i32
        %dma_wait3A_87 = tpu.memref_slice %arg9[%run_scoped3A, %dma_wait3A_86] : memref<16x128xi32, #tpu.memory_space<vmem>> -> memref<1x128xi32, #tpu.memory_space<vmem>>
        %dma_wait3A_88 = tpu.memref_squeeze %dma_wait3A_87 : memref<1x128xi32, #tpu.memory_space<vmem>> -> memref<128xi32, #tpu.memory_space<vmem>>
        %dma_wait3A_89 = arith.constant 0 : i32
        %dma_wait3A_90 = arith.constant 0 : i32
        %dma_wait3A_91 = tpu.memref_slice %arg7[%dma_wait3A_89, %dma_wait3A_90] : memref<10240x64xf32, #tpu.memory_space<vmem_shared>> -> memref<10240x64xf32, #tpu.memory_space<vmem_shared>>
        tpu.wait_indirect_dma semaphore(%run_scoped3A_79 : memref<!tpu.dma_semaphore, #tpu.memory_space<semaphore_mem>>) src(%arg10 : memref<128x64xf32, #tpu.memory_space<vmem>>) dst(%dma_wait3A_91 : memref<10240x64xf32, #tpu.memory_space<vmem_shared>>)
        tpu.yield
      }) : () -> ()
      %dma_wait3A_54 = arith.constant 13 : i32
      %dma_wait3A_55 = arith.constant 0 : i32
      %dma_wait3A_56 = tpu.memref_slice %arg8[%dma_wait3A_54, %dma_wait3A_55] : memref<16x128xi32, #tpu.memory_space<vmem>> -> memref<1x128xi32, #tpu.memory_space<vmem>>
      %dma_wait3A_57 = tpu.memref_squeeze %dma_wait3A_56 : memref<1x128xi32, #tpu.memory_space<vmem>> -> memref<128xi32, #tpu.memory_space<vmem>>
      %dma_wait3A_58 = arith.constant 0 : i32
      %dma_wait3A_59 = arith.constant 0 : i32
      %dma_wait3A_60 = tpu.memref_slice %arg2[%dma_wait3A_58, %dma_wait3A_59] : memref<10240x64xf32, #tpu.memory_space<hbm>> -> memref<10240x64xf32, #tpu.memory_space<hbm>>
      tpu.wait_indirect_dma semaphore(%arg15 : memref<!tpu.dma_semaphore, #tpu.memory_space<semaphore_mem>>) src(%dma_wait3A_60 : memref<10240x64xf32, #tpu.memory_space<hbm>>) dst(%arg11 : memref<128x64xf32, #tpu.memory_space<vmem>>)
      %run_scoped3A_61 = arith.constant 13 : i32
      "tpu.region"() ({
        %run_scoped3A_79 = tpu.sem_alloc : memref<!tpu.dma_semaphore, #tpu.memory_space<semaphore_mem>>
        %dma_start3A_80 = arith.constant 0 : i32
        %dma_start3A_81 = tpu.memref_slice %arg9[%run_scoped3A_61, %dma_start3A_80] : memref<16x128xi32, #tpu.memory_space<vmem>> -> memref<1x128xi32, #tpu.memory_space<vmem>>
        %dma_start3A_82 = tpu.memref_squeeze %dma_start3A_81 : memref<1x128xi32, #tpu.memory_space<vmem>> -> memref<128xi32, #tpu.memory_space<vmem>>
        %dma_start3A_83 = arith.constant 0 : i32
        %dma_start3A_84 = arith.constant 0 : i32
        %dma_start3A_85 = tpu.memref_slice %arg7[%dma_start3A_83, %dma_start3A_84] : memref<10240x64xf32, #tpu.memory_space<vmem_shared>> -> memref<10240x64xf32, #tpu.memory_space<vmem_shared>>
        tpu.enqueue_indirect_dma source(%arg11 : memref<128x64xf32, #tpu.memory_space<vmem>>) target(%dma_start3A_85 : memref<10240x64xf32, #tpu.memory_space<vmem_shared>>) offsets(%dma_start3A_82 : memref<128xi32, #tpu.memory_space<vmem>>) semaphore(%run_scoped3A_79 : memref<!tpu.dma_semaphore, #tpu.memory_space<semaphore_mem>>) {add = true}
        %dma_wait3A_86 = arith.constant 0 : i32
        %dma_wait3A_87 = tpu.memref_slice %arg9[%run_scoped3A_61, %dma_wait3A_86] : memref<16x128xi32, #tpu.memory_space<vmem>> -> memref<1x128xi32, #tpu.memory_space<vmem>>
        %dma_wait3A_88 = tpu.memref_squeeze %dma_wait3A_87 : memref<1x128xi32, #tpu.memory_space<vmem>> -> memref<128xi32, #tpu.memory_space<vmem>>
        %dma_wait3A_89 = arith.constant 0 : i32
        %dma_wait3A_90 = arith.constant 0 : i32
        %dma_wait3A_91 = tpu.memref_slice %arg7[%dma_wait3A_89, %dma_wait3A_90] : memref<10240x64xf32, #tpu.memory_space<vmem_shared>> -> memref<10240x64xf32, #tpu.memory_space<vmem_shared>>
        tpu.wait_indirect_dma semaphore(%run_scoped3A_79 : memref<!tpu.dma_semaphore, #tpu.memory_space<semaphore_mem>>) src(%arg11 : memref<128x64xf32, #tpu.memory_space<vmem>>) dst(%dma_wait3A_91 : memref<10240x64xf32, #tpu.memory_space<vmem_shared>>)
        tpu.yield
      }) : () -> ()
      %dma_wait3A_62 = arith.constant 14 : i32
      %dma_wait3A_63 = arith.constant 0 : i32
      %dma_wait3A_64 = tpu.memref_slice %arg8[%dma_wait3A_62, %dma_wait3A_63] : memref<16x128xi32, #tpu.memory_space<vmem>> -> memref<1x128xi32, #tpu.memory_space<vmem>>
      %dma_wait3A_65 = tpu.memref_squeeze %dma_wait3A_64 : memref<1x128xi32, #tpu.memory_space<vmem>> -> memref<128xi32, #tpu.memory_space<vmem>>
      %dma_wait3A_66 = arith.constant 0 : i32
      %dma_wait3A_67 = arith.constant 0 : i32
      %dma_wait3A_68 = tpu.memref_slice %arg2[%dma_wait3A_66, %dma_wait3A_67] : memref<10240x64xf32, #tpu.memory_space<hbm>> -> memref<10240x64xf32, #tpu.memory_space<hbm>>
      tpu.wait_indirect_dma semaphore(%arg16 : memref<!tpu.dma_semaphore, #tpu.memory_space<semaphore_mem>>) src(%dma_wait3A_68 : memref<10240x64xf32, #tpu.memory_space<hbm>>) dst(%arg12 : memref<128x64xf32, #tpu.memory_space<vmem>>)
      %run_scoped3A_69 = arith.constant 14 : i32
      "tpu.region"() ({
        %run_scoped3A_79 = tpu.sem_alloc : memref<!tpu.dma_semaphore, #tpu.memory_space<semaphore_mem>>
        %dma_start3A_80 = arith.constant 0 : i32
        %dma_start3A_81 = tpu.memref_slice %arg9[%run_scoped3A_69, %dma_start3A_80] : memref<16x128xi32, #tpu.memory_space<vmem>> -> memref<1x128xi32, #tpu.memory_space<vmem>>
        %dma_start3A_82 = tpu.memref_squeeze %dma_start3A_81 : memref<1x128xi32, #tpu.memory_space<vmem>> -> memref<128xi32, #tpu.memory_space<vmem>>
        %dma_start3A_83 = arith.constant 0 : i32
        %dma_start3A_84 = arith.constant 0 : i32
        %dma_start3A_85 = tpu.memref_slice %arg7[%dma_start3A_83, %dma_start3A_84] : memref<10240x64xf32, #tpu.memory_space<vmem_shared>> -> memref<10240x64xf32, #tpu.memory_space<vmem_shared>>
        tpu.enqueue_indirect_dma source(%arg12 : memref<128x64xf32, #tpu.memory_space<vmem>>) target(%dma_start3A_85 : memref<10240x64xf32, #tpu.memory_space<vmem_shared>>) offsets(%dma_start3A_82 : memref<128xi32, #tpu.memory_space<vmem>>) semaphore(%run_scoped3A_79 : memref<!tpu.dma_semaphore, #tpu.memory_space<semaphore_mem>>) {add = true}
        %dma_wait3A_86 = arith.constant 0 : i32
        %dma_wait3A_87 = tpu.memref_slice %arg9[%run_scoped3A_69, %dma_wait3A_86] : memref<16x128xi32, #tpu.memory_space<vmem>> -> memref<1x128xi32, #tpu.memory_space<vmem>>
        %dma_wait3A_88 = tpu.memref_squeeze %dma_wait3A_87 : memref<1x128xi32, #tpu.memory_space<vmem>> -> memref<128xi32, #tpu.memory_space<vmem>>
        %dma_wait3A_89 = arith.constant 0 : i32
        %dma_wait3A_90 = arith.constant 0 : i32
        %dma_wait3A_91 = tpu.memref_slice %arg7[%dma_wait3A_89, %dma_wait3A_90] : memref<10240x64xf32, #tpu.memory_space<vmem_shared>> -> memref<10240x64xf32, #tpu.memory_space<vmem_shared>>
        tpu.wait_indirect_dma semaphore(%run_scoped3A_79 : memref<!tpu.dma_semaphore, #tpu.memory_space<semaphore_mem>>) src(%arg12 : memref<128x64xf32, #tpu.memory_space<vmem>>) dst(%dma_wait3A_91 : memref<10240x64xf32, #tpu.memory_space<vmem_shared>>)
        tpu.yield
      }) : () -> ()
      %dma_wait3A_70 = arith.constant 15 : i32
      %dma_wait3A_71 = arith.constant 0 : i32
      %dma_wait3A_72 = tpu.memref_slice %arg8[%dma_wait3A_70, %dma_wait3A_71] : memref<16x128xi32, #tpu.memory_space<vmem>> -> memref<1x128xi32, #tpu.memory_space<vmem>>
      %dma_wait3A_73 = tpu.memref_squeeze %dma_wait3A_72 : memref<1x128xi32, #tpu.memory_space<vmem>> -> memref<128xi32, #tpu.memory_space<vmem>>
      %dma_wait3A_74 = arith.constant 0 : i32
      %dma_wait3A_75 = arith.constant 0 : i32
      %dma_wait3A_76 = tpu.memref_slice %arg2[%dma_wait3A_74, %dma_wait3A_75] : memref<10240x64xf32, #tpu.memory_space<hbm>> -> memref<10240x64xf32, #tpu.memory_space<hbm>>
      tpu.wait_indirect_dma semaphore(%arg17 : memref<!tpu.dma_semaphore, #tpu.memory_space<semaphore_mem>>) src(%dma_wait3A_76 : memref<10240x64xf32, #tpu.memory_space<hbm>>) dst(%arg13 : memref<128x64xf32, #tpu.memory_space<vmem>>)
      %run_scoped3A_77 = arith.constant 15 : i32
      "tpu.region"() ({
        %run_scoped3A_79 = tpu.sem_alloc : memref<!tpu.dma_semaphore, #tpu.memory_space<semaphore_mem>>
        %dma_start3A_80 = arith.constant 0 : i32
        %dma_start3A_81 = tpu.memref_slice %arg9[%run_scoped3A_77, %dma_start3A_80] : memref<16x128xi32, #tpu.memory_space<vmem>> -> memref<1x128xi32, #tpu.memory_space<vmem>>
        %dma_start3A_82 = tpu.memref_squeeze %dma_start3A_81 : memref<1x128xi32, #tpu.memory_space<vmem>> -> memref<128xi32, #tpu.memory_space<vmem>>
        %dma_start3A_83 = arith.constant 0 : i32
        %dma_start3A_84 = arith.constant 0 : i32
        %dma_start3A_85 = tpu.memref_slice %arg7[%dma_start3A_83, %dma_start3A_84] : memref<10240x64xf32, #tpu.memory_space<vmem_shared>> -> memref<10240x64xf32, #tpu.memory_space<vmem_shared>>
        tpu.enqueue_indirect_dma source(%arg13 : memref<128x64xf32, #tpu.memory_space<vmem>>) target(%dma_start3A_85 : memref<10240x64xf32, #tpu.memory_space<vmem_shared>>) offsets(%dma_start3A_82 : memref<128xi32, #tpu.memory_space<vmem>>) semaphore(%run_scoped3A_79 : memref<!tpu.dma_semaphore, #tpu.memory_space<semaphore_mem>>) {add = true}
        %dma_wait3A_86 = arith.constant 0 : i32
        %dma_wait3A_87 = tpu.memref_slice %arg9[%run_scoped3A_77, %dma_wait3A_86] : memref<16x128xi32, #tpu.memory_space<vmem>> -> memref<1x128xi32, #tpu.memory_space<vmem>>
        %dma_wait3A_88 = tpu.memref_squeeze %dma_wait3A_87 : memref<1x128xi32, #tpu.memory_space<vmem>> -> memref<128xi32, #tpu.memory_space<vmem>>
        %dma_wait3A_89 = arith.constant 0 : i32
        %dma_wait3A_90 = arith.constant 0 : i32
        %dma_wait3A_91 = tpu.memref_slice %arg7[%dma_wait3A_89, %dma_wait3A_90] : memref<10240x64xf32, #tpu.memory_space<vmem_shared>> -> memref<10240x64xf32, #tpu.memory_space<vmem_shared>>
        tpu.wait_indirect_dma semaphore(%run_scoped3A_79 : memref<!tpu.dma_semaphore, #tpu.memory_space<semaphore_mem>>) src(%arg13 : memref<128x64xf32, #tpu.memory_space<vmem>>) dst(%dma_wait3A_91 : memref<10240x64xf32, #tpu.memory_space<vmem_shared>>)
        tpu.yield
      }) : () -> ()
      %scan3A_78 = arith.constant 0 : i32
      scf.yield %scan3A_78 : i32
    }
    %scan3A_8 = arith.constant 10 : i32
    %barrier3A_9 = arith.constant 0 : index
    tpu.barrier barrier_id(%barrier3A_9)
    %mul3A_10 = arith.constant 640 : i32
    %mul3A_11 = arith.muli %arg1, %mul3A_10 : i32
    "tpu.region"() ({
      %run_scoped3A = tpu.sem_alloc : memref<!tpu.dma_semaphore, #tpu.memory_space<semaphore_mem>>
      %dma_start3A = arith.constant 0 : i32
      %dma_start3A_12 = arith.constant 0 : i32
      %dma_start3A_13 = tpu.memref_slice %arg6[%arg0, %arg1, %dma_start3A, %dma_start3A_12] : memref<2x16x640x64xf32, #tpu.memory_space<hbm>> -> memref<1x1x640x64xf32, #tpu.memory_space<hbm>>
      %dma_start3A_14 = tpu.memref_squeeze %dma_start3A_13 : memref<1x1x640x64xf32, #tpu.memory_space<hbm>> -> memref<640x64xf32, #tpu.memory_space<hbm>>
      %dma_start3A_15 = arith.constant 0 : i32
      %dma_start3A_16 = tpu.memref_slice %arg7[%mul3A_11, %dma_start3A_15] : memref<10240x64xf32, #tpu.memory_space<vmem_shared>> -> memref<640x64xf32, #tpu.memory_space<vmem_shared>>
      tpu.enqueue_dma source(%dma_start3A_16 : memref<640x64xf32, #tpu.memory_space<vmem_shared>>) target(%dma_start3A_14 : memref<640x64xf32, #tpu.memory_space<hbm>>) target_semaphore(%run_scoped3A : memref<!tpu.dma_semaphore, #tpu.memory_space<semaphore_mem>>)
      %dma_wait3A = arith.constant 0 : i32
      %dma_wait3A_17 = arith.constant 0 : i32
      %dma_wait3A_18 = tpu.memref_slice %arg6[%arg0, %arg1, %dma_wait3A, %dma_wait3A_17] : memref<2x16x640x64xf32, #tpu.memory_space<hbm>> -> memref<1x1x640x64xf32, #tpu.memory_space<hbm>>
      %dma_wait3A_19 = tpu.memref_squeeze %dma_wait3A_18 : memref<1x1x640x64xf32, #tpu.memory_space<hbm>> -> memref<640x64xf32, #tpu.memory_space<hbm>>
      %dma_wait3A_20 = arith.constant 0 : i32
      %dma_wait3A_21 = tpu.memref_slice %arg7[%mul3A_11, %dma_wait3A_20] : memref<10240x64xf32, #tpu.memory_space<vmem_shared>> -> memref<640x64xf32, #tpu.memory_space<vmem_shared>>
      tpu.wait_dma2 semaphore(%run_scoped3A : memref<!tpu.dma_semaphore, #tpu.memory_space<semaphore_mem>>) src(%dma_wait3A_21 : memref<640x64xf32, #tpu.memory_space<vmem_shared>>) dst(%dma_wait3A_19 : memref<640x64xf32, #tpu.memory_space<hbm>>)
      tpu.yield
    }) : () -> ()
    return
  }
}

#map = affine_map<(d0, d1) -> (0, 0, 0)>
#map1 = affine_map<(d0, d1) -> (0, 0)>
#map2 = affine_map<(d0, d1) -> (0, 0, 0, 0)>
module attributes {stable_mosaic.version = 14 : i64} {
  func.func @_deg_pass(%arg0: i32, %arg1: i32, %arg2: memref<32x160x128xi32, #tpu.memory_space<hbm>>, %arg3: memref<640x8xf32, #tpu.memory_space<hbm>>, %arg4: memref<128x8xf32, #tpu.memory_space<hbm>>, %arg5: memref<2x16x640x8xf32, #tpu.memory_space<hbm>>, %arg6: memref<10240x8xf32, #tpu.memory_space<vmem_shared>>, %arg7: memref<160x128xi32, #tpu.memory_space<vmem>>, %arg8: memref<128x8xf32, #tpu.memory_space<vmem>>) attributes {dimension_semantics = [#tpu.dimension_semantics<core_parallel>, #tpu.dimension_semantics<subcore_parallel>], iteration_bounds = array<i64: 2, 16>, scalar_prefetch = 0 : i64, scratch_operands = 3 : i64, tpu.core_type = #tpu.core_type<sc_vector_subcore>, window_params = [{transform_indices = #map}, {transform_indices = #map1}, {transform_indices = #map1}, {transform_indices = #map2}]} {
    %mul3A = arith.constant 16 : i32
    %mul3A_0 = arith.muli %arg0, %mul3A : i32
    %add3A = arith.addi %mul3A_0, %arg1 : i32
    %mul3A_1 = arith.constant 640 : i32
    %mul3A_2 = arith.muli %arg1, %mul3A_1 : i32
    "tpu.region"() ({
      %run_scoped3A = tpu.sem_alloc : memref<!tpu.dma_semaphore, #tpu.memory_space<semaphore_mem>>
      %dma_start3A = arith.constant 0 : i32
      %dma_start3A_12 = tpu.memref_slice %arg6[%mul3A_2, %dma_start3A] : memref<10240x8xf32, #tpu.memory_space<vmem_shared>> -> memref<640x8xf32, #tpu.memory_space<vmem_shared>>
      tpu.enqueue_dma source(%arg3 : memref<640x8xf32, #tpu.memory_space<hbm>>) target(%dma_start3A_12 : memref<640x8xf32, #tpu.memory_space<vmem_shared>>) target_semaphore(%run_scoped3A : memref<!tpu.dma_semaphore, #tpu.memory_space<semaphore_mem>>)
      %dma_wait3A = arith.constant 0 : i32
      %dma_wait3A_13 = tpu.memref_slice %arg6[%mul3A_2, %dma_wait3A] : memref<10240x8xf32, #tpu.memory_space<vmem_shared>> -> memref<640x8xf32, #tpu.memory_space<vmem_shared>>
      tpu.wait_dma2 semaphore(%run_scoped3A : memref<!tpu.dma_semaphore, #tpu.memory_space<semaphore_mem>>) src(%arg3 : memref<640x8xf32, #tpu.memory_space<hbm>>) dst(%dma_wait3A_13 : memref<640x8xf32, #tpu.memory_space<vmem_shared>>)
      tpu.yield
    }) : () -> ()
    "tpu.region"() ({
      %run_scoped3A = tpu.sem_alloc : memref<!tpu.dma_semaphore, #tpu.memory_space<semaphore_mem>>
      %dma_start3A = arith.constant 0 : i32
      %dma_start3A_12 = arith.constant 0 : i32
      %dma_start3A_13 = tpu.memref_slice %arg2[%add3A, %dma_start3A, %dma_start3A_12] : memref<32x160x128xi32, #tpu.memory_space<hbm>> -> memref<1x160x128xi32, #tpu.memory_space<hbm>>
      %dma_start3A_14 = tpu.memref_squeeze %dma_start3A_13 : memref<1x160x128xi32, #tpu.memory_space<hbm>> -> memref<160x128xi32, #tpu.memory_space<hbm>>
      %dma_start3A_15 = arith.constant 0 : i32
      %dma_start3A_16 = arith.constant 0 : i32
      %dma_start3A_17 = tpu.memref_slice %arg2[%add3A, %dma_start3A_15, %dma_start3A_16] : memref<32x160x128xi32, #tpu.memory_space<hbm>> -> memref<1x160x128xi32, #tpu.memory_space<hbm>>
      %dma_start3A_18 = tpu.memref_squeeze %dma_start3A_17 : memref<1x160x128xi32, #tpu.memory_space<hbm>> -> memref<160x128xi32, #tpu.memory_space<hbm>>
      tpu.enqueue_dma source(%dma_start3A_18 : memref<160x128xi32, #tpu.memory_space<hbm>>) target(%arg7 : memref<160x128xi32, #tpu.memory_space<vmem>>) target_semaphore(%run_scoped3A : memref<!tpu.dma_semaphore, #tpu.memory_space<semaphore_mem>>)
      %dma_wait3A = arith.constant 0 : i32
      %dma_wait3A_19 = arith.constant 0 : i32
      %dma_wait3A_20 = tpu.memref_slice %arg2[%add3A, %dma_wait3A, %dma_wait3A_19] : memref<32x160x128xi32, #tpu.memory_space<hbm>> -> memref<1x160x128xi32, #tpu.memory_space<hbm>>
      %dma_wait3A_21 = tpu.memref_squeeze %dma_wait3A_20 : memref<1x160x128xi32, #tpu.memory_space<hbm>> -> memref<160x128xi32, #tpu.memory_space<hbm>>
      %dma_wait3A_22 = arith.constant 0 : i32
      %dma_wait3A_23 = arith.constant 0 : i32
      %dma_wait3A_24 = tpu.memref_slice %arg2[%add3A, %dma_wait3A_22, %dma_wait3A_23] : memref<32x160x128xi32, #tpu.memory_space<hbm>> -> memref<1x160x128xi32, #tpu.memory_space<hbm>>
      %dma_wait3A_25 = tpu.memref_squeeze %dma_wait3A_24 : memref<1x160x128xi32, #tpu.memory_space<hbm>> -> memref<160x128xi32, #tpu.memory_space<hbm>>
      tpu.wait_dma2 semaphore(%run_scoped3A : memref<!tpu.dma_semaphore, #tpu.memory_space<semaphore_mem>>) src(%dma_wait3A_25 : memref<160x128xi32, #tpu.memory_space<hbm>>) dst(%arg7 : memref<160x128xi32, #tpu.memory_space<vmem>>)
      tpu.yield
    }) : () -> ()
    "tpu.region"() ({
      %run_scoped3A = tpu.sem_alloc : memref<!tpu.dma_semaphore, #tpu.memory_space<semaphore_mem>>
      tpu.enqueue_dma source(%arg4 : memref<128x8xf32, #tpu.memory_space<hbm>>) target(%arg8 : memref<128x8xf32, #tpu.memory_space<vmem>>) target_semaphore(%run_scoped3A : memref<!tpu.dma_semaphore, #tpu.memory_space<semaphore_mem>>)
      tpu.wait_dma2 semaphore(%run_scoped3A : memref<!tpu.dma_semaphore, #tpu.memory_space<semaphore_mem>>) src(%arg4 : memref<128x8xf32, #tpu.memory_space<hbm>>) dst(%arg8 : memref<128x8xf32, #tpu.memory_space<vmem>>)
      tpu.yield
    }) : () -> ()
    %barrier3A = arith.constant 0 : index
    tpu.barrier barrier_id(%barrier3A)
    %scan3A = arith.constant 0 : i32
    %scan3A_3 = arith.constant 0 : i32
    %scan3A_4 = arith.constant 160 : i32
    %scan3A_5 = arith.addi %scan3A_3, %scan3A_4 : i32
    %scan3A_6 = arith.constant 1 : i32
    %scan3A_7 = scf.for %scan3A_12 = %scan3A_3 to %scan3A_5 step %scan3A_6 iter_args(%scan3A_13 = %scan3A) -> (i32)  : i32 {
      "tpu.region"() ({
        %run_scoped3A = tpu.sem_alloc : memref<!tpu.dma_semaphore, #tpu.memory_space<semaphore_mem>>
        %dma_start3A = arith.constant 0 : i32
        %dma_start3A_15 = tpu.memref_slice %arg7[%scan3A_12, %dma_start3A] : memref<160x128xi32, #tpu.memory_space<vmem>> -> memref<1x128xi32, #tpu.memory_space<vmem>>
        %dma_start3A_16 = tpu.memref_squeeze %dma_start3A_15 : memref<1x128xi32, #tpu.memory_space<vmem>> -> memref<128xi32, #tpu.memory_space<vmem>>
        %dma_start3A_17 = arith.constant 0 : i32
        %dma_start3A_18 = arith.constant 0 : i32
        %dma_start3A_19 = tpu.memref_slice %arg6[%dma_start3A_17, %dma_start3A_18] : memref<10240x8xf32, #tpu.memory_space<vmem_shared>> -> memref<10240x8xf32, #tpu.memory_space<vmem_shared>>
        tpu.enqueue_indirect_dma source(%arg8 : memref<128x8xf32, #tpu.memory_space<vmem>>) target(%dma_start3A_19 : memref<10240x8xf32, #tpu.memory_space<vmem_shared>>) offsets(%dma_start3A_16 : memref<128xi32, #tpu.memory_space<vmem>>) semaphore(%run_scoped3A : memref<!tpu.dma_semaphore, #tpu.memory_space<semaphore_mem>>) {add = true}
        %dma_wait3A = arith.constant 0 : i32
        %dma_wait3A_20 = tpu.memref_slice %arg7[%scan3A_12, %dma_wait3A] : memref<160x128xi32, #tpu.memory_space<vmem>> -> memref<1x128xi32, #tpu.memory_space<vmem>>
        %dma_wait3A_21 = tpu.memref_squeeze %dma_wait3A_20 : memref<1x128xi32, #tpu.memory_space<vmem>> -> memref<128xi32, #tpu.memory_space<vmem>>
        %dma_wait3A_22 = arith.constant 0 : i32
        %dma_wait3A_23 = arith.constant 0 : i32
        %dma_wait3A_24 = tpu.memref_slice %arg6[%dma_wait3A_22, %dma_wait3A_23] : memref<10240x8xf32, #tpu.memory_space<vmem_shared>> -> memref<10240x8xf32, #tpu.memory_space<vmem_shared>>
        tpu.wait_indirect_dma semaphore(%run_scoped3A : memref<!tpu.dma_semaphore, #tpu.memory_space<semaphore_mem>>) src(%arg8 : memref<128x8xf32, #tpu.memory_space<vmem>>) dst(%dma_wait3A_24 : memref<10240x8xf32, #tpu.memory_space<vmem_shared>>)
        tpu.yield
      }) : () -> ()
      %scan3A_14 = arith.constant 0 : i32
      scf.yield %scan3A_14 : i32
    }
    %scan3A_8 = arith.constant 160 : i32
    %barrier3A_9 = arith.constant 0 : index
    tpu.barrier barrier_id(%barrier3A_9)
    %mul3A_10 = arith.constant 640 : i32
    %mul3A_11 = arith.muli %arg1, %mul3A_10 : i32
    "tpu.region"() ({
      %run_scoped3A = tpu.sem_alloc : memref<!tpu.dma_semaphore, #tpu.memory_space<semaphore_mem>>
      %dma_start3A = arith.constant 0 : i32
      %dma_start3A_12 = arith.constant 0 : i32
      %dma_start3A_13 = tpu.memref_slice %arg5[%arg0, %arg1, %dma_start3A, %dma_start3A_12] : memref<2x16x640x8xf32, #tpu.memory_space<hbm>> -> memref<1x1x640x8xf32, #tpu.memory_space<hbm>>
      %dma_start3A_14 = tpu.memref_squeeze %dma_start3A_13 : memref<1x1x640x8xf32, #tpu.memory_space<hbm>> -> memref<640x8xf32, #tpu.memory_space<hbm>>
      %dma_start3A_15 = arith.constant 0 : i32
      %dma_start3A_16 = tpu.memref_slice %arg6[%mul3A_11, %dma_start3A_15] : memref<10240x8xf32, #tpu.memory_space<vmem_shared>> -> memref<640x8xf32, #tpu.memory_space<vmem_shared>>
      tpu.enqueue_dma source(%dma_start3A_16 : memref<640x8xf32, #tpu.memory_space<vmem_shared>>) target(%dma_start3A_14 : memref<640x8xf32, #tpu.memory_space<hbm>>) target_semaphore(%run_scoped3A : memref<!tpu.dma_semaphore, #tpu.memory_space<semaphore_mem>>)
      %dma_wait3A = arith.constant 0 : i32
      %dma_wait3A_17 = arith.constant 0 : i32
      %dma_wait3A_18 = tpu.memref_slice %arg5[%arg0, %arg1, %dma_wait3A, %dma_wait3A_17] : memref<2x16x640x8xf32, #tpu.memory_space<hbm>> -> memref<1x1x640x8xf32, #tpu.memory_space<hbm>>
      %dma_wait3A_19 = tpu.memref_squeeze %dma_wait3A_18 : memref<1x1x640x8xf32, #tpu.memory_space<hbm>> -> memref<640x8xf32, #tpu.memory_space<hbm>>
      %dma_wait3A_20 = arith.constant 0 : i32
      %dma_wait3A_21 = tpu.memref_slice %arg6[%mul3A_11, %dma_wait3A_20] : memref<10240x8xf32, #tpu.memory_space<vmem_shared>> -> memref<640x8xf32, #tpu.memory_space<vmem_shared>>
      tpu.wait_dma2 semaphore(%run_scoped3A : memref<!tpu.dma_semaphore, #tpu.memory_space<semaphore_mem>>) src(%dma_wait3A_21 : memref<640x8xf32, #tpu.memory_space<vmem_shared>>) dst(%dma_wait3A_19 : memref<640x8xf32, #tpu.memory_space<hbm>>)
      tpu.yield
    }) : () -> ()
    return
  }
}

#map = affine_map<(d0, d1) -> (0, 0)>
#map1 = affine_map<(d0, d1) -> (0, 0, 0, 0)>
module attributes {stable_mosaic.version = 14 : i64} {
  func.func @edge_pass(%arg0: i32, %arg1: i32, %arg2: memref<10240x64xf32, #tpu.memory_space<hbm>>, %arg3: memref<32x10x16x128xi32, #tpu.memory_space<hbm>>, %arg4: memref<32x10x16x128xi32, #tpu.memory_space<hbm>>, %arg5: memref<640x64xf32, #tpu.memory_space<hbm>>, %arg6: memref<2x16x640x64xf32, #tpu.memory_space<hbm>>, %arg7: memref<10240x64xf32, #tpu.memory_space<vmem_shared>>, %arg8: memref<16x128xi32, #tpu.memory_space<vmem>>, %arg9: memref<16x128xi32, #tpu.memory_space<vmem>>, %arg10: memref<128x64xf32, #tpu.memory_space<vmem>>, %arg11: memref<128x64xf32, #tpu.memory_space<vmem>>, %arg12: memref<128x64xf32, #tpu.memory_space<vmem>>, %arg13: memref<128x64xf32, #tpu.memory_space<vmem>>, %arg14: memref<!tpu.dma_semaphore, #tpu.memory_space<semaphore_mem>>, %arg15: memref<!tpu.dma_semaphore, #tpu.memory_space<semaphore_mem>>, %arg16: memref<!tpu.dma_semaphore, #tpu.memory_space<semaphore_mem>>, %arg17: memref<!tpu.dma_semaphore, #tpu.memory_space<semaphore_mem>>) attributes {dimension_semantics = [#tpu.dimension_semantics<core_parallel>, #tpu.dimension_semantics<subcore_parallel>], iteration_bounds = array<i64: 2, 16>, scalar_prefetch = 0 : i64, scratch_operands = 11 : i64, tpu.core_type = #tpu.core_type<sc_vector_subcore>, window_params = [{transform_indices = #map}, {transform_indices = #map1}, {transform_indices = #map1}, {transform_indices = #map}, {transform_indices = #map1}]} {
    %mul3A = arith.constant 16 : i32
    %mul3A_0 = arith.muli %arg0, %mul3A : i32
    %add3A = arith.addi %mul3A_0, %arg1 : i32
    %mul3A_1 = arith.constant 640 : i32
    %mul3A_2 = arith.muli %arg1, %mul3A_1 : i32
    "tpu.region"() ({
      %run_scoped3A = tpu.sem_alloc : memref<!tpu.dma_semaphore, #tpu.memory_space<semaphore_mem>>
      %dma_start3A = arith.constant 0 : i32
      %dma_start3A_12 = tpu.memref_slice %arg7[%mul3A_2, %dma_start3A] : memref<10240x64xf32, #tpu.memory_space<vmem_shared>> -> memref<640x64xf32, #tpu.memory_space<vmem_shared>>
      tpu.enqueue_dma source(%arg5 : memref<640x64xf32, #tpu.memory_space<hbm>>) target(%dma_start3A_12 : memref<640x64xf32, #tpu.memory_space<vmem_shared>>) target_semaphore(%run_scoped3A : memref<!tpu.dma_semaphore, #tpu.memory_space<semaphore_mem>>)
      %dma_wait3A = arith.constant 0 : i32
      %dma_wait3A_13 = tpu.memref_slice %arg7[%mul3A_2, %dma_wait3A] : memref<10240x64xf32, #tpu.memory_space<vmem_shared>> -> memref<640x64xf32, #tpu.memory_space<vmem_shared>>
      tpu.wait_dma2 semaphore(%run_scoped3A : memref<!tpu.dma_semaphore, #tpu.memory_space<semaphore_mem>>) src(%arg5 : memref<640x64xf32, #tpu.memory_space<hbm>>) dst(%dma_wait3A_13 : memref<640x64xf32, #tpu.memory_space<vmem_shared>>)
      tpu.yield
    }) : () -> ()
    %barrier3A = arith.constant 0 : index
    tpu.barrier barrier_id(%barrier3A)
    %scan3A = arith.constant 0 : i32
    %scan3A_3 = arith.constant 0 : i32
    %scan3A_4 = arith.constant 10 : i32
    %scan3A_5 = arith.addi %scan3A_3, %scan3A_4 : i32
    %scan3A_6 = arith.constant 1 : i32
    %scan3A_7 = scf.for %scan3A_12 = %scan3A_3 to %scan3A_5 step %scan3A_6 iter_args(%scan3A_13 = %scan3A) -> (i32)  : i32 {
      "tpu.region"() ({
        %run_scoped3A_79 = tpu.sem_alloc : memref<!tpu.dma_semaphore, #tpu.memory_space<semaphore_mem>>
        %dma_start3A_80 = arith.constant 0 : i32
        %dma_start3A_81 = arith.constant 0 : i32
        %dma_start3A_82 = tpu.memref_slice %arg3[%add3A, %scan3A_12, %dma_start3A_80, %dma_start3A_81] : memref<32x10x16x128xi32, #tpu.memory_space<hbm>> -> memref<1x1x16x128xi32, #tpu.memory_space<hbm>>
        %dma_start3A_83 = tpu.memref_squeeze %dma_start3A_82 : memref<1x1x16x128xi32, #tpu.memory_space<hbm>> -> memref<16x128xi32, #tpu.memory_space<hbm>>
        %dma_start3A_84 = arith.constant 0 : i32
        %dma_start3A_85 = arith.constant 0 : i32
        %dma_start3A_86 = tpu.memref_slice %arg3[%add3A, %scan3A_12, %dma_start3A_84, %dma_start3A_85] : memref<32x10x16x128xi32, #tpu.memory_space<hbm>> -> memref<1x1x16x128xi32, #tpu.memory_space<hbm>>
        %dma_start3A_87 = tpu.memref_squeeze %dma_start3A_86 : memref<1x1x16x128xi32, #tpu.memory_space<hbm>> -> memref<16x128xi32, #tpu.memory_space<hbm>>
        tpu.enqueue_dma source(%dma_start3A_87 : memref<16x128xi32, #tpu.memory_space<hbm>>) target(%arg8 : memref<16x128xi32, #tpu.memory_space<vmem>>) target_semaphore(%run_scoped3A_79 : memref<!tpu.dma_semaphore, #tpu.memory_space<semaphore_mem>>)
        %dma_wait3A_88 = arith.constant 0 : i32
        %dma_wait3A_89 = arith.constant 0 : i32
        %dma_wait3A_90 = tpu.memref_slice %arg3[%add3A, %scan3A_12, %dma_wait3A_88, %dma_wait3A_89] : memref<32x10x16x128xi32, #tpu.memory_space<hbm>> -> memref<1x1x16x128xi32, #tpu.memory_space<hbm>>
        %dma_wait3A_91 = tpu.memref_squeeze %dma_wait3A_90 : memref<1x1x16x128xi32, #tpu.memory_space<hbm>> -> memref<16x128xi32, #tpu.memory_space<hbm>>
        %dma_wait3A_92 = arith.constant 0 : i32
        %dma_wait3A_93 = arith.constant 0 : i32
        %dma_wait3A_94 = tpu.memref_slice %arg3[%add3A, %scan3A_12, %dma_wait3A_92, %dma_wait3A_93] : memref<32x10x16x128xi32, #tpu.memory_space<hbm>> -> memref<1x1x16x128xi32, #tpu.memory_space<hbm>>
        %dma_wait3A_95 = tpu.memref_squeeze %dma_wait3A_94 : memref<1x1x16x128xi32, #tpu.memory_space<hbm>> -> memref<16x128xi32, #tpu.memory_space<hbm>>
        tpu.wait_dma2 semaphore(%run_scoped3A_79 : memref<!tpu.dma_semaphore, #tpu.memory_space<semaphore_mem>>) src(%dma_wait3A_95 : memref<16x128xi32, #tpu.memory_space<hbm>>) dst(%arg8 : memref<16x128xi32, #tpu.memory_space<vmem>>)
        tpu.yield
      }) : () -> ()
      "tpu.region"() ({
        %run_scoped3A_79 = tpu.sem_alloc : memref<!tpu.dma_semaphore, #tpu.memory_space<semaphore_mem>>
        %dma_start3A_80 = arith.constant 0 : i32
        %dma_start3A_81 = arith.constant 0 : i32
        %dma_start3A_82 = tpu.memref_slice %arg4[%add3A, %scan3A_12, %dma_start3A_80, %dma_start3A_81] : memref<32x10x16x128xi32, #tpu.memory_space<hbm>> -> memref<1x1x16x128xi32, #tpu.memory_space<hbm>>
        %dma_start3A_83 = tpu.memref_squeeze %dma_start3A_82 : memref<1x1x16x128xi32, #tpu.memory_space<hbm>> -> memref<16x128xi32, #tpu.memory_space<hbm>>
        %dma_start3A_84 = arith.constant 0 : i32
        %dma_start3A_85 = arith.constant 0 : i32
        %dma_start3A_86 = tpu.memref_slice %arg4[%add3A, %scan3A_12, %dma_start3A_84, %dma_start3A_85] : memref<32x10x16x128xi32, #tpu.memory_space<hbm>> -> memref<1x1x16x128xi32, #tpu.memory_space<hbm>>
        %dma_start3A_87 = tpu.memref_squeeze %dma_start3A_86 : memref<1x1x16x128xi32, #tpu.memory_space<hbm>> -> memref<16x128xi32, #tpu.memory_space<hbm>>
        tpu.enqueue_dma source(%dma_start3A_87 : memref<16x128xi32, #tpu.memory_space<hbm>>) target(%arg9 : memref<16x128xi32, #tpu.memory_space<vmem>>) target_semaphore(%run_scoped3A_79 : memref<!tpu.dma_semaphore, #tpu.memory_space<semaphore_mem>>)
        %dma_wait3A_88 = arith.constant 0 : i32
        %dma_wait3A_89 = arith.constant 0 : i32
        %dma_wait3A_90 = tpu.memref_slice %arg4[%add3A, %scan3A_12, %dma_wait3A_88, %dma_wait3A_89] : memref<32x10x16x128xi32, #tpu.memory_space<hbm>> -> memref<1x1x16x128xi32, #tpu.memory_space<hbm>>
        %dma_wait3A_91 = tpu.memref_squeeze %dma_wait3A_90 : memref<1x1x16x128xi32, #tpu.memory_space<hbm>> -> memref<16x128xi32, #tpu.memory_space<hbm>>
        %dma_wait3A_92 = arith.constant 0 : i32
        %dma_wait3A_93 = arith.constant 0 : i32
        %dma_wait3A_94 = tpu.memref_slice %arg4[%add3A, %scan3A_12, %dma_wait3A_92, %dma_wait3A_93] : memref<32x10x16x128xi32, #tpu.memory_space<hbm>> -> memref<1x1x16x128xi32, #tpu.memory_space<hbm>>
        %dma_wait3A_95 = tpu.memref_squeeze %dma_wait3A_94 : memref<1x1x16x128xi32, #tpu.memory_space<hbm>> -> memref<16x128xi32, #tpu.memory_space<hbm>>
        tpu.wait_dma2 semaphore(%run_scoped3A_79 : memref<!tpu.dma_semaphore, #tpu.memory_space<semaphore_mem>>) src(%dma_wait3A_95 : memref<16x128xi32, #tpu.memory_space<hbm>>) dst(%arg9 : memref<16x128xi32, #tpu.memory_space<vmem>>)
        tpu.yield
      }) : () -> ()
      %dma_start3A = arith.constant 0 : i32
      %dma_start3A_14 = arith.constant 0 : i32
      %dma_start3A_15 = tpu.memref_slice %arg8[%dma_start3A, %dma_start3A_14] : memref<16x128xi32, #tpu.memory_space<vmem>> -> memref<1x128xi32, #tpu.memory_space<vmem>>
      %dma_start3A_16 = tpu.memref_squeeze %dma_start3A_15 : memref<1x128xi32, #tpu.memory_space<vmem>> -> memref<128xi32, #tpu.memory_space<vmem>>
      %dma_start3A_17 = arith.constant 0 : i32
      %dma_start3A_18 = arith.constant 0 : i32
      %dma_start3A_19 = tpu.memref_slice %arg2[%dma_start3A_17, %dma_start3A_18] : memref<10240x64xf32, #tpu.memory_space<hbm>> -> memref<10240x64xf32, #tpu.memory_space<hbm>>
      tpu.enqueue_indirect_dma source(%dma_start3A_19 : memref<10240x64xf32, #tpu.memory_space<hbm>>) target(%arg10 : memref<128x64xf32, #tpu.memory_space<vmem>>) offsets(%dma_start3A_16 : memref<128xi32, #tpu.memory_space<vmem>>) semaphore(%arg14 : memref<!tpu.dma_semaphore, #tpu.memory_space<semaphore_mem>>)
      %dma_start3A_20 = arith.constant 1 : i32
      %dma_start3A_21 = arith.constant 0 : i32
      %dma_start3A_22 = tpu.memref_slice %arg8[%dma_start3A_20, %dma_start3A_21] : memref<16x128xi32, #tpu.memory_space<vmem>> -> memref<1x128xi32, #tpu.memory_space<vmem>>
      %dma_start3A_23 = tpu.memref_squeeze %dma_start3A_22 : memref<1x128xi32, #tpu.memory_space<vmem>> -> memref<128xi32, #tpu.memory_space<vmem>>
      %dma_start3A_24 = arith.constant 0 : i32
      %dma_start3A_25 = arith.constant 0 : i32
      %dma_start3A_26 = tpu.memref_slice %arg2[%dma_start3A_24, %dma_start3A_25] : memref<10240x64xf32, #tpu.memory_space<hbm>> -> memref<10240x64xf32, #tpu.memory_space<hbm>>
      tpu.enqueue_indirect_dma source(%dma_start3A_26 : memref<10240x64xf32, #tpu.memory_space<hbm>>) target(%arg11 : memref<128x64xf32, #tpu.memory_space<vmem>>) offsets(%dma_start3A_23 : memref<128xi32, #tpu.memory_space<vmem>>) semaphore(%arg15 : memref<!tpu.dma_semaphore, #tpu.memory_space<semaphore_mem>>)
      %dma_start3A_27 = arith.constant 2 : i32
      %dma_start3A_28 = arith.constant 0 : i32
      %dma_start3A_29 = tpu.memref_slice %arg8[%dma_start3A_27, %dma_start3A_28] : memref<16x128xi32, #tpu.memory_space<vmem>> -> memref<1x128xi32, #tpu.memory_space<vmem>>
      %dma_start3A_30 = tpu.memref_squeeze %dma_start3A_29 : memref<1x128xi32, #tpu.memory_space<vmem>> -> memref<128xi32, #tpu.memory_space<vmem>>
      %dma_start3A_31 = arith.constant 0 : i32
      %dma_start3A_32 = arith.constant 0 : i32
      %dma_start3A_33 = tpu.memref_slice %arg2[%dma_start3A_31, %dma_start3A_32] : memref<10240x64xf32, #tpu.memory_space<hbm>> -> memref<10240x64xf32, #tpu.memory_space<hbm>>
      tpu.enqueue_indirect_dma source(%dma_start3A_33 : memref<10240x64xf32, #tpu.memory_space<hbm>>) target(%arg12 : memref<128x64xf32, #tpu.memory_space<vmem>>) offsets(%dma_start3A_30 : memref<128xi32, #tpu.memory_space<vmem>>) semaphore(%arg16 : memref<!tpu.dma_semaphore, #tpu.memory_space<semaphore_mem>>)
      %dma_start3A_34 = arith.constant 3 : i32
      %dma_start3A_35 = arith.constant 0 : i32
      %dma_start3A_36 = tpu.memref_slice %arg8[%dma_start3A_34, %dma_start3A_35] : memref<16x128xi32, #tpu.memory_space<vmem>> -> memref<1x128xi32, #tpu.memory_space<vmem>>
      %dma_start3A_37 = tpu.memref_squeeze %dma_start3A_36 : memref<1x128xi32, #tpu.memory_space<vmem>> -> memref<128xi32, #tpu.memory_space<vmem>>
      %dma_start3A_38 = arith.constant 0 : i32
      %dma_start3A_39 = arith.constant 0 : i32
      %dma_start3A_40 = tpu.memref_slice %arg2[%dma_start3A_38, %dma_start3A_39] : memref<10240x64xf32, #tpu.memory_space<hbm>> -> memref<10240x64xf32, #tpu.memory_space<hbm>>
      tpu.enqueue_indirect_dma source(%dma_start3A_40 : memref<10240x64xf32, #tpu.memory_space<hbm>>) target(%arg13 : memref<128x64xf32, #tpu.memory_space<vmem>>) offsets(%dma_start3A_37 : memref<128xi32, #tpu.memory_space<vmem>>) semaphore(%arg17 : memref<!tpu.dma_semaphore, #tpu.memory_space<semaphore_mem>>)
      %scan3A_41 = arith.constant 0 : i32
      %scan3A_42 = arith.constant 0 : i32
      %scan3A_43 = arith.constant 3 : i32
      %scan3A_44 = arith.addi %scan3A_42, %scan3A_43 : i32
      %scan3A_45 = arith.constant 1 : i32
      %scan3A_46 = scf.for %scan3A_79 = %scan3A_42 to %scan3A_44 step %scan3A_45 iter_args(%scan3A_80 = %scan3A_41) -> (i32)  : i32 {
        %mul3A_81 = arith.constant 4 : i32
        %mul3A_82 = arith.muli %scan3A_79, %mul3A_81 : i32
        %add3A_83 = arith.constant 0 : i32
        %add3A_84 = arith.addi %mul3A_82, %add3A_83 : i32
        %dma_wait3A_85 = arith.constant 0 : i32
        %dma_wait3A_86 = tpu.memref_slice %arg8[%add3A_84, %dma_wait3A_85] : memref<16x128xi32, #tpu.memory_space<vmem>> -> memref<1x128xi32, #tpu.memory_space<vmem>>
        %dma_wait3A_87 = tpu.memref_squeeze %dma_wait3A_86 : memref<1x128xi32, #tpu.memory_space<vmem>> -> memref<128xi32, #tpu.memory_space<vmem>>
        %dma_wait3A_88 = arith.constant 0 : i32
        %dma_wait3A_89 = arith.constant 0 : i32
        %dma_wait3A_90 = tpu.memref_slice %arg2[%dma_wait3A_88, %dma_wait3A_89] : memref<10240x64xf32, #tpu.memory_space<hbm>> -> memref<10240x64xf32, #tpu.memory_space<hbm>>
        tpu.wait_indirect_dma semaphore(%arg14 : memref<!tpu.dma_semaphore, #tpu.memory_space<semaphore_mem>>) src(%dma_wait3A_90 : memref<10240x64xf32, #tpu.memory_space<hbm>>) dst(%arg10 : memref<128x64xf32, #tpu.memory_space<vmem>>)
        "tpu.region"() ({
          %run_scoped3A_154 = tpu.sem_alloc : memref<!tpu.dma_semaphore, #tpu.memory_space<semaphore_mem>>
          %dma_start3A_155 = arith.constant 0 : i32
          %dma_start3A_156 = tpu.memref_slice %arg9[%add3A_84, %dma_start3A_155] : memref<16x128xi32, #tpu.memory_space<vmem>> -> memref<1x128xi32, #tpu.memory_space<vmem>>
          %dma_start3A_157 = tpu.memref_squeeze %dma_start3A_156 : memref<1x128xi32, #tpu.memory_space<vmem>> -> memref<128xi32, #tpu.memory_space<vmem>>
          %dma_start3A_158 = arith.constant 0 : i32
          %dma_start3A_159 = arith.constant 0 : i32
          %dma_start3A_160 = tpu.memref_slice %arg7[%dma_start3A_158, %dma_start3A_159] : memref<10240x64xf32, #tpu.memory_space<vmem_shared>> -> memref<10240x64xf32, #tpu.memory_space<vmem_shared>>
          tpu.enqueue_indirect_dma source(%arg10 : memref<128x64xf32, #tpu.memory_space<vmem>>) target(%dma_start3A_160 : memref<10240x64xf32, #tpu.memory_space<vmem_shared>>) offsets(%dma_start3A_157 : memref<128xi32, #tpu.memory_space<vmem>>) semaphore(%run_scoped3A_154 : memref<!tpu.dma_semaphore, #tpu.memory_space<semaphore_mem>>) {add = true}
          %dma_wait3A_161 = arith.constant 0 : i32
          %dma_wait3A_162 = tpu.memref_slice %arg9[%add3A_84, %dma_wait3A_161] : memref<16x128xi32, #tpu.memory_space<vmem>> -> memref<1x128xi32, #tpu.memory_space<vmem>>
          %dma_wait3A_163 = tpu.memref_squeeze %dma_wait3A_162 : memref<1x128xi32, #tpu.memory_space<vmem>> -> memref<128xi32, #tpu.memory_space<vmem>>
          %dma_wait3A_164 = arith.constant 0 : i32
          %dma_wait3A_165 = arith.constant 0 : i32
          %dma_wait3A_166 = tpu.memref_slice %arg7[%dma_wait3A_164, %dma_wait3A_165] : memref<10240x64xf32, #tpu.memory_space<vmem_shared>> -> memref<10240x64xf32, #tpu.memory_space<vmem_shared>>
          tpu.wait_indirect_dma semaphore(%run_scoped3A_154 : memref<!tpu.dma_semaphore, #tpu.memory_space<semaphore_mem>>) src(%arg10 : memref<128x64xf32, #tpu.memory_space<vmem>>) dst(%dma_wait3A_166 : memref<10240x64xf32, #tpu.memory_space<vmem_shared>>)
          tpu.yield
        }) : () -> ()
        %add3A_91 = arith.constant 4 : i32
        %add3A_92 = arith.addi %add3A_84, %add3A_91 : i32
        %dma_start3A_93 = arith.constant 0 : i32
        %dma_start3A_94 = tpu.memref_slice %arg8[%add3A_92, %dma_start3A_93] : memref<16x128xi32, #tpu.memory_space<vmem>> -> memref<1x128xi32, #tpu.memory_space<vmem>>
        %dma_start3A_95 = tpu.memref_squeeze %dma_start3A_94 : memref<1x128xi32, #tpu.memory_space<vmem>> -> memref<128xi32, #tpu.memory_space<vmem>>
        %dma_start3A_96 = arith.constant 0 : i32
        %dma_start3A_97 = arith.constant 0 : i32
        %dma_start3A_98 = tpu.memref_slice %arg2[%dma_start3A_96, %dma_start3A_97] : memref<10240x64xf32, #tpu.memory_space<hbm>> -> memref<10240x64xf32, #tpu.memory_space<hbm>>
        tpu.enqueue_indirect_dma source(%dma_start3A_98 : memref<10240x64xf32, #tpu.memory_space<hbm>>) target(%arg10 : memref<128x64xf32, #tpu.memory_space<vmem>>) offsets(%dma_start3A_95 : memref<128xi32, #tpu.memory_space<vmem>>) semaphore(%arg14 : memref<!tpu.dma_semaphore, #tpu.memory_space<semaphore_mem>>)
        %mul3A_99 = arith.constant 4 : i32
        %mul3A_100 = arith.muli %scan3A_79, %mul3A_99 : i32
        %add3A_101 = arith.constant 1 : i32
        %add3A_102 = arith.addi %mul3A_100, %add3A_101 : i32
        %dma_wait3A_103 = arith.constant 0 : i32
        %dma_wait3A_104 = tpu.memref_slice %arg8[%add3A_102, %dma_wait3A_103] : memref<16x128xi32, #tpu.memory_space<vmem>> -> memref<1x128xi32, #tpu.memory_space<vmem>>
        %dma_wait3A_105 = tpu.memref_squeeze %dma_wait3A_104 : memref<1x128xi32, #tpu.memory_space<vmem>> -> memref<128xi32, #tpu.memory_space<vmem>>
        %dma_wait3A_106 = arith.constant 0 : i32
        %dma_wait3A_107 = arith.constant 0 : i32
        %dma_wait3A_108 = tpu.memref_slice %arg2[%dma_wait3A_106, %dma_wait3A_107] : memref<10240x64xf32, #tpu.memory_space<hbm>> -> memref<10240x64xf32, #tpu.memory_space<hbm>>
        tpu.wait_indirect_dma semaphore(%arg15 : memref<!tpu.dma_semaphore, #tpu.memory_space<semaphore_mem>>) src(%dma_wait3A_108 : memref<10240x64xf32, #tpu.memory_space<hbm>>) dst(%arg11 : memref<128x64xf32, #tpu.memory_space<vmem>>)
        "tpu.region"() ({
          %run_scoped3A_154 = tpu.sem_alloc : memref<!tpu.dma_semaphore, #tpu.memory_space<semaphore_mem>>
          %dma_start3A_155 = arith.constant 0 : i32
          %dma_start3A_156 = tpu.memref_slice %arg9[%add3A_102, %dma_start3A_155] : memref<16x128xi32, #tpu.memory_space<vmem>> -> memref<1x128xi32, #tpu.memory_space<vmem>>
          %dma_start3A_157 = tpu.memref_squeeze %dma_start3A_156 : memref<1x128xi32, #tpu.memory_space<vmem>> -> memref<128xi32, #tpu.memory_space<vmem>>
          %dma_start3A_158 = arith.constant 0 : i32
          %dma_start3A_159 = arith.constant 0 : i32
          %dma_start3A_160 = tpu.memref_slice %arg7[%dma_start3A_158, %dma_start3A_159] : memref<10240x64xf32, #tpu.memory_space<vmem_shared>> -> memref<10240x64xf32, #tpu.memory_space<vmem_shared>>
          tpu.enqueue_indirect_dma source(%arg11 : memref<128x64xf32, #tpu.memory_space<vmem>>) target(%dma_start3A_160 : memref<10240x64xf32, #tpu.memory_space<vmem_shared>>) offsets(%dma_start3A_157 : memref<128xi32, #tpu.memory_space<vmem>>) semaphore(%run_scoped3A_154 : memref<!tpu.dma_semaphore, #tpu.memory_space<semaphore_mem>>) {add = true}
          %dma_wait3A_161 = arith.constant 0 : i32
          %dma_wait3A_162 = tpu.memref_slice %arg9[%add3A_102, %dma_wait3A_161] : memref<16x128xi32, #tpu.memory_space<vmem>> -> memref<1x128xi32, #tpu.memory_space<vmem>>
          %dma_wait3A_163 = tpu.memref_squeeze %dma_wait3A_162 : memref<1x128xi32, #tpu.memory_space<vmem>> -> memref<128xi32, #tpu.memory_space<vmem>>
          %dma_wait3A_164 = arith.constant 0 : i32
          %dma_wait3A_165 = arith.constant 0 : i32
          %dma_wait3A_166 = tpu.memref_slice %arg7[%dma_wait3A_164, %dma_wait3A_165] : memref<10240x64xf32, #tpu.memory_space<vmem_shared>> -> memref<10240x64xf32, #tpu.memory_space<vmem_shared>>
          tpu.wait_indirect_dma semaphore(%run_scoped3A_154 : memref<!tpu.dma_semaphore, #tpu.memory_space<semaphore_mem>>) src(%arg11 : memref<128x64xf32, #tpu.memory_space<vmem>>) dst(%dma_wait3A_166 : memref<10240x64xf32, #tpu.memory_space<vmem_shared>>)
          tpu.yield
        }) : () -> ()
        %add3A_109 = arith.constant 4 : i32
        %add3A_110 = arith.addi %add3A_102, %add3A_109 : i32
        %dma_start3A_111 = arith.constant 0 : i32
        %dma_start3A_112 = tpu.memref_slice %arg8[%add3A_110, %dma_start3A_111] : memref<16x128xi32, #tpu.memory_space<vmem>> -> memref<1x128xi32, #tpu.memory_space<vmem>>
        %dma_start3A_113 = tpu.memref_squeeze %dma_start3A_112 : memref<1x128xi32, #tpu.memory_space<vmem>> -> memref<128xi32, #tpu.memory_space<vmem>>
        %dma_start3A_114 = arith.constant 0 : i32
        %dma_start3A_115 = arith.constant 0 : i32
        %dma_start3A_116 = tpu.memref_slice %arg2[%dma_start3A_114, %dma_start3A_115] : memref<10240x64xf32, #tpu.memory_space<hbm>> -> memref<10240x64xf32, #tpu.memory_space<hbm>>
        tpu.enqueue_indirect_dma source(%dma_start3A_116 : memref<10240x64xf32, #tpu.memory_space<hbm>>) target(%arg11 : memref<128x64xf32, #tpu.memory_space<vmem>>) offsets(%dma_start3A_113 : memref<128xi32, #tpu.memory_space<vmem>>) semaphore(%arg15 : memref<!tpu.dma_semaphore, #tpu.memory_space<semaphore_mem>>)
        %mul3A_117 = arith.constant 4 : i32
        %mul3A_118 = arith.muli %scan3A_79, %mul3A_117 : i32
        %add3A_119 = arith.constant 2 : i32
        %add3A_120 = arith.addi %mul3A_118, %add3A_119 : i32
        %dma_wait3A_121 = arith.constant 0 : i32
        %dma_wait3A_122 = tpu.memref_slice %arg8[%add3A_120, %dma_wait3A_121] : memref<16x128xi32, #tpu.memory_space<vmem>> -> memref<1x128xi32, #tpu.memory_space<vmem>>
        %dma_wait3A_123 = tpu.memref_squeeze %dma_wait3A_122 : memref<1x128xi32, #tpu.memory_space<vmem>> -> memref<128xi32, #tpu.memory_space<vmem>>
        %dma_wait3A_124 = arith.constant 0 : i32
        %dma_wait3A_125 = arith.constant 0 : i32
        %dma_wait3A_126 = tpu.memref_slice %arg2[%dma_wait3A_124, %dma_wait3A_125] : memref<10240x64xf32, #tpu.memory_space<hbm>> -> memref<10240x64xf32, #tpu.memory_space<hbm>>
        tpu.wait_indirect_dma semaphore(%arg16 : memref<!tpu.dma_semaphore, #tpu.memory_space<semaphore_mem>>) src(%dma_wait3A_126 : memref<10240x64xf32, #tpu.memory_space<hbm>>) dst(%arg12 : memref<128x64xf32, #tpu.memory_space<vmem>>)
        "tpu.region"() ({
          %run_scoped3A_154 = tpu.sem_alloc : memref<!tpu.dma_semaphore, #tpu.memory_space<semaphore_mem>>
          %dma_start3A_155 = arith.constant 0 : i32
          %dma_start3A_156 = tpu.memref_slice %arg9[%add3A_120, %dma_start3A_155] : memref<16x128xi32, #tpu.memory_space<vmem>> -> memref<1x128xi32, #tpu.memory_space<vmem>>
          %dma_start3A_157 = tpu.memref_squeeze %dma_start3A_156 : memref<1x128xi32, #tpu.memory_space<vmem>> -> memref<128xi32, #tpu.memory_space<vmem>>
          %dma_start3A_158 = arith.constant 0 : i32
          %dma_start3A_159 = arith.constant 0 : i32
          %dma_start3A_160 = tpu.memref_slice %arg7[%dma_start3A_158, %dma_start3A_159] : memref<10240x64xf32, #tpu.memory_space<vmem_shared>> -> memref<10240x64xf32, #tpu.memory_space<vmem_shared>>
          tpu.enqueue_indirect_dma source(%arg12 : memref<128x64xf32, #tpu.memory_space<vmem>>) target(%dma_start3A_160 : memref<10240x64xf32, #tpu.memory_space<vmem_shared>>) offsets(%dma_start3A_157 : memref<128xi32, #tpu.memory_space<vmem>>) semaphore(%run_scoped3A_154 : memref<!tpu.dma_semaphore, #tpu.memory_space<semaphore_mem>>) {add = true}
          %dma_wait3A_161 = arith.constant 0 : i32
          %dma_wait3A_162 = tpu.memref_slice %arg9[%add3A_120, %dma_wait3A_161] : memref<16x128xi32, #tpu.memory_space<vmem>> -> memref<1x128xi32, #tpu.memory_space<vmem>>
          %dma_wait3A_163 = tpu.memref_squeeze %dma_wait3A_162 : memref<1x128xi32, #tpu.memory_space<vmem>> -> memref<128xi32, #tpu.memory_space<vmem>>
          %dma_wait3A_164 = arith.constant 0 : i32
          %dma_wait3A_165 = arith.constant 0 : i32
          %dma_wait3A_166 = tpu.memref_slice %arg7[%dma_wait3A_164, %dma_wait3A_165] : memref<10240x64xf32, #tpu.memory_space<vmem_shared>> -> memref<10240x64xf32, #tpu.memory_space<vmem_shared>>
          tpu.wait_indirect_dma semaphore(%run_scoped3A_154 : memref<!tpu.dma_semaphore, #tpu.memory_space<semaphore_mem>>) src(%arg12 : memref<128x64xf32, #tpu.memory_space<vmem>>) dst(%dma_wait3A_166 : memref<10240x64xf32, #tpu.memory_space<vmem_shared>>)
          tpu.yield
        }) : () -> ()
        %add3A_127 = arith.constant 4 : i32
        %add3A_128 = arith.addi %add3A_120, %add3A_127 : i32
        %dma_start3A_129 = arith.constant 0 : i32
        %dma_start3A_130 = tpu.memref_slice %arg8[%add3A_128, %dma_start3A_129] : memref<16x128xi32, #tpu.memory_space<vmem>> -> memref<1x128xi32, #tpu.memory_space<vmem>>
        %dma_start3A_131 = tpu.memref_squeeze %dma_start3A_130 : memref<1x128xi32, #tpu.memory_space<vmem>> -> memref<128xi32, #tpu.memory_space<vmem>>
        %dma_start3A_132 = arith.constant 0 : i32
        %dma_start3A_133 = arith.constant 0 : i32
        %dma_start3A_134 = tpu.memref_slice %arg2[%dma_start3A_132, %dma_start3A_133] : memref<10240x64xf32, #tpu.memory_space<hbm>> -> memref<10240x64xf32, #tpu.memory_space<hbm>>
        tpu.enqueue_indirect_dma source(%dma_start3A_134 : memref<10240x64xf32, #tpu.memory_space<hbm>>) target(%arg12 : memref<128x64xf32, #tpu.memory_space<vmem>>) offsets(%dma_start3A_131 : memref<128xi32, #tpu.memory_space<vmem>>) semaphore(%arg16 : memref<!tpu.dma_semaphore, #tpu.memory_space<semaphore_mem>>)
        %mul3A_135 = arith.constant 4 : i32
        %mul3A_136 = arith.muli %scan3A_79, %mul3A_135 : i32
        %add3A_137 = arith.constant 3 : i32
        %add3A_138 = arith.addi %mul3A_136, %add3A_137 : i32
        %dma_wait3A_139 = arith.constant 0 : i32
        %dma_wait3A_140 = tpu.memref_slice %arg8[%add3A_138, %dma_wait3A_139] : memref<16x128xi32, #tpu.memory_space<vmem>> -> memref<1x128xi32, #tpu.memory_space<vmem>>
        %dma_wait3A_141 = tpu.memref_squeeze %dma_wait3A_140 : memref<1x128xi32, #tpu.memory_space<vmem>> -> memref<128xi32, #tpu.memory_space<vmem>>
        %dma_wait3A_142 = arith.constant 0 : i32
        %dma_wait3A_143 = arith.constant 0 : i32
        %dma_wait3A_144 = tpu.memref_slice %arg2[%dma_wait3A_142, %dma_wait3A_143] : memref<10240x64xf32, #tpu.memory_space<hbm>> -> memref<10240x64xf32, #tpu.memory_space<hbm>>
        tpu.wait_indirect_dma semaphore(%arg17 : memref<!tpu.dma_semaphore, #tpu.memory_space<semaphore_mem>>) src(%dma_wait3A_144 : memref<10240x64xf32, #tpu.memory_space<hbm>>) dst(%arg13 : memref<128x64xf32, #tpu.memory_space<vmem>>)
        "tpu.region"() ({
          %run_scoped3A_154 = tpu.sem_alloc : memref<!tpu.dma_semaphore, #tpu.memory_space<semaphore_mem>>
          %dma_start3A_155 = arith.constant 0 : i32
          %dma_start3A_156 = tpu.memref_slice %arg9[%add3A_138, %dma_start3A_155] : memref<16x128xi32, #tpu.memory_space<vmem>> -> memref<1x128xi32, #tpu.memory_space<vmem>>
          %dma_start3A_157 = tpu.memref_squeeze %dma_start3A_156 : memref<1x128xi32, #tpu.memory_space<vmem>> -> memref<128xi32, #tpu.memory_space<vmem>>
          %dma_start3A_158 = arith.constant 0 : i32
          %dma_start3A_159 = arith.constant 0 : i32
          %dma_start3A_160 = tpu.memref_slice %arg7[%dma_start3A_158, %dma_start3A_159] : memref<10240x64xf32, #tpu.memory_space<vmem_shared>> -> memref<10240x64xf32, #tpu.memory_space<vmem_shared>>
          tpu.enqueue_indirect_dma source(%arg13 : memref<128x64xf32, #tpu.memory_space<vmem>>) target(%dma_start3A_160 : memref<10240x64xf32, #tpu.memory_space<vmem_shared>>) offsets(%dma_start3A_157 : memref<128xi32, #tpu.memory_space<vmem>>) semaphore(%run_scoped3A_154 : memref<!tpu.dma_semaphore, #tpu.memory_space<semaphore_mem>>) {add = true}
          %dma_wait3A_161 = arith.constant 0 : i32
          %dma_wait3A_162 = tpu.memref_slice %arg9[%add3A_138, %dma_wait3A_161] : memref<16x128xi32, #tpu.memory_space<vmem>> -> memref<1x128xi32, #tpu.memory_space<vmem>>
          %dma_wait3A_163 = tpu.memref_squeeze %dma_wait3A_162 : memref<1x128xi32, #tpu.memory_space<vmem>> -> memref<128xi32, #tpu.memory_space<vmem>>
          %dma_wait3A_164 = arith.constant 0 : i32
          %dma_wait3A_165 = arith.constant 0 : i32
          %dma_wait3A_166 = tpu.memref_slice %arg7[%dma_wait3A_164, %dma_wait3A_165] : memref<10240x64xf32, #tpu.memory_space<vmem_shared>> -> memref<10240x64xf32, #tpu.memory_space<vmem_shared>>
          tpu.wait_indirect_dma semaphore(%run_scoped3A_154 : memref<!tpu.dma_semaphore, #tpu.memory_space<semaphore_mem>>) src(%arg13 : memref<128x64xf32, #tpu.memory_space<vmem>>) dst(%dma_wait3A_166 : memref<10240x64xf32, #tpu.memory_space<vmem_shared>>)
          tpu.yield
        }) : () -> ()
        %add3A_145 = arith.constant 4 : i32
        %add3A_146 = arith.addi %add3A_138, %add3A_145 : i32
        %dma_start3A_147 = arith.constant 0 : i32
        %dma_start3A_148 = tpu.memref_slice %arg8[%add3A_146, %dma_start3A_147] : memref<16x128xi32, #tpu.memory_space<vmem>> -> memref<1x128xi32, #tpu.memory_space<vmem>>
        %dma_start3A_149 = tpu.memref_squeeze %dma_start3A_148 : memref<1x128xi32, #tpu.memory_space<vmem>> -> memref<128xi32, #tpu.memory_space<vmem>>
        %dma_start3A_150 = arith.constant 0 : i32
        %dma_start3A_151 = arith.constant 0 : i32
        %dma_start3A_152 = tpu.memref_slice %arg2[%dma_start3A_150, %dma_start3A_151] : memref<10240x64xf32, #tpu.memory_space<hbm>> -> memref<10240x64xf32, #tpu.memory_space<hbm>>
        tpu.enqueue_indirect_dma source(%dma_start3A_152 : memref<10240x64xf32, #tpu.memory_space<hbm>>) target(%arg13 : memref<128x64xf32, #tpu.memory_space<vmem>>) offsets(%dma_start3A_149 : memref<128xi32, #tpu.memory_space<vmem>>) semaphore(%arg17 : memref<!tpu.dma_semaphore, #tpu.memory_space<semaphore_mem>>)
        %scan3A_153 = arith.constant 0 : i32
        scf.yield %scan3A_153 : i32
      }
      %scan3A_47 = arith.constant 3 : i32
      %dma_wait3A = arith.constant 12 : i32
      %dma_wait3A_48 = arith.constant 0 : i32
      %dma_wait3A_49 = tpu.memref_slice %arg8[%dma_wait3A, %dma_wait3A_48] : memref<16x128xi32, #tpu.memory_space<vmem>> -> memref<1x128xi32, #tpu.memory_space<vmem>>
      %dma_wait3A_50 = tpu.memref_squeeze %dma_wait3A_49 : memref<1x128xi32, #tpu.memory_space<vmem>> -> memref<128xi32, #tpu.memory_space<vmem>>
      %dma_wait3A_51 = arith.constant 0 : i32
      %dma_wait3A_52 = arith.constant 0 : i32
      %dma_wait3A_53 = tpu.memref_slice %arg2[%dma_wait3A_51, %dma_wait3A_52] : memref<10240x64xf32, #tpu.memory_space<hbm>> -> memref<10240x64xf32, #tpu.memory_space<hbm>>
      tpu.wait_indirect_dma semaphore(%arg14 : memref<!tpu.dma_semaphore, #tpu.memory_space<semaphore_mem>>) src(%dma_wait3A_53 : memref<10240x64xf32, #tpu.memory_space<hbm>>) dst(%arg10 : memref<128x64xf32, #tpu.memory_space<vmem>>)
      %run_scoped3A = arith.constant 12 : i32
      "tpu.region"() ({
        %run_scoped3A_79 = tpu.sem_alloc : memref<!tpu.dma_semaphore, #tpu.memory_space<semaphore_mem>>
        %dma_start3A_80 = arith.constant 0 : i32
        %dma_start3A_81 = tpu.memref_slice %arg9[%run_scoped3A, %dma_start3A_80] : memref<16x128xi32, #tpu.memory_space<vmem>> -> memref<1x128xi32, #tpu.memory_space<vmem>>
        %dma_start3A_82 = tpu.memref_squeeze %dma_start3A_81 : memref<1x128xi32, #tpu.memory_space<vmem>> -> memref<128xi32, #tpu.memory_space<vmem>>
        %dma_start3A_83 = arith.constant 0 : i32
        %dma_start3A_84 = arith.constant 0 : i32
        %dma_start3A_85 = tpu.memref_slice %arg7[%dma_start3A_83, %dma_start3A_84] : memref<10240x64xf32, #tpu.memory_space<vmem_shared>> -> memref<10240x64xf32, #tpu.memory_space<vmem_shared>>
        tpu.enqueue_indirect_dma source(%arg10 : memref<128x64xf32, #tpu.memory_space<vmem>>) target(%dma_start3A_85 : memref<10240x64xf32, #tpu.memory_space<vmem_shared>>) offsets(%dma_start3A_82 : memref<128xi32, #tpu.memory_space<vmem>>) semaphore(%run_scoped3A_79 : memref<!tpu.dma_semaphore, #tpu.memory_space<semaphore_mem>>) {add = true}
        %dma_wait3A_86 = arith.constant 0 : i32
        %dma_wait3A_87 = tpu.memref_slice %arg9[%run_scoped3A, %dma_wait3A_86] : memref<16x128xi32, #tpu.memory_space<vmem>> -> memref<1x128xi32, #tpu.memory_space<vmem>>
        %dma_wait3A_88 = tpu.memref_squeeze %dma_wait3A_87 : memref<1x128xi32, #tpu.memory_space<vmem>> -> memref<128xi32, #tpu.memory_space<vmem>>
        %dma_wait3A_89 = arith.constant 0 : i32
        %dma_wait3A_90 = arith.constant 0 : i32
        %dma_wait3A_91 = tpu.memref_slice %arg7[%dma_wait3A_89, %dma_wait3A_90] : memref<10240x64xf32, #tpu.memory_space<vmem_shared>> -> memref<10240x64xf32, #tpu.memory_space<vmem_shared>>
        tpu.wait_indirect_dma semaphore(%run_scoped3A_79 : memref<!tpu.dma_semaphore, #tpu.memory_space<semaphore_mem>>) src(%arg10 : memref<128x64xf32, #tpu.memory_space<vmem>>) dst(%dma_wait3A_91 : memref<10240x64xf32, #tpu.memory_space<vmem_shared>>)
        tpu.yield
      }) : () -> ()
      %dma_wait3A_54 = arith.constant 13 : i32
      %dma_wait3A_55 = arith.constant 0 : i32
      %dma_wait3A_56 = tpu.memref_slice %arg8[%dma_wait3A_54, %dma_wait3A_55] : memref<16x128xi32, #tpu.memory_space<vmem>> -> memref<1x128xi32, #tpu.memory_space<vmem>>
      %dma_wait3A_57 = tpu.memref_squeeze %dma_wait3A_56 : memref<1x128xi32, #tpu.memory_space<vmem>> -> memref<128xi32, #tpu.memory_space<vmem>>
      %dma_wait3A_58 = arith.constant 0 : i32
      %dma_wait3A_59 = arith.constant 0 : i32
      %dma_wait3A_60 = tpu.memref_slice %arg2[%dma_wait3A_58, %dma_wait3A_59] : memref<10240x64xf32, #tpu.memory_space<hbm>> -> memref<10240x64xf32, #tpu.memory_space<hbm>>
      tpu.wait_indirect_dma semaphore(%arg15 : memref<!tpu.dma_semaphore, #tpu.memory_space<semaphore_mem>>) src(%dma_wait3A_60 : memref<10240x64xf32, #tpu.memory_space<hbm>>) dst(%arg11 : memref<128x64xf32, #tpu.memory_space<vmem>>)
      %run_scoped3A_61 = arith.constant 13 : i32
      "tpu.region"() ({
        %run_scoped3A_79 = tpu.sem_alloc : memref<!tpu.dma_semaphore, #tpu.memory_space<semaphore_mem>>
        %dma_start3A_80 = arith.constant 0 : i32
        %dma_start3A_81 = tpu.memref_slice %arg9[%run_scoped3A_61, %dma_start3A_80] : memref<16x128xi32, #tpu.memory_space<vmem>> -> memref<1x128xi32, #tpu.memory_space<vmem>>
        %dma_start3A_82 = tpu.memref_squeeze %dma_start3A_81 : memref<1x128xi32, #tpu.memory_space<vmem>> -> memref<128xi32, #tpu.memory_space<vmem>>
        %dma_start3A_83 = arith.constant 0 : i32
        %dma_start3A_84 = arith.constant 0 : i32
        %dma_start3A_85 = tpu.memref_slice %arg7[%dma_start3A_83, %dma_start3A_84] : memref<10240x64xf32, #tpu.memory_space<vmem_shared>> -> memref<10240x64xf32, #tpu.memory_space<vmem_shared>>
        tpu.enqueue_indirect_dma source(%arg11 : memref<128x64xf32, #tpu.memory_space<vmem>>) target(%dma_start3A_85 : memref<10240x64xf32, #tpu.memory_space<vmem_shared>>) offsets(%dma_start3A_82 : memref<128xi32, #tpu.memory_space<vmem>>) semaphore(%run_scoped3A_79 : memref<!tpu.dma_semaphore, #tpu.memory_space<semaphore_mem>>) {add = true}
        %dma_wait3A_86 = arith.constant 0 : i32
        %dma_wait3A_87 = tpu.memref_slice %arg9[%run_scoped3A_61, %dma_wait3A_86] : memref<16x128xi32, #tpu.memory_space<vmem>> -> memref<1x128xi32, #tpu.memory_space<vmem>>
        %dma_wait3A_88 = tpu.memref_squeeze %dma_wait3A_87 : memref<1x128xi32, #tpu.memory_space<vmem>> -> memref<128xi32, #tpu.memory_space<vmem>>
        %dma_wait3A_89 = arith.constant 0 : i32
        %dma_wait3A_90 = arith.constant 0 : i32
        %dma_wait3A_91 = tpu.memref_slice %arg7[%dma_wait3A_89, %dma_wait3A_90] : memref<10240x64xf32, #tpu.memory_space<vmem_shared>> -> memref<10240x64xf32, #tpu.memory_space<vmem_shared>>
        tpu.wait_indirect_dma semaphore(%run_scoped3A_79 : memref<!tpu.dma_semaphore, #tpu.memory_space<semaphore_mem>>) src(%arg11 : memref<128x64xf32, #tpu.memory_space<vmem>>) dst(%dma_wait3A_91 : memref<10240x64xf32, #tpu.memory_space<vmem_shared>>)
        tpu.yield
      }) : () -> ()
      %dma_wait3A_62 = arith.constant 14 : i32
      %dma_wait3A_63 = arith.constant 0 : i32
      %dma_wait3A_64 = tpu.memref_slice %arg8[%dma_wait3A_62, %dma_wait3A_63] : memref<16x128xi32, #tpu.memory_space<vmem>> -> memref<1x128xi32, #tpu.memory_space<vmem>>
      %dma_wait3A_65 = tpu.memref_squeeze %dma_wait3A_64 : memref<1x128xi32, #tpu.memory_space<vmem>> -> memref<128xi32, #tpu.memory_space<vmem>>
      %dma_wait3A_66 = arith.constant 0 : i32
      %dma_wait3A_67 = arith.constant 0 : i32
      %dma_wait3A_68 = tpu.memref_slice %arg2[%dma_wait3A_66, %dma_wait3A_67] : memref<10240x64xf32, #tpu.memory_space<hbm>> -> memref<10240x64xf32, #tpu.memory_space<hbm>>
      tpu.wait_indirect_dma semaphore(%arg16 : memref<!tpu.dma_semaphore, #tpu.memory_space<semaphore_mem>>) src(%dma_wait3A_68 : memref<10240x64xf32, #tpu.memory_space<hbm>>) dst(%arg12 : memref<128x64xf32, #tpu.memory_space<vmem>>)
      %run_scoped3A_69 = arith.constant 14 : i32
      "tpu.region"() ({
        %run_scoped3A_79 = tpu.sem_alloc : memref<!tpu.dma_semaphore, #tpu.memory_space<semaphore_mem>>
        %dma_start3A_80 = arith.constant 0 : i32
        %dma_start3A_81 = tpu.memref_slice %arg9[%run_scoped3A_69, %dma_start3A_80] : memref<16x128xi32, #tpu.memory_space<vmem>> -> memref<1x128xi32, #tpu.memory_space<vmem>>
        %dma_start3A_82 = tpu.memref_squeeze %dma_start3A_81 : memref<1x128xi32, #tpu.memory_space<vmem>> -> memref<128xi32, #tpu.memory_space<vmem>>
        %dma_start3A_83 = arith.constant 0 : i32
        %dma_start3A_84 = arith.constant 0 : i32
        %dma_start3A_85 = tpu.memref_slice %arg7[%dma_start3A_83, %dma_start3A_84] : memref<10240x64xf32, #tpu.memory_space<vmem_shared>> -> memref<10240x64xf32, #tpu.memory_space<vmem_shared>>
        tpu.enqueue_indirect_dma source(%arg12 : memref<128x64xf32, #tpu.memory_space<vmem>>) target(%dma_start3A_85 : memref<10240x64xf32, #tpu.memory_space<vmem_shared>>) offsets(%dma_start3A_82 : memref<128xi32, #tpu.memory_space<vmem>>) semaphore(%run_scoped3A_79 : memref<!tpu.dma_semaphore, #tpu.memory_space<semaphore_mem>>) {add = true}
        %dma_wait3A_86 = arith.constant 0 : i32
        %dma_wait3A_87 = tpu.memref_slice %arg9[%run_scoped3A_69, %dma_wait3A_86] : memref<16x128xi32, #tpu.memory_space<vmem>> -> memref<1x128xi32, #tpu.memory_space<vmem>>
        %dma_wait3A_88 = tpu.memref_squeeze %dma_wait3A_87 : memref<1x128xi32, #tpu.memory_space<vmem>> -> memref<128xi32, #tpu.memory_space<vmem>>
        %dma_wait3A_89 = arith.constant 0 : i32
        %dma_wait3A_90 = arith.constant 0 : i32
        %dma_wait3A_91 = tpu.memref_slice %arg7[%dma_wait3A_89, %dma_wait3A_90] : memref<10240x64xf32, #tpu.memory_space<vmem_shared>> -> memref<10240x64xf32, #tpu.memory_space<vmem_shared>>
        tpu.wait_indirect_dma semaphore(%run_scoped3A_79 : memref<!tpu.dma_semaphore, #tpu.memory_space<semaphore_mem>>) src(%arg12 : memref<128x64xf32, #tpu.memory_space<vmem>>) dst(%dma_wait3A_91 : memref<10240x64xf32, #tpu.memory_space<vmem_shared>>)
        tpu.yield
      }) : () -> ()
      %dma_wait3A_70 = arith.constant 15 : i32
      %dma_wait3A_71 = arith.constant 0 : i32
      %dma_wait3A_72 = tpu.memref_slice %arg8[%dma_wait3A_70, %dma_wait3A_71] : memref<16x128xi32, #tpu.memory_space<vmem>> -> memref<1x128xi32, #tpu.memory_space<vmem>>
      %dma_wait3A_73 = tpu.memref_squeeze %dma_wait3A_72 : memref<1x128xi32, #tpu.memory_space<vmem>> -> memref<128xi32, #tpu.memory_space<vmem>>
      %dma_wait3A_74 = arith.constant 0 : i32
      %dma_wait3A_75 = arith.constant 0 : i32
      %dma_wait3A_76 = tpu.memref_slice %arg2[%dma_wait3A_74, %dma_wait3A_75] : memref<10240x64xf32, #tpu.memory_space<hbm>> -> memref<10240x64xf32, #tpu.memory_space<hbm>>
      tpu.wait_indirect_dma semaphore(%arg17 : memref<!tpu.dma_semaphore, #tpu.memory_space<semaphore_mem>>) src(%dma_wait3A_76 : memref<10240x64xf32, #tpu.memory_space<hbm>>) dst(%arg13 : memref<128x64xf32, #tpu.memory_space<vmem>>)
      %run_scoped3A_77 = arith.constant 15 : i32
      "tpu.region"() ({
        %run_scoped3A_79 = tpu.sem_alloc : memref<!tpu.dma_semaphore, #tpu.memory_space<semaphore_mem>>
        %dma_start3A_80 = arith.constant 0 : i32
        %dma_start3A_81 = tpu.memref_slice %arg9[%run_scoped3A_77, %dma_start3A_80] : memref<16x128xi32, #tpu.memory_space<vmem>> -> memref<1x128xi32, #tpu.memory_space<vmem>>
        %dma_start3A_82 = tpu.memref_squeeze %dma_start3A_81 : memref<1x128xi32, #tpu.memory_space<vmem>> -> memref<128xi32, #tpu.memory_space<vmem>>
        %dma_start3A_83 = arith.constant 0 : i32
        %dma_start3A_84 = arith.constant 0 : i32
        %dma_start3A_85 = tpu.memref_slice %arg7[%dma_start3A_83, %dma_start3A_84] : memref<10240x64xf32, #tpu.memory_space<vmem_shared>> -> memref<10240x64xf32, #tpu.memory_space<vmem_shared>>
        tpu.enqueue_indirect_dma source(%arg13 : memref<128x64xf32, #tpu.memory_space<vmem>>) target(%dma_start3A_85 : memref<10240x64xf32, #tpu.memory_space<vmem_shared>>) offsets(%dma_start3A_82 : memref<128xi32, #tpu.memory_space<vmem>>) semaphore(%run_scoped3A_79 : memref<!tpu.dma_semaphore, #tpu.memory_space<semaphore_mem>>) {add = true}
        %dma_wait3A_86 = arith.constant 0 : i32
        %dma_wait3A_87 = tpu.memref_slice %arg9[%run_scoped3A_77, %dma_wait3A_86] : memref<16x128xi32, #tpu.memory_space<vmem>> -> memref<1x128xi32, #tpu.memory_space<vmem>>
        %dma_wait3A_88 = tpu.memref_squeeze %dma_wait3A_87 : memref<1x128xi32, #tpu.memory_space<vmem>> -> memref<128xi32, #tpu.memory_space<vmem>>
        %dma_wait3A_89 = arith.constant 0 : i32
        %dma_wait3A_90 = arith.constant 0 : i32
        %dma_wait3A_91 = tpu.memref_slice %arg7[%dma_wait3A_89, %dma_wait3A_90] : memref<10240x64xf32, #tpu.memory_space<vmem_shared>> -> memref<10240x64xf32, #tpu.memory_space<vmem_shared>>
        tpu.wait_indirect_dma semaphore(%run_scoped3A_79 : memref<!tpu.dma_semaphore, #tpu.memory_space<semaphore_mem>>) src(%arg13 : memref<128x64xf32, #tpu.memory_space<vmem>>) dst(%dma_wait3A_91 : memref<10240x64xf32, #tpu.memory_space<vmem_shared>>)
        tpu.yield
      }) : () -> ()
      %scan3A_78 = arith.constant 0 : i32
      scf.yield %scan3A_78 : i32
    }
    %scan3A_8 = arith.constant 10 : i32
    %barrier3A_9 = arith.constant 0 : index
    tpu.barrier barrier_id(%barrier3A_9)
    %mul3A_10 = arith.constant 640 : i32
    %mul3A_11 = arith.muli %arg1, %mul3A_10 : i32
    "tpu.region"() ({
      %run_scoped3A = tpu.sem_alloc : memref<!tpu.dma_semaphore, #tpu.memory_space<semaphore_mem>>
      %dma_start3A = arith.constant 0 : i32
      %dma_start3A_12 = arith.constant 0 : i32
      %dma_start3A_13 = tpu.memref_slice %arg6[%arg0, %arg1, %dma_start3A, %dma_start3A_12] : memref<2x16x640x64xf32, #tpu.memory_space<hbm>> -> memref<1x1x640x64xf32, #tpu.memory_space<hbm>>
      %dma_start3A_14 = tpu.memref_squeeze %dma_start3A_13 : memref<1x1x640x64xf32, #tpu.memory_space<hbm>> -> memref<640x64xf32, #tpu.memory_space<hbm>>
      %dma_start3A_15 = arith.constant 0 : i32
      %dma_start3A_16 = tpu.memref_slice %arg7[%mul3A_11, %dma_start3A_15] : memref<10240x64xf32, #tpu.memory_space<vmem_shared>> -> memref<640x64xf32, #tpu.memory_space<vmem_shared>>
      tpu.enqueue_dma source(%dma_start3A_16 : memref<640x64xf32, #tpu.memory_space<vmem_shared>>) target(%dma_start3A_14 : memref<640x64xf32, #tpu.memory_space<hbm>>) target_semaphore(%run_scoped3A : memref<!tpu.dma_semaphore, #tpu.memory_space<semaphore_mem>>)
      %dma_wait3A = arith.constant 0 : i32
      %dma_wait3A_17 = arith.constant 0 : i32
      %dma_wait3A_18 = tpu.memref_slice %arg6[%arg0, %arg1, %dma_wait3A, %dma_wait3A_17] : memref<2x16x640x64xf32, #tpu.memory_space<hbm>> -> memref<1x1x640x64xf32, #tpu.memory_space<hbm>>
      %dma_wait3A_19 = tpu.memref_squeeze %dma_wait3A_18 : memref<1x1x640x64xf32, #tpu.memory_space<hbm>> -> memref<640x64xf32, #tpu.memory_space<hbm>>
      %dma_wait3A_20 = arith.constant 0 : i32
      %dma_wait3A_21 = tpu.memref_slice %arg7[%mul3A_11, %dma_wait3A_20] : memref<10240x64xf32, #tpu.memory_space<vmem_shared>> -> memref<640x64xf32, #tpu.memory_space<vmem_shared>>
      tpu.wait_dma2 semaphore(%run_scoped3A : memref<!tpu.dma_semaphore, #tpu.memory_space<semaphore_mem>>) src(%dma_wait3A_21 : memref<640x64xf32, #tpu.memory_space<vmem_shared>>) dst(%dma_wait3A_19 : memref<640x64xf32, #tpu.memory_space<hbm>>)
      tpu.yield
    }) : () -> ()
    return
  }
}

module attributes {stable_mosaic.version = 14 : i64} {
  func.func @_tc_a_body(%arg0: i32, %arg1: memref<1024x128xf32, #tpu.memory_space<vmem>>, %arg2: memref<128x64xf32, #tpu.memory_space<vmem>>, %arg3: memref<2x1024x8xf32, #tpu.memory_space<vmem>>, %arg4: memref<1024x1xi32, #tpu.memory_space<vmem>>, %arg5: memref<1024x64xf32, #tpu.memory_space<vmem>>, %arg6: memref<1024x8xf32, #tpu.memory_space<vmem>>, %arg7: memref<1024x64xf32, #tpu.memory_space<vmem>>) attributes {dimension_semantics = [#tpu.dimension_semantics<arbitrary>], iteration_bounds = array<i64: 10>, scalar_prefetch = 0 : i64, scratch_operands = 0 : i64, tpu.core_type = #tpu.core_type<tc>, window_params = [{transform_indices = @transform_0, window_bounds = array<i64: 1024, 128>}, {pipeline_mode = #tpu.pipeline_mode<synchronous>, transform_indices = @transform_1, window_bounds = array<i64: 128, 64>}, {transform_indices = @transform_2, window_bounds = array<i64: 2, 1024, 8>}, {transform_indices = @transform_3, window_bounds = array<i64: 1024, 1>}, {transform_indices = @transform_4, window_bounds = array<i64: 1024, 64>}, {transform_indices = @transform_5, window_bounds = array<i64: 1024, 8>}, {transform_indices = @transform_6, window_bounds = array<i64: 1024, 64>}]} {
    %get3A = arith.constant 0 : index
    %get3A_0 = arith.constant 0 : index
    %get3A_1 = arith.constant 0 : index
    %get3A_2 = vector.load %arg3[%get3A, %get3A_0, %get3A_1] : memref<2x1024x8xf32, #tpu.memory_space<vmem>>, vector<1x1024x8xf32>
    %get3A_3 = vector.shape_cast %get3A_2 : vector<1x1024x8xf32> to vector<1024x8xf32>
    %get3A_4 = arith.constant 1 : index
    %get3A_5 = arith.constant 0 : index
    %get3A_6 = arith.constant 0 : index
    %get3A_7 = vector.load %arg3[%get3A_4, %get3A_5, %get3A_6] : memref<2x1024x8xf32, #tpu.memory_space<vmem>>, vector<1x1024x8xf32>
    %get3A_8 = vector.shape_cast %get3A_7 : vector<1x1024x8xf32> to vector<1024x8xf32>
    %add3A = arith.addf %get3A_3, %get3A_8 : vector<1024x8xf32>
    %add3A_9 = arith.constant 1.000000e+00 : f32
    %add3A_10 = vector.broadcast %add3A_9 : f32 to vector<1024x8xf32>
    %add3A_11 = arith.addf %add3A, %add3A_10 : vector<1024x8xf32>
    %rsqrt3A = math.rsqrt %add3A_11 : vector<1024x8xf32>
    %mul3A = arith.constant 5.000000e-01 : f32
    %mul3A_12 = vector.broadcast %mul3A : f32 to vector<1024x8xf32>
    %mul3A_13 = arith.mulf %mul3A_12, %add3A_11 : vector<1024x8xf32>
    %mul3A_14 = arith.mulf %mul3A_13, %rsqrt3A : vector<1024x8xf32>
    %mul3A_15 = arith.mulf %mul3A_14, %rsqrt3A : vector<1024x8xf32>
    %sub3A = arith.constant 1.500000e+00 : f32
    %sub3A_16 = vector.broadcast %sub3A : f32 to vector<1024x8xf32>
    %sub3A_17 = arith.subf %sub3A_16, %mul3A_15 : vector<1024x8xf32>
    %mul3A_18 = arith.mulf %rsqrt3A, %sub3A_17 : vector<1024x8xf32>
    %swap3A = arith.constant 0 : index
    %swap3A_19 = arith.constant 0 : index
    %swap3A_20 = vector.load %arg6[%swap3A, %swap3A_19] : memref<1024x8xf32, #tpu.memory_space<vmem>>, vector<1024x8xf32>
    tpu.vector_store %arg6[%swap3A, %swap3A_19], %mul3A_18 {strides = array<i32>} : memref<1024x8xf32, #tpu.memory_space<vmem>>, vector<1024x8xf32>,
    %get3A_21 = arith.constant 0 : index
    %get3A_22 = arith.constant 0 : index
    %get3A_23 = vector.load %arg1[%get3A_21, %get3A_22] : memref<1024x128xf32, #tpu.memory_space<vmem>>, vector<1024x128xf32>
    %get3A_24 = arith.constant 0 : index
    %get3A_25 = arith.constant 0 : index
    %get3A_26 = vector.load %arg2[%get3A_24, %get3A_25] : memref<128x64xf32, #tpu.memory_space<vmem>>, vector<128x64xf32>
    %convert_element_type3A = arith.truncf %get3A_23 : vector<1024x128xf32> to vector<1024x128xbf16>
    %convert_element_type3A_27 = arith.truncf %get3A_26 : vector<128x64xf32> to vector<128x64xbf16>
    %dot_general3A = arith.constant dense<0.000000e+00> : vector<1024x64xf32>
    %dot_general3A_28 = tpu.matmul %convert_element_type3A, %convert_element_type3A_27, %dot_general3A {dimension_numbers = #tpu.dot_dimension_numbers<[1], [0], [0], [1], [0, 0, 1, 1], [], []>, transpose_lhs_hint = false} : vector<1024x128xbf16>, vector<128x64xbf16>, vector<1024x64xf32> -> vector<1024x64xf32>
    %slice3A = vector.extract_strided_slice %mul3A_18 {offsets = [0, 0], sizes = [1024, 1], strides = [1, 1]} : vector<1024x8xf32> to vector<1024x1xf32>
    %mul3A_29 = vector.broadcast %slice3A : vector<1024x1xf32> to vector<1024x64xf32>
    %mul3A_30 = arith.mulf %dot_general3A_28, %mul3A_29 : vector<1024x64xf32>
    %swap3A_31 = arith.constant 0 : index
    %swap3A_32 = arith.constant 0 : index
    %swap3A_33 = vector.load %arg5[%swap3A_31, %swap3A_32] : memref<1024x64xf32, #tpu.memory_space<vmem>>, vector<1024x64xf32>
    tpu.vector_store %arg5[%swap3A_31, %swap3A_32], %mul3A_30 {strides = array<i32>} : memref<1024x64xf32, #tpu.memory_space<vmem>>, vector<1024x64xf32>,
    %iota3A = tpu.iota {dimensions = array<i32: 1>} : vector<1x64xi32>
    %get3A_34 = arith.constant 0 : index
    %get3A_35 = arith.constant 0 : index
    %get3A_36 = vector.load %arg4[%get3A_34, %get3A_35] : memref<1024x1xi32, #tpu.memory_space<vmem>>, vector<1024x1xi32>
    %eq3A = vector.broadcast %get3A_36 : vector<1024x1xi32> to vector<1024x64xi32>
    %eq3A_37 = vector.broadcast %iota3A : vector<1x64xi32> to vector<1024x64xi32>
    %eq3A_38 = arith.cmpi eq, %eq3A, %eq3A_37 : vector<1024x64xi32>
    %convert_element_type3A_39 = arith.extui %eq3A_38 : vector<1024x64xi1> to vector<1024x64xi32>
    %convert_element_type3A_40 = arith.sitofp %convert_element_type3A_39 : vector<1024x64xi32> to vector<1024x64xf32>
    %slice3A_41 = vector.extract_strided_slice %mul3A_18 {offsets = [0, 0], sizes = [1024, 1], strides = [1, 1]} : vector<1024x8xf32> to vector<1024x1xf32>
    %mul3A_42 = vector.broadcast %slice3A_41 : vector<1024x1xf32> to vector<1024x64xf32>
    %mul3A_43 = arith.mulf %convert_element_type3A_40, %mul3A_42 : vector<1024x64xf32>
    %swap3A_44 = arith.constant 0 : index
    %swap3A_45 = arith.constant 0 : index
    %swap3A_46 = vector.load %arg7[%swap3A_44, %swap3A_45] : memref<1024x64xf32, #tpu.memory_space<vmem>>, vector<1024x64xf32>
    tpu.vector_store %arg7[%swap3A_44, %swap3A_45], %mul3A_43 {strides = array<i32>} : memref<1024x64xf32, #tpu.memory_space<vmem>>, vector<1024x64xf32>,
    return
  }
  func.func @transform_0(%arg0: i32) -> (i32, i32) {
    %c0_i32 = arith.constant 0 : i32
    %c0_i32_0 = arith.constant 0 : i32
    return %arg0, %c0_i32 : i32, i32
  }
  func.func @transform_1(%arg0: i32) -> (i32, i32) {
    %c0_i32 = arith.constant 0 : i32
    %c0_i32_0 = arith.constant 0 : i32
    %c0_i32_1 = arith.constant 0 : i32
    return %c0_i32, %c0_i32_0 : i32, i32
  }
  func.func @transform_2(%arg0: i32) -> (i32, i32, i32) {
    %c0_i32 = arith.constant 0 : i32
    %c0_i32_0 = arith.constant 0 : i32
    %c0_i32_1 = arith.constant 0 : i32
    return %c0_i32, %arg0, %c0_i32_0 : i32, i32, i32
  }
  func.func @transform_3(%arg0: i32) -> (i32, i32) {
    %c0_i32 = arith.constant 0 : i32
    %c0_i32_0 = arith.constant 0 : i32
    return %arg0, %c0_i32 : i32, i32
  }
  func.func @transform_4(%arg0: i32) -> (i32, i32) {
    %c0_i32 = arith.constant 0 : i32
    %c0_i32_0 = arith.constant 0 : i32
    return %arg0, %c0_i32 : i32, i32
  }
  func.func @transform_5(%arg0: i32) -> (i32, i32) {
    %c0_i32 = arith.constant 0 : i32
    %c0_i32_0 = arith.constant 0 : i32
    return %arg0, %c0_i32 : i32, i32
  }
  func.func @transform_6(%arg0: i32) -> (i32, i32) {
    %c0_i32 = arith.constant 0 : i32
    %c0_i32_0 = arith.constant 0 : i32
    return %arg0, %c0_i32 : i32, i32
  }
}

module attributes {stable_mosaic.version = 14 : i64} {
  func.func @_tc_b_body(%arg0: i32, %arg1: memref<2x1024x64xf32, #tpu.memory_space<vmem>>, %arg2: memref<1024x64xf32, #tpu.memory_space<vmem>>, %arg3: memref<1024x8xf32, #tpu.memory_space<vmem>>, %arg4: memref<1x64xf32, #tpu.memory_space<vmem>>, %arg5: memref<64x128xf32, #tpu.memory_space<vmem>>, %arg6: memref<1024x128xf32, #tpu.memory_space<vmem>>) attributes {dimension_semantics = [#tpu.dimension_semantics<arbitrary>], iteration_bounds = array<i64: 10>, scalar_prefetch = 0 : i64, scratch_operands = 0 : i64, tpu.core_type = #tpu.core_type<tc>, window_params = [{transform_indices = @transform_0, window_bounds = array<i64: 2, 1024, 64>}, {transform_indices = @transform_1, window_bounds = array<i64: 1024, 64>}, {transform_indices = @transform_2, window_bounds = array<i64: 1024, 8>}, {pipeline_mode = #tpu.pipeline_mode<synchronous>, transform_indices = @transform_3, window_bounds = array<i64: 1, 64>}, {pipeline_mode = #tpu.pipeline_mode<synchronous>, transform_indices = @transform_4, window_bounds = array<i64: 64, 128>}, {transform_indices = @transform_5, window_bounds = array<i64: 1024, 128>}]} {
    %get3A = arith.constant 0 : index
    %get3A_0 = arith.constant 0 : index
    %get3A_1 = vector.load %arg3[%get3A, %get3A_0] : memref<1024x8xf32, #tpu.memory_space<vmem>>, vector<1024x1xf32>
    %get3A_2 = arith.constant 0 : index
    %get3A_3 = arith.constant 0 : index
    %get3A_4 = arith.constant 0 : index
    %get3A_5 = vector.load %arg1[%get3A_2, %get3A_3, %get3A_4] : memref<2x1024x64xf32, #tpu.memory_space<vmem>>, vector<1x1024x64xf32>
    %get3A_6 = vector.shape_cast %get3A_5 : vector<1x1024x64xf32> to vector<1024x64xf32>
    %get3A_7 = arith.constant 1 : index
    %get3A_8 = arith.constant 0 : index
    %get3A_9 = arith.constant 0 : index
    %get3A_10 = vector.load %arg1[%get3A_7, %get3A_8, %get3A_9] : memref<2x1024x64xf32, #tpu.memory_space<vmem>>, vector<1x1024x64xf32>
    %get3A_11 = vector.shape_cast %get3A_10 : vector<1x1024x64xf32> to vector<1024x64xf32>
    %add3A = arith.addf %get3A_6, %get3A_11 : vector<1024x64xf32>
    %get3A_12 = arith.constant 0 : index
    %get3A_13 = arith.constant 0 : index
    %get3A_14 = vector.load %arg2[%get3A_12, %get3A_13] : memref<1024x64xf32, #tpu.memory_space<vmem>>, vector<1024x64xf32>
    %add3A_15 = arith.addf %add3A, %get3A_14 : vector<1024x64xf32>
    %mul3A = vector.broadcast %get3A_1 : vector<1024x1xf32> to vector<1024x64xf32>
    %mul3A_16 = arith.mulf %mul3A, %add3A_15 : vector<1024x64xf32>
    %get3A_17 = arith.constant 0 : index
    %get3A_18 = arith.constant 0 : index
    %get3A_19 = vector.load %arg4[%get3A_17, %get3A_18] : memref<1x64xf32, #tpu.memory_space<vmem>>, vector<1x64xf32>
    %add3A_20 = vector.broadcast %get3A_19 : vector<1x64xf32> to vector<1024x64xf32>
    %add3A_21 = arith.addf %mul3A_16, %add3A_20 : vector<1024x64xf32>
    %max3A = arith.constant 0.000000e+00 : f32
    %max3A_22 = vector.broadcast %max3A : f32 to vector<1024x64xf32>
    %max3A_23 = arith.maximumf %add3A_21, %max3A_22 : vector<1024x64xf32>
    %get3A_24 = arith.constant 0 : index
    %get3A_25 = arith.constant 0 : index
    %get3A_26 = vector.load %arg5[%get3A_24, %get3A_25] : memref<64x128xf32, #tpu.memory_space<vmem>>, vector<64x128xf32>
    %convert_element_type3A = arith.truncf %max3A_23 : vector<1024x64xf32> to vector<1024x64xbf16>
    %convert_element_type3A_27 = arith.truncf %get3A_26 : vector<64x128xf32> to vector<64x128xbf16>
    %dot_general3A = arith.constant dense<0.000000e+00> : vector<1024x128xf32>
    %dot_general3A_28 = tpu.matmul %convert_element_type3A, %convert_element_type3A_27, %dot_general3A {dimension_numbers = #tpu.dot_dimension_numbers<[1], [0], [0], [1], [0, 0, 1, 1], [], []>, transpose_lhs_hint = false} : vector<1024x64xbf16>, vector<64x128xbf16>, vector<1024x128xf32> -> vector<1024x128xf32>
    %mul3A_29 = vector.broadcast %get3A_1 : vector<1024x1xf32> to vector<1024x128xf32>
    %mul3A_30 = arith.mulf %mul3A_29, %dot_general3A_28 : vector<1024x128xf32>
    %swap3A = arith.constant 0 : index
    %swap3A_31 = arith.constant 0 : index
    %swap3A_32 = vector.load %arg6[%swap3A, %swap3A_31] : memref<1024x128xf32, #tpu.memory_space<vmem>>, vector<1024x128xf32>
    tpu.vector_store %arg6[%swap3A, %swap3A_31], %mul3A_30 {strides = array<i32>} : memref<1024x128xf32, #tpu.memory_space<vmem>>, vector<1024x128xf32>,
    return
  }
  func.func @transform_0(%arg0: i32) -> (i32, i32, i32) {
    %c0_i32 = arith.constant 0 : i32
    %c0_i32_0 = arith.constant 0 : i32
    %c0_i32_1 = arith.constant 0 : i32
    return %c0_i32, %arg0, %c0_i32_0 : i32, i32, i32
  }
  func.func @transform_1(%arg0: i32) -> (i32, i32) {
    %c0_i32 = arith.constant 0 : i32
    %c0_i32_0 = arith.constant 0 : i32
    return %arg0, %c0_i32 : i32, i32
  }
  func.func @transform_2(%arg0: i32) -> (i32, i32) {
    %c0_i32 = arith.constant 0 : i32
    %c0_i32_0 = arith.constant 0 : i32
    return %arg0, %c0_i32 : i32, i32
  }
  func.func @transform_3(%arg0: i32) -> (i32, i32) {
    %c0_i32 = arith.constant 0 : i32
    %c0_i32_0 = arith.constant 0 : i32
    %c0_i32_1 = arith.constant 0 : i32
    return %c0_i32, %c0_i32_0 : i32, i32
  }
  func.func @transform_4(%arg0: i32) -> (i32, i32) {
    %c0_i32 = arith.constant 0 : i32
    %c0_i32_0 = arith.constant 0 : i32
    %c0_i32_1 = arith.constant 0 : i32
    return %c0_i32, %c0_i32_0 : i32, i32
  }
  func.func @transform_5(%arg0: i32) -> (i32, i32) {
    %c0_i32 = arith.constant 0 : i32
    %c0_i32_0 = arith.constant 0 : i32
    return %arg0, %c0_i32 : i32, i32
  }
}

module attributes {stable_mosaic.version = 14 : i64} {
  func.func @_tc_c_body(%arg0: i32, %arg1: memref<2x1024x128xf32, #tpu.memory_space<vmem>>, %arg2: memref<1024x128xf32, #tpu.memory_space<vmem>>, %arg3: memref<1024x8xf32, #tpu.memory_space<vmem>>, %arg4: memref<1x128xf32, #tpu.memory_space<vmem>>, %arg5: memref<128x256xf32, #tpu.memory_space<vmem>>, %arg6: memref<1024x256xf32, #tpu.memory_space<vmem>>) attributes {dimension_semantics = [#tpu.dimension_semantics<arbitrary>], iteration_bounds = array<i64: 10>, scalar_prefetch = 0 : i64, scratch_operands = 0 : i64, tpu.core_type = #tpu.core_type<tc>, window_params = [{transform_indices = @transform_0, window_bounds = array<i64: 2, 1024, 128>}, {transform_indices = @transform_1, window_bounds = array<i64: 1024, 128>}, {transform_indices = @transform_2, window_bounds = array<i64: 1024, 8>}, {pipeline_mode = #tpu.pipeline_mode<synchronous>, transform_indices = @transform_3, window_bounds = array<i64: 1, 128>}, {pipeline_mode = #tpu.pipeline_mode<synchronous>, transform_indices = @transform_4, window_bounds = array<i64: 128, 256>}, {transform_indices = @transform_5, window_bounds = array<i64: 1024, 256>}]} {
    %get3A = arith.constant 0 : index
    %get3A_0 = arith.constant 0 : index
    %get3A_1 = vector.load %arg3[%get3A, %get3A_0] : memref<1024x8xf32, #tpu.memory_space<vmem>>, vector<1024x1xf32>
    %get3A_2 = arith.constant 0 : index
    %get3A_3 = arith.constant 0 : index
    %get3A_4 = arith.constant 0 : index
    %get3A_5 = vector.load %arg1[%get3A_2, %get3A_3, %get3A_4] : memref<2x1024x128xf32, #tpu.memory_space<vmem>>, vector<1x1024x128xf32>
    %get3A_6 = vector.shape_cast %get3A_5 : vector<1x1024x128xf32> to vector<1024x128xf32>
    %get3A_7 = arith.constant 1 : index
    %get3A_8 = arith.constant 0 : index
    %get3A_9 = arith.constant 0 : index
    %get3A_10 = vector.load %arg1[%get3A_7, %get3A_8, %get3A_9] : memref<2x1024x128xf32, #tpu.memory_space<vmem>>, vector<1x1024x128xf32>
    %get3A_11 = vector.shape_cast %get3A_10 : vector<1x1024x128xf32> to vector<1024x128xf32>
    %add3A = arith.addf %get3A_6, %get3A_11 : vector<1024x128xf32>
    %get3A_12 = arith.constant 0 : index
    %get3A_13 = arith.constant 0 : index
    %get3A_14 = vector.load %arg2[%get3A_12, %get3A_13] : memref<1024x128xf32, #tpu.memory_space<vmem>>, vector<1024x128xf32>
    %add3A_15 = arith.addf %add3A, %get3A_14 : vector<1024x128xf32>
    %mul3A = vector.broadcast %get3A_1 : vector<1024x1xf32> to vector<1024x128xf32>
    %mul3A_16 = arith.mulf %mul3A, %add3A_15 : vector<1024x128xf32>
    %get3A_17 = arith.constant 0 : index
    %get3A_18 = arith.constant 0 : index
    %get3A_19 = vector.load %arg4[%get3A_17, %get3A_18] : memref<1x128xf32, #tpu.memory_space<vmem>>, vector<1x128xf32>
    %add3A_20 = vector.broadcast %get3A_19 : vector<1x128xf32> to vector<1024x128xf32>
    %add3A_21 = arith.addf %mul3A_16, %add3A_20 : vector<1024x128xf32>
    %max3A = arith.constant 0.000000e+00 : f32
    %max3A_22 = vector.broadcast %max3A : f32 to vector<1024x128xf32>
    %max3A_23 = arith.maximumf %add3A_21, %max3A_22 : vector<1024x128xf32>
    %get3A_24 = arith.constant 0 : index
    %get3A_25 = arith.constant 0 : index
    %get3A_26 = vector.load %arg5[%get3A_24, %get3A_25] : memref<128x256xf32, #tpu.memory_space<vmem>>, vector<128x256xf32>
    %convert_element_type3A = arith.truncf %max3A_23 : vector<1024x128xf32> to vector<1024x128xbf16>
    %convert_element_type3A_27 = arith.truncf %get3A_26 : vector<128x256xf32> to vector<128x256xbf16>
    %dot_general3A = arith.constant dense<0.000000e+00> : vector<1024x256xf32>
    %dot_general3A_28 = tpu.matmul %convert_element_type3A, %convert_element_type3A_27, %dot_general3A {dimension_numbers = #tpu.dot_dimension_numbers<[1], [0], [0], [1], [0, 0, 1, 1], [], []>, transpose_lhs_hint = false} : vector<1024x128xbf16>, vector<128x256xbf16>, vector<1024x256xf32> -> vector<1024x256xf32>
    %mul3A_29 = vector.broadcast %get3A_1 : vector<1024x1xf32> to vector<1024x256xf32>
    %mul3A_30 = arith.mulf %mul3A_29, %dot_general3A_28 : vector<1024x256xf32>
    %swap3A = arith.constant 0 : index
    %swap3A_31 = arith.constant 0 : index
    %swap3A_32 = vector.load %arg6[%swap3A, %swap3A_31] : memref<1024x256xf32, #tpu.memory_space<vmem>>, vector<1024x256xf32>
    tpu.vector_store %arg6[%swap3A, %swap3A_31], %mul3A_30 {strides = array<i32>} : memref<1024x256xf32, #tpu.memory_space<vmem>>, vector<1024x256xf32>,
    return
  }
  func.func @transform_0(%arg0: i32) -> (i32, i32, i32) {
    %c0_i32 = arith.constant 0 : i32
    %c0_i32_0 = arith.constant 0 : i32
    %c0_i32_1 = arith.constant 0 : i32
    return %c0_i32, %arg0, %c0_i32_0 : i32, i32, i32
  }
  func.func @transform_1(%arg0: i32) -> (i32, i32) {
    %c0_i32 = arith.constant 0 : i32
    %c0_i32_0 = arith.constant 0 : i32
    return %arg0, %c0_i32 : i32, i32
  }
  func.func @transform_2(%arg0: i32) -> (i32, i32) {
    %c0_i32 = arith.constant 0 : i32
    %c0_i32_0 = arith.constant 0 : i32
    return %arg0, %c0_i32 : i32, i32
  }
  func.func @transform_3(%arg0: i32) -> (i32, i32) {
    %c0_i32 = arith.constant 0 : i32
    %c0_i32_0 = arith.constant 0 : i32
    %c0_i32_1 = arith.constant 0 : i32
    return %c0_i32, %c0_i32_0 : i32, i32
  }
  func.func @transform_4(%arg0: i32) -> (i32, i32) {
    %c0_i32 = arith.constant 0 : i32
    %c0_i32_0 = arith.constant 0 : i32
    %c0_i32_1 = arith.constant 0 : i32
    return %c0_i32, %c0_i32_0 : i32, i32
  }
  func.func @transform_5(%arg0: i32) -> (i32, i32) {
    %c0_i32 = arith.constant 0 : i32
    %c0_i32_0 = arith.constant 0 : i32
    return %arg0, %c0_i32 : i32, i32
  }
}

module attributes {stable_mosaic.version = 14 : i64} {
  func.func @_tc_d_body(%arg0: i32, %arg1: memref<2x1024x64xf32, #tpu.memory_space<vmem>>, %arg2: memref<1024x64xf32, #tpu.memory_space<vmem>>, %arg3: memref<1024x256xf32, #tpu.memory_space<vmem>>, %arg4: memref<1024x1xi32, #tpu.memory_space<vmem>>, %arg5: memref<1x256xf32, #tpu.memory_space<vmem>>, %arg6: memref<256x1xf32, #tpu.memory_space<vmem>>, %arg7: memref<1x1xf32, #tpu.memory_space<vmem>>, %arg8: memref<64x1xf32, #tpu.memory_space<vmem>>, %arg9: memref<64x256xf32, #tpu.memory_space<vmem>>, %arg10: memref<64x8xf32, #tpu.memory_space<vmem>>) attributes {dimension_semantics = [#tpu.dimension_semantics<arbitrary>], iteration_bounds = array<i64: 10>, scalar_prefetch = 0 : i64, scratch_operands = 2 : i64, tpu.core_type = #tpu.core_type<tc>, window_params = [{transform_indices = @transform_0, window_bounds = array<i64: 2, 1024, 64>}, {transform_indices = @transform_1, window_bounds = array<i64: 1024, 64>}, {transform_indices = @transform_2, window_bounds = array<i64: 1024, 256>}, {transform_indices = @transform_3, window_bounds = array<i64: 1024, 1>}, {pipeline_mode = #tpu.pipeline_mode<synchronous>, transform_indices = @transform_4, window_bounds = array<i64: 1, 256>}, {pipeline_mode = #tpu.pipeline_mode<synchronous>, transform_indices = @transform_5, window_bounds = array<i64: 256, 1>}, {pipeline_mode = #tpu.pipeline_mode<synchronous>, transform_indices = @transform_6, window_bounds = array<i64: 1, 1>}, {pipeline_mode = #tpu.pipeline_mode<synchronous>, transform_indices = @transform_7, window_bounds = array<i64: 64, 1>}]} {
    %eq3A = arith.constant 0 : i32
    %eq3A_0 = arith.cmpi eq, %arg0, %eq3A : i32
    %convert_element_type3A = arith.extui %eq3A_0 : i1 to i32
    %cond3A = arith.constant 0 : i32
    %cond3A_1 = arith.cmpi ne, %convert_element_type3A, %cond3A : i32
    scf.if %cond3A_1 {
      %broadcast_in_dim3A_48 = arith.constant 0.000000e+00 : f32
      %broadcast_in_dim3A_49 = vector.broadcast %broadcast_in_dim3A_48 : f32 to vector<64x256xf32>
      %swap3A_50 = arith.constant 0 : index
      %swap3A_51 = arith.constant 0 : index
      %swap3A_52 = vector.load %arg9[%swap3A_50, %swap3A_51] : memref<64x256xf32, #tpu.memory_space<vmem>>, vector<64x256xf32>
      tpu.vector_store %arg9[%swap3A_50, %swap3A_51], %broadcast_in_dim3A_49 {strides = array<i32>} : memref<64x256xf32, #tpu.memory_space<vmem>>, vector<64x256xf32>,
      %broadcast_in_dim3A_53 = arith.constant 0.000000e+00 : f32
      %broadcast_in_dim3A_54 = vector.broadcast %broadcast_in_dim3A_53 : f32 to vector<64x8xf32>
      %swap3A_55 = arith.constant 0 : index
      %swap3A_56 = arith.constant 0 : index
      %swap3A_57 = vector.load %arg10[%swap3A_55, %swap3A_56] : memref<64x8xf32, #tpu.memory_space<vmem>>, vector<64x8xf32>
      tpu.vector_store %arg10[%swap3A_55, %swap3A_56], %broadcast_in_dim3A_54 {strides = array<i32>} : memref<64x8xf32, #tpu.memory_space<vmem>>, vector<64x8xf32>,
    } else {
    }
    %get3A = arith.constant 0 : index
    %get3A_2 = arith.constant 0 : index
    %get3A_3 = arith.constant 0 : index
    %get3A_4 = vector.load %arg1[%get3A, %get3A_2, %get3A_3] : memref<2x1024x64xf32, #tpu.memory_space<vmem>>, vector<1x1024x64xf32>
    %get3A_5 = vector.shape_cast %get3A_4 : vector<1x1024x64xf32> to vector<1024x64xf32>
    %get3A_6 = arith.constant 1 : index
    %get3A_7 = arith.constant 0 : index
    %get3A_8 = arith.constant 0 : index
    %get3A_9 = vector.load %arg1[%get3A_6, %get3A_7, %get3A_8] : memref<2x1024x64xf32, #tpu.memory_space<vmem>>, vector<1x1024x64xf32>
    %get3A_10 = vector.shape_cast %get3A_9 : vector<1x1024x64xf32> to vector<1024x64xf32>
    %add3A = arith.addf %get3A_5, %get3A_10 : vector<1024x64xf32>
    %get3A_11 = arith.constant 0 : index
    %get3A_12 = arith.constant 0 : index
    %get3A_13 = vector.load %arg2[%get3A_11, %get3A_12] : memref<1024x64xf32, #tpu.memory_space<vmem>>, vector<1024x64xf32>
    %add3A_14 = arith.addf %add3A, %get3A_13 : vector<1024x64xf32>
    %get3A_15 = arith.constant 0 : index
    %get3A_16 = arith.constant 0 : index
    %get3A_17 = vector.load %arg9[%get3A_15, %get3A_16] : memref<64x256xf32, #tpu.memory_space<vmem>>, vector<64x256xf32>
    %get3A_18 = arith.constant 0 : index
    %get3A_19 = arith.constant 0 : index
    %get3A_20 = vector.load %arg3[%get3A_18, %get3A_19] : memref<1024x256xf32, #tpu.memory_space<vmem>>, vector<1024x256xf32>
    %dot_general3A = arith.constant dense<0.000000e+00> : vector<64x256xf32>
    %dot_general3A_21 = tpu.matmul %add3A_14, %get3A_20, %dot_general3A {dimension_numbers = #tpu.dot_dimension_numbers<[0], [0], [1], [1], [0, 1, 1, 1], [], []>, precision = #tpu.contract_precision<fp32>, transpose_lhs_hint = false} : vector<1024x64xf32>, vector<1024x256xf32>, vector<64x256xf32> -> vector<64x256xf32>
    %add3A_22 = arith.addf %get3A_17, %dot_general3A_21 : vector<64x256xf32>
    %swap3A = arith.constant 0 : index
    %swap3A_23 = arith.constant 0 : index
    %swap3A_24 = vector.load %arg9[%swap3A, %swap3A_23] : memref<64x256xf32, #tpu.memory_space<vmem>>, vector<64x256xf32>
    tpu.vector_store %arg9[%swap3A, %swap3A_23], %add3A_22 {strides = array<i32>} : memref<64x256xf32, #tpu.memory_space<vmem>>, vector<64x256xf32>,
    %iota3A = tpu.iota {dimensions = array<i32: 1>} : vector<1x64xi32>
    %get3A_25 = arith.constant 0 : index
    %get3A_26 = arith.constant 0 : index
    %get3A_27 = vector.load %arg4[%get3A_25, %get3A_26] : memref<1024x1xi32, #tpu.memory_space<vmem>>, vector<1024x1xi32>
    %eq3A_28 = vector.broadcast %get3A_27 : vector<1024x1xi32> to vector<1024x64xi32>
    %eq3A_29 = vector.broadcast %iota3A : vector<1x64xi32> to vector<1024x64xi32>
    %eq3A_30 = arith.cmpi eq, %eq3A_28, %eq3A_29 : vector<1024x64xi32>
    %convert_element_type3A_31 = arith.extui %eq3A_30 : vector<1024x64xi1> to vector<1024x64xi32>
    %convert_element_type3A_32 = arith.sitofp %convert_element_type3A_31 : vector<1024x64xi32> to vector<1024x64xf32>
    %get3A_33 = arith.constant 0 : index
    %get3A_34 = arith.constant 0 : index
    %get3A_35 = vector.load %arg10[%get3A_33, %get3A_34] : memref<64x8xf32, #tpu.memory_space<vmem>>, vector<64x8xf32>
    %broadcast_in_dim3A = arith.constant 1.000000e+00 : f32
    %broadcast_in_dim3A_36 = vector.broadcast %broadcast_in_dim3A : f32 to vector<1024x8xf32>
    %dot_general3A_37 = arith.constant dense<0.000000e+00> : vector<64x8xf32>
    %dot_general3A_38 = tpu.matmul %convert_element_type3A_32, %broadcast_in_dim3A_36, %dot_general3A_37 {dimension_numbers = #tpu.dot_dimension_numbers<[0], [0], [1], [1], [0, 1, 1, 1], [], []>, precision = #tpu.contract_precision<fp32>, transpose_lhs_hint = false} : vector<1024x64xf32>, vector<1024x8xf32>, vector<64x8xf32> -> vector<64x8xf32>
    %add3A_39 = arith.addf %get3A_35, %dot_general3A_38 : vector<64x8xf32>
    %swap3A_40 = arith.constant 0 : index
    %swap3A_41 = arith.constant 0 : index
    %swap3A_42 = vector.load %arg10[%swap3A_40, %swap3A_41] : memref<64x8xf32, #tpu.memory_space<vmem>>, vector<64x8xf32>
    tpu.vector_store %arg10[%swap3A_40, %swap3A_41], %add3A_39 {strides = array<i32>} : memref<64x8xf32, #tpu.memory_space<vmem>>, vector<64x8xf32>,
    %eq3A_43 = arith.constant 9 : i32
    %eq3A_44 = arith.cmpi eq, %arg0, %eq3A_43 : i32
    %convert_element_type3A_45 = arith.extui %eq3A_44 : i1 to i32
    %cond3A_46 = arith.constant 0 : i32
    %cond3A_47 = arith.cmpi ne, %convert_element_type3A_45, %cond3A_46 : i32
    scf.if %cond3A_47 {
      %get3A_48 = arith.constant 0 : index
      %get3A_49 = arith.constant 0 : index
      %get3A_50 = vector.load %arg10[%get3A_48, %get3A_49] : memref<64x8xf32, #tpu.memory_space<vmem>>, vector<64x1xf32>
      %get3A_51 = arith.constant 0 : index
      %get3A_52 = arith.constant 0 : index
      %get3A_53 = vector.load %arg9[%get3A_51, %get3A_52] : memref<64x256xf32, #tpu.memory_space<vmem>>, vector<64x256xf32>
      %get3A_54 = arith.constant 0 : index
      %get3A_55 = arith.constant 0 : index
      %get3A_56 = vector.load %arg5[%get3A_54, %get3A_55] : memref<1x256xf32, #tpu.memory_space<vmem>>, vector<1x256xf32>
      %mul3A = vector.broadcast %get3A_50 : vector<64x1xf32> to vector<64x256xf32>
      %mul3A_57 = vector.broadcast %get3A_56 : vector<1x256xf32> to vector<64x256xf32>
      %mul3A_58 = arith.mulf %mul3A, %mul3A_57 : vector<64x256xf32>
      %add3A_59 = arith.addf %get3A_53, %mul3A_58 : vector<64x256xf32>
      %max3A = arith.constant 1.000000e+00 : f32
      %max3A_60 = vector.broadcast %max3A : f32 to vector<64x1xf32>
      %max3A_61 = arith.maximumf %get3A_50, %max3A_60 : vector<64x1xf32>
      %div3A = vector.broadcast %max3A_61 : vector<64x1xf32> to vector<64x256xf32>
      %div3A_62 = arith.divf %add3A_59, %div3A : vector<64x256xf32>
      %get3A_63 = arith.constant 0 : index
      %get3A_64 = arith.constant 0 : index
      %get3A_65 = vector.load %arg6[%get3A_63, %get3A_64] : memref<256x1xf32, #tpu.memory_space<vmem>>, vector<256x1xf32>
      %convert_element_type3A_66 = arith.truncf %div3A_62 : vector<64x256xf32> to vector<64x256xbf16>
      %convert_element_type3A_67 = arith.truncf %get3A_65 : vector<256x1xf32> to vector<256x1xbf16>
      %dot_general3A_68 = arith.constant dense<0.000000e+00> : vector<64x1xf32>
      %dot_general3A_69 = tpu.matmul %convert_element_type3A_66, %convert_element_type3A_67, %dot_general3A_68 {dimension_numbers = #tpu.dot_dimension_numbers<[1], [0], [0], [1], [0, 0, 1, 1], [], []>, transpose_lhs_hint = false} : vector<64x256xbf16>, vector<256x1xbf16>, vector<64x1xf32> -> vector<64x1xf32>
      %get3A_70 = arith.constant 0 : index
      %get3A_71 = arith.constant 0 : index
      %get3A_72 = vector.load %arg7[%get3A_70, %get3A_71] : memref<1x1xf32, #tpu.memory_space<vmem>>, vector<1x1xf32>
      %add3A_73 = vector.broadcast %get3A_72 : vector<1x1xf32> to vector<64x1xf32>
      %add3A_74 = arith.addf %dot_general3A_69, %add3A_73 : vector<64x1xf32>
      %swap3A_75 = arith.constant 0 : index
      %swap3A_76 = arith.constant 0 : index
      %swap3A_77 = vector.load %arg8[%swap3A_75, %swap3A_76] : memref<64x1xf32, #tpu.memory_space<vmem>>, vector<64x1xf32>
      tpu.vector_store %arg8[%swap3A_75, %swap3A_76], %add3A_74 {strides = array<i32>} : memref<64x1xf32, #tpu.memory_space<vmem>>, vector<64x1xf32>,
    } else {
    }
    return
  }
  func.func @transform_0(%arg0: i32) -> (i32, i32, i32) {
    %c0_i32 = arith.constant 0 : i32
    %c0_i32_0 = arith.constant 0 : i32
    %c0_i32_1 = arith.constant 0 : i32
    return %c0_i32, %arg0, %c0_i32_0 : i32, i32, i32
  }
  func.func @transform_1(%arg0: i32) -> (i32, i32) {
    %c0_i32 = arith.constant 0 : i32
    %c0_i32_0 = arith.constant 0 : i32
    return %arg0, %c0_i32 : i32, i32
  }
  func.func @transform_2(%arg0: i32) -> (i32, i32) {
    %c0_i32 = arith.constant 0 : i32
    %c0_i32_0 = arith.constant 0 : i32
    return %arg0, %c0_i32 : i32, i32
  }
  func.func @transform_3(%arg0: i32) -> (i32, i32) {
    %c0_i32 = arith.constant 0 : i32
    %c0_i32_0 = arith.constant 0 : i32
    return %arg0, %c0_i32 : i32, i32
  }
  func.func @transform_4(%arg0: i32) -> (i32, i32) {
    %c0_i32 = arith.constant 0 : i32
    %c0_i32_0 = arith.constant 0 : i32
    %c0_i32_1 = arith.constant 0 : i32
    return %c0_i32, %c0_i32_0 : i32, i32
  }
  func.func @transform_5(%arg0: i32) -> (i32, i32) {
    %c0_i32 = arith.constant 0 : i32
    %c0_i32_0 = arith.constant 0 : i32
    %c0_i32_1 = arith.constant 0 : i32
    return %c0_i32, %c0_i32_0 : i32, i32
  }
  func.func @transform_6(%arg0: i32) -> (i32, i32) {
    %c0_i32 = arith.constant 0 : i32
    %c0_i32_0 = arith.constant 0 : i32
    %c0_i32_1 = arith.constant 0 : i32
    return %c0_i32, %c0_i32_0 : i32, i32
  }
  func.func @transform_7(%arg0: i32) -> (i32, i32) {
    %c0_i32 = arith.constant 0 : i32
    %c0_i32_0 = arith.constant 0 : i32
    %c0_i32_1 = arith.constant 0 : i32
    return %c0_i32, %c0_i32_0 : i32, i32
  }
}

</mosaic_0001>

<sc_bundles>
// kernel: kernel.10.cloned.1.call-start
scs
__scs_entry_jumppad:
0x0: {  	(pc) =	sbr.rel $0x88, $3  }
0x1: {  	(tag) =	ssettag $0x0;
	lr =	simm.s32 $0x1  }
0x2: {  	[smem:$0x3F96] =	sst lr;
	_ =	strace $0xD0000000  }
0x3: {  	_ = 	snop  }
0x4: {  	_ = 	snop  }
0x5: {  	_ = 	snop  }
0x6: {  	_ = 	snop  }
0x7: {  	_ = 	snop  }
__scs_overlays_trampoline_lowered:
0x8: {  	[smem:$0x3FA5] =	sst s0  }
0x9: {  	[smem:$0x3FA6] =	sst s1  }
0xa: {  	[smem:$0x3FA7] =	sst s2  }
0xb: {  	[smem:$0x3FA8] =	sst s3  }
0xc: {  	[smem:$0x3FA9] =	sst s4  }
0xd: {  	[smem:$0x3FAA] =	sst s5  }
0xe: {  	[smem:$0x3FAB] =	sst s6  }
0xf: {  	[smem:$0x3FAC] =	sst s7  }
0x10: {  	[smem:$0x3FAD] =	sst s8  }
0x11: {  	[smem:$0x3FAE] =	sst s9;
	s0 =	simm.s32 @!p0 $0x0  }
0x12: {  	s1 =	sld [smem:$0x3F94];
	s0 =	simm.s32 @p0 $0x1  }
0x13: {  	[smem:$0x3FAF] =	sst s0;
	s0 =	simm.s32 @!p1 $0x0  }
0x14: {  	s2 =	sld [smem:$0x3F93];
	s0 =	simm.s32 @p1 $0x1  }
0x15: {  	[smem:$0x3FB0] =	sst s0;
	s0 =	simm.s32 @!p2 $0x0  }
0x16: {  	s3 =	sld [smem:$0x3FDB];
	s0 =	simm.s32 @p2 $0x1  }
0x17: {  	s4 =	simm.s32 $0x1BF5;
	[smem:$0x3FB2] =	sst s0  }
0x18: {  	s0 =	sld [smem:$0x3F95];
	_ =	swait.ge [sflag:s4], $0x0  }
0x19: {  	s7 =	sld [smem:$0x3F96]  }
0x1a: {  	s8 =	sadd.s32 $0xFFFFE003, lr  }
0x1b: {  	s9 =	sadd.s32 $0xFFFFFEF7, lr;
	s5 =	simm.s32 $0xFFFFFFFF;
	p2 =	slt.u32 s8, $0xFFFFF086  }
0x1c: {  	p1 =	slt.u32 s9, $0xF7A;
	s5 =	simm.s32 @!p2 $0x0  }
0x1d: {  	s5 =	simm.s32 @p1 $0x1;
	p0 =	seq.s32 s7, s2  }
0x1e: {  	s7 =	smul.u32 @!p0 $0xF7A, s2;
	p2 =	seq.s32 @!p0 s5, $0x0  }
0x1f: {  	s9 =	smul.u32 $0xF7A, s1;
	s8 =	simm.s32 @!p0 $0x1BF5;
	p2 =	por !p2, p0  }
0x20: {  	[sflag:s8] =	ssyncset.s32 @!p0 $0xFFFFF086;
	s6 =	sadd.s32 @!p0 s3, s7;
	s7 =	simm.s32 @!p0 $0x108  }
0x21: {  	s3 =	sadd.s32 s3, s9;
	s6 =	sadd.s32 @!p0 $0x88, s6;
	s7 =	simm.s32 @p2 $0x1082  }
0x22: {  	[simem:s7], [sflag:s8] =	dma.local @!p0 [hbm:s6], $0xF7A  }
0x23: {  	s9 =	sor.u32 $0xD0000000, s2;
	s6 =	simm.s32 $0x108;
	_ =	swait.ge @!p0 [sflag:s8], $0x0  }
0x24: {  	s3 =	sadd.s32 $0x88, s3;
	s6 =	simm.s32 @!p1 $0x1082;
	[sflag:s4] =	ssyncset.s32 $0xFFFFF086  }
0x25: {  	[simem:s6], [sflag:s4] =	dma.local [hbm:s3], $0xF7A  }
0x26: {  	[smem:$0x3F96] =	sst s1;
	(tag) =	ssettag s2;
	_ =	strace s9  }
0x27: {  	s1 =	sld [smem:$0x3FA6]  }
0x28: {  	s2 =	sld [smem:$0x3FA7]  }
0x29: {  	s4 =	sld [smem:$0x3FA9]  }
0x2a: {  	p0 =	seq.s32 s5, $0x0;
	s5 =	sld [smem:$0x3FAA]  }
0x2b: {  	s6 =	sld [smem:$0x3FAB]  }
0x2c: {  	s7 =	sld [smem:$0x3FAC]  }
0x2d: {  	s3 =	simm.s32 $0x108;
	s8 =	sld [smem:$0x3FAD]  }
0x2e: {  	s3 =	simm.s32 @!p0 $0x1082;
	s9 =	sld [smem:$0x3FAE]  }
0x2f: {  	lr =	sadd.s32 s0, s3;
	s0 =	sld [smem:$0x3FA5]  }
0x30: {  	s3 =	sld [smem:$0x3FA8]  }
0x31: {  	[smem:$0x3FB1] =	sst s10  }
0x32: {  	s10 =	sld [smem:$0x3FAF];
	_ =	sdelay $0x3  }
0x33: {  	p0 =	seq.s32 s10, $0x1;
	s10 =	sld [smem:$0x3FB1];
	_ =	sdelay $0x3  }
0x34: {  	[smem:$0x3FB1] =	sst s10  }
0x35: {  	s10 =	sld [smem:$0x3FB0];
	_ =	sdelay $0x3  }
0x36: {  	p1 =	seq.s32 s10, $0x1;
	s10 =	sld [smem:$0x3FB1];
	_ =	sdelay $0x3  }
0x37: {  	[smem:$0x3FB1] =	sst s10  }
0x38: {  	s10 =	sld [smem:$0x3FB2]  }
0x39: {  	_ = 	snop;
	(pc) =	sbr.ind lr, $3  }
0x3a: {  	_ = 	snop  }
0x3b: {  	_ = 	snop  }
0x3c: {  	p2 =	seq.s32 s10, $0x1;
	s10 =	sld [smem:$0x3FB1]  }
0x3d: {  	_ =	shalt  }
0x3e: {  	_ =	shalt  }
0x3f: {  	_ =	shalt  }
0x40: {  	_ =	shalt  }
0x41: {  	_ =	shalt  }
0x42: {  	_ =	shalt  }
0x43: {  	_ =	shalt  }
0x44: {  	_ =	shalt  }
0x45: {  	_ =	shalt  }
0x46: {  	_ =	shalt  }
0x47: {  	_ =	shalt  }
0x48: {  	_ =	shalt  }
0x49: {  	_ =	shalt  }
0x4a: {  	_ =	shalt  }
0x4b: {  	_ =	shalt  }
0x4c: {  	_ =	shalt  }
0x4d: {  	_ =	shalt  }
0x4e: {  	_ =	shalt  }
0x4f: {  	_ =	shalt  }
0x50: {  	_ =	shalt  }
0x51: {  	_ =	shalt  }
0x52: {  	_ =	shalt  }
0x53: {  	_ =	shalt  }
0x54: {  	_ =	shalt  }
0x55: {  	_ =	shalt  }
0x56: {  	_ =	shalt  }
0x57: {  	_ =	shalt  }
0x58: {  	_ =	shalt  }
0x59: {  	_ =	shalt  }
0x5a: {  	_ =	shalt  }
0x5b: {  	_ =	shalt  }
0x5c: {  	_ =	shalt  }
0x5d: {  	_ =	shalt  }
0x5e: {  	_ =	shalt  }
0x5f: {  	_ =	shalt  }
0x60: {  	_ =	shalt  }
0x61: {  	_ =	shalt  }
0x62: {  	_ =	shalt  }
0x63: {  	_ =	shalt  }
0x64: {  	_ =	shalt  }
0x65: {  	_ =	shalt  }
0x66: {  	_ =	shalt  }
0x67: {  	_ =	shalt  }
0x68: {  	_ =	shalt  }
0x69: {  	_ =	shalt  }
0x6a: {  	_ =	shalt  }
0x6b: {  	_ =	shalt  }
0x6c: {  	_ =	shalt  }
0x6d: {  	_ =	shalt  }
0x6e: {  	_ =	shalt  }
0x6f: {  	_ =	shalt  }
0x70: {  	_ =	shalt  }
0x71: {  	_ =	shalt  }
0x72: {  	_ =	shalt  }
0x73: {  	_ =	shalt  }
0x74: {  	_ =	shalt  }
0x75: {  	_ =	shalt  }
0x76: {  	_ =	shalt  }
0x77: {  	_ =	shalt  }
0x78: {  	_ =	shalt  }
0x79: {  	_ =	shalt  }
0x7a: {  	_ =	shalt  }
0x7b: {  	_ =	shalt  }
0x7c: {  	_ =	shalt  }
0x7d: {  	_ =	shalt  }
0x7e: {  	_ =	shalt  }
0x7f: {  	_ =	shalt  }
0x80: {  	_ =	shalt  }
0x81: {  	_ =	shalt  }
0x82: {  	_ =	shalt  }
0x83: {  	_ =	shalt  }
0x84: {  	_ =	shalt  }
0x85: {  	_ =	shalt  }
0x86: {  	_ =	shalt  }
0x87: {  	_ =	shalt  }
.Lfunc_end0:
.L_simem_size_0:
called_computation_lowered:
.L_overlay_start_0:
0x88: {  	s2 =	sld [smem:$0x3FD9]  }
0x89: {  	s3 =	sld [smem:$0x3FFE];
	_ =	sdelay $0x1  }
0x8a: {  	s1 =	srdreg.scid  }
0x8b: {  	s0 =	sand.u32 $0x1, s1  }
0x8c: {  	s16 =	sshll.u32 s0, $0xA;
	s2 =	sadd.s32 s3, s2  }
0x8d: {  	s2 =	sadd.s32 s2, s16  }
0x8e: {  	[smem:$0x3FBD] =	sst s2  }
0x8f: {  	_ = 	snop  }
0x90: {  	(tm) =	ssettm $0x1  }
0x91: {  	s17 =	sld [smem:$0x3FFB];
	_ =	sdelay $0x3  }
0x92: {  	_ =	strace s17  }
0x93: {  	s2 =	sld [smem:$0x3FFC];
	_ =	sdelay $0x3  }
0x94: {  	_ =	strace s2  }
0x95: {  	s2 =	sld [smem:$0x3FFD];
	_ =	sdelay $0x3  }
0x96: {  	_ =	strace s2  }
0x97: {  	_ =	strace $0x8FFFFFFF  }
0x98: {  	s18 =	sld [smem:$0x3FDB];
	_ =	sdelay $0x1  }
0x99: {  	s19 =	simm.s32 $_scs_section_size  }
0x9a: {  	s4 =	simm.s32 $_size__tile_overlayer_lowered;
	s5 =	simm.s32 $_tile_overlayer_lowered  }
0x9b: {  	s22 =	simm.s32 $0x1BFF;
	s21 =	sshll.u32 s5, $0x1;
	s2 =	sadd.s32 s19, s18  }
0x9c: {  	s6 =	simm.s32 $0x0;
	s20 =	sshll.u32 s4, $0x1;
	s4 =	sadd.s32 s21, s2  }
0x9d: {  	[timem:s6], [sflag:s22] =	dma.local [hbm:s4], s20  }
0x9e: {  	_ =	swait.ge [sflag:s22], s20  }
0x9f: {  	s3 =	ssub.s32 $0x0, s20;
	[sflag:s22] =	ssyncset.done $0x0  }
0xa0: {  	[sflag:s22] =	ssyncadd.s32 s3;
	_ =	sdelay $0x1  }
0xa1: {  	s23 =	simm.s32 $0x1B8B  }
0xa2: {  	_ =	swait.ge [sflag:s23], $0x1  }
0xa3: {  	[sflag:s23] =	ssyncset.done $0x0  }
0xa4: {  	s25 =	simm.s32 $0x1B8E;
	s24 =	sld [smem:$0x3FFE];
	[sflag:s23] =	ssyncadd.s32 $0xFFFFFFFF  }
0xa5: {  	s26 =	simm.s32 $execute0_lowered;
	[smem:$0x3FD2] =	sst s25  }
0xa6: {  	s4 =	sshll.u32 s26, $0x1;
	_ =	strace $0x80000046;
	[dreg:$0x1] =	wrdreg $0xFFFFFFFF  }
0xa7: {  	s28 =	simm.s32 $_size_execute0_lowered;
	s2 =	sadd.s32 s2, s4;
	[dreg:$0x0] =	wrdreg $0x0  }
0xa8: {  	s4 =	sshll.u32 s28, $0x1;
	[dreg:$0x2] =	wrdreg s2  }
0xa9: {  	[dreg:$0x3] =	wrdreg s4  }
0xaa: {  	[dreg:$0x4] =	wrdreg $0xC0  }
0xab: {  	_ =	task [dreg:s6], $0x5FFFF  }
0xac: {  	[dreg:$0x1] =	wrdreg $0xFFFFFFFF  }
0xad: {  	[dreg:$0x0] =	wrdreg $0x60  }
0xae: {  	[dreg:$0x2] =	wrdreg s24  }
0xaf: {  	[dreg:$0x3] =	wrdreg $0x0  }
0xb0: {  	[dreg:$0x4] =	wrdreg $0x9  }
0xb1: {  	_ =	task.clear_ibuf [dreg:s6], $0x5FFFF;
	_ =	strace $0x90000046  }
0xb2: {  	s29 =	simm.s32 $0x9;
	_ =	strace $0x80000048  }
0xb3: {  	_ =	swait.ge [sflag:s29], $0x1  }
0xb4: {  	[sflag:s29] =	ssyncadd.s32 $0xFFFFFFFF  }
0xb5: {  	_ =	strace $0x90000048  }
0xb6: {  	_ =	sfence  }
0xb7: {  	s30 =	sld [smem:$0x0];
	_ =	sdelay $0x2  }
0xb8: {  	s31 =	sshll.u32 s1, $0xD;
	s1 =	sshrl.u32 s1, $0x2  }
0xb9: {  	s3 =	sand.u32 $0x4000, s31;
	s1 =	sadd.s32 s1, s30  }
0xba: {  	s0 =	sor.u32 s3, s0;
	s1 =	sshll.u32 s1, $0x11  }
0xbb: {  	s0 =	sor.u32 s1, s0  }
0xbc: {  	s0 =	sadd.s32 $0x8F2B, s0  }
0xbd: {  	[sflag:s0] =	ssyncadd.remote.s32 $0x1  }
0xbe: {  	_ =	sfence.sel $0xFFFF  }
0xbf: {  	[dreg:$0x0] =	wrdreg $0xFFFFFFFF;
	(pc) =	sbr.abs _section_cstart, $3  }
0xc0: {  	[dreg:$0x1] =	wrdreg $0xFFFFFFFF  }
0xc1: {  	_ =	task.clear_ibuf [dreg:s6], $0x2FFFF;
	_ =	strace $0x9FFFFFFF  }
0xc2: {  	(tm) =	ssettm $0x7FFFFFFF  }
0xc3: {  	_ =	shalt  }
tec
execute0_lowered:
.L_overlay_start_1:
0x0: {  	(tag) =	ssettag $0x1  }
0x1: {  	s7 =	rddreg [dreg:$0x0]  }
0x2: {  	s0 =	srdreg.scid;
	s2 =	rddreg [dreg:$0x1];
	s3 =	simm.s32 $0x0  }
0x3: {  	s13 =	simm.s32 $0x6400;
	s14 =	simm.s32 $0x80;
	s6 =	sand.u32 $0x1, s0  }
0x4: {  	s15 =	simm.s32 $0x0;
	s0 =	stileid.u32;
	s5 =	smul.u32 $0x14000, s6  }
0x5: {  	[smem:$0x7FF] =	sst s3;
	s1 =	sshll.u32 s6, $0x4;
	s8 =	smul.u32 $0x1400, s0  }
0x6: {  	s10 =	smul.u32 $0x5000, s0;
	s6 =	ssub.s32 $0x2, s6;
	s1 =	sor.u32 s0, s1  }
0x7: {  	s11 =	sshll.u32 s0, $0x6;
	s31 =	sshrl.u32 s6, $0x1;
	s4 =	smul.u32 $0xA00, s1  }
0x8: {  	s1 =	rddreg [dreg:$0x2];
	_ =	strace $0x80000047;
	s5 =	sadd.s32 s8, s5  }
0x9: {  	s10 =	sshrl.u32 s10, $0x2;
	s12 =	ssub.s32 s6, s31;
	s6 =	sor.u32 $0x1C01, s11  }
0xa: {  	s11 =	simm.s32 $0x1;
	s8 =	sshrl.u32 s5, $0x3;
	s5 =	sadd.s32 $0x2C600, s7  }
0xb: {  	s10 =	sadd.s32 s10, s2;
	s9 =	sadd.s32 s4, s7;
	s4 =	sadd.s32 $0x2C200, s7  }
0xc: {  	s8 =	sadd.s32 s8, s7;
	s10 =	sshrl.u32 s10, $0x3;
	s7 =	sadd.s32 $0x18200, s9  }
0xd: {  	s8 =	sadd.s32 $0x2C800, s8;
	s9 =	smax.u32 s12, $0x1;
	s12 =	simm.s32 $0x1400  }
.LBB2_1:
0xe: {  	[spmem:s10], [sflag:s6] =	dma.local [hbm:s4], $0x280  }
0xf: {  	_ =	swait.ge [sflag:s11], $0x280  }
0x10: {  	[sflag:s11] =	ssyncset.done $0x0  }
0x11: {  	[sflag:s11] =	ssyncadd.s32 $0xFFFFFD80  }
0x12: {  	[tilespmem:s12], [sflag:$0x1] =	stream.linear.gather [hbm4b:s7+s3], $0x5000, $0x38;
	[tilespmem:$0x6800] =	vst v63  }
0x13: {  	_ =	swait.ge [sflag:s11], $0x5000  }
0x14: {  	[sflag:s11] =	ssyncset.done $0x0  }
0x15: {  	[sflag:s11] =	ssyncadd.s32 $0xFFFFB000  }
0x16: {  	[tilespmem:s13], [sflag:$0x1] =	stream.linear.gather [hbm4b:s5+s3], $0x400, $0x38;
	[tilespmem:$0x6800] =	vst v63  }
0x17: {  	_ =	swait.ge [sflag:s11], $0x400  }
0x18: {  	[sflag:s11] =	ssyncset.done $0x0  }
0x19: {  	[sflag:s11] =	ssyncadd.s32 $0xFFFFFC00  }
0x1a: {  	s16 =	simm.s32 $0x1400;
	[bflag:$0x0] =	sbarrier.arrive $0xFFFF  }
0x1b: {  	[spmem:s2] =	stream.indirect.scatter.add.f32 [tilespmem:s13], [sflag:$0x1], $0x8, s16, s14, $0xb8;
	[tilespmem:$0x6800] =	vst v63  }
0x1c: {  	s16 =	simm.s32 $0x200;
	_ =	swait.ge [sflag:s11], $0x400  }
.LBB2_2:
0x1d: {  	s17 =	sshra.s32 s16, $0x2;
	[sflag:s11] =	ssyncset.done $0x0;
	p0 =	sne.s32 s16, $0x13E00  }
.Ltmp0:
0x1e: {  	s17 =	sadd.s32 $0x1400, s17;
	[sflag:s11] =	ssyncadd.s32 $0xFFFFFC00;
	(pc) =	sbr.rel @p0 .LBB2_2-.Ltmp0, $3  }
0x1f: {  	[spmem:s2] =	stream.indirect.scatter.add.f32 [tilespmem:s13], [sflag:$0x1], $0x8, s17, s14, $0xb8;
	[tilespmem:$0x6800] =	vst v63  }
0x20: {  	s16 =	sadd.s32 $0x200, s16;
	_ =	sdelay $0x1  }
0x21: {  	_ =	swait.ge [sflag:s11], $0x400  }
0x22: {  	[sflag:s11] =	ssyncset.done $0x0;
	s15 =	sadd.s32 $0x1, s15  }
0x23: {  	[sflag:s11] =	ssyncadd.s32 $0xFFFFFC00;
	p0 =	sne.s32 s15, s9  }
.Ltmp1:
0x24: {  	[bflag:$0x0] =	sbarrier.arrive $0xFFFF;
	(pc) =	sbr.rel @p0 .LBB2_1-.Ltmp1, $4  }
0x25: {  	[hbm:s8], [sflag:s6] =	dma.local [spmem:s10], $0x280  }
0x26: {  	_ =	swait.ge [sflag:s11], $0x280  }
0x27: {  	[sflag:s11] =	ssyncset.done $0x0  }
0x28: {  	[sflag:s11] =	ssyncadd.s32 $0xFFFFFD80  }
0x29: {  	_ =	sfence.sel $0x180000  }
0x2a: {  	[bflag:$0x0] =	sbarrier.arrive $0xFFFF  }
0x2b: {  	p0 =	sne.s32 s0, $0x0;
	_ =	strace $0x90000047  }
0x2c: {  	s0 =	sadd.s32 @!p0 $0x100000, s1;
	[bflag:$0x2] =	sbarrier.arrive $0xFFFF  }
0x2d: {  	[sflag:s0] =	ssyncadd.tile.s32 @!p0 $0x1;
	_ =	shalt  }
.Lfunc_end2:
_tile_overlayer_lowered:
.L_overlay_start_2:
0x2e: {  	(tag) =	ssettag $0x2  }
0x2f: {  	s0 =	rddreg [dreg:$0x0];
	s2 =	stileid.u32  }
0x30: {  	s1 =	rddreg [dreg:$0x1];
	p0 =	sne.s32 s2, $0x0  }
0x31: {  	s3 =	rddreg [dreg:$0x2];
	[bflag:$0x3] =	sbarrier.arrive $0xFFFF;
	s2 =	simm.s32 @!p0 $0x1C01  }
0x32: {  	[timem:s3], [sflag:s2] =	dma.local @!p0 [hbm:s0], s1  }
0x33: {  	s0 =	simm.s32 @!p0 $0x1  }
0x34: {  	_ =	swait.ge @!p0 [sflag:s0], s1  }
0x35: {  	s1 =	ssub.s32 @!p0 $0x0, s1;
	[sflag:s0] =	ssyncset.done @!p0 $0x0  }
0x36: {  	[sflag:s0] =	ssyncadd.s32 @!p0 s1  }
0x37: {  	[bflag:$0x3] =	sbarrier.arrive $0xFFFF  }
0x38: {  	_ =	shalt  }

// kernel: kernel.13.cloned.1.call-start
scs
__scs_entry_jumppad:
0x0: {  	(pc) =	sbr.rel $0x88, $3  }
0x1: {  	(tag) =	ssettag $0x0;
	lr =	simm.s32 $0x1  }
0x2: {  	[smem:$0x3F96] =	sst lr;
	_ =	strace $0xD0000000  }
0x3: {  	_ = 	snop  }
0x4: {  	_ = 	snop  }
0x5: {  	_ = 	snop  }
0x6: {  	_ = 	snop  }
0x7: {  	_ = 	snop  }
__scs_overlays_trampoline_lowered:
0x8: {  	[smem:$0x3FA5] =	sst s0  }
0x9: {  	[smem:$0x3FA6] =	sst s1  }
0xa: {  	[smem:$0x3FA7] =	sst s2  }
0xb: {  	[smem:$0x3FA8] =	sst s3  }
0xc: {  	[smem:$0x3FA9] =	sst s4  }
0xd: {  	[smem:$0x3FAA] =	sst s5  }
0xe: {  	[smem:$0x3FAB] =	sst s6  }
0xf: {  	[smem:$0x3FAC] =	sst s7  }
0x10: {  	[smem:$0x3FAD] =	sst s8  }
0x11: {  	[smem:$0x3FAE] =	sst s9;
	s0 =	simm.s32 @!p0 $0x0  }
0x12: {  	s1 =	sld [smem:$0x3F94];
	s0 =	simm.s32 @p0 $0x1  }
0x13: {  	[smem:$0x3FAF] =	sst s0;
	s0 =	simm.s32 @!p1 $0x0  }
0x14: {  	s2 =	sld [smem:$0x3F93];
	s0 =	simm.s32 @p1 $0x1  }
0x15: {  	[smem:$0x3FB0] =	sst s0;
	s0 =	simm.s32 @!p2 $0x0  }
0x16: {  	s3 =	sld [smem:$0x3FDB];
	s0 =	simm.s32 @p2 $0x1  }
0x17: {  	s4 =	simm.s32 $0x1BF5;
	[smem:$0x3FB2] =	sst s0  }
0x18: {  	s0 =	sld [smem:$0x3F95];
	_ =	swait.ge [sflag:s4], $0x0  }
0x19: {  	s7 =	sld [smem:$0x3F96]  }
0x1a: {  	s8 =	sadd.s32 $0xFFFFE003, lr  }
0x1b: {  	s9 =	sadd.s32 $0xFFFFFEF7, lr;
	s5 =	simm.s32 $0xFFFFFFFF;
	p2 =	slt.u32 s8, $0xFFFFF086  }
0x1c: {  	p1 =	slt.u32 s9, $0xF7A;
	s5 =	simm.s32 @!p2 $0x0  }
0x1d: {  	s5 =	simm.s32 @p1 $0x1;
	p0 =	seq.s32 s7, s2  }
0x1e: {  	s7 =	smul.u32 @!p0 $0xF7A, s2;
	p2 =	seq.s32 @!p0 s5, $0x0  }
0x1f: {  	s9 =	smul.u32 $0xF7A, s1;
	s8 =	simm.s32 @!p0 $0x1BF5;
	p2 =	por !p2, p0  }
0x20: {  	[sflag:s8] =	ssyncset.s32 @!p0 $0xFFFFF086;
	s6 =	sadd.s32 @!p0 s3, s7;
	s7 =	simm.s32 @!p0 $0x108  }
0x21: {  	s3 =	sadd.s32 s3, s9;
	s6 =	sadd.s32 @!p0 $0x88, s6;
	s7 =	simm.s32 @p2 $0x1082  }
0x22: {  	[simem:s7], [sflag:s8] =	dma.local @!p0 [hbm:s6], $0xF7A  }
0x23: {  	s9 =	sor.u32 $0xD0000000, s2;
	s6 =	simm.s32 $0x108;
	_ =	swait.ge @!p0 [sflag:s8], $0x0  }
0x24: {  	s3 =	sadd.s32 $0x88, s3;
	s6 =	simm.s32 @!p1 $0x1082;
	[sflag:s4] =	ssyncset.s32 $0xFFFFF086  }
0x25: {  	[simem:s6], [sflag:s4] =	dma.local [hbm:s3], $0xF7A  }
0x26: {  	[smem:$0x3F96] =	sst s1;
	(tag) =	ssettag s2;
	_ =	strace s9  }
0x27: {  	s1 =	sld [smem:$0x3FA6]  }
0x28: {  	s2 =	sld [smem:$0x3FA7]  }
0x29: {  	s4 =	sld [smem:$0x3FA9]  }
0x2a: {  	p0 =	seq.s32 s5, $0x0;
	s5 =	sld [smem:$0x3FAA]  }
0x2b: {  	s6 =	sld [smem:$0x3FAB]  }
0x2c: {  	s7 =	sld [smem:$0x3FAC]  }
0x2d: {  	s3 =	simm.s32 $0x108;
	s8 =	sld [smem:$0x3FAD]  }
0x2e: {  	s3 =	simm.s32 @!p0 $0x1082;
	s9 =	sld [smem:$0x3FAE]  }
0x2f: {  	lr =	sadd.s32 s0, s3;
	s0 =	sld [smem:$0x3FA5]  }
0x30: {  	s3 =	sld [smem:$0x3FA8]  }
0x31: {  	[smem:$0x3FB1] =	sst s10  }
0x32: {  	s10 =	sld [smem:$0x3FAF];
	_ =	sdelay $0x3  }
0x33: {  	p0 =	seq.s32 s10, $0x1;
	s10 =	sld [smem:$0x3FB1];
	_ =	sdelay $0x3  }
0x34: {  	[smem:$0x3FB1] =	sst s10  }
0x35: {  	s10 =	sld [smem:$0x3FB0];
	_ =	sdelay $0x3  }
0x36: {  	p1 =	seq.s32 s10, $0x1;
	s10 =	sld [smem:$0x3FB1];
	_ =	sdelay $0x3  }
0x37: {  	[smem:$0x3FB1] =	sst s10  }
0x38: {  	s10 =	sld [smem:$0x3FB2]  }
0x39: {  	_ = 	snop;
	(pc) =	sbr.ind lr, $3  }
0x3a: {  	_ = 	snop  }
0x3b: {  	_ = 	snop  }
0x3c: {  	p2 =	seq.s32 s10, $0x1;
	s10 =	sld [smem:$0x3FB1]  }
0x3d: {  	_ =	shalt  }
0x3e: {  	_ =	shalt  }
0x3f: {  	_ =	shalt  }
0x40: {  	_ =	shalt  }
0x41: {  	_ =	shalt  }
0x42: {  	_ =	shalt  }
0x43: {  	_ =	shalt  }
0x44: {  	_ =	shalt  }
0x45: {  	_ =	shalt  }
0x46: {  	_ =	shalt  }
0x47: {  	_ =	shalt  }
0x48: {  	_ =	shalt  }
0x49: {  	_ =	shalt  }
0x4a: {  	_ =	shalt  }
0x4b: {  	_ =	shalt  }
0x4c: {  	_ =	shalt  }
0x4d: {  	_ =	shalt  }
0x4e: {  	_ =	shalt  }
0x4f: {  	_ =	shalt  }
0x50: {  	_ =	shalt  }
0x51: {  	_ =	shalt  }
0x52: {  	_ =	shalt  }
0x53: {  	_ =	shalt  }
0x54: {  	_ =	shalt  }
0x55: {  	_ =	shalt  }
0x56: {  	_ =	shalt  }
0x57: {  	_ =	shalt  }
0x58: {  	_ =	shalt  }
0x59: {  	_ =	shalt  }
0x5a: {  	_ =	shalt  }
0x5b: {  	_ =	shalt  }
0x5c: {  	_ =	shalt  }
0x5d: {  	_ =	shalt  }
0x5e: {  	_ =	shalt  }
0x5f: {  	_ =	shalt  }
0x60: {  	_ =	shalt  }
0x61: {  	_ =	shalt  }
0x62: {  	_ =	shalt  }
0x63: {  	_ =	shalt  }
0x64: {  	_ =	shalt  }
0x65: {  	_ =	shalt  }
0x66: {  	_ =	shalt  }
0x67: {  	_ =	shalt  }
0x68: {  	_ =	shalt  }
0x69: {  	_ =	shalt  }
0x6a: {  	_ =	shalt  }
0x6b: {  	_ =	shalt  }
0x6c: {  	_ =	shalt  }
0x6d: {  	_ =	shalt  }
0x6e: {  	_ =	shalt  }
0x6f: {  	_ =	shalt  }
0x70: {  	_ =	shalt  }
0x71: {  	_ =	shalt  }
0x72: {  	_ =	shalt  }
0x73: {  	_ =	shalt  }
0x74: {  	_ =	shalt  }
0x75: {  	_ =	shalt  }
0x76: {  	_ =	shalt  }
0x77: {  	_ =	shalt  }
0x78: {  	_ =	shalt  }
0x79: {  	_ =	shalt  }
0x7a: {  	_ =	shalt  }
0x7b: {  	_ =	shalt  }
0x7c: {  	_ =	shalt  }
0x7d: {  	_ =	shalt  }
0x7e: {  	_ =	shalt  }
0x7f: {  	_ =	shalt  }
0x80: {  	_ =	shalt  }
0x81: {  	_ =	shalt  }
0x82: {  	_ =	shalt  }
0x83: {  	_ =	shalt  }
0x84: {  	_ =	shalt  }
0x85: {  	_ =	shalt  }
0x86: {  	_ =	shalt  }
0x87: {  	_ =	shalt  }
.Lfunc_end0:
.L_simem_size_0:
called_computation.1_lowered:
.L_overlay_start_0:
0x88: {  	s2 =	sld [smem:$0x3FD9]  }
0x89: {  	s3 =	sld [smem:$0x3FFE];
	_ =	sdelay $0x1  }
0x8a: {  	s1 =	srdreg.scid  }
0x8b: {  	s0 =	sand.u32 $0x1, s1  }
0x8c: {  	s16 =	sshll.u32 s0, $0xA;
	s2 =	sadd.s32 s3, s2  }
0x8d: {  	s2 =	sadd.s32 s2, s16  }
0x8e: {  	[smem:$0x3FBD] =	sst s2  }
0x8f: {  	_ = 	snop  }
0x90: {  	(tm) =	ssettm $0x1  }
0x91: {  	s17 =	sld [smem:$0x3FFB];
	_ =	sdelay $0x3  }
0x92: {  	_ =	strace s17  }
0x93: {  	s2 =	sld [smem:$0x3FFC];
	_ =	sdelay $0x3  }
0x94: {  	_ =	strace s2  }
0x95: {  	s2 =	sld [smem:$0x3FFD];
	_ =	sdelay $0x3  }
0x96: {  	_ =	strace s2  }
0x97: {  	_ =	strace $0x8FFFFFFF  }
0x98: {  	s18 =	sld [smem:$0x3FDB];
	_ =	sdelay $0x1  }
0x99: {  	s19 =	simm.s32 $_scs_section_size  }
0x9a: {  	s4 =	simm.s32 $_size__tile_overlayer_lowered;
	s5 =	simm.s32 $_tile_overlayer_lowered  }
0x9b: {  	s22 =	simm.s32 $0x1BFF;
	s21 =	sshll.u32 s5, $0x1;
	s2 =	sadd.s32 s19, s18  }
0x9c: {  	s6 =	simm.s32 $0x0;
	s20 =	sshll.u32 s4, $0x1;
	s4 =	sadd.s32 s21, s2  }
0x9d: {  	[timem:s6], [sflag:s22] =	dma.local [hbm:s4], s20  }
0x9e: {  	_ =	swait.ge [sflag:s22], s20  }
0x9f: {  	s3 =	ssub.s32 $0x0, s20;
	[sflag:s22] =	ssyncset.done $0x0  }
0xa0: {  	[sflag:s22] =	ssyncadd.s32 s3;
	_ =	sdelay $0x1  }
0xa1: {  	s23 =	simm.s32 $0x1B8B  }
0xa2: {  	_ =	swait.ge [sflag:s23], $0x1  }
0xa3: {  	[sflag:s23] =	ssyncset.done $0x0  }
0xa4: {  	s25 =	simm.s32 $0x1B8E;
	s24 =	sld [smem:$0x3FFE];
	[sflag:s23] =	ssyncadd.s32 $0xFFFFFFFF  }
0xa5: {  	s26 =	simm.s32 $execute0_lowered;
	[smem:$0x3FD2] =	sst s25  }
0xa6: {  	s4 =	sshll.u32 s26, $0x1;
	_ =	strace $0x80000049;
	[dreg:$0x1] =	wrdreg $0xFFFFFFFF  }
0xa7: {  	s28 =	simm.s32 $_size_execute0_lowered;
	s2 =	sadd.s32 s2, s4;
	[dreg:$0x0] =	wrdreg $0x0  }
0xa8: {  	s4 =	sshll.u32 s28, $0x1;
	[dreg:$0x2] =	wrdreg s2  }
0xa9: {  	[dreg:$0x3] =	wrdreg s4  }
0xaa: {  	[dreg:$0x4] =	wrdreg $0xC0  }
0xab: {  	_ =	task [dreg:s6], $0x5FFFF  }
0xac: {  	[dreg:$0x1] =	wrdreg $0xFFFFFFFF  }
0xad: {  	[dreg:$0x0] =	wrdreg $0x60  }
0xae: {  	[dreg:$0x2] =	wrdreg s24  }
0xaf: {  	[dreg:$0x3] =	wrdreg $0x0  }
0xb0: {  	[dreg:$0x4] =	wrdreg $0xA  }
0xb1: {  	_ =	task.clear_ibuf [dreg:s6], $0x5FFFF;
	_ =	strace $0x90000049  }
0xb2: {  	s29 =	simm.s32 $0xA;
	_ =	strace $0x8000004B  }
0xb3: {  	_ =	swait.ge [sflag:s29], $0x1  }
0xb4: {  	[sflag:s29] =	ssyncadd.s32 $0xFFFFFFFF  }
0xb5: {  	_ =	strace $0x9000004B  }
0xb6: {  	_ =	sfence  }
0xb7: {  	s30 =	sld [smem:$0x0];
	_ =	sdelay $0x2  }
0xb8: {  	s31 =	sshll.u32 s1, $0xD;
	s1 =	sshrl.u32 s1, $0x2  }
0xb9: {  	s3 =	sand.u32 $0x4000, s31;
	s1 =	sadd.s32 s1, s30  }
0xba: {  	s0 =	sor.u32 s3, s0;
	s1 =	sshll.u32 s1, $0x11  }
0xbb: {  	s0 =	sor.u32 s1, s0  }
0xbc: {  	s0 =	sadd.s32 $0x8F2B, s0  }
0xbd: {  	[sflag:s0] =	ssyncadd.remote.s32 $0x1  }
0xbe: {  	_ =	sfence.sel $0xFFFF  }
0xbf: {  	[dreg:$0x0] =	wrdreg $0xFFFFFFFF;
	(pc) =	sbr.abs _section_cstart, $3  }
0xc0: {  	[dreg:$0x1] =	wrdreg $0xFFFFFFFF  }
0xc1: {  	_ =	task.clear_ibuf [dreg:s6], $0x2FFFF;
	_ =	strace $0x9FFFFFFF  }
0xc2: {  	(tm) =	ssettm $0x7FFFFFFF  }
0xc3: {  	_ =	shalt  }
tec
execute0_lowered:
.L_overlay_start_1:
0x0: {  	(tag) =	ssettag $0x1  }
0x1: {  	s0 =	srdreg.scid;
	s5 =	rddreg [dreg:$0x0]  }
0x2: {  	s9 =	stileid.u32;
	s2 =	rddreg [dreg:$0x1];
	s3 =	simm.s32 $0x0  }
0x3: {  	s11 =	simm.s32 $0xA180;
	s12 =	simm.s32 $0xA200;
	s13 =	simm.s32 $0xA880  }
0x4: {  	s14 =	simm.s32 $0xA280;
	s15 =	simm.s32 $0xA900;
	s16 =	simm.s32 $0xA300  }
0x5: {  	s17 =	simm.s32 $0xA980;
	[smem:$0x7FF] =	sst s3;
	s23 =	sadd.s32 $0x2C200, s5  }
0x6: {  	s18 =	simm.s32 $0xA380;
	_ =	strace $0x8000004A;
	[dreg:$0x17] =	wrdreg s23  }
0x7: {  	s19 =	simm.s32 $0xAA00;
	s20 =	simm.s32 $0xA400;
	[dreg:$0x7] =	wrdreg s11  }
0x8: {  	s21 =	simm.s32 $0xAA80;
	s22 =	simm.s32 $0xA480;
	[dreg:$0x8] =	wrdreg s12  }
0x9: {  	s28 =	simm.s32 $0xA700;
	s29 =	simm.s32 $0xAD80;
	[dreg:$0x9] =	wrdreg s13  }
0xa: {  	s30 =	simm.s32 $0xA780;
	s4 =	smul.u32 $0x5000, s9;
	[dreg:$0xa] =	wrdreg s14  }
0xb: {  	s31 =	simm.s32 $0xAE00;
	s7 =	smul.u32 $0xA000, s9;
	[dreg:$0xb] =	wrdreg s15  }
0xc: {  	s0 =	sand.u32 $0x1, s0;
	s25 =	smul.u32 $0x28000, s9;
	[dreg:$0xc] =	wrdreg s16  }
0xd: {  	s10 =	sshll.u32 s9, $0x6;
	s1 =	smul.u32 $0x50000, s0;
	[dreg:$0xd] =	wrdreg s17  }
0xe: {  	s9 =	simm.s32 $0x0;
	s6 =	smul.u32 $0xA0000, s0;
	[dreg:$0xe] =	wrdreg s18  }
0xf: {  	s0 =	ssub.s32 $0x2, s0;
	s11 =	simm.s32 $0xA000;
	[dreg:$0xf] =	wrdreg s19  }
0x10: {  	s12 =	simm.s32 $0xA800;
	s13 =	simm.s32 $0x80;
	[dreg:$0x10] =	wrdreg s20  }
0x11: {  	s14 =	simm.s32 $0xB000;
	s15 =	simm.s32 $0xD000;
	[dreg:$0x11] =	wrdreg s21  }
0x12: {  	s16 =	simm.s32 $0xF000;
	s17 =	simm.s32 $0x11000;
	[dreg:$0x12] =	wrdreg s22  }
0x13: {  	s23 =	simm.s32 $0xAB00;
	s18 =	simm.s32 $0x1;
	s19 =	simm.s32 $0x2  }
0x14: {  	s20 =	simm.s32 $0x3;
	s21 =	simm.s32 $0x4;
	s22 =	simm.s32 $0xAC00  }
0x15: {  	s24 =	sshrl.u32 s0, $0x1;
	s26 =	sshrl.u32 s25, $0x2;
	[dreg:$0x13] =	wrdreg s23  }
0x16: {  	s25 =	simm.s32 $0xAB80;
	s23 =	simm.s32 $0xA600;
	s1 =	sadd.s32 s4, s1  }
0x17: {  	s6 =	sadd.s32 s7, s6;
	s4 =	sadd.s32 $0x81800, s5;
	s0 =	ssub.s32 s0, s24  }
0x18: {  	s7 =	simm.s32 $0xA080;
	s24 =	simm.s32 $0xA500;
	[dreg:$0x15] =	wrdreg s25  }
0x19: {  	s1 =	sshrl.u32 s1, $0x3;
	s6 =	sshrl.u32 s6, $0x3;
	[dreg:$0x5] =	wrdreg s7  }
0x1a: {  	s7 =	sor.u32 $0x1C05, s10;
	s0 =	smax.u32 s0, $0x1;
	[dreg:$0x14] =	wrdreg s24  }
0x1b: {  	s1 =	sadd.s32 s1, s5;
	s5 =	sadd.s32 s6, s5;
	[dreg:$0x1a] =	wrdreg s0  }
0x1c: {  	s6 =	sadd.s32 s26, s2;
	s26 =	simm.s32 $0xA580;
	[dreg:$0x18] =	wrdreg s7  }
0x1d: {  	s25 =	simm.s32 $0xA680;
	s8 =	sadd.s32 $0x18200, s1;
	[dreg:$0x16] =	wrdreg s26  }
0x1e: {  	s10 =	simm.s32 $0x5;
	s1 =	sadd.s32 $0x4200, s1;
	[dreg:$0x3] =	wrdreg s8  }
0x1f: {  	s24 =	simm.s32 $0xAC80;
	s5 =	sadd.s32 $0x95800, s5;
	[dreg:$0x4] =	wrdreg s1  }
0x20: {  	s0 =	simm.s32 $0xAF00;
	s8 =	simm.s32 $0xA100;
	[dreg:$0x19] =	wrdreg s5  }
0x21: {  	s26 =	simm.s32 $0xAD00;
	[dreg:$0x6] =	wrdreg s8;
	s8 =	sshrl.u32 s6, $0x3  }
0x22: {  	s1 =	simm.s32 $0xAE80;
	s5 =	simm.s32 $0xAF80;
	[dreg:$0x1b] =	wrdreg s8  }
.LBB2_1:
0x23: {  	[dreg:$0x1c] =	wrdreg s9  }
0x24: {  	s6 =	rddreg [dreg:$0x17]  }
0x25: {  	[spmem:s8], [sflag:s7] =	dma.local [hbm:s6], $0x1400  }
0x26: {  	_ =	swait.ge [sflag:s10], $0x1400  }
0x27: {  	[sflag:s10] =	ssyncset.done $0x0  }
0x28: {  	[sflag:s10] =	ssyncadd.s32 $0xFFFFEC00  }
0x29: {  	[bflag:$0x0] =	sbarrier.arrive $0xFFFF  }
0x2a: {  	s7 =	rddreg [dreg:$0x4]  }
0x2b: {  	s6 =	sadd.s32 $0x0, s7  }
0x2c: {  	[tilespmem:s11], [sflag:$0x5] =	stream.linear.gather [hbm4b:s6+s3], $0x800, $0x38;
	[tilespmem:$0x13000] =	vst v63  }
0x2d: {  	_ =	swait.ge [sflag:s10], $0x800  }
0x2e: {  	s8 =	rddreg [dreg:$0x3];
	[sflag:s10] =	ssyncset.done $0x0  }
0x2f: {  	[sflag:s10] =	ssyncadd.s32 $0xFFFFF800;
	s6 =	sadd.s32 $0x0, s8  }
0x30: {  	[tilespmem:s12], [sflag:$0x5] =	stream.linear.gather [hbm4b:s6+s3], $0x800, $0x38;
	[tilespmem:$0x13000] =	vst v63  }
0x31: {  	_ =	swait.ge [sflag:s10], $0x800  }
0x32: {  	[sflag:s10] =	ssyncset.done $0x0  }
0x33: {  	[sflag:s10] =	ssyncadd.s32 $0xFFFFF800  }
0x34: {  	[tilespmem:s14], [sflag:$0x1] =	stream.indirect.gather [hbm4b:s4+s13], $0x40, s11, s13, $0xb8;
	[tilespmem:$0x13000] =	vst v63  }
0x35: {  	s9 =	rddreg [dreg:$0x5]  }
0x36: {  	[tilespmem:s15], [sflag:$0x2] =	stream.indirect.gather [hbm4b:s4+s13], $0x40, s9, s13, $0xb8;
	[tilespmem:$0x13000] =	vst v63  }
0x37: {  	s7 =	rddreg [dreg:$0x6]  }
0x38: {  	[tilespmem:s16], [sflag:$0x3] =	stream.indirect.gather [hbm4b:s4+s13], $0x40, s7, s13, $0xb8;
	[tilespmem:$0x13000] =	vst v63  }
0x39: {  	s9 =	rddreg [dreg:$0x7]  }
0x3a: {  	[tilespmem:s17], [sflag:$0x4] =	stream.indirect.gather [hbm4b:s4+s13], $0x40, s9, s13, $0xb8;
	[tilespmem:$0x13000] =	vst v63  }
0x3b: {  	_ =	swait.ge [sflag:s18], $0x2000  }
0x3c: {  	[sflag:s18] =	ssyncset.done $0x0  }
0x3d: {  	[sflag:s18] =	ssyncadd.s32 $0xFFFFE000  }
0x3e: {  	[spmem:s2] =	stream.indirect.scatter.add.f32 [tilespmem:s14], [sflag:$0x5], $0x40, s12, s13, $0xb8;
	[tilespmem:$0x13000] =	vst v63  }
0x3f: {  	_ =	swait.ge [sflag:s10], $0x2000  }
0x40: {  	[sflag:s10] =	ssyncset.done $0x0  }
0x41: {  	s7 =	rddreg [dreg:$0x8];
	[sflag:s10] =	ssyncadd.s32 $0xFFFFE000  }
0x42: {  	[tilespmem:s14], [sflag:$0x1] =	stream.indirect.gather [hbm4b:s4+s13], $0x40, s7, s13, $0xb8;
	[tilespmem:$0x13000] =	vst v63  }
0x43: {  	_ =	swait.ge [sflag:s19], $0x2000  }
0x44: {  	[sflag:s19] =	ssyncset.done $0x0  }
0x45: {  	s8 =	rddreg [dreg:$0x9];
	[sflag:s19] =	ssyncadd.s32 $0xFFFFE000  }
0x46: {  	[spmem:s2] =	stream.indirect.scatter.add.f32 [tilespmem:s15], [sflag:$0x5], $0x40, s8, s13, $0xb8;
	[tilespmem:$0x13000] =	vst v63  }
0x47: {  	_ =	swait.ge [sflag:s10], $0x2000  }
0x48: {  	[sflag:s10] =	ssyncset.done $0x0  }
0x49: {  	s9 =	rddreg [dreg:$0xa];
	[sflag:s10] =	ssyncadd.s32 $0xFFFFE000  }
0x4a: {  	[tilespmem:s15], [sflag:$0x2] =	stream.indirect.gather [hbm4b:s4+s13], $0x40, s9, s13, $0xb8;
	[tilespmem:$0x13000] =	vst v63  }
0x4b: {  	_ =	swait.ge [sflag:s20], $0x2000  }
0x4c: {  	[sflag:s20] =	ssyncset.done $0x0  }
0x4d: {  	s7 =	rddreg [dreg:$0xb];
	[sflag:s20] =	ssyncadd.s32 $0xFFFFE000  }
0x4e: {  	[spmem:s2] =	stream.indirect.scatter.add.f32 [tilespmem:s16], [sflag:$0x5], $0x40, s7, s13, $0xb8;
	[tilespmem:$0x13000] =	vst v63  }
0x4f: {  	_ =	swait.ge [sflag:s10], $0x2000  }
0x50: {  	[sflag:s10] =	ssyncset.done $0x0  }
0x51: {  	s8 =	rddreg [dreg:$0xc];
	[sflag:s10] =	ssyncadd.s32 $0xFFFFE000  }
0x52: {  	[tilespmem:s16], [sflag:$0x3] =	stream.indirect.gather [hbm4b:s4+s13], $0x40, s8, s13, $0xb8;
	[tilespmem:$0x13000] =	vst v63  }
0x53: {  	_ =	swait.ge [sflag:s21], $0x2000  }
0x54: {  	[sflag:s21] =	ssyncset.done $0x0  }
0x55: {  	s9 =	rddreg [dreg:$0xd];
	[sflag:s21] =	ssyncadd.s32 $0xFFFFE000  }
0x56: {  	[spmem:s2] =	stream.indirect.scatter.add.f32 [tilespmem:s17], [sflag:$0x5], $0x40, s9, s13, $0xb8;
	[tilespmem:$0x13000] =	vst v63  }
0x57: {  	_ =	swait.ge [sflag:s10], $0x2000  }
0x58: {  	[sflag:s10] =	ssyncset.done $0x0  }
0x59: {  	s7 =	rddreg [dreg:$0xe];
	[sflag:s10] =	ssyncadd.s32 $0xFFFFE000  }
0x5a: {  	[tilespmem:s17], [sflag:$0x4] =	stream.indirect.gather [hbm4b:s4+s13], $0x40, s7, s13, $0xb8;
	[tilespmem:$0x13000] =	vst v63  }
0x5b: {  	_ =	swait.ge [sflag:s18], $0x2000  }
0x5c: {  	[sflag:s18] =	ssyncset.done $0x0  }
0x5d: {  	s8 =	rddreg [dreg:$0xf];
	[sflag:s18] =	ssyncadd.s32 $0xFFFFE000  }
0x5e: {  	[spmem:s2] =	stream.indirect.scatter.add.f32 [tilespmem:s14], [sflag:$0x5], $0x40, s8, s13, $0xb8;
	[tilespmem:$0x13000] =	vst v63  }
0x5f: {  	_ =	swait.ge [sflag:s10], $0x2000  }
0x60: {  	[sflag:s10] =	ssyncset.done $0x0  }
0x61: {  	s9 =	rddreg [dreg:$0x10];
	[sflag:s10] =	ssyncadd.s32 $0xFFFFE000  }
0x62: {  	[tilespmem:s14], [sflag:$0x1] =	stream.indirect.gather [hbm4b:s4+s13], $0x40, s9, s13, $0xb8;
	[tilespmem:$0x13000] =	vst v63  }
0x63: {  	_ =	swait.ge [sflag:s19], $0x2000  }
0x64: {  	[sflag:s19] =	ssyncset.done $0x0  }
0x65: {  	s7 =	rddreg [dreg:$0x11];
	[sflag:s19] =	ssyncadd.s32 $0xFFFFE000  }
0x66: {  	[spmem:s2] =	stream.indirect.scatter.add.f32 [tilespmem:s15], [sflag:$0x5], $0x40, s7, s13, $0xb8;
	[tilespmem:$0x13000] =	vst v63  }
0x67: {  	_ =	swait.ge [sflag:s10], $0x2000  }
0x68: {  	[sflag:s10] =	ssyncset.done $0x0  }
0x69: {  	s8 =	rddreg [dreg:$0x12];
	[sflag:s10] =	ssyncadd.s32 $0xFFFFE000  }
0x6a: {  	[tilespmem:s15], [sflag:$0x2] =	stream.indirect.gather [hbm4b:s4+s13], $0x40, s8, s13, $0xb8;
	[tilespmem:$0x13000] =	vst v63  }
0x6b: {  	_ =	swait.ge [sflag:s20], $0x2000  }
0x6c: {  	[sflag:s20] =	ssyncset.done $0x0  }
0x6d: {  	s9 =	rddreg [dreg:$0x13];
	[sflag:s20] =	ssyncadd.s32 $0xFFFFE000  }
0x6e: {  	[spmem:s2] =	stream.indirect.scatter.add.f32 [tilespmem:s16], [sflag:$0x5], $0x40, s9, s13, $0xb8;
	[tilespmem:$0x13000] =	vst v63  }
0x6f: {  	_ =	swait.ge [sflag:s10], $0x2000  }
0x70: {  	[sflag:s10] =	ssyncset.done $0x0  }
0x71: {  	s7 =	rddreg [dreg:$0x14];
	[sflag:s10] =	ssyncadd.s32 $0xFFFFE000  }
0x72: {  	[tilespmem:s16], [sflag:$0x3] =	stream.indirect.gather [hbm4b:s4+s13], $0x40, s7, s13, $0xb8;
	[tilespmem:$0x13000] =	vst v63  }
0x73: {  	_ =	swait.ge [sflag:s21], $0x2000  }
0x74: {  	[sflag:s21] =	ssyncset.done $0x0  }
0x75: {  	s8 =	rddreg [dreg:$0x15];
	[sflag:s21] =	ssyncadd.s32 $0xFFFFE000  }
0x76: {  	[spmem:s2] =	stream.indirect.scatter.add.f32 [tilespmem:s17], [sflag:$0x5], $0x40, s8, s13, $0xb8;
	[tilespmem:$0x13000] =	vst v63  }
0x77: {  	_ =	swait.ge [sflag:s10], $0x2000  }
0x78: {  	[sflag:s10] =	ssyncset.done $0x0  }
0x79: {  	s9 =	rddreg [dreg:$0x16];
	[sflag:s10] =	ssyncadd.s32 $0xFFFFE000  }
0x7a: {  	[tilespmem:s17], [sflag:$0x4] =	stream.indirect.gather [hbm4b:s4+s13], $0x40, s9, s13, $0xb8;
	[tilespmem:$0x13000] =	vst v63  }
0x7b: {  	_ =	swait.ge [sflag:s18], $0x2000  }
0x7c: {  	[sflag:s18] =	ssyncset.done $0x0  }
0x7d: {  	[sflag:s18] =	ssyncadd.s32 $0xFFFFE000  }
0x7e: {  	[spmem:s2] =	stream.indirect.scatter.add.f32 [tilespmem:s14], [sflag:$0x5], $0x40, s22, s13, $0xb8;
	[tilespmem:$0x13000] =	vst v63  }
0x7f: {  	_ =	swait.ge [sflag:s10], $0x2000  }
0x80: {  	[sflag:s10] =	ssyncset.done $0x0  }
0x81: {  	[sflag:s10] =	ssyncadd.s32 $0xFFFFE000  }
0x82: {  	[tilespmem:s14], [sflag:$0x1] =	stream.indirect.gather [hbm4b:s4+s13], $0x40, s23, s13, $0xb8;
	[tilespmem:$0x13000] =	vst v63  }
0x83: {  	_ =	swait.ge [sflag:s19], $0x2000  }
0x84: {  	[sflag:s19] =	ssyncset.done $0x0  }
0x85: {  	[sflag:s19] =	ssyncadd.s32 $0xFFFFE000  }
0x86: {  	[spmem:s2] =	stream.indirect.scatter.add.f32 [tilespmem:s15], [sflag:$0x5], $0x40, s24, s13, $0xb8;
	[tilespmem:$0x13000] =	vst v63  }
0x87: {  	_ =	swait.ge [sflag:s10], $0x2000  }
0x88: {  	[sflag:s10] =	ssyncset.done $0x0  }
0x89: {  	[sflag:s10] =	ssyncadd.s32 $0xFFFFE000  }
0x8a: {  	[tilespmem:s15], [sflag:$0x2] =	stream.indirect.gather [hbm4b:s4+s13], $0x40, s25, s13, $0xb8;
	[tilespmem:$0x13000] =	vst v63  }
0x8b: {  	_ =	swait.ge [sflag:s20], $0x2000  }
0x8c: {  	[sflag:s20] =	ssyncset.done $0x0  }
0x8d: {  	[sflag:s20] =	ssyncadd.s32 $0xFFFFE000  }
0x8e: {  	[spmem:s2] =	stream.indirect.scatter.add.f32 [tilespmem:s16], [sflag:$0x5], $0x40, s26, s13, $0xb8;
	[tilespmem:$0x13000] =	vst v63  }
0x8f: {  	_ =	swait.ge [sflag:s10], $0x2000  }
0x90: {  	[sflag:s10] =	ssyncset.done $0x0  }
0x91: {  	[sflag:s10] =	ssyncadd.s32 $0xFFFFE000  }
0x92: {  	[tilespmem:s16], [sflag:$0x3] =	stream.indirect.gather [hbm4b:s4+s13], $0x40, s28, s13, $0xb8;
	[tilespmem:$0x13000] =	vst v63  }
0x93: {  	_ =	swait.ge [sflag:s21], $0x2000  }
0x94: {  	[sflag:s21] =	ssyncset.done $0x0  }
0x95: {  	[sflag:s21] =	ssyncadd.s32 $0xFFFFE000  }
0x96: {  	[spmem:s2] =	stream.indirect.scatter.add.f32 [tilespmem:s17], [sflag:$0x5], $0x40, s29, s13, $0xb8;
	[tilespmem:$0x13000] =	vst v63  }
0x97: {  	_ =	swait.ge [sflag:s10], $0x2000  }
0x98: {  	[sflag:s10] =	ssyncset.done $0x0  }
0x99: {  	[sflag:s10] =	ssyncadd.s32 $0xFFFFE000  }
0x9a: {  	[tilespmem:s17], [sflag:$0x4] =	stream.indirect.gather [hbm4b:s4+s13], $0x40, s30, s13, $0xb8;
	[tilespmem:$0x13000] =	vst v63  }
0x9b: {  	_ =	swait.ge [sflag:s18], $0x2000  }
0x9c: {  	[sflag:s18] =	ssyncset.done $0x0  }
0x9d: {  	[sflag:s18] =	ssyncadd.s32 $0xFFFFE000  }
0x9e: {  	[spmem:s2] =	stream.indirect.scatter.add.f32 [tilespmem:s14], [sflag:$0x5], $0x40, s31, s13, $0xb8;
	[tilespmem:$0x13000] =	vst v63  }
0x9f: {  	_ =	swait.ge [sflag:s10], $0x2000  }
0xa0: {  	[sflag:s10] =	ssyncset.done $0x0  }
0xa1: {  	[sflag:s10] =	ssyncadd.s32 $0xFFFFE000  }
0xa2: {  	_ =	swait.ge [sflag:s19], $0x2000  }
0xa3: {  	[sflag:s19] =	ssyncset.done $0x0  }
0xa4: {  	[sflag:s19] =	ssyncadd.s32 $0xFFFFE000  }
0xa5: {  	[spmem:s2] =	stream.indirect.scatter.add.f32 [tilespmem:s15], [sflag:$0x5], $0x40, s1, s13, $0xb8;
	[tilespmem:$0x13000] =	vst v63  }
0xa6: {  	_ =	swait.ge [sflag:s10], $0x2000  }
0xa7: {  	[sflag:s10] =	ssyncset.done $0x0  }
0xa8: {  	[sflag:s10] =	ssyncadd.s32 $0xFFFFE000  }
0xa9: {  	_ =	swait.ge [sflag:s20], $0x2000  }
0xaa: {  	[sflag:s20] =	ssyncset.done $0x0  }
0xab: {  	[sflag:s20] =	ssyncadd.s32 $0xFFFFE000  }
0xac: {  	[spmem:s2] =	stream.indirect.scatter.add.f32 [tilespmem:s16], [sflag:$0x5], $0x40, s0, s13, $0xb8;
	[tilespmem:$0x13000] =	vst v63  }
0xad: {  	_ =	swait.ge [sflag:s10], $0x2000  }
0xae: {  	[sflag:s10] =	ssyncset.done $0x0  }
0xaf: {  	[sflag:s10] =	ssyncadd.s32 $0xFFFFE000  }
0xb0: {  	_ =	swait.ge [sflag:s21], $0x2000  }
0xb1: {  	[sflag:s21] =	ssyncset.done $0x0  }
0xb2: {  	[sflag:s21] =	ssyncadd.s32 $0xFFFFE000  }
0xb3: {  	[spmem:s2] =	stream.indirect.scatter.add.f32 [tilespmem:s17], [sflag:$0x5], $0x40, s5, s13, $0xb8;
	[tilespmem:$0x13000] =	vst v63  }
0xb4: {  	s6 =	simm.s32 $0x200;
	_ =	swait.ge [sflag:s10], $0x2000  }
0xb5: {  	s8 =	simm.s32 $0x100;
	s9 =	rddreg [dreg:$0x4];
	[sflag:s10] =	ssyncset.done $0x0  }
.LBB2_2:
0xb6: {  	[sflag:s10] =	ssyncadd.s32 $0xFFFFE000;
	s9 =	sadd.s32 s8, s9  }
0xb7: {  	[tilespmem:s11], [sflag:$0x5] =	stream.linear.gather [hbm4b:s9+s3], $0x800, $0x38;
	[tilespmem:$0x13000] =	vst v63  }
0xb8: {  	_ =	swait.ge [sflag:s10], $0x800  }
0xb9: {  	s9 =	rddreg [dreg:$0x3];
	[sflag:s10] =	ssyncset.done $0x0  }
0xba: {  	[sflag:s10] =	ssyncadd.s32 $0xFFFFF800;
	s9 =	sadd.s32 s8, s9  }
0xbb: {  	[tilespmem:s12], [sflag:$0x5] =	stream.linear.gather [hbm4b:s9+s3], $0x800, $0x38;
	[tilespmem:$0x13000] =	vst v63  }
0xbc: {  	_ =	swait.ge [sflag:s10], $0x800  }
0xbd: {  	[sflag:s10] =	ssyncset.done $0x0  }
0xbe: {  	s7 =	smov.u32 s6;
	[sflag:s10] =	ssyncadd.s32 $0xFFFFF800  }
0xbf: {  	[tilespmem:s14], [sflag:$0x1] =	stream.indirect.gather [hbm4b:s4+s13], $0x40, s11, s13, $0xb8;
	[tilespmem:$0x13000] =	vst v63  }
0xc0: {  	s8 =	smov.u32 s7;
	s7 =	rddreg [dreg:$0x5]  }
0xc1: {  	[tilespmem:s15], [sflag:$0x2] =	stream.indirect.gather [hbm4b:s4+s13], $0x40, s7, s13, $0xb8;
	[tilespmem:$0x13000] =	vst v63  }
0xc2: {  	s9 =	rddreg [dreg:$0x6]  }
0xc3: {  	[tilespmem:s16], [sflag:$0x3] =	stream.indirect.gather [hbm4b:s4+s13], $0x40, s9, s13, $0xb8;
	[tilespmem:$0x13000] =	vst v63  }
0xc4: {  	s7 =	rddreg [dreg:$0x7]  }
0xc5: {  	[tilespmem:s17], [sflag:$0x4] =	stream.indirect.gather [hbm4b:s4+s13], $0x40, s7, s13, $0xb8;
	[tilespmem:$0x13000] =	vst v63  }
0xc6: {  	_ =	swait.ge [sflag:s18], $0x2000  }
0xc7: {  	[sflag:s18] =	ssyncset.done $0x0  }
0xc8: {  	[sflag:s18] =	ssyncadd.s32 $0xFFFFE000  }
0xc9: {  	[spmem:s2] =	stream.indirect.scatter.add.f32 [tilespmem:s14], [sflag:$0x5], $0x40, s12, s13, $0xb8;
	[tilespmem:$0x13000] =	vst v63  }
0xca: {  	_ =	swait.ge [sflag:s10], $0x2000  }
0xcb: {  	[sflag:s10] =	ssyncset.done $0x0  }
0xcc: {  	s9 =	rddreg [dreg:$0x8];
	[sflag:s10] =	ssyncadd.s32 $0xFFFFE000  }
0xcd: {  	[tilespmem:s14], [sflag:$0x1] =	stream.indirect.gather [hbm4b:s4+s13], $0x40, s9, s13, $0xb8;
	[tilespmem:$0x13000] =	vst v63  }
0xce: {  	_ =	swait.ge [sflag:s19], $0x2000  }
0xcf: {  	[sflag:s19] =	ssyncset.done $0x0  }
0xd0: {  	s9 =	rddreg [dreg:$0x9];
	[sflag:s19] =	ssyncadd.s32 $0xFFFFE000  }
0xd1: {  	[spmem:s2] =	stream.indirect.scatter.add.f32 [tilespmem:s15], [sflag:$0x5], $0x40, s9, s13, $0xb8;
	[tilespmem:$0x13000] =	vst v63  }
0xd2: {  	_ =	swait.ge [sflag:s10], $0x2000  }
0xd3: {  	[sflag:s10] =	ssyncset.done $0x0  }
0xd4: {  	s9 =	rddreg [dreg:$0xa];
	[sflag:s10] =	ssyncadd.s32 $0xFFFFE000  }
0xd5: {  	[tilespmem:s15], [sflag:$0x2] =	stream.indirect.gather [hbm4b:s4+s13], $0x40, s9, s13, $0xb8;
	[tilespmem:$0x13000] =	vst v63  }
0xd6: {  	_ =	swait.ge [sflag:s20], $0x2000  }
0xd7: {  	[sflag:s20] =	ssyncset.done $0x0  }
0xd8: {  	s9 =	rddreg [dreg:$0xb];
	[sflag:s20] =	ssyncadd.s32 $0xFFFFE000  }
0xd9: {  	[spmem:s2] =	stream.indirect.scatter.add.f32 [tilespmem:s16], [sflag:$0x5], $0x40, s9, s13, $0xb8;
	[tilespmem:$0x13000] =	vst v63  }
0xda: {  	_ =	swait.ge [sflag:s10], $0x2000  }
0xdb: {  	[sflag:s10] =	ssyncset.done $0x0  }
0xdc: {  	s9 =	rddreg [dreg:$0xc];
	[sflag:s10] =	ssyncadd.s32 $0xFFFFE000  }
0xdd: {  	[tilespmem:s16], [sflag:$0x3] =	stream.indirect.gather [hbm4b:s4+s13], $0x40, s9, s13, $0xb8;
	[tilespmem:$0x13000] =	vst v63  }
0xde: {  	_ =	swait.ge [sflag:s21], $0x2000  }
0xdf: {  	[sflag:s21] =	ssyncset.done $0x0  }
0xe0: {  	s9 =	rddreg [dreg:$0xd];
	[sflag:s21] =	ssyncadd.s32 $0xFFFFE000  }
0xe1: {  	[spmem:s2] =	stream.indirect.scatter.add.f32 [tilespmem:s17], [sflag:$0x5], $0x40, s9, s13, $0xb8;
	[tilespmem:$0x13000] =	vst v63  }
0xe2: {  	_ =	swait.ge [sflag:s10], $0x2000  }
0xe3: {  	[sflag:s10] =	ssyncset.done $0x0  }
0xe4: {  	s9 =	rddreg [dreg:$0xe];
	[sflag:s10] =	ssyncadd.s32 $0xFFFFE000  }
0xe5: {  	[tilespmem:s17], [sflag:$0x4] =	stream.indirect.gather [hbm4b:s4+s13], $0x40, s9, s13, $0xb8;
	[tilespmem:$0x13000] =	vst v63  }
0xe6: {  	_ =	swait.ge [sflag:s18], $0x2000  }
0xe7: {  	[sflag:s18] =	ssyncset.done $0x0  }
0xe8: {  	s9 =	rddreg [dreg:$0xf];
	[sflag:s18] =	ssyncadd.s32 $0xFFFFE000  }
0xe9: {  	[spmem:s2] =	stream.indirect.scatter.add.f32 [tilespmem:s14], [sflag:$0x5], $0x40, s9, s13, $0xb8;
	[tilespmem:$0x13000] =	vst v63  }
0xea: {  	_ =	swait.ge [sflag:s10], $0x2000  }
0xeb: {  	[sflag:s10] =	ssyncset.done $0x0  }
0xec: {  	s9 =	rddreg [dreg:$0x10];
	[sflag:s10] =	ssyncadd.s32 $0xFFFFE000  }
0xed: {  	[tilespmem:s14], [sflag:$0x1] =	stream.indirect.gather [hbm4b:s4+s13], $0x40, s9, s13, $0xb8;
	[tilespmem:$0x13000] =	vst v63  }
0xee: {  	_ =	swait.ge [sflag:s19], $0x2000  }
0xef: {  	[sflag:s19] =	ssyncset.done $0x0  }
0xf0: {  	s9 =	rddreg [dreg:$0x11];
	[sflag:s19] =	ssyncadd.s32 $0xFFFFE000  }
0xf1: {  	[spmem:s2] =	stream.indirect.scatter.add.f32 [tilespmem:s15], [sflag:$0x5], $0x40, s9, s13, $0xb8;
	[tilespmem:$0x13000] =	vst v63  }
0xf2: {  	_ =	swait.ge [sflag:s10], $0x2000  }
0xf3: {  	[sflag:s10] =	ssyncset.done $0x0  }
0xf4: {  	s9 =	rddreg [dreg:$0x12];
	[sflag:s10] =	ssyncadd.s32 $0xFFFFE000  }
0xf5: {  	[tilespmem:s15], [sflag:$0x2] =	stream.indirect.gather [hbm4b:s4+s13], $0x40, s9, s13, $0xb8;
	[tilespmem:$0x13000] =	vst v63  }
0xf6: {  	_ =	swait.ge [sflag:s20], $0x2000  }
0xf7: {  	[sflag:s20] =	ssyncset.done $0x0  }
0xf8: {  	s9 =	rddreg [dreg:$0x13];
	[sflag:s20] =	ssyncadd.s32 $0xFFFFE000  }
0xf9: {  	[spmem:s2] =	stream.indirect.scatter.add.f32 [tilespmem:s16], [sflag:$0x5], $0x40, s9, s13, $0xb8;
	[tilespmem:$0x13000] =	vst v63  }
0xfa: {  	_ =	swait.ge [sflag:s10], $0x2000  }
0xfb: {  	[sflag:s10] =	ssyncset.done $0x0  }
0xfc: {  	s9 =	rddreg [dreg:$0x14];
	[sflag:s10] =	ssyncadd.s32 $0xFFFFE000  }
0xfd: {  	[tilespmem:s16], [sflag:$0x3] =	stream.indirect.gather [hbm4b:s4+s13], $0x40, s9, s13, $0xb8;
	[tilespmem:$0x13000] =	vst v63  }
0xfe: {  	_ =	swait.ge [sflag:s21], $0x2000  }
0xff: {  	[sflag:s21] =	ssyncset.done $0x0  }
0x100: {  	s9 =	rddreg [dreg:$0x15];
	[sflag:s21] =	ssyncadd.s32 $0xFFFFE000  }
0x101: {  	[spmem:s2] =	stream.indirect.scatter.add.f32 [tilespmem:s17], [sflag:$0x5], $0x40, s9, s13, $0xb8;
	[tilespmem:$0x13000] =	vst v63  }
0x102: {  	_ =	swait.ge [sflag:s10], $0x2000  }
0x103: {  	[sflag:s10] =	ssyncset.done $0x0  }
0x104: {  	s9 =	rddreg [dreg:$0x16];
	[sflag:s10] =	ssyncadd.s32 $0xFFFFE000  }
0x105: {  	[tilespmem:s17], [sflag:$0x4] =	stream.indirect.gather [hbm4b:s4+s13], $0x40, s9, s13, $0xb8;
	[tilespmem:$0x13000] =	vst v63  }
0x106: {  	_ =	swait.ge [sflag:s18], $0x2000  }
0x107: {  	[sflag:s18] =	ssyncset.done $0x0  }
0x108: {  	[sflag:s18] =	ssyncadd.s32 $0xFFFFE000  }
0x109: {  	[spmem:s2] =	stream.indirect.scatter.add.f32 [tilespmem:s14], [sflag:$0x5], $0x40, s22, s13, $0xb8;
	[tilespmem:$0x13000] =	vst v63  }
0x10a: {  	_ =	swait.ge [sflag:s10], $0x2000  }
0x10b: {  	[sflag:s10] =	ssyncset.done $0x0  }
0x10c: {  	[sflag:s10] =	ssyncadd.s32 $0xFFFFE000  }
0x10d: {  	[tilespmem:s14], [sflag:$0x1] =	stream.indirect.gather [hbm4b:s4+s13], $0x40, s23, s13, $0xb8;
	[tilespmem:$0x13000] =	vst v63  }
0x10e: {  	_ =	swait.ge [sflag:s19], $0x2000  }
0x10f: {  	[sflag:s19] =	ssyncset.done $0x0  }
0x110: {  	[sflag:s19] =	ssyncadd.s32 $0xFFFFE000  }
0x111: {  	[spmem:s2] =	stream.indirect.scatter.add.f32 [tilespmem:s15], [sflag:$0x5], $0x40, s24, s13, $0xb8;
	[tilespmem:$0x13000] =	vst v63  }
0x112: {  	_ =	swait.ge [sflag:s10], $0x2000  }
0x113: {  	[sflag:s10] =	ssyncset.done $0x0  }
0x114: {  	[sflag:s10] =	ssyncadd.s32 $0xFFFFE000  }
0x115: {  	[tilespmem:s15], [sflag:$0x2] =	stream.indirect.gather [hbm4b:s4+s13], $0x40, s25, s13, $0xb8;
	[tilespmem:$0x13000] =	vst v63  }
0x116: {  	_ =	swait.ge [sflag:s20], $0x2000  }
0x117: {  	[sflag:s20] =	ssyncset.done $0x0  }
0x118: {  	[sflag:s20] =	ssyncadd.s32 $0xFFFFE000  }
0x119: {  	[spmem:s2] =	stream.indirect.scatter.add.f32 [tilespmem:s16], [sflag:$0x5], $0x40, s26, s13, $0xb8;
	[tilespmem:$0x13000] =	vst v63  }
0x11a: {  	_ =	swait.ge [sflag:s10], $0x2000  }
0x11b: {  	[sflag:s10] =	ssyncset.done $0x0  }
0x11c: {  	[sflag:s10] =	ssyncadd.s32 $0xFFFFE000  }
0x11d: {  	[tilespmem:s16], [sflag:$0x3] =	stream.indirect.gather [hbm4b:s4+s13], $0x40, s28, s13, $0xb8;
	[tilespmem:$0x13000] =	vst v63  }
0x11e: {  	_ =	swait.ge [sflag:s21], $0x2000  }
0x11f: {  	[sflag:s21] =	ssyncset.done $0x0  }
0x120: {  	[sflag:s21] =	ssyncadd.s32 $0xFFFFE000  }
0x121: {  	[spmem:s2] =	stream.indirect.scatter.add.f32 [tilespmem:s17], [sflag:$0x5], $0x40, s29, s13, $0xb8;
	[tilespmem:$0x13000] =	vst v63  }
0x122: {  	_ =	swait.ge [sflag:s10], $0x2000  }
0x123: {  	[sflag:s10] =	ssyncset.done $0x0  }
0x124: {  	[sflag:s10] =	ssyncadd.s32 $0xFFFFE000  }
0x125: {  	[tilespmem:s17], [sflag:$0x4] =	stream.indirect.gather [hbm4b:s4+s13], $0x40, s30, s13, $0xb8;
	[tilespmem:$0x13000] =	vst v63  }
0x126: {  	_ =	swait.ge [sflag:s18], $0x2000  }
0x127: {  	[sflag:s18] =	ssyncset.done $0x0  }
0x128: {  	[sflag:s18] =	ssyncadd.s32 $0xFFFFE000  }
0x129: {  	[spmem:s2] =	stream.indirect.scatter.add.f32 [tilespmem:s14], [sflag:$0x5], $0x40, s31, s13, $0xb8;
	[tilespmem:$0x13000] =	vst v63  }
0x12a: {  	_ =	swait.ge [sflag:s10], $0x2000  }
0x12b: {  	[sflag:s10] =	ssyncset.done $0x0  }
0x12c: {  	[sflag:s10] =	ssyncadd.s32 $0xFFFFE000  }
0x12d: {  	_ =	swait.ge [sflag:s19], $0x2000  }
0x12e: {  	[sflag:s19] =	ssyncset.done $0x0  }
0x12f: {  	[sflag:s19] =	ssyncadd.s32 $0xFFFFE000  }
0x130: {  	[spmem:s2] =	stream.indirect.scatter.add.f32 [tilespmem:s15], [sflag:$0x5], $0x40, s1, s13, $0xb8;
	[tilespmem:$0x13000] =	vst v63  }
0x131: {  	_ =	swait.ge [sflag:s10], $0x2000  }
0x132: {  	[sflag:s10] =	ssyncset.done $0x0  }
0x133: {  	[sflag:s10] =	ssyncadd.s32 $0xFFFFE000  }
0x134: {  	_ =	swait.ge [sflag:s20], $0x2000  }
0x135: {  	[sflag:s20] =	ssyncset.done $0x0  }
0x136: {  	[sflag:s20] =	ssyncadd.s32 $0xFFFFE000  }
0x137: {  	[spmem:s2] =	stream.indirect.scatter.add.f32 [tilespmem:s16], [sflag:$0x5], $0x40, s0, s13, $0xb8;
	[tilespmem:$0x13000] =	vst v63  }
0x138: {  	_ =	swait.ge [sflag:s10], $0x2000  }
0x139: {  	[sflag:s10] =	ssyncset.done $0x0  }
0x13a: {  	[sflag:s10] =	ssyncadd.s32 $0xFFFFE000  }
0x13b: {  	p0 =	sne.s32 s6, $0x900;
	_ =	swait.ge [sflag:s21], $0x2000  }
.Ltmp0:
0x13c: {  	[sflag:s21] =	ssyncset.done $0x0;
	(pc) =	sbr.rel @p0 .LBB2_2-.Ltmp0, $4  }
0x13d: {  	[sflag:s21] =	ssyncadd.s32 $0xFFFFE000  }
0x13e: {  	[spmem:s2] =	stream.indirect.scatter.add.f32 [tilespmem:s17], [sflag:$0x5], $0x40, s5, s13, $0xb8;
	[tilespmem:$0x13000] =	vst v63  }
0x13f: {  	_ =	swait.ge [sflag:s10], $0x2000  }
0x140: {  	s6 =	sadd.s32 $0x100, s6;
	s9 =	rddreg [dreg:$0x4];
	[sflag:s10] =	ssyncset.done $0x0  }
0x141: {  	[sflag:s10] =	ssyncadd.s32 $0xFFFFE000;
	s6 =	sadd.s32 s8, s9  }
0x142: {  	[tilespmem:s11], [sflag:$0x5] =	stream.linear.gather [hbm4b:s6+s3], $0x800, $0x38;
	[tilespmem:$0x13000] =	vst v63  }
0x143: {  	_ =	swait.ge [sflag:s10], $0x800  }
0x144: {  	s7 =	rddreg [dreg:$0x3];
	[sflag:s10] =	ssyncset.done $0x0  }
0x145: {  	[sflag:s10] =	ssyncadd.s32 $0xFFFFF800;
	s6 =	sadd.s32 s8, s7  }
0x146: {  	[tilespmem:s12], [sflag:$0x5] =	stream.linear.gather [hbm4b:s6+s3], $0x800, $0x38;
	[tilespmem:$0x13000] =	vst v63  }
0x147: {  	_ =	swait.ge [sflag:s10], $0x800  }
0x148: {  	[sflag:s10] =	ssyncset.done $0x0  }
0x149: {  	[sflag:s10] =	ssyncadd.s32 $0xFFFFF800  }
0x14a: {  	[tilespmem:s14], [sflag:$0x1] =	stream.indirect.gather [hbm4b:s4+s13], $0x40, s11, s13, $0xb8;
	[tilespmem:$0x13000] =	vst v63  }
0x14b: {  	s9 =	rddreg [dreg:$0x5]  }
0x14c: {  	[tilespmem:s15], [sflag:$0x2] =	stream.indirect.gather [hbm4b:s4+s13], $0x40, s9, s13, $0xb8;
	[tilespmem:$0x13000] =	vst v63  }
0x14d: {  	s7 =	rddreg [dreg:$0x6]  }
0x14e: {  	[tilespmem:s16], [sflag:$0x3] =	stream.indirect.gather [hbm4b:s4+s13], $0x40, s7, s13, $0xb8;
	[tilespmem:$0x13000] =	vst v63  }
0x14f: {  	s8 =	rddreg [dreg:$0x7]  }
0x150: {  	[tilespmem:s17], [sflag:$0x4] =	stream.indirect.gather [hbm4b:s4+s13], $0x40, s8, s13, $0xb8;
	[tilespmem:$0x13000] =	vst v63  }
0x151: {  	_ =	swait.ge [sflag:s18], $0x2000  }
0x152: {  	[sflag:s18] =	ssyncset.done $0x0  }
0x153: {  	[sflag:s18] =	ssyncadd.s32 $0xFFFFE000  }
0x154: {  	[spmem:s2] =	stream.indirect.scatter.add.f32 [tilespmem:s14], [sflag:$0x5], $0x40, s12, s13, $0xb8;
	[tilespmem:$0x13000] =	vst v63  }
0x155: {  	_ =	swait.ge [sflag:s10], $0x2000  }
0x156: {  	[sflag:s10] =	ssyncset.done $0x0  }
0x157: {  	s9 =	rddreg [dreg:$0x8];
	[sflag:s10] =	ssyncadd.s32 $0xFFFFE000  }
0x158: {  	[tilespmem:s14], [sflag:$0x1] =	stream.indirect.gather [hbm4b:s4+s13], $0x40, s9, s13, $0xb8;
	[tilespmem:$0x13000] =	vst v63  }
0x159: {  	_ =	swait.ge [sflag:s19], $0x2000  }
0x15a: {  	[sflag:s19] =	ssyncset.done $0x0  }
0x15b: {  	s7 =	rddreg [dreg:$0x9];
	[sflag:s19] =	ssyncadd.s32 $0xFFFFE000  }
0x15c: {  	[spmem:s2] =	stream.indirect.scatter.add.f32 [tilespmem:s15], [sflag:$0x5], $0x40, s7, s13, $0xb8;
	[tilespmem:$0x13000] =	vst v63  }
0x15d: {  	_ =	swait.ge [sflag:s10], $0x2000  }
0x15e: {  	[sflag:s10] =	ssyncset.done $0x0  }
0x15f: {  	s8 =	rddreg [dreg:$0xa];
	[sflag:s10] =	ssyncadd.s32 $0xFFFFE000  }
0x160: {  	[tilespmem:s15], [sflag:$0x2] =	stream.indirect.gather [hbm4b:s4+s13], $0x40, s8, s13, $0xb8;
	[tilespmem:$0x13000] =	vst v63  }
0x161: {  	_ =	swait.ge [sflag:s20], $0x2000  }
0x162: {  	[sflag:s20] =	ssyncset.done $0x0  }
0x163: {  	s9 =	rddreg [dreg:$0xb];
	[sflag:s20] =	ssyncadd.s32 $0xFFFFE000  }
0x164: {  	[spmem:s2] =	stream.indirect.scatter.add.f32 [tilespmem:s16], [sflag:$0x5], $0x40, s9, s13, $0xb8;
	[tilespmem:$0x13000] =	vst v63  }
0x165: {  	_ =	swait.ge [sflag:s10], $0x2000  }
0x166: {  	[sflag:s10] =	ssyncset.done $0x0  }
0x167: {  	s7 =	rddreg [dreg:$0xc];
	[sflag:s10] =	ssyncadd.s32 $0xFFFFE000  }
0x168: {  	[tilespmem:s16], [sflag:$0x3] =	stream.indirect.gather [hbm4b:s4+s13], $0x40, s7, s13, $0xb8;
	[tilespmem:$0x13000] =	vst v63  }
0x169: {  	_ =	swait.ge [sflag:s21], $0x2000  }
0x16a: {  	[sflag:s21] =	ssyncset.done $0x0  }
0x16b: {  	s8 =	rddreg [dreg:$0xd];
	[sflag:s21] =	ssyncadd.s32 $0xFFFFE000  }
0x16c: {  	[spmem:s2] =	stream.indirect.scatter.add.f32 [tilespmem:s17], [sflag:$0x5], $0x40, s8, s13, $0xb8;
	[tilespmem:$0x13000] =	vst v63  }
0x16d: {  	_ =	swait.ge [sflag:s10], $0x2000  }
0x16e: {  	[sflag:s10] =	ssyncset.done $0x0  }
0x16f: {  	s9 =	rddreg [dreg:$0xe];
	[sflag:s10] =	ssyncadd.s32 $0xFFFFE000  }
0x170: {  	[tilespmem:s17], [sflag:$0x4] =	stream.indirect.gather [hbm4b:s4+s13], $0x40, s9, s13, $0xb8;
	[tilespmem:$0x13000] =	vst v63  }
0x171: {  	_ =	swait.ge [sflag:s18], $0x2000  }
0x172: {  	[sflag:s18] =	ssyncset.done $0x0  }
0x173: {  	s7 =	rddreg [dreg:$0xf];
	[sflag:s18] =	ssyncadd.s32 $0xFFFFE000  }
0x174: {  	[spmem:s2] =	stream.indirect.scatter.add.f32 [tilespmem:s14], [sflag:$0x5], $0x40, s7, s13, $0xb8;
	[tilespmem:$0x13000] =	vst v63  }
0x175: {  	_ =	swait.ge [sflag:s10], $0x2000  }
0x176: {  	[sflag:s10] =	ssyncset.done $0x0  }
0x177: {  	s8 =	rddreg [dreg:$0x10];
	[sflag:s10] =	ssyncadd.s32 $0xFFFFE000  }
0x178: {  	[tilespmem:s14], [sflag:$0x1] =	stream.indirect.gather [hbm4b:s4+s13], $0x40, s8, s13, $0xb8;
	[tilespmem:$0x13000] =	vst v63  }
0x179: {  	_ =	swait.ge [sflag:s19], $0x2000  }
0x17a: {  	[sflag:s19] =	ssyncset.done $0x0  }
0x17b: {  	s9 =	rddreg [dreg:$0x11];
	[sflag:s19] =	ssyncadd.s32 $0xFFFFE000  }
0x17c: {  	[spmem:s2] =	stream.indirect.scatter.add.f32 [tilespmem:s15], [sflag:$0x5], $0x40, s9, s13, $0xb8;
	[tilespmem:$0x13000] =	vst v63  }
0x17d: {  	_ =	swait.ge [sflag:s10], $0x2000  }
0x17e: {  	[sflag:s10] =	ssyncset.done $0x0  }
0x17f: {  	s7 =	rddreg [dreg:$0x12];
	[sflag:s10] =	ssyncadd.s32 $0xFFFFE000  }
0x180: {  	[tilespmem:s15], [sflag:$0x2] =	stream.indirect.gather [hbm4b:s4+s13], $0x40, s7, s13, $0xb8;
	[tilespmem:$0x13000] =	vst v63  }
0x181: {  	_ =	swait.ge [sflag:s20], $0x2000  }
0x182: {  	[sflag:s20] =	ssyncset.done $0x0  }
0x183: {  	s8 =	rddreg [dreg:$0x13];
	[sflag:s20] =	ssyncadd.s32 $0xFFFFE000  }
0x184: {  	[spmem:s2] =	stream.indirect.scatter.add.f32 [tilespmem:s16], [sflag:$0x5], $0x40, s8, s13, $0xb8;
	[tilespmem:$0x13000] =	vst v63  }
0x185: {  	_ =	swait.ge [sflag:s10], $0x2000  }
0x186: {  	[sflag:s10] =	ssyncset.done $0x0  }
0x187: {  	s9 =	rddreg [dreg:$0x14];
	[sflag:s10] =	ssyncadd.s32 $0xFFFFE000  }
0x188: {  	[tilespmem:s16], [sflag:$0x3] =	stream.indirect.gather [hbm4b:s4+s13], $0x40, s9, s13, $0xb8;
	[tilespmem:$0x13000] =	vst v63  }
0x189: {  	_ =	swait.ge [sflag:s21], $0x2000  }
0x18a: {  	[sflag:s21] =	ssyncset.done $0x0  }
0x18b: {  	s7 =	rddreg [dreg:$0x15];
	[sflag:s21] =	ssyncadd.s32 $0xFFFFE000  }
0x18c: {  	[spmem:s2] =	stream.indirect.scatter.add.f32 [tilespmem:s17], [sflag:$0x5], $0x40, s7, s13, $0xb8;
	[tilespmem:$0x13000] =	vst v63  }
0x18d: {  	_ =	swait.ge [sflag:s10], $0x2000  }
0x18e: {  	[sflag:s10] =	ssyncset.done $0x0  }
0x18f: {  	s8 =	rddreg [dreg:$0x16];
	[sflag:s10] =	ssyncadd.s32 $0xFFFFE000  }
0x190: {  	[tilespmem:s17], [sflag:$0x4] =	stream.indirect.gather [hbm4b:s4+s13], $0x40, s8, s13, $0xb8;
	[tilespmem:$0x13000] =	vst v63  }
0x191: {  	_ =	swait.ge [sflag:s18], $0x2000  }
0x192: {  	[sflag:s18] =	ssyncset.done $0x0  }
0x193: {  	[sflag:s18] =	ssyncadd.s32 $0xFFFFE000  }
0x194: {  	[spmem:s2] =	stream.indirect.scatter.add.f32 [tilespmem:s14], [sflag:$0x5], $0x40, s22, s13, $0xb8;
	[tilespmem:$0x13000] =	vst v63  }
0x195: {  	_ =	swait.ge [sflag:s10], $0x2000  }
0x196: {  	[sflag:s10] =	ssyncset.done $0x0  }
0x197: {  	[sflag:s10] =	ssyncadd.s32 $0xFFFFE000  }
0x198: {  	[tilespmem:s14], [sflag:$0x1] =	stream.indirect.gather [hbm4b:s4+s13], $0x40, s23, s13, $0xb8;
	[tilespmem:$0x13000] =	vst v63  }
0x199: {  	_ =	swait.ge [sflag:s19], $0x2000  }
0x19a: {  	[sflag:s19] =	ssyncset.done $0x0  }
0x19b: {  	[sflag:s19] =	ssyncadd.s32 $0xFFFFE000  }
0x19c: {  	[spmem:s2] =	stream.indirect.scatter.add.f32 [tilespmem:s15], [sflag:$0x5], $0x40, s24, s13, $0xb8;
	[tilespmem:$0x13000] =	vst v63  }
0x19d: {  	_ =	swait.ge [sflag:s10], $0x2000  }
0x19e: {  	[sflag:s10] =	ssyncset.done $0x0  }
0x19f: {  	[sflag:s10] =	ssyncadd.s32 $0xFFFFE000  }
0x1a0: {  	[tilespmem:s15], [sflag:$0x2] =	stream.indirect.gather [hbm4b:s4+s13], $0x40, s25, s13, $0xb8;
	[tilespmem:$0x13000] =	vst v63  }
0x1a1: {  	_ =	swait.ge [sflag:s20], $0x2000  }
0x1a2: {  	[sflag:s20] =	ssyncset.done $0x0  }
0x1a3: {  	[sflag:s20] =	ssyncadd.s32 $0xFFFFE000  }
0x1a4: {  	[spmem:s2] =	stream.indirect.scatter.add.f32 [tilespmem:s16], [sflag:$0x5], $0x40, s26, s13, $0xb8;
	[tilespmem:$0x13000] =	vst v63  }
0x1a5: {  	_ =	swait.ge [sflag:s10], $0x2000  }
0x1a6: {  	[sflag:s10] =	ssyncset.done $0x0  }
0x1a7: {  	[sflag:s10] =	ssyncadd.s32 $0xFFFFE000  }
0x1a8: {  	[tilespmem:s16], [sflag:$0x3] =	stream.indirect.gather [hbm4b:s4+s13], $0x40, s28, s13, $0xb8;
	[tilespmem:$0x13000] =	vst v63  }
0x1a9: {  	_ =	swait.ge [sflag:s21], $0x2000  }
0x1aa: {  	[sflag:s21] =	ssyncset.done $0x0  }
0x1ab: {  	[sflag:s21] =	ssyncadd.s32 $0xFFFFE000  }
0x1ac: {  	[spmem:s2] =	stream.indirect.scatter.add.f32 [tilespmem:s17], [sflag:$0x5], $0x40, s29, s13, $0xb8;
	[tilespmem:$0x13000] =	vst v63  }
0x1ad: {  	_ =	swait.ge [sflag:s10], $0x2000  }
0x1ae: {  	[sflag:s10] =	ssyncset.done $0x0  }
0x1af: {  	[sflag:s10] =	ssyncadd.s32 $0xFFFFE000  }
0x1b0: {  	[tilespmem:s17], [sflag:$0x4] =	stream.indirect.gather [hbm4b:s4+s13], $0x40, s30, s13, $0xb8;
	[tilespmem:$0x13000] =	vst v63  }
0x1b1: {  	_ =	swait.ge [sflag:s18], $0x2000  }
0x1b2: {  	[sflag:s18] =	ssyncset.done $0x0  }
0x1b3: {  	[sflag:s18] =	ssyncadd.s32 $0xFFFFE000  }
0x1b4: {  	[spmem:s2] =	stream.indirect.scatter.add.f32 [tilespmem:s14], [sflag:$0x5], $0x40, s31, s13, $0xb8;
	[tilespmem:$0x13000] =	vst v63  }
0x1b5: {  	_ =	swait.ge [sflag:s10], $0x2000  }
0x1b6: {  	[sflag:s10] =	ssyncset.done $0x0  }
0x1b7: {  	[sflag:s10] =	ssyncadd.s32 $0xFFFFE000  }
0x1b8: {  	_ =	swait.ge [sflag:s19], $0x2000  }
0x1b9: {  	[sflag:s19] =	ssyncset.done $0x0  }
0x1ba: {  	[sflag:s19] =	ssyncadd.s32 $0xFFFFE000  }
0x1bb: {  	[spmem:s2] =	stream.indirect.scatter.add.f32 [tilespmem:s15], [sflag:$0x5], $0x40, s1, s13, $0xb8;
	[tilespmem:$0x13000] =	vst v63  }
0x1bc: {  	_ =	swait.ge [sflag:s10], $0x2000  }
0x1bd: {  	[sflag:s10] =	ssyncset.done $0x0  }
0x1be: {  	[sflag:s10] =	ssyncadd.s32 $0xFFFFE000  }
0x1bf: {  	_ =	swait.ge [sflag:s20], $0x2000  }
0x1c0: {  	[sflag:s20] =	ssyncset.done $0x0  }
0x1c1: {  	[sflag:s20] =	ssyncadd.s32 $0xFFFFE000  }
0x1c2: {  	[spmem:s2] =	stream.indirect.scatter.add.f32 [tilespmem:s16], [sflag:$0x5], $0x40, s0, s13, $0xb8;
	[tilespmem:$0x13000] =	vst v63  }
0x1c3: {  	_ =	swait.ge [sflag:s10], $0x2000  }
0x1c4: {  	[sflag:s10] =	ssyncset.done $0x0  }
0x1c5: {  	[sflag:s10] =	ssyncadd.s32 $0xFFFFE000  }
0x1c6: {  	_ =	swait.ge [sflag:s21], $0x2000  }
0x1c7: {  	[sflag:s21] =	ssyncset.done $0x0  }
0x1c8: {  	[sflag:s21] =	ssyncadd.s32 $0xFFFFE000  }
0x1c9: {  	[spmem:s2] =	stream.indirect.scatter.add.f32 [tilespmem:s17], [sflag:$0x5], $0x40, s5, s13, $0xb8;
	[tilespmem:$0x13000] =	vst v63  }
0x1ca: {  	_ =	swait.ge [sflag:s10], $0x2000  }
0x1cb: {  	[sflag:s10] =	ssyncset.done $0x0  }
0x1cc: {  	[sflag:s10] =	ssyncadd.s32 $0xFFFFE000  }
0x1cd: {  	[bflag:$0x0] =	sbarrier.arrive $0xFFFF  }
0x1ce: {  	s7 =	rddreg [dreg:$0x18]  }
0x1cf: {  	s9 =	rddreg [dreg:$0x19]  }
0x1d0: {  	s8 =	rddreg [dreg:$0x1b]  }
0x1d1: {  	[hbm:s9], [sflag:s7] =	dma.local [spmem:s8], $0x1400  }
0x1d2: {  	_ =	swait.ge [sflag:s10], $0x1400  }
0x1d3: {  	s6 =	rddreg [dreg:$0x1c]  }
0x1d4: {  	s9 =	sadd.s32 $0x1, s6;
	s6 =	rddreg [dreg:$0x1a]  }
0x1d5: {  	p0 =	sne.s32 s9, s6  }
.Ltmp1:
0x1d6: {  	_ = 	snop;
	(pc) =	sbr.rel @p0 .LBB2_1-.Ltmp1, $3  }
0x1d7: {  	_ =	sdelay $0x1  }
0x1d8: {  	[sflag:s10] =	ssyncset.done $0x0  }
0x1d9: {  	[sflag:s10] =	ssyncadd.s32 $0xFFFFEC00  }
0x1da: {  	_ =	sfence.sel $0x180000  }
0x1db: {  	[bflag:$0x0] =	sbarrier.arrive $0xFFFF  }
0x1dc: {  	_ =	strace $0x9000004A  }
0x1dd: {  	s0 =	stileid.u32;
	[bflag:$0x2] =	sbarrier.arrive $0xFFFF  }
0x1de: {  	p0 =	sne.s32 s0, $0x0;
	s0 =	rddreg [dreg:$0x2]  }
0x1df: {  	s0 =	sadd.s32 @!p0 $0x100000, s0  }
0x1e0: {  	[sflag:s0] =	ssyncadd.tile.s32 @!p0 $0x1;
	_ =	shalt  }
.Lfunc_end2:
_tile_overlayer_lowered:
.L_overlay_start_2:
0x1e1: {  	(tag) =	ssettag $0x2  }
0x1e2: {  	s0 =	rddreg [dreg:$0x0];
	s2 =	stileid.u32  }
0x1e3: {  	s1 =	rddreg [dreg:$0x1];
	p0 =	sne.s32 s2, $0x0  }
0x1e4: {  	s3 =	rddreg [dreg:$0x2];
	[bflag:$0x3] =	sbarrier.arrive $0xFFFF;
	s2 =	simm.s32 @!p0 $0x1C05  }
0x1e5: {  	[timem:s3], [sflag:s2] =	dma.local @!p0 [hbm:s0], s1  }
0x1e6: {  	s0 =	simm.s32 @!p0 $0x5  }
0x1e7: {  	_ =	swait.ge @!p0 [sflag:s0], s1  }
0x1e8: {  	s1 =	ssub.s32 @!p0 $0x0, s1;
	[sflag:s0] =	ssyncset.done @!p0 $0x0  }
0x1e9: {  	[sflag:s0] =	ssyncadd.s32 @!p0 s1  }
0x1ea: {  	[bflag:$0x3] =	sbarrier.arrive $0xFFFF  }
0x1eb: {  	_ =	shalt  }

// kernel: kernel.16.cloned.1.call-start
scs
__scs_entry_jumppad:
0x0: {  	(pc) =	sbr.rel $0x88, $3  }
0x1: {  	(tag) =	ssettag $0x0;
	lr =	simm.s32 $0x1  }
0x2: {  	[smem:$0x3F96] =	sst lr;
	_ =	strace $0xD0000000  }
0x3: {  	_ = 	snop  }
0x4: {  	_ = 	snop  }
0x5: {  	_ = 	snop  }
0x6: {  	_ = 	snop  }
0x7: {  	_ = 	snop  }
__scs_overlays_trampoline_lowered:
0x8: {  	[smem:$0x3FA5] =	sst s0  }
0x9: {  	[smem:$0x3FA6] =	sst s1  }
0xa: {  	[smem:$0x3FA7] =	sst s2  }
0xb: {  	[smem:$0x3FA8] =	sst s3  }
0xc: {  	[smem:$0x3FA9] =	sst s4  }
0xd: {  	[smem:$0x3FAA] =	sst s5  }
0xe: {  	[smem:$0x3FAB] =	sst s6  }
0xf: {  	[smem:$0x3FAC] =	sst s7  }
0x10: {  	[smem:$0x3FAD] =	sst s8  }
0x11: {  	[smem:$0x3FAE] =	sst s9;
	s0 =	simm.s32 @!p0 $0x0  }
0x12: {  	s1 =	sld [smem:$0x3F94];
	s0 =	simm.s32 @p0 $0x1  }
0x13: {  	[smem:$0x3FAF] =	sst s0;
	s0 =	simm.s32 @!p1 $0x0  }
0x14: {  	s2 =	sld [smem:$0x3F93];
	s0 =	simm.s32 @p1 $0x1  }
0x15: {  	[smem:$0x3FB0] =	sst s0;
	s0 =	simm.s32 @!p2 $0x0  }
0x16: {  	s3 =	sld [smem:$0x3FDB];
	s0 =	simm.s32 @p2 $0x1  }
0x17: {  	s4 =	simm.s32 $0x1BF5;
	[smem:$0x3FB2] =	sst s0  }
0x18: {  	s0 =	sld [smem:$0x3F95];
	_ =	swait.ge [sflag:s4], $0x0  }
0x19: {  	s7 =	sld [smem:$0x3F96]  }
0x1a: {  	s8 =	sadd.s32 $0xFFFFE003, lr  }
0x1b: {  	s9 =	sadd.s32 $0xFFFFFEF7, lr;
	s5 =	simm.s32 $0xFFFFFFFF;
	p2 =	slt.u32 s8, $0xFFFFF086  }
0x1c: {  	p1 =	slt.u32 s9, $0xF7A;
	s5 =	simm.s32 @!p2 $0x0  }
0x1d: {  	s5 =	simm.s32 @p1 $0x1;
	p0 =	seq.s32 s7, s2  }
0x1e: {  	s7 =	smul.u32 @!p0 $0xF7A, s2;
	p2 =	seq.s32 @!p0 s5, $0x0  }
0x1f: {  	s9 =	smul.u32 $0xF7A, s1;
	s8 =	simm.s32 @!p0 $0x1BF5;
	p2 =	por !p2, p0  }
0x20: {  	[sflag:s8] =	ssyncset.s32 @!p0 $0xFFFFF086;
	s6 =	sadd.s32 @!p0 s3, s7;
	s7 =	simm.s32 @!p0 $0x108  }
0x21: {  	s3 =	sadd.s32 s3, s9;
	s6 =	sadd.s32 @!p0 $0x88, s6;
	s7 =	simm.s32 @p2 $0x1082  }
0x22: {  	[simem:s7], [sflag:s8] =	dma.local @!p0 [hbm:s6], $0xF7A  }
0x23: {  	s9 =	sor.u32 $0xD0000000, s2;
	s6 =	simm.s32 $0x108;
	_ =	swait.ge @!p0 [sflag:s8], $0x0  }
0x24: {  	s3 =	sadd.s32 $0x88, s3;
	s6 =	simm.s32 @!p1 $0x1082;
	[sflag:s4] =	ssyncset.s32 $0xFFFFF086  }
0x25: {  	[simem:s6], [sflag:s4] =	dma.local [hbm:s3], $0xF7A  }
0x26: {  	[smem:$0x3F96] =	sst s1;
	(tag) =	ssettag s2;
	_ =	strace s9  }
0x27: {  	s1 =	sld [smem:$0x3FA6]  }
0x28: {  	s2 =	sld [smem:$0x3FA7]  }
0x29: {  	s4 =	sld [smem:$0x3FA9]  }
0x2a: {  	p0 =	seq.s32 s5, $0x0;
	s5 =	sld [smem:$0x3FAA]  }
0x2b: {  	s6 =	sld [smem:$0x3FAB]  }
0x2c: {  	s7 =	sld [smem:$0x3FAC]  }
0x2d: {  	s3 =	simm.s32 $0x108;
	s8 =	sld [smem:$0x3FAD]  }
0x2e: {  	s3 =	simm.s32 @!p0 $0x1082;
	s9 =	sld [smem:$0x3FAE]  }
0x2f: {  	lr =	sadd.s32 s0, s3;
	s0 =	sld [smem:$0x3FA5]  }
0x30: {  	s3 =	sld [smem:$0x3FA8]  }
0x31: {  	[smem:$0x3FB1] =	sst s10  }
0x32: {  	s10 =	sld [smem:$0x3FAF];
	_ =	sdelay $0x3  }
0x33: {  	p0 =	seq.s32 s10, $0x1;
	s10 =	sld [smem:$0x3FB1];
	_ =	sdelay $0x3  }
0x34: {  	[smem:$0x3FB1] =	sst s10  }
0x35: {  	s10 =	sld [smem:$0x3FB0];
	_ =	sdelay $0x3  }
0x36: {  	p1 =	seq.s32 s10, $0x1;
	s10 =	sld [smem:$0x3FB1];
	_ =	sdelay $0x3  }
0x37: {  	[smem:$0x3FB1] =	sst s10  }
0x38: {  	s10 =	sld [smem:$0x3FB2]  }
0x39: {  	_ = 	snop;
	(pc) =	sbr.ind lr, $3  }
0x3a: {  	_ = 	snop  }
0x3b: {  	_ = 	snop  }
0x3c: {  	p2 =	seq.s32 s10, $0x1;
	s10 =	sld [smem:$0x3FB1]  }
0x3d: {  	_ =	shalt  }
0x3e: {  	_ =	shalt  }
0x3f: {  	_ =	shalt  }
0x40: {  	_ =	shalt  }
0x41: {  	_ =	shalt  }
0x42: {  	_ =	shalt  }
0x43: {  	_ =	shalt  }
0x44: {  	_ =	shalt  }
0x45: {  	_ =	shalt  }
0x46: {  	_ =	shalt  }
0x47: {  	_ =	shalt  }
0x48: {  	_ =	shalt  }
0x49: {  	_ =	shalt  }
0x4a: {  	_ =	shalt  }
0x4b: {  	_ =	shalt  }
0x4c: {  	_ =	shalt  }
0x4d: {  	_ =	shalt  }
0x4e: {  	_ =	shalt  }
0x4f: {  	_ =	shalt  }
0x50: {  	_ =	shalt  }
0x51: {  	_ =	shalt  }
0x52: {  	_ =	shalt  }
0x53: {  	_ =	shalt  }
0x54: {  	_ =	shalt  }
0x55: {  	_ =	shalt  }
0x56: {  	_ =	shalt  }
0x57: {  	_ =	shalt  }
0x58: {  	_ =	shalt  }
0x59: {  	_ =	shalt  }
0x5a: {  	_ =	shalt  }
0x5b: {  	_ =	shalt  }
0x5c: {  	_ =	shalt  }
0x5d: {  	_ =	shalt  }
0x5e: {  	_ =	shalt  }
0x5f: {  	_ =	shalt  }
0x60: {  	_ =	shalt  }
0x61: {  	_ =	shalt  }
0x62: {  	_ =	shalt  }
0x63: {  	_ =	shalt  }
0x64: {  	_ =	shalt  }
0x65: {  	_ =	shalt  }
0x66: {  	_ =	shalt  }
0x67: {  	_ =	shalt  }
0x68: {  	_ =	shalt  }
0x69: {  	_ =	shalt  }
0x6a: {  	_ =	shalt  }
0x6b: {  	_ =	shalt  }
0x6c: {  	_ =	shalt  }
0x6d: {  	_ =	shalt  }
0x6e: {  	_ =	shalt  }
0x6f: {  	_ =	shalt  }
0x70: {  	_ =	shalt  }
0x71: {  	_ =	shalt  }
0x72: {  	_ =	shalt  }
0x73: {  	_ =	shalt  }
0x74: {  	_ =	shalt  }
0x75: {  	_ =	shalt  }
0x76: {  	_ =	shalt  }
0x77: {  	_ =	shalt  }
0x78: {  	_ =	shalt  }
0x79: {  	_ =	shalt  }
0x7a: {  	_ =	shalt  }
0x7b: {  	_ =	shalt  }
0x7c: {  	_ =	shalt  }
0x7d: {  	_ =	shalt  }
0x7e: {  	_ =	shalt  }
0x7f: {  	_ =	shalt  }
0x80: {  	_ =	shalt  }
0x81: {  	_ =	shalt  }
0x82: {  	_ =	shalt  }
0x83: {  	_ =	shalt  }
0x84: {  	_ =	shalt  }
0x85: {  	_ =	shalt  }
0x86: {  	_ =	shalt  }
0x87: {  	_ =	shalt  }
.Lfunc_end0:
.L_simem_size_0:
called_computation.2_lowered:
.L_overlay_start_0:
0x88: {  	s2 =	sld [smem:$0x3FD9]  }
0x89: {  	s3 =	sld [smem:$0x3FFE];
	_ =	sdelay $0x1  }
0x8a: {  	s1 =	srdreg.scid  }
0x8b: {  	s0 =	sand.u32 $0x1, s1  }
0x8c: {  	s17 =	sshll.u32 s0, $0xA;
	s2 =	sadd.s32 s3, s2  }
0x8d: {  	s2 =	sadd.s32 s2, s17  }
0x8e: {  	[smem:$0x3FBD] =	sst s2  }
0x8f: {  	_ = 	snop  }
0x90: {  	(tm) =	ssettm $0x1  }
0x91: {  	s18 =	sld [smem:$0x3FFB];
	_ =	sdelay $0x3  }
0x92: {  	_ =	strace s18  }
0x93: {  	s2 =	sld [smem:$0x3FFC];
	_ =	sdelay $0x3  }
0x94: {  	_ =	strace s2  }
0x95: {  	s2 =	sld [smem:$0x3FFD];
	_ =	sdelay $0x3  }
0x96: {  	_ =	strace s2  }
0x97: {  	_ =	strace $0x8FFFFFFF  }
0x98: {  	s19 =	sld [smem:$0x3FDB];
	_ =	sdelay $0x1  }
0x99: {  	s20 =	simm.s32 $_scs_section_size  }
0x9a: {  	s4 =	simm.s32 $_size__tile_overlayer_lowered;
	s5 =	simm.s32 $_tile_overlayer_lowered  }
0x9b: {  	s6 =	simm.s32 $0x1BFF;
	s21 =	sshll.u32 s5, $0x1;
	s3 =	sadd.s32 s20, s19  }
0x9c: {  	s22 =	simm.s32 $0x0;
	s4 =	sshll.u32 s4, $0x1;
	s5 =	sadd.s32 s21, s3  }
0x9d: {  	[timem:s22], [sflag:s6] =	dma.local [hbm:s5], s4  }
0x9e: {  	_ =	swait.ge [sflag:s6], s4  }
0x9f: {  	s4 =	ssub.s32 $0x0, s4;
	[sflag:s6] =	ssyncset.done $0x0  }
0xa0: {  	[sflag:s6] =	ssyncadd.s32 s4;
	_ =	sdelay $0x1  }
0xa1: {  	s23 =	simm.s32 $0x1B8B  }
0xa2: {  	_ =	swait.ge [sflag:s23], $0x1  }
0xa3: {  	[sflag:s23] =	ssyncset.done $0x0  }
0xa4: {  	[sflag:s23] =	ssyncadd.s32 $0xFFFFFFFF  }
0xa5: {  	s4 =	sld [smem:$0x0]  }
0xa6: {  	s5 =	sand.u32 $0xFFFFFFFE, s1  }
0xa7: {  	p0 =	sne.s32 s1, s5  }
0xa8: {  	s5 =	sshll.u32 @p0 s5, $0xE  }
0xa9: {  	s5 =	sadd.s32 @p0 $0x11B8D, s5;
	s6 =	sshll.u32 @p0 s4, $0x11  }
0xaa: {  	s5 =	sor.u32 @p0 s6, s5  }
0xab: {  	[sflag:s5] =	ssyncadd.remote.s32 @p0 $0x1;
	_ =	sdelay $0x1  }
0xac: {  	s5 =	simm.s32 @p0 $0x1B8D  }
0xad: {  	_ =	swait.eq @p0 [sflag:s5], $0x1  }
0xae: {  	[sflag:s5] =	ssyncadd.s32 @p0 $0xFFFFFFFF  }
0xaf: {  	s6 =	sshll.u32 @!p0 s1, $0xE  }
0xb0: {  	s6 =	sor.u32 @!p0 $0x4000, s6;
	s5 =	simm.s32 @!p0 $0x1B8D  }
0xb1: {  	s4 =	sshll.u32 @!p0 s4, $0x11;
	s6 =	sadd.s32 @!p0 $0x11B8D, s6;
	_ =	swait.eq @!p0 [sflag:s5], $0x1  }
0xb2: {  	s4 =	sor.u32 @!p0 s4, s6;
	[sflag:s5] =	ssyncadd.s32 @!p0 $0xFFFFFFFF  }
0xb3: {  	s25 =	simm.s32 $0x1B8E;
	s24 =	sld [smem:$0x3FFE];
	[sflag:s4] =	ssyncadd.remote.s32 @!p0 $0x1  }
0xb4: {  	s26 =	simm.s32 $execute0_lowered;
	[smem:$0x3FD2] =	sst s25  }
0xb5: {  	s5 =	sshll.u32 s26, $0x1;
	_ =	strace $0x8000004F;
	[dreg:$0x1] =	wrdreg $0xFFFFFFFF  }
0xb6: {  	s28 =	simm.s32 $_size_execute0_lowered;
	s3 =	sadd.s32 s3, s5;
	[dreg:$0x0] =	wrdreg $0x0  }
0xb7: {  	s5 =	sshll.u32 s28, $0x1;
	[dreg:$0x2] =	wrdreg s3  }
0xb8: {  	[dreg:$0x3] =	wrdreg s5  }
0xb9: {  	[dreg:$0x4] =	wrdreg $0xC0  }
0xba: {  	_ =	task [dreg:s22], $0x5FFFF  }
0xbb: {  	[dreg:$0x1] =	wrdreg $0xFFFFFFFF  }
0xbc: {  	[dreg:$0x0] =	wrdreg $0x60  }
0xbd: {  	[dreg:$0x2] =	wrdreg s24  }
0xbe: {  	[dreg:$0x3] =	wrdreg $0x0  }
0xbf: {  	[dreg:$0x4] =	wrdreg $0xA  }
0xc0: {  	_ =	task.clear_ibuf [dreg:s22], $0x5FFFF;
	_ =	strace $0x9000004F  }
0xc1: {  	s29 =	simm.s32 $0xA;
	_ =	strace $0x80000051  }
0xc2: {  	_ =	swait.ge [sflag:s29], $0x1  }
0xc3: {  	[sflag:s29] =	ssyncadd.s32 $0xFFFFFFFF  }
0xc4: {  	_ =	strace $0x90000051  }
0xc5: {  	_ =	sfence  }
0xc6: {  	s30 =	sld [smem:$0x0];
	_ =	sdelay $0x2  }
0xc7: {  	s31 =	sshll.u32 s1, $0xD;
	s1 =	sshrl.u32 s1, $0x2  }
0xc8: {  	s4 =	sand.u32 $0x4000, s31;
	s1 =	sadd.s32 s1, s30  }
0xc9: {  	s0 =	sor.u32 s4, s0;
	s1 =	sshll.u32 s1, $0x11  }
0xca: {  	s0 =	sor.u32 s1, s0  }
0xcb: {  	s0 =	sadd.s32 $0x8F2B, s0  }
0xcc: {  	[sflag:s0] =	ssyncadd.remote.s32 $0x1  }
0xcd: {  	_ =	sfence.sel $0xFFFF  }
0xce: {  	[dreg:$0x0] =	wrdreg $0xFFFFFFFF;
	(pc) =	sbr.abs _section_cstart, $3  }
0xcf: {  	[dreg:$0x1] =	wrdreg $0xFFFFFFFF  }
0xd0: {  	_ =	task.clear_ibuf [dreg:s22], $0x2FFFF;
	_ =	strace $0x9FFFFFFF  }
0xd1: {  	(tm) =	ssettm $0x7FFFFFFF  }
tec
execute0_lowered:
.L_overlay_start_1:
0x0: {  	(tag) =	ssettag $0x1  }
0x1: {  	s0 =	srdreg.scid  }
0x2: {  	s1 =	rddreg [dreg:$0x0];
	s9 =	stileid.u32  }
0x3: {  	s2 =	rddreg [dreg:$0x1];
	s3 =	simm.s32 $0x0;
	s12 =	simm.s32 $0x14080  }
0x4: {  	s14 =	simm.s32 $0x14100;
	s15 =	simm.s32 $0x14880;
	s16 =	simm.s32 $0x14180  }
0x5: {  	s17 =	simm.s32 $0x14900;
	[smem:$0x7FF] =	sst s3;
	s8 =	sadd.s32 $0x2D600, s1  }
0x6: {  	s18 =	simm.s32 $0x14200;
	_ =	strace $0x80000050;
	[dreg:$0x13] =	wrdreg s8  }
0x7: {  	s19 =	simm.s32 $0x14980;
	s20 =	simm.s32 $0x14280;
	[dreg:$0x5] =	wrdreg s12  }
0x8: {  	s21 =	simm.s32 $0x14A00;
	s22 =	simm.s32 $0x14300;
	[dreg:$0x6] =	wrdreg s14  }
0x9: {  	s23 =	simm.s32 $0x14A80;
	s28 =	simm.s32 $0x14680;
	[dreg:$0x7] =	wrdreg s15  }
0xa: {  	s29 =	simm.s32 $0x14E00;
	s30 =	simm.s32 $0x14700;
	[dreg:$0x8] =	wrdreg s16  }
0xb: {  	s31 =	simm.s32 $0x14E80;
	s5 =	smul.u32 $0x5000, s9;
	[dreg:$0x9] =	wrdreg s17  }
0xc: {  	s0 =	sand.u32 $0x1, s0;
	s7 =	smul.u32 $0x14000, s9;
	[dreg:$0xa] =	wrdreg s18  }
0xd: {  	s26 =	smul.u32 $0x50000, s9;
	s13 =	sshll.u32 s9, $0x6;
	[dreg:$0xb] =	wrdreg s19  }
0xe: {  	s9 =	simm.s32 $0x0;
	s4 =	smul.u32 $0x50000, s0;
	[dreg:$0xc] =	wrdreg s20  }
0xf: {  	s24 =	smul.u32 $0x140000, s0;
	s0 =	ssub.s32 $0x2, s0;
	[dreg:$0xd] =	wrdreg s21  }
0x10: {  	s12 =	simm.s32 $0x14800;
	s14 =	simm.s32 $0x15000;
	[dreg:$0xe] =	wrdreg s22  }
0x11: {  	s15 =	simm.s32 $0x19000;
	[dreg:$0xf] =	wrdreg s23;
	s16 =	simm.s32 $0x1  }
0x12: {  	s17 =	simm.s32 $0x2;
	s18 =	simm.s32 $0x14B80;
	s19 =	simm.s32 $0x14480  }
0x13: {  	s20 =	simm.s32 $0x14C00;
	s21 =	simm.s32 $0x14500;
	s22 =	simm.s32 $0x14C80  }
0x14: {  	s23 =	simm.s32 $0x14580;
	s25 =	sshrl.u32 s0, $0x1;
	s8 =	sshrl.u32 s26, $0x2  }
0x15: {  	s26 =	simm.s32 $0x14400;
	s4 =	sadd.s32 s5, s4;
	s5 =	sadd.s32 s7, s24  }
0x16: {  	s0 =	ssub.s32 s0, s25;
	s11 =	sadd.s32 s8, s2;
	s24 =	simm.s32 $0x14380  }
0x17: {  	s25 =	simm.s32 $0x14B00;
	[dreg:$0x12] =	wrdreg s26;
	s26 =	simm.s32 $0x14D80  }
0x18: {  	s6 =	sshrl.u32 s4, $0x3;
	s4 =	sadd.s32 $0x81800, s1;
	s5 =	sshrl.u32 s5, $0x3  }
0x19: {  	s0 =	smax.u32 s0, $0x1;
	s8 =	sshrl.u32 s11, $0x3;
	[dreg:$0x10] =	wrdreg s24  }
0x1a: {  	s11 =	simm.s32 $0x14000;
	[dreg:$0x11] =	wrdreg s25;
	s24 =	simm.s32 $0x14D00  }
0x1b: {  	s25 =	simm.s32 $0x14600;
	s6 =	sadd.s32 s6, s1;
	[dreg:$0x16] =	wrdreg s0  }
0x1c: {  	s1 =	sadd.s32 s5, s1;
	[dreg:$0x17] =	wrdreg s8;
	s7 =	sadd.s32 $0x18200, s6  }
0x1d: {  	s0 =	simm.s32 $0x14F00;
	s10 =	sadd.s32 $0x4200, s6;
	[dreg:$0x3] =	wrdreg s7  }
0x1e: {  	s5 =	simm.s32 $0x14F80;
	s1 =	sadd.s32 $0xF9800, s1;
	[dreg:$0x4] =	wrdreg s10  }
0x1f: {  	s7 =	sor.u32 $0x1C03, s13;
	[dreg:$0x15] =	wrdreg s1;
	s10 =	simm.s32 $0x3  }
0x20: {  	s13 =	simm.s32 $0x80;
	s1 =	simm.s32 $0x14780;
	[dreg:$0x14] =	wrdreg s7  }
.LBB2_1:
0x21: {  	[dreg:$0x18] =	wrdreg s9  }
0x22: {  	s6 =	rddreg [dreg:$0x13]  }
0x23: {  	[spmem:s8], [sflag:s7] =	dma.local [hbm:s6], $0x2800  }
0x24: {  	_ =	swait.ge [sflag:s10], $0x2800  }
0x25: {  	[sflag:s10] =	ssyncset.done $0x0  }
0x26: {  	[sflag:s10] =	ssyncadd.s32 $0xFFFFD800  }
0x27: {  	[bflag:$0x0] =	sbarrier.arrive $0xFFFF  }
0x28: {  	s9 =	rddreg [dreg:$0x4]  }
0x29: {  	s6 =	sadd.s32 $0x0, s9  }
0x2a: {  	[tilespmem:s11], [sflag:$0x3] =	stream.linear.gather [hbm4b:s6+s3], $0x800, $0x38;
	[tilespmem:$0x1D000] =	vst v63  }
0x2b: {  	_ =	swait.ge [sflag:s10], $0x800  }
0x2c: {  	s7 =	rddreg [dreg:$0x3];
	[sflag:s10] =	ssyncset.done $0x0  }
0x2d: {  	[sflag:s10] =	ssyncadd.s32 $0xFFFFF800;
	s6 =	sadd.s32 $0x0, s7  }
0x2e: {  	[tilespmem:s12], [sflag:$0x3] =	stream.linear.gather [hbm4b:s6+s3], $0x800, $0x38;
	[tilespmem:$0x1D000] =	vst v63  }
0x2f: {  	_ =	swait.ge [sflag:s10], $0x800  }
0x30: {  	[sflag:s10] =	ssyncset.done $0x0  }
0x31: {  	[sflag:s10] =	ssyncadd.s32 $0xFFFFF800  }
0x32: {  	[tilespmem:s14], [sflag:$0x1] =	stream.indirect.gather [hbm4b:s4+s13], $0x80, s11, s13, $0xb8;
	[tilespmem:$0x1D000] =	vst v63  }
0x33: {  	s8 =	rddreg [dreg:$0x5]  }
0x34: {  	[tilespmem:s15], [sflag:$0x2] =	stream.indirect.gather [hbm4b:s4+s13], $0x80, s8, s13, $0xb8;
	[tilespmem:$0x1D000] =	vst v63  }
0x35: {  	_ =	swait.ge [sflag:s16], $0x4000  }
0x36: {  	[sflag:s16] =	ssyncset.done $0x0  }
0x37: {  	[sflag:s16] =	ssyncadd.s32 $0xFFFFC000  }
0x38: {  	[spmem:s2] =	stream.indirect.scatter.add.f32 [tilespmem:s14], [sflag:$0x3], $0x80, s12, s13, $0xb8;
	[tilespmem:$0x1D000] =	vst v63  }
0x39: {  	_ =	swait.ge [sflag:s10], $0x4000  }
0x3a: {  	[sflag:s10] =	ssyncset.done $0x0  }
0x3b: {  	s9 =	rddreg [dreg:$0x6];
	[sflag:s10] =	ssyncadd.s32 $0xFFFFC000  }
0x3c: {  	[tilespmem:s14], [sflag:$0x1] =	stream.indirect.gather [hbm4b:s4+s13], $0x80, s9, s13, $0xb8;
	[tilespmem:$0x1D000] =	vst v63  }
0x3d: {  	_ =	swait.ge [sflag:s17], $0x4000  }
0x3e: {  	[sflag:s17] =	ssyncset.done $0x0  }
0x3f: {  	s7 =	rddreg [dreg:$0x7];
	[sflag:s17] =	ssyncadd.s32 $0xFFFFC000  }
0x40: {  	[spmem:s2] =	stream.indirect.scatter.add.f32 [tilespmem:s15], [sflag:$0x3], $0x80, s7, s13, $0xb8;
	[tilespmem:$0x1D000] =	vst v63  }
0x41: {  	_ =	swait.ge [sflag:s10], $0x4000  }
0x42: {  	[sflag:s10] =	ssyncset.done $0x0  }
0x43: {  	s8 =	rddreg [dreg:$0x8];
	[sflag:s10] =	ssyncadd.s32 $0xFFFFC000  }
0x44: {  	[tilespmem:s15], [sflag:$0x2] =	stream.indirect.gather [hbm4b:s4+s13], $0x80, s8, s13, $0xb8;
	[tilespmem:$0x1D000] =	vst v63  }
0x45: {  	_ =	swait.ge [sflag:s16], $0x4000  }
0x46: {  	[sflag:s16] =	ssyncset.done $0x0  }
0x47: {  	s9 =	rddreg [dreg:$0x9];
	[sflag:s16] =	ssyncadd.s32 $0xFFFFC000  }
0x48: {  	[spmem:s2] =	stream.indirect.scatter.add.f32 [tilespmem:s14], [sflag:$0x3], $0x80, s9, s13, $0xb8;
	[tilespmem:$0x1D000] =	vst v63  }
0x49: {  	_ =	swait.ge [sflag:s10], $0x4000  }
0x4a: {  	[sflag:s10] =	ssyncset.done $0x0  }
0x4b: {  	s7 =	rddreg [dreg:$0xa];
	[sflag:s10] =	ssyncadd.s32 $0xFFFFC000  }
0x4c: {  	[tilespmem:s14], [sflag:$0x1] =	stream.indirect.gather [hbm4b:s4+s13], $0x80, s7, s13, $0xb8;
	[tilespmem:$0x1D000] =	vst v63  }
0x4d: {  	_ =	swait.ge [sflag:s17], $0x4000  }
0x4e: {  	[sflag:s17] =	ssyncset.done $0x0  }
0x4f: {  	s8 =	rddreg [dreg:$0xb];
	[sflag:s17] =	ssyncadd.s32 $0xFFFFC000  }
0x50: {  	[spmem:s2] =	stream.indirect.scatter.add.f32 [tilespmem:s15], [sflag:$0x3], $0x80, s8, s13, $0xb8;
	[tilespmem:$0x1D000] =	vst v63  }
0x51: {  	_ =	swait.ge [sflag:s10], $0x4000  }
0x52: {  	[sflag:s10] =	ssyncset.done $0x0  }
0x53: {  	s9 =	rddreg [dreg:$0xc];
	[sflag:s10] =	ssyncadd.s32 $0xFFFFC000  }
0x54: {  	[tilespmem:s15], [sflag:$0x2] =	stream.indirect.gather [hbm4b:s4+s13], $0x80, s9, s13, $0xb8;
	[tilespmem:$0x1D000] =	vst v63  }
0x55: {  	_ =	swait.ge [sflag:s16], $0x4000  }
0x56: {  	[sflag:s16] =	ssyncset.done $0x0  }
0x57: {  	s7 =	rddreg [dreg:$0xd];
	[sflag:s16] =	ssyncadd.s32 $0xFFFFC000  }
0x58: {  	[spmem:s2] =	stream.indirect.scatter.add.f32 [tilespmem:s14], [sflag:$0x3], $0x80, s7, s13, $0xb8;
	[tilespmem:$0x1D000] =	vst v63  }
0x59: {  	_ =	swait.ge [sflag:s10], $0x4000  }
0x5a: {  	[sflag:s10] =	ssyncset.done $0x0  }
0x5b: {  	s8 =	rddreg [dreg:$0xe];
	[sflag:s10] =	ssyncadd.s32 $0xFFFFC000  }
0x5c: {  	[tilespmem:s14], [sflag:$0x1] =	stream.indirect.gather [hbm4b:s4+s13], $0x80, s8, s13, $0xb8;
	[tilespmem:$0x1D000] =	vst v63  }
0x5d: {  	_ =	swait.ge [sflag:s17], $0x4000  }
0x5e: {  	[sflag:s17] =	ssyncset.done $0x0  }
0x5f: {  	s9 =	rddreg [dreg:$0xf];
	[sflag:s17] =	ssyncadd.s32 $0xFFFFC000  }
0x60: {  	[spmem:s2] =	stream.indirect.scatter.add.f32 [tilespmem:s15], [sflag:$0x3], $0x80, s9, s13, $0xb8;
	[tilespmem:$0x1D000] =	vst v63  }
0x61: {  	_ =	swait.ge [sflag:s10], $0x4000  }
0x62: {  	[sflag:s10] =	ssyncset.done $0x0  }
0x63: {  	s7 =	rddreg [dreg:$0x10];
	[sflag:s10] =	ssyncadd.s32 $0xFFFFC000  }
0x64: {  	[tilespmem:s15], [sflag:$0x2] =	stream.indirect.gather [hbm4b:s4+s13], $0x80, s7, s13, $0xb8;
	[tilespmem:$0x1D000] =	vst v63  }
0x65: {  	_ =	swait.ge [sflag:s16], $0x4000  }
0x66: {  	[sflag:s16] =	ssyncset.done $0x0  }
0x67: {  	s8 =	rddreg [dreg:$0x11];
	[sflag:s16] =	ssyncadd.s32 $0xFFFFC000  }
0x68: {  	[spmem:s2] =	stream.indirect.scatter.add.f32 [tilespmem:s14], [sflag:$0x3], $0x80, s8, s13, $0xb8;
	[tilespmem:$0x1D000] =	vst v63  }
0x69: {  	_ =	swait.ge [sflag:s10], $0x4000  }
0x6a: {  	[sflag:s10] =	ssyncset.done $0x0  }
0x6b: {  	s9 =	rddreg [dreg:$0x12];
	[sflag:s10] =	ssyncadd.s32 $0xFFFFC000  }
0x6c: {  	[tilespmem:s14], [sflag:$0x1] =	stream.indirect.gather [hbm4b:s4+s13], $0x80, s9, s13, $0xb8;
	[tilespmem:$0x1D000] =	vst v63  }
0x6d: {  	_ =	swait.ge [sflag:s17], $0x4000  }
0x6e: {  	[sflag:s17] =	ssyncset.done $0x0  }
0x6f: {  	[sflag:s17] =	ssyncadd.s32 $0xFFFFC000  }
0x70: {  	[spmem:s2] =	stream.indirect.scatter.add.f32 [tilespmem:s15], [sflag:$0x3], $0x80, s18, s13, $0xb8;
	[tilespmem:$0x1D000] =	vst v63  }
0x71: {  	_ =	swait.ge [sflag:s10], $0x4000  }
0x72: {  	[sflag:s10] =	ssyncset.done $0x0  }
0x73: {  	[sflag:s10] =	ssyncadd.s32 $0xFFFFC000  }
0x74: {  	[tilespmem:s15], [sflag:$0x2] =	stream.indirect.gather [hbm4b:s4+s13], $0x80, s19, s13, $0xb8;
	[tilespmem:$0x1D000] =	vst v63  }
0x75: {  	_ =	swait.ge [sflag:s16], $0x4000  }
0x76: {  	[sflag:s16] =	ssyncset.done $0x0  }
0x77: {  	[sflag:s16] =	ssyncadd.s32 $0xFFFFC000  }
0x78: {  	[spmem:s2] =	stream.indirect.scatter.add.f32 [tilespmem:s14], [sflag:$0x3], $0x80, s20, s13, $0xb8;
	[tilespmem:$0x1D000] =	vst v63  }
0x79: {  	_ =	swait.ge [sflag:s10], $0x4000  }
0x7a: {  	[sflag:s10] =	ssyncset.done $0x0  }
0x7b: {  	[sflag:s10] =	ssyncadd.s32 $0xFFFFC000  }
0x7c: {  	[tilespmem:s14], [sflag:$0x1] =	stream.indirect.gather [hbm4b:s4+s13], $0x80, s21, s13, $0xb8;
	[tilespmem:$0x1D000] =	vst v63  }
0x7d: {  	_ =	swait.ge [sflag:s17], $0x4000  }
0x7e: {  	[sflag:s17] =	ssyncset.done $0x0  }
0x7f: {  	[sflag:s17] =	ssyncadd.s32 $0xFFFFC000  }
0x80: {  	[spmem:s2] =	stream.indirect.scatter.add.f32 [tilespmem:s15], [sflag:$0x3], $0x80, s22, s13, $0xb8;
	[tilespmem:$0x1D000] =	vst v63  }
0x81: {  	_ =	swait.ge [sflag:s10], $0x4000  }
0x82: {  	[sflag:s10] =	ssyncset.done $0x0  }
0x83: {  	[sflag:s10] =	ssyncadd.s32 $0xFFFFC000  }
0x84: {  	[tilespmem:s15], [sflag:$0x2] =	stream.indirect.gather [hbm4b:s4+s13], $0x80, s23, s13, $0xb8;
	[tilespmem:$0x1D000] =	vst v63  }
0x85: {  	_ =	swait.ge [sflag:s16], $0x4000  }
0x86: {  	[sflag:s16] =	ssyncset.done $0x0  }
0x87: {  	[sflag:s16] =	ssyncadd.s32 $0xFFFFC000  }
0x88: {  	[spmem:s2] =	stream.indirect.scatter.add.f32 [tilespmem:s14], [sflag:$0x3], $0x80, s24, s13, $0xb8;
	[tilespmem:$0x1D000] =	vst v63  }
0x89: {  	_ =	swait.ge [sflag:s10], $0x4000  }
0x8a: {  	[sflag:s10] =	ssyncset.done $0x0  }
0x8b: {  	[sflag:s10] =	ssyncadd.s32 $0xFFFFC000  }
0x8c: {  	[tilespmem:s14], [sflag:$0x1] =	stream.indirect.gather [hbm4b:s4+s13], $0x80, s25, s13, $0xb8;
	[tilespmem:$0x1D000] =	vst v63  }
0x8d: {  	_ =	swait.ge [sflag:s17], $0x4000  }
0x8e: {  	[sflag:s17] =	ssyncset.done $0x0  }
0x8f: {  	[sflag:s17] =	ssyncadd.s32 $0xFFFFC000  }
0x90: {  	[spmem:s2] =	stream.indirect.scatter.add.f32 [tilespmem:s15], [sflag:$0x3], $0x80, s26, s13, $0xb8;
	[tilespmem:$0x1D000] =	vst v63  }
0x91: {  	_ =	swait.ge [sflag:s10], $0x4000  }
0x92: {  	[sflag:s10] =	ssyncset.done $0x0  }
0x93: {  	[sflag:s10] =	ssyncadd.s32 $0xFFFFC000  }
0x94: {  	[tilespmem:s15], [sflag:$0x2] =	stream.indirect.gather [hbm4b:s4+s13], $0x80, s28, s13, $0xb8;
	[tilespmem:$0x1D000] =	vst v63  }
0x95: {  	_ =	swait.ge [sflag:s16], $0x4000  }
0x96: {  	[sflag:s16] =	ssyncset.done $0x0  }
0x97: {  	[sflag:s16] =	ssyncadd.s32 $0xFFFFC000  }
0x98: {  	[spmem:s2] =	stream.indirect.scatter.add.f32 [tilespmem:s14], [sflag:$0x3], $0x80, s29, s13, $0xb8;
	[tilespmem:$0x1D000] =	vst v63  }
0x99: {  	_ =	swait.ge [sflag:s10], $0x4000  }
0x9a: {  	[sflag:s10] =	ssyncset.done $0x0  }
0x9b: {  	[sflag:s10] =	ssyncadd.s32 $0xFFFFC000  }
0x9c: {  	[tilespmem:s14], [sflag:$0x1] =	stream.indirect.gather [hbm4b:s4+s13], $0x80, s30, s13, $0xb8;
	[tilespmem:$0x1D000] =	vst v63  }
0x9d: {  	_ =	swait.ge [sflag:s17], $0x4000  }
0x9e: {  	[sflag:s17] =	ssyncset.done $0x0  }
0x9f: {  	[sflag:s17] =	ssyncadd.s32 $0xFFFFC000  }
0xa0: {  	[spmem:s2] =	stream.indirect.scatter.add.f32 [tilespmem:s15], [sflag:$0x3], $0x80, s31, s13, $0xb8;
	[tilespmem:$0x1D000] =	vst v63  }
0xa1: {  	_ =	swait.ge [sflag:s10], $0x4000  }
0xa2: {  	[sflag:s10] =	ssyncset.done $0x0  }
0xa3: {  	[sflag:s10] =	ssyncadd.s32 $0xFFFFC000  }
0xa4: {  	[tilespmem:s15], [sflag:$0x2] =	stream.indirect.gather [hbm4b:s4+s13], $0x80, s1, s13, $0xb8;
	[tilespmem:$0x1D000] =	vst v63  }
0xa5: {  	_ =	swait.ge [sflag:s16], $0x4000  }
0xa6: {  	[sflag:s16] =	ssyncset.done $0x0  }
0xa7: {  	[sflag:s16] =	ssyncadd.s32 $0xFFFFC000  }
0xa8: {  	[spmem:s2] =	stream.indirect.scatter.add.f32 [tilespmem:s14], [sflag:$0x3], $0x80, s0, s13, $0xb8;
	[tilespmem:$0x1D000] =	vst v63  }
0xa9: {  	_ =	swait.ge [sflag:s10], $0x4000  }
0xaa: {  	[sflag:s10] =	ssyncset.done $0x0  }
0xab: {  	[sflag:s10] =	ssyncadd.s32 $0xFFFFC000  }
0xac: {  	_ =	swait.ge [sflag:s17], $0x4000  }
0xad: {  	[sflag:s17] =	ssyncset.done $0x0  }
0xae: {  	[sflag:s17] =	ssyncadd.s32 $0xFFFFC000  }
0xaf: {  	[spmem:s2] =	stream.indirect.scatter.add.f32 [tilespmem:s15], [sflag:$0x3], $0x80, s5, s13, $0xb8;
	[tilespmem:$0x1D000] =	vst v63  }
0xb0: {  	s6 =	simm.s32 $0x200;
	_ =	swait.ge [sflag:s10], $0x4000  }
0xb1: {  	s8 =	simm.s32 $0x100;
	s9 =	rddreg [dreg:$0x4];
	[sflag:s10] =	ssyncset.done $0x0  }
.LBB2_2:
0xb2: {  	[sflag:s10] =	ssyncadd.s32 $0xFFFFC000;
	s9 =	sadd.s32 s8, s9  }
0xb3: {  	[tilespmem:s11], [sflag:$0x3] =	stream.linear.gather [hbm4b:s9+s3], $0x800, $0x38;
	[tilespmem:$0x1D000] =	vst v63  }
0xb4: {  	_ =	swait.ge [sflag:s10], $0x800  }
0xb5: {  	s9 =	rddreg [dreg:$0x3];
	[sflag:s10] =	ssyncset.done $0x0  }
0xb6: {  	[sflag:s10] =	ssyncadd.s32 $0xFFFFF800;
	s9 =	sadd.s32 s8, s9  }
0xb7: {  	[tilespmem:s12], [sflag:$0x3] =	stream.linear.gather [hbm4b:s9+s3], $0x800, $0x38;
	[tilespmem:$0x1D000] =	vst v63  }
0xb8: {  	_ =	swait.ge [sflag:s10], $0x800  }
0xb9: {  	[sflag:s10] =	ssyncset.done $0x0  }
0xba: {  	[sflag:s10] =	ssyncadd.s32 $0xFFFFF800  }
0xbb: {  	[tilespmem:s14], [sflag:$0x1] =	stream.indirect.gather [hbm4b:s4+s13], $0x80, s11, s13, $0xb8;
	[tilespmem:$0x1D000] =	vst v63  }
0xbc: {  	s9 =	rddreg [dreg:$0x5]  }
0xbd: {  	[tilespmem:s15], [sflag:$0x2] =	stream.indirect.gather [hbm4b:s4+s13], $0x80, s9, s13, $0xb8;
	[tilespmem:$0x1D000] =	vst v63  }
0xbe: {  	_ =	swait.ge [sflag:s16], $0x4000  }
0xbf: {  	[sflag:s16] =	ssyncset.done $0x0  }
0xc0: {  	[sflag:s16] =	ssyncadd.s32 $0xFFFFC000  }
0xc1: {  	[spmem:s2] =	stream.indirect.scatter.add.f32 [tilespmem:s14], [sflag:$0x3], $0x80, s12, s13, $0xb8;
	[tilespmem:$0x1D000] =	vst v63  }
0xc2: {  	_ =	swait.ge [sflag:s10], $0x4000  }
0xc3: {  	[sflag:s10] =	ssyncset.done $0x0  }
0xc4: {  	s9 =	rddreg [dreg:$0x6];
	[sflag:s10] =	ssyncadd.s32 $0xFFFFC000  }
0xc5: {  	[tilespmem:s14], [sflag:$0x1] =	stream.indirect.gather [hbm4b:s4+s13], $0x80, s9, s13, $0xb8;
	[tilespmem:$0x1D000] =	vst v63  }
0xc6: {  	_ =	swait.ge [sflag:s17], $0x4000  }
0xc7: {  	[sflag:s17] =	ssyncset.done $0x0  }
0xc8: {  	s9 =	rddreg [dreg:$0x7];
	[sflag:s17] =	ssyncadd.s32 $0xFFFFC000  }
0xc9: {  	[spmem:s2] =	stream.indirect.scatter.add.f32 [tilespmem:s15], [sflag:$0x3], $0x80, s9, s13, $0xb8;
	[tilespmem:$0x1D000] =	vst v63  }
0xca: {  	_ =	swait.ge [sflag:s10], $0x4000  }
0xcb: {  	[sflag:s10] =	ssyncset.done $0x0  }
0xcc: {  	s9 =	rddreg [dreg:$0x8];
	[sflag:s10] =	ssyncadd.s32 $0xFFFFC000  }
0xcd: {  	[tilespmem:s15], [sflag:$0x2] =	stream.indirect.gather [hbm4b:s4+s13], $0x80, s9, s13, $0xb8;
	[tilespmem:$0x1D000] =	vst v63  }
0xce: {  	_ =	swait.ge [sflag:s16], $0x4000  }
0xcf: {  	[sflag:s16] =	ssyncset.done $0x0  }
0xd0: {  	s9 =	rddreg [dreg:$0x9];
	[sflag:s16] =	ssyncadd.s32 $0xFFFFC000  }
0xd1: {  	[spmem:s2] =	stream.indirect.scatter.add.f32 [tilespmem:s14], [sflag:$0x3], $0x80, s9, s13, $0xb8;
	[tilespmem:$0x1D000] =	vst v63  }
0xd2: {  	_ =	swait.ge [sflag:s10], $0x4000  }
0xd3: {  	[sflag:s10] =	ssyncset.done $0x0  }
0xd4: {  	s9 =	rddreg [dreg:$0xa];
	[sflag:s10] =	ssyncadd.s32 $0xFFFFC000  }
0xd5: {  	[tilespmem:s14], [sflag:$0x1] =	stream.indirect.gather [hbm4b:s4+s13], $0x80, s9, s13, $0xb8;
	[tilespmem:$0x1D000] =	vst v63  }
0xd6: {  	_ =	swait.ge [sflag:s17], $0x4000  }
0xd7: {  	[sflag:s17] =	ssyncset.done $0x0  }
0xd8: {  	s9 =	rddreg [dreg:$0xb];
	[sflag:s17] =	ssyncadd.s32 $0xFFFFC000  }
0xd9: {  	[spmem:s2] =	stream.indirect.scatter.add.f32 [tilespmem:s15], [sflag:$0x3], $0x80, s9, s13, $0xb8;
	[tilespmem:$0x1D000] =	vst v63  }
0xda: {  	_ =	swait.ge [sflag:s10], $0x4000  }
0xdb: {  	[sflag:s10] =	ssyncset.done $0x0  }
0xdc: {  	s9 =	rddreg [dreg:$0xc];
	[sflag:s10] =	ssyncadd.s32 $0xFFFFC000  }
0xdd: {  	[tilespmem:s15], [sflag:$0x2] =	stream.indirect.gather [hbm4b:s4+s13], $0x80, s9, s13, $0xb8;
	[tilespmem:$0x1D000] =	vst v63  }
0xde: {  	_ =	swait.ge [sflag:s16], $0x4000  }
0xdf: {  	[sflag:s16] =	ssyncset.done $0x0  }
0xe0: {  	s9 =	rddreg [dreg:$0xd];
	[sflag:s16] =	ssyncadd.s32 $0xFFFFC000  }
0xe1: {  	[spmem:s2] =	stream.indirect.scatter.add.f32 [tilespmem:s14], [sflag:$0x3], $0x80, s9, s13, $0xb8;
	[tilespmem:$0x1D000] =	vst v63  }
0xe2: {  	_ =	swait.ge [sflag:s10], $0x4000  }
0xe3: {  	[sflag:s10] =	ssyncset.done $0x0  }
0xe4: {  	s9 =	rddreg [dreg:$0xe];
	[sflag:s10] =	ssyncadd.s32 $0xFFFFC000  }
0xe5: {  	[tilespmem:s14], [sflag:$0x1] =	stream.indirect.gather [hbm4b:s4+s13], $0x80, s9, s13, $0xb8;
	[tilespmem:$0x1D000] =	vst v63  }
0xe6: {  	_ =	swait.ge [sflag:s17], $0x4000  }
0xe7: {  	[sflag:s17] =	ssyncset.done $0x0  }
0xe8: {  	s9 =	rddreg [dreg:$0xf];
	[sflag:s17] =	ssyncadd.s32 $0xFFFFC000  }
0xe9: {  	[spmem:s2] =	stream.indirect.scatter.add.f32 [tilespmem:s15], [sflag:$0x3], $0x80, s9, s13, $0xb8;
	[tilespmem:$0x1D000] =	vst v63  }
0xea: {  	_ =	swait.ge [sflag:s10], $0x4000  }
0xeb: {  	[sflag:s10] =	ssyncset.done $0x0  }
0xec: {  	s9 =	rddreg [dreg:$0x10];
	[sflag:s10] =	ssyncadd.s32 $0xFFFFC000  }
0xed: {  	[tilespmem:s15], [sflag:$0x2] =	stream.indirect.gather [hbm4b:s4+s13], $0x80, s9, s13, $0xb8;
	[tilespmem:$0x1D000] =	vst v63  }
0xee: {  	_ =	swait.ge [sflag:s16], $0x4000  }
0xef: {  	[sflag:s16] =	ssyncset.done $0x0  }
0xf0: {  	s9 =	rddreg [dreg:$0x11];
	[sflag:s16] =	ssyncadd.s32 $0xFFFFC000  }
0xf1: {  	[spmem:s2] =	stream.indirect.scatter.add.f32 [tilespmem:s14], [sflag:$0x3], $0x80, s9, s13, $0xb8;
	[tilespmem:$0x1D000] =	vst v63  }
0xf2: {  	_ =	swait.ge [sflag:s10], $0x4000  }
0xf3: {  	[sflag:s10] =	ssyncset.done $0x0  }
0xf4: {  	s9 =	rddreg [dreg:$0x12];
	[sflag:s10] =	ssyncadd.s32 $0xFFFFC000  }
0xf5: {  	[tilespmem:s14], [sflag:$0x1] =	stream.indirect.gather [hbm4b:s4+s13], $0x80, s9, s13, $0xb8;
	[tilespmem:$0x1D000] =	vst v63  }
0xf6: {  	_ =	swait.ge [sflag:s17], $0x4000  }
0xf7: {  	[sflag:s17] =	ssyncset.done $0x0  }
0xf8: {  	[sflag:s17] =	ssyncadd.s32 $0xFFFFC000  }
0xf9: {  	[spmem:s2] =	stream.indirect.scatter.add.f32 [tilespmem:s15], [sflag:$0x3], $0x80, s18, s13, $0xb8;
	[tilespmem:$0x1D000] =	vst v63  }
0xfa: {  	_ =	swait.ge [sflag:s10], $0x4000  }
0xfb: {  	[sflag:s10] =	ssyncset.done $0x0  }
0xfc: {  	[sflag:s10] =	ssyncadd.s32 $0xFFFFC000  }
0xfd: {  	[tilespmem:s15], [sflag:$0x2] =	stream.indirect.gather [hbm4b:s4+s13], $0x80, s19, s13, $0xb8;
	[tilespmem:$0x1D000] =	vst v63  }
0xfe: {  	_ =	swait.ge [sflag:s16], $0x4000  }
0xff: {  	[sflag:s16] =	ssyncset.done $0x0  }
0x100: {  	[sflag:s16] =	ssyncadd.s32 $0xFFFFC000  }
0x101: {  	[spmem:s2] =	stream.indirect.scatter.add.f32 [tilespmem:s14], [sflag:$0x3], $0x80, s20, s13, $0xb8;
	[tilespmem:$0x1D000] =	vst v63  }
0x102: {  	_ =	swait.ge [sflag:s10], $0x4000  }
0x103: {  	[sflag:s10] =	ssyncset.done $0x0  }
0x104: {  	[sflag:s10] =	ssyncadd.s32 $0xFFFFC000  }
0x105: {  	[tilespmem:s14], [sflag:$0x1] =	stream.indirect.gather [hbm4b:s4+s13], $0x80, s21, s13, $0xb8;
	[tilespmem:$0x1D000] =	vst v63  }
0x106: {  	_ =	swait.ge [sflag:s17], $0x4000  }
0x107: {  	[sflag:s17] =	ssyncset.done $0x0  }
0x108: {  	[sflag:s17] =	ssyncadd.s32 $0xFFFFC000  }
0x109: {  	[spmem:s2] =	stream.indirect.scatter.add.f32 [tilespmem:s15], [sflag:$0x3], $0x80, s22, s13, $0xb8;
	[tilespmem:$0x1D000] =	vst v63  }
0x10a: {  	_ =	swait.ge [sflag:s10], $0x4000  }
0x10b: {  	[sflag:s10] =	ssyncset.done $0x0  }
0x10c: {  	[sflag:s10] =	ssyncadd.s32 $0xFFFFC000  }
0x10d: {  	[tilespmem:s15], [sflag:$0x2] =	stream.indirect.gather [hbm4b:s4+s13], $0x80, s23, s13, $0xb8;
	[tilespmem:$0x1D000] =	vst v63  }
0x10e: {  	_ =	swait.ge [sflag:s16], $0x4000  }
0x10f: {  	[sflag:s16] =	ssyncset.done $0x0  }
0x110: {  	[sflag:s16] =	ssyncadd.s32 $0xFFFFC000  }
0x111: {  	[spmem:s2] =	stream.indirect.scatter.add.f32 [tilespmem:s14], [sflag:$0x3], $0x80, s24, s13, $0xb8;
	[tilespmem:$0x1D000] =	vst v63  }
0x112: {  	_ =	swait.ge [sflag:s10], $0x4000  }
0x113: {  	[sflag:s10] =	ssyncset.done $0x0  }
0x114: {  	[sflag:s10] =	ssyncadd.s32 $0xFFFFC000  }
0x115: {  	[tilespmem:s14], [sflag:$0x1] =	stream.indirect.gather [hbm4b:s4+s13], $0x80, s25, s13, $0xb8;
	[tilespmem:$0x1D000] =	vst v63  }
0x116: {  	_ =	swait.ge [sflag:s17], $0x4000  }
0x117: {  	[sflag:s17] =	ssyncset.done $0x0  }
0x118: {  	[sflag:s17] =	ssyncadd.s32 $0xFFFFC000  }
0x119: {  	[spmem:s2] =	stream.indirect.scatter.add.f32 [tilespmem:s15], [sflag:$0x3], $0x80, s26, s13, $0xb8;
	[tilespmem:$0x1D000] =	vst v63  }
0x11a: {  	_ =	swait.ge [sflag:s10], $0x4000  }
0x11b: {  	[sflag:s10] =	ssyncset.done $0x0  }
0x11c: {  	[sflag:s10] =	ssyncadd.s32 $0xFFFFC000  }
0x11d: {  	[tilespmem:s15], [sflag:$0x2] =	stream.indirect.gather [hbm4b:s4+s13], $0x80, s28, s13, $0xb8;
	[tilespmem:$0x1D000] =	vst v63  }
0x11e: {  	_ =	swait.ge [sflag:s16], $0x4000  }
0x11f: {  	[sflag:s16] =	ssyncset.done $0x0  }
0x120: {  	[sflag:s16] =	ssyncadd.s32 $0xFFFFC000  }
0x121: {  	[spmem:s2] =	stream.indirect.scatter.add.f32 [tilespmem:s14], [sflag:$0x3], $0x80, s29, s13, $0xb8;
	[tilespmem:$0x1D000] =	vst v63  }
0x122: {  	_ =	swait.ge [sflag:s10], $0x4000  }
0x123: {  	[sflag:s10] =	ssyncset.done $0x0  }
0x124: {  	[sflag:s10] =	ssyncadd.s32 $0xFFFFC000  }
0x125: {  	[tilespmem:s14], [sflag:$0x1] =	stream.indirect.gather [hbm4b:s4+s13], $0x80, s30, s13, $0xb8;
	[tilespmem:$0x1D000] =	vst v63  }
0x126: {  	_ =	swait.ge [sflag:s17], $0x4000  }
0x127: {  	[sflag:s17] =	ssyncset.done $0x0  }
0x128: {  	[sflag:s17] =	ssyncadd.s32 $0xFFFFC000  }
0x129: {  	[spmem:s2] =	stream.indirect.scatter.add.f32 [tilespmem:s15], [sflag:$0x3], $0x80, s31, s13, $0xb8;
	[tilespmem:$0x1D000] =	vst v63  }
0x12a: {  	_ =	swait.ge [sflag:s10], $0x4000  }
0x12b: {  	[sflag:s10] =	ssyncset.done $0x0  }
0x12c: {  	[sflag:s10] =	ssyncadd.s32 $0xFFFFC000  }
0x12d: {  	[tilespmem:s15], [sflag:$0x2] =	stream.indirect.gather [hbm4b:s4+s13], $0x80, s1, s13, $0xb8;
	[tilespmem:$0x1D000] =	vst v63  }
0x12e: {  	_ =	swait.ge [sflag:s16], $0x4000  }
0x12f: {  	[sflag:s16] =	ssyncset.done $0x0  }
0x130: {  	[sflag:s16] =	ssyncadd.s32 $0xFFFFC000  }
0x131: {  	[spmem:s2] =	stream.indirect.scatter.add.f32 [tilespmem:s14], [sflag:$0x3], $0x80, s0, s13, $0xb8;
	[tilespmem:$0x1D000] =	vst v63  }
0x132: {  	_ =	swait.ge [sflag:s10], $0x4000  }
0x133: {  	[sflag:s10] =	ssyncset.done $0x0  }
0x134: {  	[sflag:s10] =	ssyncadd.s32 $0xFFFFC000  }
0x135: {  	p0 =	sne.s32 s6, $0x900;
	_ =	swait.ge [sflag:s17], $0x4000  }
.Ltmp0:
0x136: {  	[sflag:s17] =	ssyncset.done $0x0;
	(pc) =	sbr.rel @p0 .LBB2_2-.Ltmp0, $4  }
0x137: {  	[sflag:s17] =	ssyncadd.s32 $0xFFFFC000  }
0x138: {  	[spmem:s2] =	stream.indirect.scatter.add.f32 [tilespmem:s15], [sflag:$0x3], $0x80, s5, s13, $0xb8;
	[tilespmem:$0x1D000] =	vst v63  }
0x139: {  	s7 =	smov.u32 s6;
	s6 =	sadd.s32 $0x100, s6;
	_ =	swait.ge [sflag:s10], $0x4000  }
0x13a: {  	s8 =	smov.u32 s7;
	s9 =	rddreg [dreg:$0x4];
	[sflag:s10] =	ssyncset.done $0x0  }
0x13b: {  	[sflag:s10] =	ssyncadd.s32 $0xFFFFC000;
	s6 =	sadd.s32 s8, s9  }
0x13c: {  	[tilespmem:s11], [sflag:$0x3] =	stream.linear.gather [hbm4b:s6+s3], $0x800, $0x38;
	[tilespmem:$0x1D000] =	vst v63  }
0x13d: {  	_ =	swait.ge [sflag:s10], $0x800  }
0x13e: {  	s9 =	rddreg [dreg:$0x3];
	[sflag:s10] =	ssyncset.done $0x0  }
0x13f: {  	s6 =	sadd.s32 s8, s9;
	[sflag:s10] =	ssyncadd.s32 $0xFFFFF800  }
0x140: {  	[tilespmem:s12], [sflag:$0x3] =	stream.linear.gather [hbm4b:s6+s3], $0x800, $0x38;
	[tilespmem:$0x1D000] =	vst v63  }
0x141: {  	_ =	swait.ge [sflag:s10], $0x800  }
0x142: {  	[sflag:s10] =	ssyncset.done $0x0  }
0x143: {  	[sflag:s10] =	ssyncadd.s32 $0xFFFFF800  }
0x144: {  	[tilespmem:s14], [sflag:$0x1] =	stream.indirect.gather [hbm4b:s4+s13], $0x80, s11, s13, $0xb8;
	[tilespmem:$0x1D000] =	vst v63  }
0x145: {  	s7 =	rddreg [dreg:$0x5]  }
0x146: {  	[tilespmem:s15], [sflag:$0x2] =	stream.indirect.gather [hbm4b:s4+s13], $0x80, s7, s13, $0xb8;
	[tilespmem:$0x1D000] =	vst v63  }
0x147: {  	_ =	swait.ge [sflag:s16], $0x4000  }
0x148: {  	[sflag:s16] =	ssyncset.done $0x0  }
0x149: {  	[sflag:s16] =	ssyncadd.s32 $0xFFFFC000  }
0x14a: {  	[spmem:s2] =	stream.indirect.scatter.add.f32 [tilespmem:s14], [sflag:$0x3], $0x80, s12, s13, $0xb8;
	[tilespmem:$0x1D000] =	vst v63  }
0x14b: {  	_ =	swait.ge [sflag:s10], $0x4000  }
0x14c: {  	[sflag:s10] =	ssyncset.done $0x0  }
0x14d: {  	s8 =	rddreg [dreg:$0x6];
	[sflag:s10] =	ssyncadd.s32 $0xFFFFC000  }
0x14e: {  	[tilespmem:s14], [sflag:$0x1] =	stream.indirect.gather [hbm4b:s4+s13], $0x80, s8, s13, $0xb8;
	[tilespmem:$0x1D000] =	vst v63  }
0x14f: {  	_ =	swait.ge [sflag:s17], $0x4000  }
0x150: {  	[sflag:s17] =	ssyncset.done $0x0  }
0x151: {  	s9 =	rddreg [dreg:$0x7];
	[sflag:s17] =	ssyncadd.s32 $0xFFFFC000  }
0x152: {  	[spmem:s2] =	stream.indirect.scatter.add.f32 [tilespmem:s15], [sflag:$0x3], $0x80, s9, s13, $0xb8;
	[tilespmem:$0x1D000] =	vst v63  }
0x153: {  	_ =	swait.ge [sflag:s10], $0x4000  }
0x154: {  	[sflag:s10] =	ssyncset.done $0x0  }
0x155: {  	s7 =	rddreg [dreg:$0x8];
	[sflag:s10] =	ssyncadd.s32 $0xFFFFC000  }
0x156: {  	[tilespmem:s15], [sflag:$0x2] =	stream.indirect.gather [hbm4b:s4+s13], $0x80, s7, s13, $0xb8;
	[tilespmem:$0x1D000] =	vst v63  }
0x157: {  	_ =	swait.ge [sflag:s16], $0x4000  }
0x158: {  	[sflag:s16] =	ssyncset.done $0x0  }
0x159: {  	s8 =	rddreg [dreg:$0x9];
	[sflag:s16] =	ssyncadd.s32 $0xFFFFC000  }
0x15a: {  	[spmem:s2] =	stream.indirect.scatter.add.f32 [tilespmem:s14], [sflag:$0x3], $0x80, s8, s13, $0xb8;
	[tilespmem:$0x1D000] =	vst v63  }
0x15b: {  	_ =	swait.ge [sflag:s10], $0x4000  }
0x15c: {  	[sflag:s10] =	ssyncset.done $0x0  }
0x15d: {  	s9 =	rddreg [dreg:$0xa];
	[sflag:s10] =	ssyncadd.s32 $0xFFFFC000  }
0x15e: {  	[tilespmem:s14], [sflag:$0x1] =	stream.indirect.gather [hbm4b:s4+s13], $0x80, s9, s13, $0xb8;
	[tilespmem:$0x1D000] =	vst v63  }
0x15f: {  	_ =	swait.ge [sflag:s17], $0x4000  }
0x160: {  	[sflag:s17] =	ssyncset.done $0x0  }
0x161: {  	s7 =	rddreg [dreg:$0xb];
	[sflag:s17] =	ssyncadd.s32 $0xFFFFC000  }
0x162: {  	[spmem:s2] =	stream.indirect.scatter.add.f32 [tilespmem:s15], [sflag:$0x3], $0x80, s7, s13, $0xb8;
	[tilespmem:$0x1D000] =	vst v63  }
0x163: {  	_ =	swait.ge [sflag:s10], $0x4000  }
0x164: {  	[sflag:s10] =	ssyncset.done $0x0  }
0x165: {  	s8 =	rddreg [dreg:$0xc];
	[sflag:s10] =	ssyncadd.s32 $0xFFFFC000  }
0x166: {  	[tilespmem:s15], [sflag:$0x2] =	stream.indirect.gather [hbm4b:s4+s13], $0x80, s8, s13, $0xb8;
	[tilespmem:$0x1D000] =	vst v63  }
0x167: {  	_ =	swait.ge [sflag:s16], $0x4000  }
0x168: {  	[sflag:s16] =	ssyncset.done $0x0  }
0x169: {  	s9 =	rddreg [dreg:$0xd];
	[sflag:s16] =	ssyncadd.s32 $0xFFFFC000  }
0x16a: {  	[spmem:s2] =	stream.indirect.scatter.add.f32 [tilespmem:s14], [sflag:$0x3], $0x80, s9, s13, $0xb8;
	[tilespmem:$0x1D000] =	vst v63  }
0x16b: {  	_ =	swait.ge [sflag:s10], $0x4000  }
0x16c: {  	[sflag:s10] =	ssyncset.done $0x0  }
0x16d: {  	s7 =	rddreg [dreg:$0xe];
	[sflag:s10] =	ssyncadd.s32 $0xFFFFC000  }
0x16e: {  	[tilespmem:s14], [sflag:$0x1] =	stream.indirect.gather [hbm4b:s4+s13], $0x80, s7, s13, $0xb8;
	[tilespmem:$0x1D000] =	vst v63  }
0x16f: {  	_ =	swait.ge [sflag:s17], $0x4000  }
0x170: {  	[sflag:s17] =	ssyncset.done $0x0  }
0x171: {  	s8 =	rddreg [dreg:$0xf];
	[sflag:s17] =	ssyncadd.s32 $0xFFFFC000  }
0x172: {  	[spmem:s2] =	stream.indirect.scatter.add.f32 [tilespmem:s15], [sflag:$0x3], $0x80, s8, s13, $0xb8;
	[tilespmem:$0x1D000] =	vst v63  }
0x173: {  	_ =	swait.ge [sflag:s10], $0x4000  }
0x174: {  	[sflag:s10] =	ssyncset.done $0x0  }
0x175: {  	s9 =	rddreg [dreg:$0x10];
	[sflag:s10] =	ssyncadd.s32 $0xFFFFC000  }
0x176: {  	[tilespmem:s15], [sflag:$0x2] =	stream.indirect.gather [hbm4b:s4+s13], $0x80, s9, s13, $0xb8;
	[tilespmem:$0x1D000] =	vst v63  }
0x177: {  	_ =	swait.ge [sflag:s16], $0x4000  }
0x178: {  	[sflag:s16] =	ssyncset.done $0x0  }
0x179: {  	s7 =	rddreg [dreg:$0x11];
	[sflag:s16] =	ssyncadd.s32 $0xFFFFC000  }
0x17a: {  	[spmem:s2] =	stream.indirect.scatter.add.f32 [tilespmem:s14], [sflag:$0x3], $0x80, s7, s13, $0xb8;
	[tilespmem:$0x1D000] =	vst v63  }
0x17b: {  	_ =	swait.ge [sflag:s10], $0x4000  }
0x17c: {  	[sflag:s10] =	ssyncset.done $0x0  }
0x17d: {  	s8 =	rddreg [dreg:$0x12];
	[sflag:s10] =	ssyncadd.s32 $0xFFFFC000  }
0x17e: {  	[tilespmem:s14], [sflag:$0x1] =	stream.indirect.gather [hbm4b:s4+s13], $0x80, s8, s13, $0xb8;
	[tilespmem:$0x1D000] =	vst v63  }
0x17f: {  	_ =	swait.ge [sflag:s17], $0x4000  }
0x180: {  	[sflag:s17] =	ssyncset.done $0x0  }
0x181: {  	[sflag:s17] =	ssyncadd.s32 $0xFFFFC000  }
0x182: {  	[spmem:s2] =	stream.indirect.scatter.add.f32 [tilespmem:s15], [sflag:$0x3], $0x80, s18, s13, $0xb8;
	[tilespmem:$0x1D000] =	vst v63  }
0x183: {  	_ =	swait.ge [sflag:s10], $0x4000  }
0x184: {  	[sflag:s10] =	ssyncset.done $0x0  }
0x185: {  	[sflag:s10] =	ssyncadd.s32 $0xFFFFC000  }
0x186: {  	[tilespmem:s15], [sflag:$0x2] =	stream.indirect.gather [hbm4b:s4+s13], $0x80, s19, s13, $0xb8;
	[tilespmem:$0x1D000] =	vst v63  }
0x187: {  	_ =	swait.ge [sflag:s16], $0x4000  }
0x188: {  	[sflag:s16] =	ssyncset.done $0x0  }
0x189: {  	[sflag:s16] =	ssyncadd.s32 $0xFFFFC000  }
0x18a: {  	[spmem:s2] =	stream.indirect.scatter.add.f32 [tilespmem:s14], [sflag:$0x3], $0x80, s20, s13, $0xb8;
	[tilespmem:$0x1D000] =	vst v63  }
0x18b: {  	_ =	swait.ge [sflag:s10], $0x4000  }
0x18c: {  	[sflag:s10] =	ssyncset.done $0x0  }
0x18d: {  	[sflag:s10] =	ssyncadd.s32 $0xFFFFC000  }
0x18e: {  	[tilespmem:s14], [sflag:$0x1] =	stream.indirect.gather [hbm4b:s4+s13], $0x80, s21, s13, $0xb8;
	[tilespmem:$0x1D000] =	vst v63  }
0x18f: {  	_ =	swait.ge [sflag:s17], $0x4000  }
0x190: {  	[sflag:s17] =	ssyncset.done $0x0  }
0x191: {  	[sflag:s17] =	ssyncadd.s32 $0xFFFFC000  }
0x192: {  	[spmem:s2] =	stream.indirect.scatter.add.f32 [tilespmem:s15], [sflag:$0x3], $0x80, s22, s13, $0xb8;
	[tilespmem:$0x1D000] =	vst v63  }
0x193: {  	_ =	swait.ge [sflag:s10], $0x4000  }
0x194: {  	[sflag:s10] =	ssyncset.done $0x0  }
0x195: {  	[sflag:s10] =	ssyncadd.s32 $0xFFFFC000  }
0x196: {  	[tilespmem:s15], [sflag:$0x2] =	stream.indirect.gather [hbm4b:s4+s13], $0x80, s23, s13, $0xb8;
	[tilespmem:$0x1D000] =	vst v63  }
0x197: {  	_ =	swait.ge [sflag:s16], $0x4000  }
0x198: {  	[sflag:s16] =	ssyncset.done $0x0  }
0x199: {  	[sflag:s16] =	ssyncadd.s32 $0xFFFFC000  }
0x19a: {  	[spmem:s2] =	stream.indirect.scatter.add.f32 [tilespmem:s14], [sflag:$0x3], $0x80, s24, s13, $0xb8;
	[tilespmem:$0x1D000] =	vst v63  }
0x19b: {  	_ =	swait.ge [sflag:s10], $0x4000  }
0x19c: {  	[sflag:s10] =	ssyncset.done $0x0  }
0x19d: {  	[sflag:s10] =	ssyncadd.s32 $0xFFFFC000  }
0x19e: {  	[tilespmem:s14], [sflag:$0x1] =	stream.indirect.gather [hbm4b:s4+s13], $0x80, s25, s13, $0xb8;
	[tilespmem:$0x1D000] =	vst v63  }
0x19f: {  	_ =	swait.ge [sflag:s17], $0x4000  }
0x1a0: {  	[sflag:s17] =	ssyncset.done $0x0  }
0x1a1: {  	[sflag:s17] =	ssyncadd.s32 $0xFFFFC000  }
0x1a2: {  	[spmem:s2] =	stream.indirect.scatter.add.f32 [tilespmem:s15], [sflag:$0x3], $0x80, s26, s13, $0xb8;
	[tilespmem:$0x1D000] =	vst v63  }
0x1a3: {  	_ =	swait.ge [sflag:s10], $0x4000  }
0x1a4: {  	[sflag:s10] =	ssyncset.done $0x0  }
0x1a5: {  	[sflag:s10] =	ssyncadd.s32 $0xFFFFC000  }
0x1a6: {  	[tilespmem:s15], [sflag:$0x2] =	stream.indirect.gather [hbm4b:s4+s13], $0x80, s28, s13, $0xb8;
	[tilespmem:$0x1D000] =	vst v63  }
0x1a7: {  	_ =	swait.ge [sflag:s16], $0x4000  }
0x1a8: {  	[sflag:s16] =	ssyncset.done $0x0  }
0x1a9: {  	[sflag:s16] =	ssyncadd.s32 $0xFFFFC000  }
0x1aa: {  	[spmem:s2] =	stream.indirect.scatter.add.f32 [tilespmem:s14], [sflag:$0x3], $0x80, s29, s13, $0xb8;
	[tilespmem:$0x1D000] =	vst v63  }
0x1ab: {  	_ =	swait.ge [sflag:s10], $0x4000  }
0x1ac: {  	[sflag:s10] =	ssyncset.done $0x0  }
0x1ad: {  	[sflag:s10] =	ssyncadd.s32 $0xFFFFC000  }
0x1ae: {  	[tilespmem:s14], [sflag:$0x1] =	stream.indirect.gather [hbm4b:s4+s13], $0x80, s30, s13, $0xb8;
	[tilespmem:$0x1D000] =	vst v63  }
0x1af: {  	_ =	swait.ge [sflag:s17], $0x4000  }
0x1b0: {  	[sflag:s17] =	ssyncset.done $0x0  }
0x1b1: {  	[sflag:s17] =	ssyncadd.s32 $0xFFFFC000  }
0x1b2: {  	[spmem:s2] =	stream.indirect.scatter.add.f32 [tilespmem:s15], [sflag:$0x3], $0x80, s31, s13, $0xb8;
	[tilespmem:$0x1D000] =	vst v63  }
0x1b3: {  	_ =	swait.ge [sflag:s10], $0x4000  }
0x1b4: {  	[sflag:s10] =	ssyncset.done $0x0  }
0x1b5: {  	[sflag:s10] =	ssyncadd.s32 $0xFFFFC000  }
0x1b6: {  	[tilespmem:s15], [sflag:$0x2] =	stream.indirect.gather [hbm4b:s4+s13], $0x80, s1, s13, $0xb8;
	[tilespmem:$0x1D000] =	vst v63  }
0x1b7: {  	_ =	swait.ge [sflag:s16], $0x4000  }
0x1b8: {  	[sflag:s16] =	ssyncset.done $0x0  }
0x1b9: {  	[sflag:s16] =	ssyncadd.s32 $0xFFFFC000  }
0x1ba: {  	[spmem:s2] =	stream.indirect.scatter.add.f32 [tilespmem:s14], [sflag:$0x3], $0x80, s0, s13, $0xb8;
	[tilespmem:$0x1D000] =	vst v63  }
0x1bb: {  	_ =	swait.ge [sflag:s10], $0x4000  }
0x1bc: {  	[sflag:s10] =	ssyncset.done $0x0  }
0x1bd: {  	[sflag:s10] =	ssyncadd.s32 $0xFFFFC000  }
0x1be: {  	_ =	swait.ge [sflag:s17], $0x4000  }
0x1bf: {  	[sflag:s17] =	ssyncset.done $0x0  }
0x1c0: {  	[sflag:s17] =	ssyncadd.s32 $0xFFFFC000  }
0x1c1: {  	[spmem:s2] =	stream.indirect.scatter.add.f32 [tilespmem:s15], [sflag:$0x3], $0x80, s5, s13, $0xb8;
	[tilespmem:$0x1D000] =	vst v63  }
0x1c2: {  	_ =	swait.ge [sflag:s10], $0x4000  }
0x1c3: {  	[sflag:s10] =	ssyncset.done $0x0  }
0x1c4: {  	[sflag:s10] =	ssyncadd.s32 $0xFFFFC000  }
0x1c5: {  	[bflag:$0x0] =	sbarrier.arrive $0xFFFF  }
0x1c6: {  	s7 =	rddreg [dreg:$0x14]  }
0x1c7: {  	s9 =	rddreg [dreg:$0x15]  }
0x1c8: {  	s8 =	rddreg [dreg:$0x17]  }
0x1c9: {  	[hbm:s9], [sflag:s7] =	dma.local [spmem:s8], $0x2800  }
0x1ca: {  	_ =	swait.ge [sflag:s10], $0x2800  }
0x1cb: {  	s6 =	rddreg [dreg:$0x18]  }
0x1cc: {  	s9 =	sadd.s32 $0x1, s6;
	s6 =	rddreg [dreg:$0x16]  }
0x1cd: {  	p0 =	sne.s32 s9, s6  }
.Ltmp1:
0x1ce: {  	_ = 	snop;
	(pc) =	sbr.rel @p0 .LBB2_1-.Ltmp1, $3  }
0x1cf: {  	_ =	sdelay $0x1  }
0x1d0: {  	[sflag:s10] =	ssyncset.done $0x0  }
0x1d1: {  	[sflag:s10] =	ssyncadd.s32 $0xFFFFD800  }
0x1d2: {  	_ =	sfence.sel $0x180000  }
0x1d3: {  	[bflag:$0x0] =	sbarrier.arrive $0xFFFF  }
0x1d4: {  	_ =	strace $0x90000050  }
0x1d5: {  	s0 =	stileid.u32;
	[bflag:$0x2] =	sbarrier.arrive $0xFFFF  }
0x1d6: {  	p0 =	sne.s32 s0, $0x0;
	s0 =	rddreg [dreg:$0x2]  }
0x1d7: {  	s0 =	sadd.s32 @!p0 $0x100000, s0  }
0x1d8: {  	[sflag:s0] =	ssyncadd.tile.s32 @!p0 $0x1;
	_ =	shalt  }
.Lfunc_end2:
_tile_overlayer_lowered:
.L_overlay_start_2:
0x1d9: {  	(tag) =	ssettag $0x2  }
0x1da: {  	s0 =	rddreg [dreg:$0x0];
	s2 =	stileid.u32  }
0x1db: {  	s1 =	rddreg [dreg:$0x1];
	p0 =	sne.s32 s2, $0x0  }
0x1dc: {  	s3 =	rddreg [dreg:$0x2];
	[bflag:$0x3] =	sbarrier.arrive $0xFFFF;
	s2 =	simm.s32 @!p0 $0x1C03  }
0x1dd: {  	[timem:s3], [sflag:s2] =	dma.local @!p0 [hbm:s0], s1  }
0x1de: {  	s0 =	simm.s32 @!p0 $0x3  }
0x1df: {  	_ =	swait.ge @!p0 [sflag:s0], s1  }
0x1e0: {  	s1 =	ssub.s32 @!p0 $0x0, s1;
	[sflag:s0] =	ssyncset.done @!p0 $0x0  }
0x1e1: {  	[sflag:s0] =	ssyncadd.s32 @!p0 s1  }
0x1e2: {  	[bflag:$0x3] =	sbarrier.arrive $0xFFFF  }
0x1e3: {  	_ =	shalt  }

// kernel: kernel.19.cloned.1.call-start
scs
__scs_entry_jumppad:
0x0: {  	(pc) =	sbr.rel $0x88, $3  }
0x1: {  	(tag) =	ssettag $0x0;
	lr =	simm.s32 $0x1  }
0x2: {  	[smem:$0x3F96] =	sst lr;
	_ =	strace $0xD0000000  }
0x3: {  	_ = 	snop  }
0x4: {  	_ = 	snop  }
0x5: {  	_ = 	snop  }
0x6: {  	_ = 	snop  }
0x7: {  	_ = 	snop  }
__scs_overlays_trampoline_lowered:
0x8: {  	[smem:$0x3FA5] =	sst s0  }
0x9: {  	[smem:$0x3FA6] =	sst s1  }
0xa: {  	[smem:$0x3FA7] =	sst s2  }
0xb: {  	[smem:$0x3FA8] =	sst s3  }
0xc: {  	[smem:$0x3FA9] =	sst s4  }
0xd: {  	[smem:$0x3FAA] =	sst s5  }
0xe: {  	[smem:$0x3FAB] =	sst s6  }
0xf: {  	[smem:$0x3FAC] =	sst s7  }
0x10: {  	[smem:$0x3FAD] =	sst s8  }
0x11: {  	[smem:$0x3FAE] =	sst s9;
	s0 =	simm.s32 @!p0 $0x0  }
0x12: {  	s1 =	sld [smem:$0x3F94];
	s0 =	simm.s32 @p0 $0x1  }
0x13: {  	[smem:$0x3FAF] =	sst s0;
	s0 =	simm.s32 @!p1 $0x0  }
0x14: {  	s2 =	sld [smem:$0x3F93];
	s0 =	simm.s32 @p1 $0x1  }
0x15: {  	[smem:$0x3FB0] =	sst s0;
	s0 =	simm.s32 @!p2 $0x0  }
0x16: {  	s3 =	sld [smem:$0x3FDB];
	s0 =	simm.s32 @p2 $0x1  }
0x17: {  	s4 =	simm.s32 $0x1BF5;
	[smem:$0x3FB2] =	sst s0  }
0x18: {  	s0 =	sld [smem:$0x3F95];
	_ =	swait.ge [sflag:s4], $0x0  }
0x19: {  	s7 =	sld [smem:$0x3F96]  }
0x1a: {  	s8 =	sadd.s32 $0xFFFFE003, lr  }
0x1b: {  	s9 =	sadd.s32 $0xFFFFFEF7, lr;
	s5 =	simm.s32 $0xFFFFFFFF;
	p2 =	slt.u32 s8, $0xFFFFF086  }
0x1c: {  	p1 =	slt.u32 s9, $0xF7A;
	s5 =	simm.s32 @!p2 $0x0  }
0x1d: {  	s5 =	simm.s32 @p1 $0x1;
	p0 =	seq.s32 s7, s2  }
0x1e: {  	s7 =	smul.u32 @!p0 $0xF7A, s2;
	p2 =	seq.s32 @!p0 s5, $0x0  }
0x1f: {  	s9 =	smul.u32 $0xF7A, s1;
	s8 =	simm.s32 @!p0 $0x1BF5;
	p2 =	por !p2, p0  }
0x20: {  	[sflag:s8] =	ssyncset.s32 @!p0 $0xFFFFF086;
	s6 =	sadd.s32 @!p0 s3, s7;
	s7 =	simm.s32 @!p0 $0x108  }
0x21: {  	s3 =	sadd.s32 s3, s9;
	s6 =	sadd.s32 @!p0 $0x88, s6;
	s7 =	simm.s32 @p2 $0x1082  }
0x22: {  	[simem:s7], [sflag:s8] =	dma.local @!p0 [hbm:s6], $0xF7A  }
0x23: {  	s9 =	sor.u32 $0xD0000000, s2;
	s6 =	simm.s32 $0x108;
	_ =	swait.ge @!p0 [sflag:s8], $0x0  }
0x24: {  	s3 =	sadd.s32 $0x88, s3;
	s6 =	simm.s32 @!p1 $0x1082;
	[sflag:s4] =	ssyncset.s32 $0xFFFFF086  }
0x25: {  	[simem:s6], [sflag:s4] =	dma.local [hbm:s3], $0xF7A  }
0x26: {  	[smem:$0x3F96] =	sst s1;
	(tag) =	ssettag s2;
	_ =	strace s9  }
0x27: {  	s1 =	sld [smem:$0x3FA6]  }
0x28: {  	s2 =	sld [smem:$0x3FA7]  }
0x29: {  	s4 =	sld [smem:$0x3FA9]  }
0x2a: {  	p0 =	seq.s32 s5, $0x0;
	s5 =	sld [smem:$0x3FAA]  }
0x2b: {  	s6 =	sld [smem:$0x3FAB]  }
0x2c: {  	s7 =	sld [smem:$0x3FAC]  }
0x2d: {  	s3 =	simm.s32 $0x108;
	s8 =	sld [smem:$0x3FAD]  }
0x2e: {  	s3 =	simm.s32 @!p0 $0x1082;
	s9 =	sld [smem:$0x3FAE]  }
0x2f: {  	lr =	sadd.s32 s0, s3;
	s0 =	sld [smem:$0x3FA5]  }
0x30: {  	s3 =	sld [smem:$0x3FA8]  }
0x31: {  	[smem:$0x3FB1] =	sst s10  }
0x32: {  	s10 =	sld [smem:$0x3FAF];
	_ =	sdelay $0x3  }
0x33: {  	p0 =	seq.s32 s10, $0x1;
	s10 =	sld [smem:$0x3FB1];
	_ =	sdelay $0x3  }
0x34: {  	[smem:$0x3FB1] =	sst s10  }
0x35: {  	s10 =	sld [smem:$0x3FB0];
	_ =	sdelay $0x3  }
0x36: {  	p1 =	seq.s32 s10, $0x1;
	s10 =	sld [smem:$0x3FB1];
	_ =	sdelay $0x3  }
0x37: {  	[smem:$0x3FB1] =	sst s10  }
0x38: {  	s10 =	sld [smem:$0x3FB2]  }
0x39: {  	_ = 	snop;
	(pc) =	sbr.ind lr, $3  }
0x3a: {  	_ = 	snop  }
0x3b: {  	_ = 	snop  }
0x3c: {  	p2 =	seq.s32 s10, $0x1;
	s10 =	sld [smem:$0x3FB1]  }
0x3d: {  	_ =	shalt  }
0x3e: {  	_ =	shalt  }
0x3f: {  	_ =	shalt  }
0x40: {  	_ =	shalt  }
0x41: {  	_ =	shalt  }
0x42: {  	_ =	shalt  }
0x43: {  	_ =	shalt  }
0x44: {  	_ =	shalt  }
0x45: {  	_ =	shalt  }
0x46: {  	_ =	shalt  }
0x47: {  	_ =	shalt  }
0x48: {  	_ =	shalt  }
0x49: {  	_ =	shalt  }
0x4a: {  	_ =	shalt  }
0x4b: {  	_ =	shalt  }
0x4c: {  	_ =	shalt  }
0x4d: {  	_ =	shalt  }
0x4e: {  	_ =	shalt  }
0x4f: {  	_ =	shalt  }
0x50: {  	_ =	shalt  }
0x51: {  	_ =	shalt  }
0x52: {  	_ =	shalt  }
0x53: {  	_ =	shalt  }
0x54: {  	_ =	shalt  }
0x55: {  	_ =	shalt  }
0x56: {  	_ =	shalt  }
0x57: {  	_ =	shalt  }
0x58: {  	_ =	shalt  }
0x59: {  	_ =	shalt  }
0x5a: {  	_ =	shalt  }
0x5b: {  	_ =	shalt  }
0x5c: {  	_ =	shalt  }
0x5d: {  	_ =	shalt  }
0x5e: {  	_ =	shalt  }
0x5f: {  	_ =	shalt  }
0x60: {  	_ =	shalt  }
0x61: {  	_ =	shalt  }
0x62: {  	_ =	shalt  }
0x63: {  	_ =	shalt  }
0x64: {  	_ =	shalt  }
0x65: {  	_ =	shalt  }
0x66: {  	_ =	shalt  }
0x67: {  	_ =	shalt  }
0x68: {  	_ =	shalt  }
0x69: {  	_ =	shalt  }
0x6a: {  	_ =	shalt  }
0x6b: {  	_ =	shalt  }
0x6c: {  	_ =	shalt  }
0x6d: {  	_ =	shalt  }
0x6e: {  	_ =	shalt  }
0x6f: {  	_ =	shalt  }
0x70: {  	_ =	shalt  }
0x71: {  	_ =	shalt  }
0x72: {  	_ =	shalt  }
0x73: {  	_ =	shalt  }
0x74: {  	_ =	shalt  }
0x75: {  	_ =	shalt  }
0x76: {  	_ =	shalt  }
0x77: {  	_ =	shalt  }
0x78: {  	_ =	shalt  }
0x79: {  	_ =	shalt  }
0x7a: {  	_ =	shalt  }
0x7b: {  	_ =	shalt  }
0x7c: {  	_ =	shalt  }
0x7d: {  	_ =	shalt  }
0x7e: {  	_ =	shalt  }
0x7f: {  	_ =	shalt  }
0x80: {  	_ =	shalt  }
0x81: {  	_ =	shalt  }
0x82: {  	_ =	shalt  }
0x83: {  	_ =	shalt  }
0x84: {  	_ =	shalt  }
0x85: {  	_ =	shalt  }
0x86: {  	_ =	shalt  }
0x87: {  	_ =	shalt  }
.Lfunc_end0:
.L_simem_size_0:
called_computation.3_lowered:
.L_overlay_start_0:
0x88: {  	s2 =	sld [smem:$0x3FD9]  }
0x89: {  	s3 =	sld [smem:$0x3FFE];
	_ =	sdelay $0x1  }
0x8a: {  	s1 =	srdreg.scid  }
0x8b: {  	s0 =	sand.u32 $0x1, s1  }
0x8c: {  	s17 =	sshll.u32 s0, $0xA;
	s2 =	sadd.s32 s3, s2  }
0x8d: {  	s2 =	sadd.s32 s2, s17  }
0x8e: {  	[smem:$0x3FBD] =	sst s2  }
0x8f: {  	_ = 	snop  }
0x90: {  	(tm) =	ssettm $0x1  }
0x91: {  	s18 =	sld [smem:$0x3FFB];
	_ =	sdelay $0x3  }
0x92: {  	_ =	strace s18  }
0x93: {  	s2 =	sld [smem:$0x3FFC];
	_ =	sdelay $0x3  }
0x94: {  	_ =	strace s2  }
0x95: {  	s2 =	sld [smem:$0x3FFD];
	_ =	sdelay $0x3  }
0x96: {  	_ =	strace s2  }
0x97: {  	_ =	strace $0x8FFFFFFF  }
0x98: {  	s19 =	sld [smem:$0x3FDB];
	_ =	sdelay $0x1  }
0x99: {  	s20 =	simm.s32 $_scs_section_size  }
0x9a: {  	s4 =	simm.s32 $_size__tile_overlayer_lowered;
	s5 =	simm.s32 $_tile_overlayer_lowered  }
0x9b: {  	s6 =	simm.s32 $0x1BFF;
	s21 =	sshll.u32 s5, $0x1;
	s3 =	sadd.s32 s20, s19  }
0x9c: {  	s22 =	simm.s32 $0x0;
	s4 =	sshll.u32 s4, $0x1;
	s5 =	sadd.s32 s21, s3  }
0x9d: {  	[timem:s22], [sflag:s6] =	dma.local [hbm:s5], s4  }
0x9e: {  	_ =	swait.ge [sflag:s6], s4  }
0x9f: {  	s4 =	ssub.s32 $0x0, s4;
	[sflag:s6] =	ssyncset.done $0x0  }
0xa0: {  	[sflag:s6] =	ssyncadd.s32 s4;
	_ =	sdelay $0x1  }
0xa1: {  	s23 =	simm.s32 $0x1B8B  }
0xa2: {  	_ =	swait.ge [sflag:s23], $0x1  }
0xa3: {  	[sflag:s23] =	ssyncset.done $0x0  }
0xa4: {  	[sflag:s23] =	ssyncadd.s32 $0xFFFFFFFF  }
0xa5: {  	s4 =	sld [smem:$0x0]  }
0xa6: {  	s5 =	sand.u32 $0xFFFFFFFE, s1  }
0xa7: {  	p0 =	sne.s32 s1, s5  }
0xa8: {  	s5 =	sshll.u32 @p0 s5, $0xE  }
0xa9: {  	s5 =	sadd.s32 @p0 $0x11B8D, s5;
	s6 =	sshll.u32 @p0 s4, $0x11  }
0xaa: {  	s5 =	sor.u32 @p0 s6, s5  }
0xab: {  	[sflag:s5] =	ssyncadd.remote.s32 @p0 $0x1;
	_ =	sdelay $0x1  }
0xac: {  	s5 =	simm.s32 @p0 $0x1B8D  }
0xad: {  	_ =	swait.eq @p0 [sflag:s5], $0x1  }
0xae: {  	[sflag:s5] =	ssyncadd.s32 @p0 $0xFFFFFFFF  }
0xaf: {  	s6 =	sshll.u32 @!p0 s1, $0xE  }
0xb0: {  	s6 =	sor.u32 @!p0 $0x4000, s6;
	s5 =	simm.s32 @!p0 $0x1B8D  }
0xb1: {  	s4 =	sshll.u32 @!p0 s4, $0x11;
	s6 =	sadd.s32 @!p0 $0x11B8D, s6;
	_ =	swait.eq @!p0 [sflag:s5], $0x1  }
0xb2: {  	s4 =	sor.u32 @!p0 s4, s6;
	[sflag:s5] =	ssyncadd.s32 @!p0 $0xFFFFFFFF  }
0xb3: {  	s25 =	simm.s32 $0x1B8E;
	s24 =	sld [smem:$0x3FFE];
	[sflag:s4] =	ssyncadd.remote.s32 @!p0 $0x1  }
0xb4: {  	s26 =	simm.s32 $execute0_lowered;
	[smem:$0x3FD2] =	sst s25  }
0xb5: {  	s5 =	sshll.u32 s26, $0x1;
	_ =	strace $0x8000004C;
	[dreg:$0x1] =	wrdreg $0xFFFFFFFF  }
0xb6: {  	s28 =	simm.s32 $_size_execute0_lowered;
	s3 =	sadd.s32 s3, s5;
	[dreg:$0x0] =	wrdreg $0x0  }
0xb7: {  	s5 =	sshll.u32 s28, $0x1;
	[dreg:$0x2] =	wrdreg s3  }
0xb8: {  	[dreg:$0x3] =	wrdreg s5  }
0xb9: {  	[dreg:$0x4] =	wrdreg $0xC0  }
0xba: {  	_ =	task [dreg:s22], $0x5FFFF  }
0xbb: {  	[dreg:$0x1] =	wrdreg $0xFFFFFFFF  }
0xbc: {  	[dreg:$0x0] =	wrdreg $0x60  }
0xbd: {  	[dreg:$0x2] =	wrdreg s24  }
0xbe: {  	[dreg:$0x3] =	wrdreg $0x0  }
0xbf: {  	[dreg:$0x4] =	wrdreg $0x9  }
0xc0: {  	_ =	task.clear_ibuf [dreg:s22], $0x5FFFF;
	_ =	strace $0x9000004C  }
0xc1: {  	s29 =	simm.s32 $0x9;
	_ =	strace $0x8000004E  }
0xc2: {  	_ =	swait.ge [sflag:s29], $0x1  }
0xc3: {  	[sflag:s29] =	ssyncadd.s32 $0xFFFFFFFF  }
0xc4: {  	_ =	strace $0x9000004E  }
0xc5: {  	_ =	sfence  }
0xc6: {  	s30 =	sld [smem:$0x0];
	_ =	sdelay $0x2  }
0xc7: {  	s31 =	sshll.u32 s1, $0xD;
	s1 =	sshrl.u32 s1, $0x2  }
0xc8: {  	s4 =	sand.u32 $0x4000, s31;
	s1 =	sadd.s32 s1, s30  }
0xc9: {  	s0 =	sor.u32 s4, s0;
	s1 =	sshll.u32 s1, $0x11  }
0xca: {  	s0 =	sor.u32 s1, s0  }
0xcb: {  	s0 =	sadd.s32 $0x8F2B, s0  }
0xcc: {  	[sflag:s0] =	ssyncadd.remote.s32 $0x1  }
0xcd: {  	_ =	sfence.sel $0xFFFF  }
0xce: {  	[dreg:$0x0] =	wrdreg $0xFFFFFFFF;
	(pc) =	sbr.abs _section_cstart, $3  }
0xcf: {  	[dreg:$0x1] =	wrdreg $0xFFFFFFFF  }
0xd0: {  	_ =	task.clear_ibuf [dreg:s22], $0x2FFFF;
	_ =	strace $0x9FFFFFFF  }
0xd1: {  	(tm) =	ssettm $0x7FFFFFFF  }
tec
execute0_lowered:
.L_overlay_start_1:
0x0: {  	(tag) =	ssettag $0x1  }
0x1: {  	s0 =	srdreg.scid;
	s5 =	rddreg [dreg:$0x0]  }
0x2: {  	s9 =	stileid.u32;
	s2 =	rddreg [dreg:$0x1];
	s3 =	simm.s32 $0x0  }
0x3: {  	s11 =	simm.s32 $0xA180;
	s12 =	simm.s32 $0xA200;
	s13 =	simm.s32 $0xA880  }
0x4: {  	s14 =	simm.s32 $0xA280;
	s15 =	simm.s32 $0xA900;
	s16 =	simm.s32 $0xA300  }
0x5: {  	s17 =	simm.s32 $0xA980;
	[smem:$0x7FF] =	sst s3;
	s23 =	sadd.s32 $0x2C200, s5  }
0x6: {  	s18 =	simm.s32 $0xA380;
	_ =	strace $0x8000004D;
	[dreg:$0x17] =	wrdreg s23  }
0x7: {  	s19 =	simm.s32 $0xAA00;
	s20 =	simm.s32 $0xA400;
	[dreg:$0x7] =	wrdreg s11  }
0x8: {  	s21 =	simm.s32 $0xAA80;
	s22 =	simm.s32 $0xA480;
	[dreg:$0x8] =	wrdreg s12  }
0x9: {  	s28 =	simm.s32 $0xA700;
	s29 =	simm.s32 $0xAD80;
	[dreg:$0x9] =	wrdreg s13  }
0xa: {  	s30 =	simm.s32 $0xA780;
	s4 =	smul.u32 $0x5000, s9;
	[dreg:$0xa] =	wrdreg s14  }
0xb: {  	s31 =	simm.s32 $0xAE00;
	s7 =	smul.u32 $0xA000, s9;
	[dreg:$0xb] =	wrdreg s15  }
0xc: {  	s0 =	sand.u32 $0x1, s0;
	s25 =	smul.u32 $0x28000, s9;
	[dreg:$0xc] =	wrdreg s16  }
0xd: {  	s10 =	sshll.u32 s9, $0x6;
	s1 =	smul.u32 $0x50000, s0;
	[dreg:$0xd] =	wrdreg s17  }
0xe: {  	s9 =	simm.s32 $0x0;
	s6 =	smul.u32 $0xA0000, s0;
	[dreg:$0xe] =	wrdreg s18  }
0xf: {  	s0 =	ssub.s32 $0x2, s0;
	s11 =	simm.s32 $0xA000;
	[dreg:$0xf] =	wrdreg s19  }
0x10: {  	s12 =	simm.s32 $0xA800;
	s13 =	simm.s32 $0x80;
	[dreg:$0x10] =	wrdreg s20  }
0x11: {  	s14 =	simm.s32 $0xB000;
	s15 =	simm.s32 $0xD000;
	[dreg:$0x11] =	wrdreg s21  }
0x12: {  	s16 =	simm.s32 $0xF000;
	s17 =	simm.s32 $0x11000;
	[dreg:$0x12] =	wrdreg s22  }
0x13: {  	s23 =	simm.s32 $0xAB00;
	s18 =	simm.s32 $0x1;
	s19 =	simm.s32 $0x2  }
0x14: {  	s20 =	simm.s32 $0x3;
	s21 =	simm.s32 $0x4;
	s22 =	simm.s32 $0xAC00  }
0x15: {  	s24 =	sshrl.u32 s0, $0x1;
	s26 =	sshrl.u32 s25, $0x2;
	[dreg:$0x13] =	wrdreg s23  }
0x16: {  	s25 =	simm.s32 $0xAB80;
	s23 =	simm.s32 $0xA600;
	s1 =	sadd.s32 s4, s1  }
0x17: {  	s6 =	sadd.s32 s7, s6;
	s4 =	sadd.s32 $0xBD800, s5;
	s0 =	ssub.s32 s0, s24  }
0x18: {  	s7 =	simm.s32 $0xA080;
	s24 =	simm.s32 $0xA500;
	[dreg:$0x15] =	wrdreg s25  }
0x19: {  	s1 =	sshrl.u32 s1, $0x3;
	s6 =	sshrl.u32 s6, $0x3;
	[dreg:$0x5] =	wrdreg s7  }
0x1a: {  	s7 =	sor.u32 $0x1C05, s10;
	s0 =	smax.u32 s0, $0x1;
	[dreg:$0x14] =	wrdreg s24  }
0x1b: {  	s1 =	sadd.s32 s1, s5;
	s5 =	sadd.s32 s6, s5;
	[dreg:$0x1a] =	wrdreg s0  }
0x1c: {  	s6 =	sadd.s32 s26, s2;
	s26 =	simm.s32 $0xA580;
	[dreg:$0x18] =	wrdreg s7  }
0x1d: {  	s25 =	simm.s32 $0xA680;
	s8 =	sadd.s32 $0x4200, s1;
	[dreg:$0x16] =	wrdreg s26  }
0x1e: {  	s10 =	simm.s32 $0x5;
	s1 =	sadd.s32 $0x18200, s1;
	[dreg:$0x3] =	wrdreg s8  }
0x1f: {  	s24 =	simm.s32 $0xAC80;
	s5 =	sadd.s32 $0xD1800, s5;
	[dreg:$0x4] =	wrdreg s1  }
0x20: {  	s0 =	simm.s32 $0xAF00;
	s8 =	simm.s32 $0xA100;
	[dreg:$0x19] =	wrdreg s5  }
0x21: {  	s26 =	simm.s32 $0xAD00;
	[dreg:$0x6] =	wrdreg s8;
	s8 =	sshrl.u32 s6, $0x3  }
0x22: {  	s1 =	simm.s32 $0xAE80;
	s5 =	simm.s32 $0xAF80;
	[dreg:$0x1b] =	wrdreg s8  }
.LBB2_1:
0x23: {  	[dreg:$0x1c] =	wrdreg s9  }
0x24: {  	s6 =	rddreg [dreg:$0x17]  }
0x25: {  	[spmem:s8], [sflag:s7] =	dma.local [hbm:s6], $0x1400  }
0x26: {  	_ =	swait.ge [sflag:s10], $0x1400  }
0x27: {  	[sflag:s10] =	ssyncset.done $0x0  }
0x28: {  	[sflag:s10] =	ssyncadd.s32 $0xFFFFEC00  }
0x29: {  	[bflag:$0x0] =	sbarrier.arrive $0xFFFF  }
0x2a: {  	s7 =	rddreg [dreg:$0x4]  }
0x2b: {  	s6 =	sadd.s32 $0x0, s7  }
0x2c: {  	[tilespmem:s11], [sflag:$0x5] =	stream.linear.gather [hbm4b:s6+s3], $0x800, $0x38;
	[tilespmem:$0x13000] =	vst v63  }
0x2d: {  	_ =	swait.ge [sflag:s10], $0x800  }
0x2e: {  	s8 =	rddreg [dreg:$0x3];
	[sflag:s10] =	ssyncset.done $0x0  }
0x2f: {  	[sflag:s10] =	ssyncadd.s32 $0xFFFFF800;
	s6 =	sadd.s32 $0x0, s8  }
0x30: {  	[tilespmem:s12], [sflag:$0x5] =	stream.linear.gather [hbm4b:s6+s3], $0x800, $0x38;
	[tilespmem:$0x13000] =	vst v63  }
0x31: {  	_ =	swait.ge [sflag:s10], $0x800  }
0x32: {  	[sflag:s10] =	ssyncset.done $0x0  }
0x33: {  	[sflag:s10] =	ssyncadd.s32 $0xFFFFF800  }
0x34: {  	[tilespmem:s14], [sflag:$0x1] =	stream.indirect.gather [hbm4b:s4+s13], $0x40, s11, s13, $0xb8;
	[tilespmem:$0x13000] =	vst v63  }
0x35: {  	s9 =	rddreg [dreg:$0x5]  }
0x36: {  	[tilespmem:s15], [sflag:$0x2] =	stream.indirect.gather [hbm4b:s4+s13], $0x40, s9, s13, $0xb8;
	[tilespmem:$0x13000] =	vst v63  }
0x37: {  	s7 =	rddreg [dreg:$0x6]  }
0x38: {  	[tilespmem:s16], [sflag:$0x3] =	stream.indirect.gather [hbm4b:s4+s13], $0x40, s7, s13, $0xb8;
	[tilespmem:$0x13000] =	vst v63  }
0x39: {  	s9 =	rddreg [dreg:$0x7]  }
0x3a: {  	[tilespmem:s17], [sflag:$0x4] =	stream.indirect.gather [hbm4b:s4+s13], $0x40, s9, s13, $0xb8;
	[tilespmem:$0x13000] =	vst v63  }
0x3b: {  	_ =	swait.ge [sflag:s18], $0x2000  }
0x3c: {  	[sflag:s18] =	ssyncset.done $0x0  }
0x3d: {  	[sflag:s18] =	ssyncadd.s32 $0xFFFFE000  }
0x3e: {  	[spmem:s2] =	stream.indirect.scatter.add.f32 [tilespmem:s14], [sflag:$0x5], $0x40, s12, s13, $0xb8;
	[tilespmem:$0x13000] =	vst v63  }
0x3f: {  	_ =	swait.ge [sflag:s10], $0x2000  }
0x40: {  	[sflag:s10] =	ssyncset.done $0x0  }
0x41: {  	s7 =	rddreg [dreg:$0x8];
	[sflag:s10] =	ssyncadd.s32 $0xFFFFE000  }
0x42: {  	[tilespmem:s14], [sflag:$0x1] =	stream.indirect.gather [hbm4b:s4+s13], $0x40, s7, s13, $0xb8;
	[tilespmem:$0x13000] =	vst v63  }
0x43: {  	_ =	swait.ge [sflag:s19], $0x2000  }
0x44: {  	[sflag:s19] =	ssyncset.done $0x0  }
0x45: {  	s8 =	rddreg [dreg:$0x9];
	[sflag:s19] =	ssyncadd.s32 $0xFFFFE000  }
0x46: {  	[spmem:s2] =	stream.indirect.scatter.add.f32 [tilespmem:s15], [sflag:$0x5], $0x40, s8, s13, $0xb8;
	[tilespmem:$0x13000] =	vst v63  }
0x47: {  	_ =	swait.ge [sflag:s10], $0x2000  }
0x48: {  	[sflag:s10] =	ssyncset.done $0x0  }
0x49: {  	s9 =	rddreg [dreg:$0xa];
	[sflag:s10] =	ssyncadd.s32 $0xFFFFE000  }
0x4a: {  	[tilespmem:s15], [sflag:$0x2] =	stream.indirect.gather [hbm4b:s4+s13], $0x40, s9, s13, $0xb8;
	[tilespmem:$0x13000] =	vst v63  }
0x4b: {  	_ =	swait.ge [sflag:s20], $0x2000  }
0x4c: {  	[sflag:s20] =	ssyncset.done $0x0  }
0x4d: {  	s7 =	rddreg [dreg:$0xb];
	[sflag:s20] =	ssyncadd.s32 $0xFFFFE000  }
0x4e: {  	[spmem:s2] =	stream.indirect.scatter.add.f32 [tilespmem:s16], [sflag:$0x5], $0x40, s7, s13, $0xb8;
	[tilespmem:$0x13000] =	vst v63  }
0x4f: {  	_ =	swait.ge [sflag:s10], $0x2000  }
0x50: {  	[sflag:s10] =	ssyncset.done $0x0  }
0x51: {  	s8 =	rddreg [dreg:$0xc];
	[sflag:s10] =	ssyncadd.s32 $0xFFFFE000  }
0x52: {  	[tilespmem:s16], [sflag:$0x3] =	stream.indirect.gather [hbm4b:s4+s13], $0x40, s8, s13, $0xb8;
	[tilespmem:$0x13000] =	vst v63  }
0x53: {  	_ =	swait.ge [sflag:s21], $0x2000  }
0x54: {  	[sflag:s21] =	ssyncset.done $0x0  }
0x55: {  	s9 =	rddreg [dreg:$0xd];
	[sflag:s21] =	ssyncadd.s32 $0xFFFFE000  }
0x56: {  	[spmem:s2] =	stream.indirect.scatter.add.f32 [tilespmem:s17], [sflag:$0x5], $0x40, s9, s13, $0xb8;
	[tilespmem:$0x13000] =	vst v63  }
0x57: {  	_ =	swait.ge [sflag:s10], $0x2000  }
0x58: {  	[sflag:s10] =	ssyncset.done $0x0  }
0x59: {  	s7 =	rddreg [dreg:$0xe];
	[sflag:s10] =	ssyncadd.s32 $0xFFFFE000  }
0x5a: {  	[tilespmem:s17], [sflag:$0x4] =	stream.indirect.gather [hbm4b:s4+s13], $0x40, s7, s13, $0xb8;
	[tilespmem:$0x13000] =	vst v63  }
0x5b: {  	_ =	swait.ge [sflag:s18], $0x2000  }
0x5c: {  	[sflag:s18] =	ssyncset.done $0x0  }
0x5d: {  	s8 =	rddreg [dreg:$0xf];
	[sflag:s18] =	ssyncadd.s32 $0xFFFFE000  }
0x5e: {  	[spmem:s2] =	stream.indirect.scatter.add.f32 [tilespmem:s14], [sflag:$0x5], $0x40, s8, s13, $0xb8;
	[tilespmem:$0x13000] =	vst v63  }
0x5f: {  	_ =	swait.ge [sflag:s10], $0x2000  }
0x60: {  	[sflag:s10] =	ssyncset.done $0x0  }
0x61: {  	s9 =	rddreg [dreg:$0x10];
	[sflag:s10] =	ssyncadd.s32 $0xFFFFE000  }
0x62: {  	[tilespmem:s14], [sflag:$0x1] =	stream.indirect.gather [hbm4b:s4+s13], $0x40, s9, s13, $0xb8;
	[tilespmem:$0x13000] =	vst v63  }
0x63: {  	_ =	swait.ge [sflag:s19], $0x2000  }
0x64: {  	[sflag:s19] =	ssyncset.done $0x0  }
0x65: {  	s7 =	rddreg [dreg:$0x11];
	[sflag:s19] =	ssyncadd.s32 $0xFFFFE000  }
0x66: {  	[spmem:s2] =	stream.indirect.scatter.add.f32 [tilespmem:s15], [sflag:$0x5], $0x40, s7, s13, $0xb8;
	[tilespmem:$0x13000] =	vst v63  }
0x67: {  	_ =	swait.ge [sflag:s10], $0x2000  }
0x68: {  	[sflag:s10] =	ssyncset.done $0x0  }
0x69: {  	s8 =	rddreg [dreg:$0x12];
	[sflag:s10] =	ssyncadd.s32 $0xFFFFE000  }
0x6a: {  	[tilespmem:s15], [sflag:$0x2] =	stream.indirect.gather [hbm4b:s4+s13], $0x40, s8, s13, $0xb8;
	[tilespmem:$0x13000] =	vst v63  }
0x6b: {  	_ =	swait.ge [sflag:s20], $0x2000  }
0x6c: {  	[sflag:s20] =	ssyncset.done $0x0  }
0x6d: {  	s9 =	rddreg [dreg:$0x13];
	[sflag:s20] =	ssyncadd.s32 $0xFFFFE000  }
0x6e: {  	[spmem:s2] =	stream.indirect.scatter.add.f32 [tilespmem:s16], [sflag:$0x5], $0x40, s9, s13, $0xb8;
	[tilespmem:$0x13000] =	vst v63  }
0x6f: {  	_ =	swait.ge [sflag:s10], $0x2000  }
0x70: {  	[sflag:s10] =	ssyncset.done $0x0  }
0x71: {  	s7 =	rddreg [dreg:$0x14];
	[sflag:s10] =	ssyncadd.s32 $0xFFFFE000  }
0x72: {  	[tilespmem:s16], [sflag:$0x3] =	stream.indirect.gather [hbm4b:s4+s13], $0x40, s7, s13, $0xb8;
	[tilespmem:$0x13000] =	vst v63  }
0x73: {  	_ =	swait.ge [sflag:s21], $0x2000  }
0x74: {  	[sflag:s21] =	ssyncset.done $0x0  }
0x75: {  	s8 =	rddreg [dreg:$0x15];
	[sflag:s21] =	ssyncadd.s32 $0xFFFFE000  }
0x76: {  	[spmem:s2] =	stream.indirect.scatter.add.f32 [tilespmem:s17], [sflag:$0x5], $0x40, s8, s13, $0xb8;
	[tilespmem:$0x13000] =	vst v63  }
0x77: {  	_ =	swait.ge [sflag:s10], $0x2000  }
0x78: {  	[sflag:s10] =	ssyncset.done $0x0  }
0x79: {  	s9 =	rddreg [dreg:$0x16];
	[sflag:s10] =	ssyncadd.s32 $0xFFFFE000  }
0x7a: {  	[tilespmem:s17], [sflag:$0x4] =	stream.indirect.gather [hbm4b:s4+s13], $0x40, s9, s13, $0xb8;
	[tilespmem:$0x13000] =	vst v63  }
0x7b: {  	_ =	swait.ge [sflag:s18], $0x2000  }
0x7c: {  	[sflag:s18] =	ssyncset.done $0x0  }
0x7d: {  	[sflag:s18] =	ssyncadd.s32 $0xFFFFE000  }
0x7e: {  	[spmem:s2] =	stream.indirect.scatter.add.f32 [tilespmem:s14], [sflag:$0x5], $0x40, s22, s13, $0xb8;
	[tilespmem:$0x13000] =	vst v63  }
0x7f: {  	_ =	swait.ge [sflag:s10], $0x2000  }
0x80: {  	[sflag:s10] =	ssyncset.done $0x0  }
0x81: {  	[sflag:s10] =	ssyncadd.s32 $0xFFFFE000  }
0x82: {  	[tilespmem:s14], [sflag:$0x1] =	stream.indirect.gather [hbm4b:s4+s13], $0x40, s23, s13, $0xb8;
	[tilespmem:$0x13000] =	vst v63  }
0x83: {  	_ =	swait.ge [sflag:s19], $0x2000  }
0x84: {  	[sflag:s19] =	ssyncset.done $0x0  }
0x85: {  	[sflag:s19] =	ssyncadd.s32 $0xFFFFE000  }
0x86: {  	[spmem:s2] =	stream.indirect.scatter.add.f32 [tilespmem:s15], [sflag:$0x5], $0x40, s24, s13, $0xb8;
	[tilespmem:$0x13000] =	vst v63  }
0x87: {  	_ =	swait.ge [sflag:s10], $0x2000  }
0x88: {  	[sflag:s10] =	ssyncset.done $0x0  }
0x89: {  	[sflag:s10] =	ssyncadd.s32 $0xFFFFE000  }
0x8a: {  	[tilespmem:s15], [sflag:$0x2] =	stream.indirect.gather [hbm4b:s4+s13], $0x40, s25, s13, $0xb8;
	[tilespmem:$0x13000] =	vst v63  }
0x8b: {  	_ =	swait.ge [sflag:s20], $0x2000  }
0x8c: {  	[sflag:s20] =	ssyncset.done $0x0  }
0x8d: {  	[sflag:s20] =	ssyncadd.s32 $0xFFFFE000  }
0x8e: {  	[spmem:s2] =	stream.indirect.scatter.add.f32 [tilespmem:s16], [sflag:$0x5], $0x40, s26, s13, $0xb8;
	[tilespmem:$0x13000] =	vst v63  }
0x8f: {  	_ =	swait.ge [sflag:s10], $0x2000  }
0x90: {  	[sflag:s10] =	ssyncset.done $0x0  }
0x91: {  	[sflag:s10] =	ssyncadd.s32 $0xFFFFE000  }
0x92: {  	[tilespmem:s16], [sflag:$0x3] =	stream.indirect.gather [hbm4b:s4+s13], $0x40, s28, s13, $0xb8;
	[tilespmem:$0x13000] =	vst v63  }
0x93: {  	_ =	swait.ge [sflag:s21], $0x2000  }
0x94: {  	[sflag:s21] =	ssyncset.done $0x0  }
0x95: {  	[sflag:s21] =	ssyncadd.s32 $0xFFFFE000  }
0x96: {  	[spmem:s2] =	stream.indirect.scatter.add.f32 [tilespmem:s17], [sflag:$0x5], $0x40, s29, s13, $0xb8;
	[tilespmem:$0x13000] =	vst v63  }
0x97: {  	_ =	swait.ge [sflag:s10], $0x2000  }
0x98: {  	[sflag:s10] =	ssyncset.done $0x0  }
0x99: {  	[sflag:s10] =	ssyncadd.s32 $0xFFFFE000  }
0x9a: {  	[tilespmem:s17], [sflag:$0x4] =	stream.indirect.gather [hbm4b:s4+s13], $0x40, s30, s13, $0xb8;
	[tilespmem:$0x13000] =	vst v63  }
0x9b: {  	_ =	swait.ge [sflag:s18], $0x2000  }
0x9c: {  	[sflag:s18] =	ssyncset.done $0x0  }
0x9d: {  	[sflag:s18] =	ssyncadd.s32 $0xFFFFE000  }
0x9e: {  	[spmem:s2] =	stream.indirect.scatter.add.f32 [tilespmem:s14], [sflag:$0x5], $0x40, s31, s13, $0xb8;
	[tilespmem:$0x13000] =	vst v63  }
0x9f: {  	_ =	swait.ge [sflag:s10], $0x2000  }
0xa0: {  	[sflag:s10] =	ssyncset.done $0x0  }
0xa1: {  	[sflag:s10] =	ssyncadd.s32 $0xFFFFE000  }
0xa2: {  	_ =	swait.ge [sflag:s19], $0x2000  }
0xa3: {  	[sflag:s19] =	ssyncset.done $0x0  }
0xa4: {  	[sflag:s19] =	ssyncadd.s32 $0xFFFFE000  }
0xa5: {  	[spmem:s2] =	stream.indirect.scatter.add.f32 [tilespmem:s15], [sflag:$0x5], $0x40, s1, s13, $0xb8;
	[tilespmem:$0x13000] =	vst v63  }
0xa6: {  	_ =	swait.ge [sflag:s10], $0x2000  }
0xa7: {  	[sflag:s10] =	ssyncset.done $0x0  }
0xa8: {  	[sflag:s10] =	ssyncadd.s32 $0xFFFFE000  }
0xa9: {  	_ =	swait.ge [sflag:s20], $0x2000  }
0xaa: {  	[sflag:s20] =	ssyncset.done $0x0  }
0xab: {  	[sflag:s20] =	ssyncadd.s32 $0xFFFFE000  }
0xac: {  	[spmem:s2] =	stream.indirect.scatter.add.f32 [tilespmem:s16], [sflag:$0x5], $0x40, s0, s13, $0xb8;
	[tilespmem:$0x13000] =	vst v63  }
0xad: {  	_ =	swait.ge [sflag:s10], $0x2000  }
0xae: {  	[sflag:s10] =	ssyncset.done $0x0  }
0xaf: {  	[sflag:s10] =	ssyncadd.s32 $0xFFFFE000  }
0xb0: {  	_ =	swait.ge [sflag:s21], $0x2000  }
0xb1: {  	[sflag:s21] =	ssyncset.done $0x0  }
0xb2: {  	[sflag:s21] =	ssyncadd.s32 $0xFFFFE000  }
0xb3: {  	[spmem:s2] =	stream.indirect.scatter.add.f32 [tilespmem:s17], [sflag:$0x5], $0x40, s5, s13, $0xb8;
	[tilespmem:$0x13000] =	vst v63  }
0xb4: {  	s6 =	simm.s32 $0x200;
	_ =	swait.ge [sflag:s10], $0x2000  }
0xb5: {  	s8 =	simm.s32 $0x100;
	s9 =	rddreg [dreg:$0x4];
	[sflag:s10] =	ssyncset.done $0x0  }
.LBB2_2:
0xb6: {  	[sflag:s10] =	ssyncadd.s32 $0xFFFFE000;
	s9 =	sadd.s32 s8, s9  }
0xb7: {  	[tilespmem:s11], [sflag:$0x5] =	stream.linear.gather [hbm4b:s9+s3], $0x800, $0x38;
	[tilespmem:$0x13000] =	vst v63  }
0xb8: {  	_ =	swait.ge [sflag:s10], $0x800  }
0xb9: {  	s9 =	rddreg [dreg:$0x3];
	[sflag:s10] =	ssyncset.done $0x0  }
0xba: {  	[sflag:s10] =	ssyncadd.s32 $0xFFFFF800;
	s9 =	sadd.s32 s8, s9  }
0xbb: {  	[tilespmem:s12], [sflag:$0x5] =	stream.linear.gather [hbm4b:s9+s3], $0x800, $0x38;
	[tilespmem:$0x13000] =	vst v63  }
0xbc: {  	_ =	swait.ge [sflag:s10], $0x800  }
0xbd: {  	[sflag:s10] =	ssyncset.done $0x0  }
0xbe: {  	s7 =	smov.u32 s6;
	[sflag:s10] =	ssyncadd.s32 $0xFFFFF800  }
0xbf: {  	[tilespmem:s14], [sflag:$0x1] =	stream.indirect.gather [hbm4b:s4+s13], $0x40, s11, s13, $0xb8;
	[tilespmem:$0x13000] =	vst v63  }
0xc0: {  	s8 =	smov.u32 s7;
	s7 =	rddreg [dreg:$0x5]  }
0xc1: {  	[tilespmem:s15], [sflag:$0x2] =	stream.indirect.gather [hbm4b:s4+s13], $0x40, s7, s13, $0xb8;
	[tilespmem:$0x13000] =	vst v63  }
0xc2: {  	s9 =	rddreg [dreg:$0x6]  }
0xc3: {  	[tilespmem:s16], [sflag:$0x3] =	stream.indirect.gather [hbm4b:s4+s13], $0x40, s9, s13, $0xb8;
	[tilespmem:$0x13000] =	vst v63  }
0xc4: {  	s7 =	rddreg [dreg:$0x7]  }
0xc5: {  	[tilespmem:s17], [sflag:$0x4] =	stream.indirect.gather [hbm4b:s4+s13], $0x40, s7, s13, $0xb8;
	[tilespmem:$0x13000] =	vst v63  }
0xc6: {  	_ =	swait.ge [sflag:s18], $0x2000  }
0xc7: {  	[sflag:s18] =	ssyncset.done $0x0  }
0xc8: {  	[sflag:s18] =	ssyncadd.s32 $0xFFFFE000  }
0xc9: {  	[spmem:s2] =	stream.indirect.scatter.add.f32 [tilespmem:s14], [sflag:$0x5], $0x40, s12, s13, $0xb8;
	[tilespmem:$0x13000] =	vst v63  }
0xca: {  	_ =	swait.ge [sflag:s10], $0x2000  }
0xcb: {  	[sflag:s10] =	ssyncset.done $0x0  }
0xcc: {  	s9 =	rddreg [dreg:$0x8];
	[sflag:s10] =	ssyncadd.s32 $0xFFFFE000  }
0xcd: {  	[tilespmem:s14], [sflag:$0x1] =	stream.indirect.gather [hbm4b:s4+s13], $0x40, s9, s13, $0xb8;
	[tilespmem:$0x13000] =	vst v63  }
0xce: {  	_ =	swait.ge [sflag:s19], $0x2000  }
0xcf: {  	[sflag:s19] =	ssyncset.done $0x0  }
0xd0: {  	s9 =	rddreg [dreg:$0x9];
	[sflag:s19] =	ssyncadd.s32 $0xFFFFE000  }
0xd1: {  	[spmem:s2] =	stream.indirect.scatter.add.f32 [tilespmem:s15], [sflag:$0x5], $0x40, s9, s13, $0xb8;
	[tilespmem:$0x13000] =	vst v63  }
0xd2: {  	_ =	swait.ge [sflag:s10], $0x2000  }
0xd3: {  	[sflag:s10] =	ssyncset.done $0x0  }
0xd4: {  	s9 =	rddreg [dreg:$0xa];
	[sflag:s10] =	ssyncadd.s32 $0xFFFFE000  }
0xd5: {  	[tilespmem:s15], [sflag:$0x2] =	stream.indirect.gather [hbm4b:s4+s13], $0x40, s9, s13, $0xb8;
	[tilespmem:$0x13000] =	vst v63  }
0xd6: {  	_ =	swait.ge [sflag:s20], $0x2000  }
0xd7: {  	[sflag:s20] =	ssyncset.done $0x0  }
0xd8: {  	s9 =	rddreg [dreg:$0xb];
	[sflag:s20] =	ssyncadd.s32 $0xFFFFE000  }
0xd9: {  	[spmem:s2] =	stream.indirect.scatter.add.f32 [tilespmem:s16], [sflag:$0x5], $0x40, s9, s13, $0xb8;
	[tilespmem:$0x13000] =	vst v63  }
0xda: {  	_ =	swait.ge [sflag:s10], $0x2000  }
0xdb: {  	[sflag:s10] =	ssyncset.done $0x0  }
0xdc: {  	s9 =	rddreg [dreg:$0xc];
	[sflag:s10] =	ssyncadd.s32 $0xFFFFE000  }
0xdd: {  	[tilespmem:s16], [sflag:$0x3] =	stream.indirect.gather [hbm4b:s4+s13], $0x40, s9, s13, $0xb8;
	[tilespmem:$0x13000] =	vst v63  }
0xde: {  	_ =	swait.ge [sflag:s21], $0x2000  }
0xdf: {  	[sflag:s21] =	ssyncset.done $0x0  }
0xe0: {  	s9 =	rddreg [dreg:$0xd];
	[sflag:s21] =	ssyncadd.s32 $0xFFFFE000  }
0xe1: {  	[spmem:s2] =	stream.indirect.scatter.add.f32 [tilespmem:s17], [sflag:$0x5], $0x40, s9, s13, $0xb8;
	[tilespmem:$0x13000] =	vst v63  }
0xe2: {  	_ =	swait.ge [sflag:s10], $0x2000  }
0xe3: {  	[sflag:s10] =	ssyncset.done $0x0  }
0xe4: {  	s9 =	rddreg [dreg:$0xe];
	[sflag:s10] =	ssyncadd.s32 $0xFFFFE000  }
0xe5: {  	[tilespmem:s17], [sflag:$0x4] =	stream.indirect.gather [hbm4b:s4+s13], $0x40, s9, s13, $0xb8;
	[tilespmem:$0x13000] =	vst v63  }
0xe6: {  	_ =	swait.ge [sflag:s18], $0x2000  }
0xe7: {  	[sflag:s18] =	ssyncset.done $0x0  }
0xe8: {  	s9 =	rddreg [dreg:$0xf];
	[sflag:s18] =	ssyncadd.s32 $0xFFFFE000  }
0xe9: {  	[spmem:s2] =	stream.indirect.scatter.add.f32 [tilespmem:s14], [sflag:$0x5], $0x40, s9, s13, $0xb8;
	[tilespmem:$0x13000] =	vst v63  }
0xea: {  	_ =	swait.ge [sflag:s10], $0x2000  }
0xeb: {  	[sflag:s10] =	ssyncset.done $0x0  }
0xec: {  	s9 =	rddreg [dreg:$0x10];
	[sflag:s10] =	ssyncadd.s32 $0xFFFFE000  }
0xed: {  	[tilespmem:s14], [sflag:$0x1] =	stream.indirect.gather [hbm4b:s4+s13], $0x40, s9, s13, $0xb8;
	[tilespmem:$0x13000] =	vst v63  }
0xee: {  	_ =	swait.ge [sflag:s19], $0x2000  }
0xef: {  	[sflag:s19] =	ssyncset.done $0x0  }
0xf0: {  	s9 =	rddreg [dreg:$0x11];
	[sflag:s19] =	ssyncadd.s32 $0xFFFFE000  }
0xf1: {  	[spmem:s2] =	stream.indirect.scatter.add.f32 [tilespmem:s15], [sflag:$0x5], $0x40, s9, s13, $0xb8;
	[tilespmem:$0x13000] =	vst v63  }
0xf2: {  	_ =	swait.ge [sflag:s10], $0x2000  }
0xf3: {  	[sflag:s10] =	ssyncset.done $0x0  }
0xf4: {  	s9 =	rddreg [dreg:$0x12];
	[sflag:s10] =	ssyncadd.s32 $0xFFFFE000  }
0xf5: {  	[tilespmem:s15], [sflag:$0x2] =	stream.indirect.gather [hbm4b:s4+s13], $0x40, s9, s13, $0xb8;
	[tilespmem:$0x13000] =	vst v63  }
0xf6: {  	_ =	swait.ge [sflag:s20], $0x2000  }
0xf7: {  	[sflag:s20] =	ssyncset.done $0x0  }
0xf8: {  	s9 =	rddreg [dreg:$0x13];
	[sflag:s20] =	ssyncadd.s32 $0xFFFFE000  }
0xf9: {  	[spmem:s2] =	stream.indirect.scatter.add.f32 [tilespmem:s16], [sflag:$0x5], $0x40, s9, s13, $0xb8;
	[tilespmem:$0x13000] =	vst v63  }
0xfa: {  	_ =	swait.ge [sflag:s10], $0x2000  }
0xfb: {  	[sflag:s10] =	ssyncset.done $0x0  }
0xfc: {  	s9 =	rddreg [dreg:$0x14];
	[sflag:s10] =	ssyncadd.s32 $0xFFFFE000  }
0xfd: {  	[tilespmem:s16], [sflag:$0x3] =	stream.indirect.gather [hbm4b:s4+s13], $0x40, s9, s13, $0xb8;
	[tilespmem:$0x13000] =	vst v63  }
0xfe: {  	_ =	swait.ge [sflag:s21], $0x2000  }
0xff: {  	[sflag:s21] =	ssyncset.done $0x0  }
0x100: {  	s9 =	rddreg [dreg:$0x15];
	[sflag:s21] =	ssyncadd.s32 $0xFFFFE000  }
0x101: {  	[spmem:s2] =	stream.indirect.scatter.add.f32 [tilespmem:s17], [sflag:$0x5], $0x40, s9, s13, $0xb8;
	[tilespmem:$0x13000] =	vst v63  }
0x102: {  	_ =	swait.ge [sflag:s10], $0x2000  }
0x103: {  	[sflag:s10] =	ssyncset.done $0x0  }
0x104: {  	s9 =	rddreg [dreg:$0x16];
	[sflag:s10] =	ssyncadd.s32 $0xFFFFE000  }
0x105: {  	[tilespmem:s17], [sflag:$0x4] =	stream.indirect.gather [hbm4b:s4+s13], $0x40, s9, s13, $0xb8;
	[tilespmem:$0x13000] =	vst v63  }
0x106: {  	_ =	swait.ge [sflag:s18], $0x2000  }
0x107: {  	[sflag:s18] =	ssyncset.done $0x0  }
0x108: {  	[sflag:s18] =	ssyncadd.s32 $0xFFFFE000  }
0x109: {  	[spmem:s2] =	stream.indirect.scatter.add.f32 [tilespmem:s14], [sflag:$0x5], $0x40, s22, s13, $0xb8;
	[tilespmem:$0x13000] =	vst v63  }
0x10a: {  	_ =	swait.ge [sflag:s10], $0x2000  }
0x10b: {  	[sflag:s10] =	ssyncset.done $0x0  }
0x10c: {  	[sflag:s10] =	ssyncadd.s32 $0xFFFFE000  }
0x10d: {  	[tilespmem:s14], [sflag:$0x1] =	stream.indirect.gather [hbm4b:s4+s13], $0x40, s23, s13, $0xb8;
	[tilespmem:$0x13000] =	vst v63  }
0x10e: {  	_ =	swait.ge [sflag:s19], $0x2000  }
0x10f: {  	[sflag:s19] =	ssyncset.done $0x0  }
0x110: {  	[sflag:s19] =	ssyncadd.s32 $0xFFFFE000  }
0x111: {  	[spmem:s2] =	stream.indirect.scatter.add.f32 [tilespmem:s15], [sflag:$0x5], $0x40, s24, s13, $0xb8;
	[tilespmem:$0x13000] =	vst v63  }
0x112: {  	_ =	swait.ge [sflag:s10], $0x2000  }
0x113: {  	[sflag:s10] =	ssyncset.done $0x0  }
0x114: {  	[sflag:s10] =	ssyncadd.s32 $0xFFFFE000  }
0x115: {  	[tilespmem:s15], [sflag:$0x2] =	stream.indirect.gather [hbm4b:s4+s13], $0x40, s25, s13, $0xb8;
	[tilespmem:$0x13000] =	vst v63  }
0x116: {  	_ =	swait.ge [sflag:s20], $0x2000  }
0x117: {  	[sflag:s20] =	ssyncset.done $0x0  }
0x118: {  	[sflag:s20] =	ssyncadd.s32 $0xFFFFE000  }
0x119: {  	[spmem:s2] =	stream.indirect.scatter.add.f32 [tilespmem:s16], [sflag:$0x5], $0x40, s26, s13, $0xb8;
	[tilespmem:$0x13000] =	vst v63  }
0x11a: {  	_ =	swait.ge [sflag:s10], $0x2000  }
0x11b: {  	[sflag:s10] =	ssyncset.done $0x0  }
0x11c: {  	[sflag:s10] =	ssyncadd.s32 $0xFFFFE000  }
0x11d: {  	[tilespmem:s16], [sflag:$0x3] =	stream.indirect.gather [hbm4b:s4+s13], $0x40, s28, s13, $0xb8;
	[tilespmem:$0x13000] =	vst v63  }
0x11e: {  	_ =	swait.ge [sflag:s21], $0x2000  }
0x11f: {  	[sflag:s21] =	ssyncset.done $0x0  }
0x120: {  	[sflag:s21] =	ssyncadd.s32 $0xFFFFE000  }
0x121: {  	[spmem:s2] =	stream.indirect.scatter.add.f32 [tilespmem:s17], [sflag:$0x5], $0x40, s29, s13, $0xb8;
	[tilespmem:$0x13000] =	vst v63  }
0x122: {  	_ =	swait.ge [sflag:s10], $0x2000  }
0x123: {  	[sflag:s10] =	ssyncset.done $0x0  }
0x124: {  	[sflag:s10] =	ssyncadd.s32 $0xFFFFE000  }
0x125: {  	[tilespmem:s17], [sflag:$0x4] =	stream.indirect.gather [hbm4b:s4+s13], $0x40, s30, s13, $0xb8;
	[tilespmem:$0x13000] =	vst v63  }
0x126: {  	_ =	swait.ge [sflag:s18], $0x2000  }
0x127: {  	[sflag:s18] =	ssyncset.done $0x0  }
0x128: {  	[sflag:s18] =	ssyncadd.s32 $0xFFFFE000  }
0x129: {  	[spmem:s2] =	stream.indirect.scatter.add.f32 [tilespmem:s14], [sflag:$0x5], $0x40, s31, s13, $0xb8;
	[tilespmem:$0x13000] =	vst v63  }
0x12a: {  	_ =	swait.ge [sflag:s10], $0x2000  }
0x12b: {  	[sflag:s10] =	ssyncset.done $0x0  }
0x12c: {  	[sflag:s10] =	ssyncadd.s32 $0xFFFFE000  }
0x12d: {  	_ =	swait.ge [sflag:s19], $0x2000  }
0x12e: {  	[sflag:s19] =	ssyncset.done $0x0  }
0x12f: {  	[sflag:s19] =	ssyncadd.s32 $0xFFFFE000  }
0x130: {  	[spmem:s2] =	stream.indirect.scatter.add.f32 [tilespmem:s15], [sflag:$0x5], $0x40, s1, s13, $0xb8;
	[tilespmem:$0x13000] =	vst v63  }
0x131: {  	_ =	swait.ge [sflag:s10], $0x2000  }
0x132: {  	[sflag:s10] =	ssyncset.done $0x0  }
0x133: {  	[sflag:s10] =	ssyncadd.s32 $0xFFFFE000  }
0x134: {  	_ =	swait.ge [sflag:s20], $0x2000  }
0x135: {  	[sflag:s20] =	ssyncset.done $0x0  }
0x136: {  	[sflag:s20] =	ssyncadd.s32 $0xFFFFE000  }
0x137: {  	[spmem:s2] =	stream.indirect.scatter.add.f32 [tilespmem:s16], [sflag:$0x5], $0x40, s0, s13, $0xb8;
	[tilespmem:$0x13000] =	vst v63  }
0x138: {  	_ =	swait.ge [sflag:s10], $0x2000  }
0x139: {  	[sflag:s10] =	ssyncset.done $0x0  }
0x13a: {  	[sflag:s10] =	ssyncadd.s32 $0xFFFFE000  }
0x13b: {  	p0 =	sne.s32 s6, $0x900;
	_ =	swait.ge [sflag:s21], $0x2000  }
.Ltmp0:
0x13c: {  	[sflag:s21] =	ssyncset.done $0x0;
	(pc) =	sbr.rel @p0 .LBB2_2-.Ltmp0, $4  }
0x13d: {  	[sflag:s21] =	ssyncadd.s32 $0xFFFFE000  }
0x13e: {  	[spmem:s2] =	stream.indirect.scatter.add.f32 [tilespmem:s17], [sflag:$0x5], $0x40, s5, s13, $0xb8;
	[tilespmem:$0x13000] =	vst v63  }
0x13f: {  	_ =	swait.ge [sflag:s10], $0x2000  }
0x140: {  	s6 =	sadd.s32 $0x100, s6;
	s9 =	rddreg [dreg:$0x4];
	[sflag:s10] =	ssyncset.done $0x0  }
0x141: {  	[sflag:s10] =	ssyncadd.s32 $0xFFFFE000;
	s6 =	sadd.s32 s8, s9  }
0x142: {  	[tilespmem:s11], [sflag:$0x5] =	stream.linear.gather [hbm4b:s6+s3], $0x800, $0x38;
	[tilespmem:$0x13000] =	vst v63  }
0x143: {  	_ =	swait.ge [sflag:s10], $0x800  }
0x144: {  	s7 =	rddreg [dreg:$0x3];
	[sflag:s10] =	ssyncset.done $0x0  }
0x145: {  	[sflag:s10] =	ssyncadd.s32 $0xFFFFF800;
	s6 =	sadd.s32 s8, s7  }
0x146: {  	[tilespmem:s12], [sflag:$0x5] =	stream.linear.gather [hbm4b:s6+s3], $0x800, $0x38;
	[tilespmem:$0x13000] =	vst v63  }
0x147: {  	_ =	swait.ge [sflag:s10], $0x800  }
0x148: {  	[sflag:s10] =	ssyncset.done $0x0  }
0x149: {  	[sflag:s10] =	ssyncadd.s32 $0xFFFFF800  }
0x14a: {  	[tilespmem:s14], [sflag:$0x1] =	stream.indirect.gather [hbm4b:s4+s13], $0x40, s11, s13, $0xb8;
	[tilespmem:$0x13000] =	vst v63  }
0x14b: {  	s9 =	rddreg [dreg:$0x5]  }
0x14c: {  	[tilespmem:s15], [sflag:$0x2] =	stream.indirect.gather [hbm4b:s4+s13], $0x40, s9, s13, $0xb8;
	[tilespmem:$0x13000] =	vst v63  }
0x14d: {  	s7 =	rddreg [dreg:$0x6]  }
0x14e: {  	[tilespmem:s16], [sflag:$0x3] =	stream.indirect.gather [hbm4b:s4+s13], $0x40, s7, s13, $0xb8;
	[tilespmem:$0x13000] =	vst v63  }
0x14f: {  	s8 =	rddreg [dreg:$0x7]  }
0x150: {  	[tilespmem:s17], [sflag:$0x4] =	stream.indirect.gather [hbm4b:s4+s13], $0x40, s8, s13, $0xb8;
	[tilespmem:$0x13000] =	vst v63  }
0x151: {  	_ =	swait.ge [sflag:s18], $0x2000  }
0x152: {  	[sflag:s18] =	ssyncset.done $0x0  }
0x153: {  	[sflag:s18] =	ssyncadd.s32 $0xFFFFE000  }
0x154: {  	[spmem:s2] =	stream.indirect.scatter.add.f32 [tilespmem:s14], [sflag:$0x5], $0x40, s12, s13, $0xb8;
	[tilespmem:$0x13000] =	vst v63  }
0x155: {  	_ =	swait.ge [sflag:s10], $0x2000  }
0x156: {  	[sflag:s10] =	ssyncset.done $0x0  }
0x157: {  	s9 =	rddreg [dreg:$0x8];
	[sflag:s10] =	ssyncadd.s32 $0xFFFFE000  }
0x158: {  	[tilespmem:s14], [sflag:$0x1] =	stream.indirect.gather [hbm4b:s4+s13], $0x40, s9, s13, $0xb8;
	[tilespmem:$0x13000] =	vst v63  }
0x159: {  	_ =	swait.ge [sflag:s19], $0x2000  }
0x15a: {  	[sflag:s19] =	ssyncset.done $0x0  }
0x15b: {  	s7 =	rddreg [dreg:$0x9];
	[sflag:s19] =	ssyncadd.s32 $0xFFFFE000  }
0x15c: {  	[spmem:s2] =	stream.indirect.scatter.add.f32 [tilespmem:s15], [sflag:$0x5], $0x40, s7, s13, $0xb8;
	[tilespmem:$0x13000] =	vst v63  }
0x15d: {  	_ =	swait.ge [sflag:s10], $0x2000  }
0x15e: {  	[sflag:s10] =	ssyncset.done $0x0  }
0x15f: {  	s8 =	rddreg [dreg:$0xa];
	[sflag:s10] =	ssyncadd.s32 $0xFFFFE000  }
0x160: {  	[tilespmem:s15], [sflag:$0x2] =	stream.indirect.gather [hbm4b:s4+s13], $0x40, s8, s13, $0xb8;
	[tilespmem:$0x13000] =	vst v63  }
0x161: {  	_ =	swait.ge [sflag:s20], $0x2000  }
0x162: {  	[sflag:s20] =	ssyncset.done $0x0  }
0x163: {  	s9 =	rddreg [dreg:$0xb];
	[sflag:s20] =	ssyncadd.s32 $0xFFFFE000  }
0x164: {  	[spmem:s2] =	stream.indirect.scatter.add.f32 [tilespmem:s16], [sflag:$0x5], $0x40, s9, s13, $0xb8;
	[tilespmem:$0x13000] =	vst v63  }
0x165: {  	_ =	swait.ge [sflag:s10], $0x2000  }
0x166: {  	[sflag:s10] =	ssyncset.done $0x0  }
0x167: {  	s7 =	rddreg [dreg:$0xc];
	[sflag:s10] =	ssyncadd.s32 $0xFFFFE000  }
0x168: {  	[tilespmem:s16], [sflag:$0x3] =	stream.indirect.gather [hbm4b:s4+s13], $0x40, s7, s13, $0xb8;
	[tilespmem:$0x13000] =	vst v63  }
0x169: {  	_ =	swait.ge [sflag:s21], $0x2000  }
0x16a: {  	[sflag:s21] =	ssyncset.done $0x0  }
0x16b: {  	s8 =	rddreg [dreg:$0xd];
	[sflag:s21] =	ssyncadd.s32 $0xFFFFE000  }
0x16c: {  	[spmem:s2] =	stream.indirect.scatter.add.f32 [tilespmem:s17], [sflag:$0x5], $0x40, s8, s13, $0xb8;
	[tilespmem:$0x13000] =	vst v63  }
0x16d: {  	_ =	swait.ge [sflag:s10], $0x2000  }
0x16e: {  	[sflag:s10] =	ssyncset.done $0x0  }
0x16f: {  	s9 =	rddreg [dreg:$0xe];
	[sflag:s10] =	ssyncadd.s32 $0xFFFFE000  }
0x170: {  	[tilespmem:s17], [sflag:$0x4] =	stream.indirect.gather [hbm4b:s4+s13], $0x40, s9, s13, $0xb8;
	[tilespmem:$0x13000] =	vst v63  }
0x171: {  	_ =	swait.ge [sflag:s18], $0x2000  }
0x172: {  	[sflag:s18] =	ssyncset.done $0x0  }
0x173: {  	s7 =	rddreg [dreg:$0xf];
	[sflag:s18] =	ssyncadd.s32 $0xFFFFE000  }
0x174: {  	[spmem:s2] =	stream.indirect.scatter.add.f32 [tilespmem:s14], [sflag:$0x5], $0x40, s7, s13, $0xb8;
	[tilespmem:$0x13000] =	vst v63  }
0x175: {  	_ =	swait.ge [sflag:s10], $0x2000  }
0x176: {  	[sflag:s10] =	ssyncset.done $0x0  }
0x177: {  	s8 =	rddreg [dreg:$0x10];
	[sflag:s10] =	ssyncadd.s32 $0xFFFFE000  }
0x178: {  	[tilespmem:s14], [sflag:$0x1] =	stream.indirect.gather [hbm4b:s4+s13], $0x40, s8, s13, $0xb8;
	[tilespmem:$0x13000] =	vst v63  }
0x179: {  	_ =	swait.ge [sflag:s19], $0x2000  }
0x17a: {  	[sflag:s19] =	ssyncset.done $0x0  }
0x17b: {  	s9 =	rddreg [dreg:$0x11];
	[sflag:s19] =	ssyncadd.s32 $0xFFFFE000  }
0x17c: {  	[spmem:s2] =	stream.indirect.scatter.add.f32 [tilespmem:s15], [sflag:$0x5], $0x40, s9, s13, $0xb8;
	[tilespmem:$0x13000] =	vst v63  }
0x17d: {  	_ =	swait.ge [sflag:s10], $0x2000  }
0x17e: {  	[sflag:s10] =	ssyncset.done $0x0  }
0x17f: {  	s7 =	rddreg [dreg:$0x12];
	[sflag:s10] =	ssyncadd.s32 $0xFFFFE000  }
0x180: {  	[tilespmem:s15], [sflag:$0x2] =	stream.indirect.gather [hbm4b:s4+s13], $0x40, s7, s13, $0xb8;
	[tilespmem:$0x13000] =	vst v63  }
0x181: {  	_ =	swait.ge [sflag:s20], $0x2000  }
0x182: {  	[sflag:s20] =	ssyncset.done $0x0  }
0x183: {  	s8 =	rddreg [dreg:$0x13];
	[sflag:s20] =	ssyncadd.s32 $0xFFFFE000  }
0x184: {  	[spmem:s2] =	stream.indirect.scatter.add.f32 [tilespmem:s16], [sflag:$0x5], $0x40, s8, s13, $0xb8;
	[tilespmem:$0x13000] =	vst v63  }
0x185: {  	_ =	swait.ge [sflag:s10], $0x2000  }
0x186: {  	[sflag:s10] =	ssyncset.done $0x0  }
0x187: {  	s9 =	rddreg [dreg:$0x14];
	[sflag:s10] =	ssyncadd.s32 $0xFFFFE000  }
0x188: {  	[tilespmem:s16], [sflag:$0x3] =	stream.indirect.gather [hbm4b:s4+s13], $0x40, s9, s13, $0xb8;
	[tilespmem:$0x13000] =	vst v63  }
0x189: {  	_ =	swait.ge [sflag:s21], $0x2000  }
0x18a: {  	[sflag:s21] =	ssyncset.done $0x0  }
0x18b: {  	s7 =	rddreg [dreg:$0x15];
	[sflag:s21] =	ssyncadd.s32 $0xFFFFE000  }
0x18c: {  	[spmem:s2] =	stream.indirect.scatter.add.f32 [tilespmem:s17], [sflag:$0x5], $0x40, s7, s13, $0xb8;
	[tilespmem:$0x13000] =	vst v63  }
0x18d: {  	_ =	swait.ge [sflag:s10], $0x2000  }
0x18e: {  	[sflag:s10] =	ssyncset.done $0x0  }
0x18f: {  	s8 =	rddreg [dreg:$0x16];
	[sflag:s10] =	ssyncadd.s32 $0xFFFFE000  }
0x190: {  	[tilespmem:s17], [sflag:$0x4] =	stream.indirect.gather [hbm4b:s4+s13], $0x40, s8, s13, $0xb8;
	[tilespmem:$0x13000] =	vst v63  }
0x191: {  	_ =	swait.ge [sflag:s18], $0x2000  }
0x192: {  	[sflag:s18] =	ssyncset.done $0x0  }
0x193: {  	[sflag:s18] =	ssyncadd.s32 $0xFFFFE000  }
0x194: {  	[spmem:s2] =	stream.indirect.scatter.add.f32 [tilespmem:s14], [sflag:$0x5], $0x40, s22, s13, $0xb8;
	[tilespmem:$0x13000] =	vst v63  }
0x195: {  	_ =	swait.ge [sflag:s10], $0x2000  }
0x196: {  	[sflag:s10] =	ssyncset.done $0x0  }
0x197: {  	[sflag:s10] =	ssyncadd.s32 $0xFFFFE000  }
0x198: {  	[tilespmem:s14], [sflag:$0x1] =	stream.indirect.gather [hbm4b:s4+s13], $0x40, s23, s13, $0xb8;
	[tilespmem:$0x13000] =	vst v63  }
0x199: {  	_ =	swait.ge [sflag:s19], $0x2000  }
0x19a: {  	[sflag:s19] =	ssyncset.done $0x0  }
0x19b: {  	[sflag:s19] =	ssyncadd.s32 $0xFFFFE000  }
0x19c: {  	[spmem:s2] =	stream.indirect.scatter.add.f32 [tilespmem:s15], [sflag:$0x5], $0x40, s24, s13, $0xb8;
	[tilespmem:$0x13000] =	vst v63  }
0x19d: {  	_ =	swait.ge [sflag:s10], $0x2000  }
0x19e: {  	[sflag:s10] =	ssyncset.done $0x0  }
0x19f: {  	[sflag:s10] =	ssyncadd.s32 $0xFFFFE000  }
0x1a0: {  	[tilespmem:s15], [sflag:$0x2] =	stream.indirect.gather [hbm4b:s4+s13], $0x40, s25, s13, $0xb8;
	[tilespmem:$0x13000] =	vst v63  }
0x1a1: {  	_ =	swait.ge [sflag:s20], $0x2000  }
0x1a2: {  	[sflag:s20] =	ssyncset.done $0x0  }
0x1a3: {  	[sflag:s20] =	ssyncadd.s32 $0xFFFFE000  }
0x1a4: {  	[spmem:s2] =	stream.indirect.scatter.add.f32 [tilespmem:s16], [sflag:$0x5], $0x40, s26, s13, $0xb8;
	[tilespmem:$0x13000] =	vst v63  }
0x1a5: {  	_ =	swait.ge [sflag:s10], $0x2000  }
0x1a6: {  	[sflag:s10] =	ssyncset.done $0x0  }
0x1a7: {  	[sflag:s10] =	ssyncadd.s32 $0xFFFFE000  }
0x1a8: {  	[tilespmem:s16], [sflag:$0x3] =	stream.indirect.gather [hbm4b:s4+s13], $0x40, s28, s13, $0xb8;
	[tilespmem:$0x13000] =	vst v63  }
0x1a9: {  	_ =	swait.ge [sflag:s21], $0x2000  }
0x1aa: {  	[sflag:s21] =	ssyncset.done $0x0  }
0x1ab: {  	[sflag:s21] =	ssyncadd.s32 $0xFFFFE000  }
0x1ac: {  	[spmem:s2] =	stream.indirect.scatter.add.f32 [tilespmem:s17], [sflag:$0x5], $0x40, s29, s13, $0xb8;
	[tilespmem:$0x13000] =	vst v63  }
0x1ad: {  	_ =	swait.ge [sflag:s10], $0x2000  }
0x1ae: {  	[sflag:s10] =	ssyncset.done $0x0  }
0x1af: {  	[sflag:s10] =	ssyncadd.s32 $0xFFFFE000  }
0x1b0: {  	[tilespmem:s17], [sflag:$0x4] =	stream.indirect.gather [hbm4b:s4+s13], $0x40, s30, s13, $0xb8;
	[tilespmem:$0x13000] =	vst v63  }
0x1b1: {  	_ =	swait.ge [sflag:s18], $0x2000  }
0x1b2: {  	[sflag:s18] =	ssyncset.done $0x0  }
0x1b3: {  	[sflag:s18] =	ssyncadd.s32 $0xFFFFE000  }
0x1b4: {  	[spmem:s2] =	stream.indirect.scatter.add.f32 [tilespmem:s14], [sflag:$0x5], $0x40, s31, s13, $0xb8;
	[tilespmem:$0x13000] =	vst v63  }
0x1b5: {  	_ =	swait.ge [sflag:s10], $0x2000  }
0x1b6: {  	[sflag:s10] =	ssyncset.done $0x0  }
0x1b7: {  	[sflag:s10] =	ssyncadd.s32 $0xFFFFE000  }
0x1b8: {  	_ =	swait.ge [sflag:s19], $0x2000  }
0x1b9: {  	[sflag:s19] =	ssyncset.done $0x0  }
0x1ba: {  	[sflag:s19] =	ssyncadd.s32 $0xFFFFE000  }
0x1bb: {  	[spmem:s2] =	stream.indirect.scatter.add.f32 [tilespmem:s15], [sflag:$0x5], $0x40, s1, s13, $0xb8;
	[tilespmem:$0x13000] =	vst v63  }
0x1bc: {  	_ =	swait.ge [sflag:s10], $0x2000  }
0x1bd: {  	[sflag:s10] =	ssyncset.done $0x0  }
0x1be: {  	[sflag:s10] =	ssyncadd.s32 $0xFFFFE000  }
0x1bf: {  	_ =	swait.ge [sflag:s20], $0x2000  }
0x1c0: {  	[sflag:s20] =	ssyncset.done $0x0  }
0x1c1: {  	[sflag:s20] =	ssyncadd.s32 $0xFFFFE000  }
0x1c2: {  	[spmem:s2] =	stream.indirect.scatter.add.f32 [tilespmem:s16], [sflag:$0x5], $0x40, s0, s13, $0xb8;
	[tilespmem:$0x13000] =	vst v63  }
0x1c3: {  	_ =	swait.ge [sflag:s10], $0x2000  }
0x1c4: {  	[sflag:s10] =	ssyncset.done $0x0  }
0x1c5: {  	[sflag:s10] =	ssyncadd.s32 $0xFFFFE000  }
0x1c6: {  	_ =	swait.ge [sflag:s21], $0x2000  }
0x1c7: {  	[sflag:s21] =	ssyncset.done $0x0  }
0x1c8: {  	[sflag:s21] =	ssyncadd.s32 $0xFFFFE000  }
0x1c9: {  	[spmem:s2] =	stream.indirect.scatter.add.f32 [tilespmem:s17], [sflag:$0x5], $0x40, s5, s13, $0xb8;
	[tilespmem:$0x13000] =	vst v63  }
0x1ca: {  	_ =	swait.ge [sflag:s10], $0x2000  }
0x1cb: {  	[sflag:s10] =	ssyncset.done $0x0  }
0x1cc: {  	[sflag:s10] =	ssyncadd.s32 $0xFFFFE000  }
0x1cd: {  	[bflag:$0x0] =	sbarrier.arrive $0xFFFF  }
0x1ce: {  	s7 =	rddreg [dreg:$0x18]  }
0x1cf: {  	s9 =	rddreg [dreg:$0x19]  }
0x1d0: {  	s8 =	rddreg [dreg:$0x1b]  }
0x1d1: {  	[hbm:s9], [sflag:s7] =	dma.local [spmem:s8], $0x1400  }
0x1d2: {  	_ =	swait.ge [sflag:s10], $0x1400  }
0x1d3: {  	s6 =	rddreg [dreg:$0x1c]  }
0x1d4: {  	s9 =	sadd.s32 $0x1, s6;
	s6 =	rddreg [dreg:$0x1a]  }
0x1d5: {  	p0 =	sne.s32 s9, s6  }
.Ltmp1:
0x1d6: {  	_ = 	snop;
	(pc) =	sbr.rel @p0 .LBB2_1-.Ltmp1, $3  }
0x1d7: {  	_ =	sdelay $0x1  }
0x1d8: {  	[sflag:s10] =	ssyncset.done $0x0  }
0x1d9: {  	[sflag:s10] =	ssyncadd.s32 $0xFFFFEC00  }
0x1da: {  	_ =	sfence.sel $0x180000  }
0x1db: {  	[bflag:$0x0] =	sbarrier.arrive $0xFFFF  }
0x1dc: {  	_ =	strace $0x9000004D  }
0x1dd: {  	s0 =	stileid.u32;
	[bflag:$0x2] =	sbarrier.arrive $0xFFFF  }
0x1de: {  	p0 =	sne.s32 s0, $0x0;
	s0 =	rddreg [dreg:$0x2]  }
0x1df: {  	s0 =	sadd.s32 @!p0 $0x100000, s0  }
0x1e0: {  	[sflag:s0] =	ssyncadd.tile.s32 @!p0 $0x1;
	_ =	shalt  }
.Lfunc_end2:
_tile_overlayer_lowered:
.L_overlay_start_2:
0x1e1: {  	(tag) =	ssettag $0x2  }
0x1e2: {  	s0 =	rddreg [dreg:$0x0];
	s2 =	stileid.u32  }
0x1e3: {  	s1 =	rddreg [dreg:$0x1];
	p0 =	sne.s32 s2, $0x0  }
0x1e4: {  	s3 =	rddreg [dreg:$0x2];
	[bflag:$0x3] =	sbarrier.arrive $0xFFFF;
	s2 =	simm.s32 @!p0 $0x1C05  }
0x1e5: {  	[timem:s3], [sflag:s2] =	dma.local @!p0 [hbm:s0], s1  }
0x1e6: {  	s0 =	simm.s32 @!p0 $0x5  }
0x1e7: {  	_ =	swait.ge @!p0 [sflag:s0], s1  }
0x1e8: {  	s1 =	ssub.s32 @!p0 $0x0, s1;
	[sflag:s0] =	ssyncset.done @!p0 $0x0  }
0x1e9: {  	[sflag:s0] =	ssyncadd.s32 @!p0 s1  }
0x1ea: {  	[bflag:$0x3] =	sbarrier.arrive $0xFFFF  }
0x1eb: {  	_ =	shalt  }

</sc_bundles>
